<compile_context>
chip_gen: v7x
topology: tpu7x:2x2x1
jax: 0.10.2.dev20260603
libtpu: 0.0.44.dev20260713+nightly
codegen_flags: <defaults>
</compile_context>

<pallas_src>
import functools

import jax
import jax.numpy as jnp
import numpy as np
from jax import lax
from jax.experimental import pallas as pl
from jax.experimental.pallas import tpu as pltpu
from jax.experimental.pallas import tpu_sc as plsc

N_NODES = 10000
NPAD = 10240
D_IN = 128
D_HID = 64
D_OUT = 16
N_CLASSES = 10
N_EDGES = 320000

NC, NS = 2, 16
NW = NC * NS
CHUNK = 80
K_CHUNKS = 125
NBUF = 10

ROWS_PER_TILE = NPAD // NS
COPIES_PER_TILE = ROWS_PER_TILE // CHUNK

_MESH = plsc.VectorSubcoreMesh(core_axis_name="c", subcore_axis_name="s")
_SC_PARAMS = pltpu.CompilerParams(use_tc_tiling_on_sc=False)
_SC_PARAMS_NL = pltpu.CompilerParams(use_tc_tiling_on_sc=False,
                                     needs_layout_passes=False)


def _make_agg(width):

    @functools.partial(
        pl.kernel,
        out_type=(jax.ShapeDtypeStruct((NPAD, width), jnp.float32),
                  jax.ShapeDtypeStruct((NPAD, width), jnp.float32)),
        mesh=_MESH,
        scratch_types=[
            pltpu.VMEM((K_CHUNKS, CHUNK), jnp.int32),
            pltpu.VMEM((K_CHUNKS, CHUNK), jnp.int32),
            [pltpu.VMEM((CHUNK, width), jnp.float32) for _ in range(NBUF)],
            pltpu.VMEM_SHARED((NPAD, width), jnp.float32),
            [pltpu.SemaphoreType.DMA for _ in range(NBUF)],
            [pltpu.SemaphoreType.DMA for _ in range(NBUF)],
        ],
        compiler_params=_SC_PARAMS,
    )
    def agg(g_hbm, ei_hbm, zeros_hbm, outa_hbm, outb_hbm,
            src_v, dst_v, bufs, acc_sh, gsems, ssems):
        cid = lax.axis_index("c")
        sid = lax.axis_index("s")
        wid = sid * NC + cid

        pltpu.sync_copy(zeros_hbm, bufs[0])
        for b in range(COPIES_PER_TILE):
            r0 = sid * ROWS_PER_TILE + b * CHUNK
            pltpu.sync_copy(bufs[0], acc_sh.at[pl.ds(r0, CHUNK), :])

        pltpu.sync_copy(ei_hbm.at[0, wid], src_v)
        pltpu.sync_copy(ei_hbm.at[1, wid], dst_v)

        for b in range(NBUF):
            pltpu.async_copy(g_hbm.at[src_v.at[b]], bufs[b], gsems[b])
        plsc.subcore_barrier()

        def rnd(i, carry):
            for b in range(NBUF):
                c = i * NBUF + b
                pltpu.make_async_copy(
                    g_hbm.at[src_v.at[c]], bufs[b], gsems[b]).wait()
                pltpu.async_copy(
                    bufs[b], acc_sh.at[dst_v.at[c]], ssems[b], add=True)
            for b in range(NBUF):
                c2 = (i + 1) * NBUF + b
                pltpu.make_async_copy(
                    bufs[b], acc_sh.at[dst_v.at[0]], ssems[b]).wait()

                @pl.when(c2 < K_CHUNKS)
                def _():
                    pltpu.async_copy(g_hbm.at[src_v.at[c2]], bufs[b], gsems[b])
            return carry

        lax.fori_loop(0, K_CHUNKS // NBUF, rnd, 0)
        for b in range(K_CHUNKS % NBUF):
            c = (K_CHUNKS // NBUF) * NBUF + b
            pltpu.make_async_copy(
                g_hbm.at[src_v.at[c]], bufs[b], gsems[b]).wait()
            pltpu.async_copy(
                bufs[b], acc_sh.at[dst_v.at[c]], ssems[b], add=True)
        for b in range(K_CHUNKS % NBUF):
            pltpu.make_async_copy(
                bufs[b], acc_sh.at[dst_v.at[0]], ssems[b]).wait()
        plsc.subcore_barrier()

        for b in range(COPIES_PER_TILE):
            r0 = sid * ROWS_PER_TILE + b * CHUNK
            pltpu.sync_copy(acc_sh.at[pl.ds(r0, CHUNK), :], bufs[0])

            @pl.when(cid == 0)
            def _():
                pltpu.sync_copy(bufs[0], outa_hbm.at[pl.ds(r0, CHUNK), :])

            @pl.when(cid == 1)
            def _():
                pltpu.sync_copy(bufs[0], outb_hbm.at[pl.ds(r0, CHUNK), :])

    return agg


_agg64 = _make_agg(D_HID)
_agg16 = _make_agg(D_OUT)

_GROUPS_PER_TILE = ROWS_PER_TILE // 16


@functools.partial(
    pl.kernel,
    out_type=jax.ShapeDtypeStruct((NC, NPAD), jnp.float32),
    mesh=_MESH,
    scratch_types=[
        pltpu.VMEM((K_CHUNKS, CHUNK), jnp.int32),
        pltpu.VMEM((CHUNK, D_OUT), jnp.float32),
        pltpu.VMEM((ROWS_PER_TILE, D_OUT), jnp.float32),
        pltpu.VMEM((ROWS_PER_TILE,), jnp.float32),
        pltpu.VMEM_SHARED((NPAD, D_OUT), jnp.float32),
        pltpu.SemaphoreType.DMA,
    ],
    compiler_params=_SC_PARAMS_NL,
)
def _deg(ei_hbm, zeros_hbm, ones_hbm, out_hbm,
         dst_v, buf_v, rows_v, packed_v, deg_sh, sem):
    cid = lax.axis_index("c")
    sid = lax.axis_index("s")
    wid = sid * NC + cid

    pltpu.sync_copy(zeros_hbm, buf_v)
    for b in range(COPIES_PER_TILE):
        r0 = sid * ROWS_PER_TILE + b * CHUNK
        pltpu.sync_copy(buf_v, deg_sh.at[pl.ds(r0, CHUNK), :])

    pltpu.sync_copy(ei_hbm.at[1, wid], dst_v)
    pltpu.sync_copy(ones_hbm, buf_v)
    plsc.subcore_barrier()

    def fire(k, carry):
        pltpu.async_copy(buf_v, deg_sh.at[dst_v.at[k]], sem, add=True)
        return carry

    lax.fori_loop(0, K_CHUNKS, fire, 0)

    def drain(k, carry):
        pltpu.make_async_copy(buf_v, deg_sh.at[dst_v.at[0]], sem).wait()
        return carry

    lax.fori_loop(0, K_CHUNKS, drain, 0)
    plsc.subcore_barrier()

    pltpu.sync_copy(deg_sh.at[pl.ds(sid * ROWS_PER_TILE, ROWS_PER_TILE), :],
                    rows_v)

    def compact(j, carry):
        rows = j * 16 + lax.iota(jnp.int32, 16)
        vals = plsc.load_gather(rows_v, [rows, jnp.zeros((16,), jnp.int32)])
        packed_v[pl.ds(j * 16, 16)] = vals
        return carry

    lax.fori_loop(0, _GROUPS_PER_TILE, compact, 0)
    pltpu.sync_copy(packed_v,
                    out_hbm.at[cid, pl.ds(sid * ROWS_PER_TILE, ROWS_PER_TILE)])



BR = 2560
GRID = NPAD // BR
BRH = 2000


def _row_spec(width, rows=BR):
    return pl.BlockSpec((rows, width), lambda i: (i, 0))


def _full_spec(shape):
    return pl.BlockSpec(shape, lambda i: (0,) * len(shape))


def _gmm1_body(degw_ref, x_ref, w_ref, g1_ref):
    dinv = lax.rsqrt(degw_ref[...][:, :1])
    g1_ref[...] = jnp.dot(x_ref[...], w_ref[...],
                          preferred_element_type=jnp.float32) * dinv


_gmm1 = pl.pallas_call(
    _gmm1_body,
    grid=(GRID,),
    in_specs=[_row_spec(D_HID), _row_spec(D_IN), _full_spec((D_IN, D_HID))],
    out_specs=_row_spec(D_HID),
    out_shape=jax.ShapeDtypeStruct((NPAD, D_HID), jnp.float32))


def _layer2_body(acca_ref, accb_ref, g1_ref, degw_ref, b1_ref, w2_ref,
                 g2_ref):
    dinv = lax.rsqrt(degw_ref[...][:, :1])
    z = dinv * (acca_ref[...] + accb_ref[...] + g1_ref[...]) + b1_ref[...]
    z = jnp.maximum(z, 0.0)
    g2_ref[...] = dinv * jnp.dot(z, w2_ref[...],
                                 preferred_element_type=jnp.float32)


_layer2 = pl.pallas_call(
    _layer2_body,
    grid=(GRID,),
    in_specs=[_row_spec(D_HID), _row_spec(D_HID), _row_spec(D_HID),
              _row_spec(D_HID), _full_spec((1, D_HID)),
              _full_spec((D_HID, D_OUT))],
    out_specs=_row_spec(D_OUT),
    out_shape=jax.ShapeDtypeStruct((NPAD, D_OUT), jnp.float32))


def _head_body(acca_ref, accb_ref, g2_ref, degw_ref, b2_ref, soft_ref):
    dinv = lax.rsqrt(degw_ref[...][:, :1])
    logits = dinv * (acca_ref[...] + accb_ref[...] + g2_ref[...]) + b2_ref[...]
    cols = lax.broadcasted_iota(jnp.int32, (BRH, D_OUT), 1)
    alpha = jnp.where(cols < N_CLASSES, 1.0 + jnp.exp(logits), 0.0)
    soft_ref[...] = alpha / jnp.sum(alpha, axis=1, keepdims=True)


_head = pl.pallas_call(
    _head_body,
    grid=(N_NODES // BRH,),
    in_specs=[_row_spec(D_OUT, BRH), _row_spec(D_OUT, BRH),
              _row_spec(D_OUT, BRH), _row_spec(D_HID, BRH),
              _full_spec((1, D_OUT))],
    out_specs=_row_spec(D_OUT, BRH),
    out_shape=jax.ShapeDtypeStruct((N_NODES, D_OUT), jnp.float32))


_ZEROS16 = np.zeros((CHUNK, D_OUT), np.float32)
_ONES16 = np.ones((CHUNK, D_OUT), np.float32)
_ZEROS64 = np.zeros((CHUNK, D_HID), np.float32)


def kernel(x, edge_index, W1, b1, W2, b2):
    ei4 = edge_index.astype(jnp.int32).reshape(2, NW, K_CHUNKS, CHUNK)

    x_pad = jnp.pad(x, ((0, NPAD - N_NODES), (0, 0)))
    w2p = jnp.pad(W2, ((0, 0), (0, D_OUT - N_CLASSES)))
    b1r = b1.reshape(1, D_HID)
    b2r = jnp.pad(b2, (0, D_OUT - N_CLASSES)).reshape(1, D_OUT)

    degp = _deg(ei4, _ZEROS16, _ONES16)
    degw = jnp.broadcast_to((degp[0] + degp[1] + 1.0)[:, None],
                            (NPAD, D_HID))
    g1 = _gmm1(degw, x_pad, W1)
    acc1 = _agg64(g1, ei4, _ZEROS64)
    g2 = _layer2(acc1[0], acc1[1], g1, degw, b1r, w2p)
    acc2 = _agg16(g2, ei4, _ZEROS16)
    soft = _head(acc2[0], acc2[1], g2, degw, b2r)
    return soft[:, :N_CLASSES]

# --- scband reference (transcript-rebuilt; emitter-appended) ---
"""Pipeline reference for scband-sgcn-14302241095851 (READ-ONLY COPY).

The authoritative reference and input builder live on the scoring server;
editing this copy changes nothing except your own understanding.
"""

import jax, jax.numpy as jnp
import numpy as np

N_NODES = 10000
D_FEAT = 128
D_HIDDEN = 64
N_CLASSES = 10
N_EDGES = 320000


def gcn_conv(x, edge_index, W, b):
    # GCNConv with add_self_loops=True, normalization='sym'
    n = x.shape[0]
    loop = jnp.arange(n, dtype=edge_index.dtype)
    src = jnp.concatenate([edge_index[0], loop])
    dst = jnp.concatenate([edge_index[1], loop])
    deg = jnp.zeros((n,), dtype=x.dtype).at[dst].add(1.0)
    deg_inv_sqrt = jnp.where(deg > 0, deg ** -0.5, 0.0)
    norm = deg_inv_sqrt[src] * deg_inv_sqrt[dst]
    h = x @ W
    msg = jnp.take(h, src, axis=0) * norm[:, None]
    out = jnp.zeros((n, W.shape[1]), dtype=x.dtype).at[dst].add(msg)
    return out + b


def setup_inputs(seed: int = 0) -> dict:
    key = jax.random.key(seed)
    k1, k2, k3, k4, k5 = jax.random.split(key, 5)
    x = jax.random.normal(k1, (N_NODES, D_FEAT), dtype=jnp.float32)
    edge_index = jax.random.randint(k2, (2, N_EDGES), 0, N_NODES, dtype=jnp.int64)
    s1 = (2.0 / (D_FEAT + D_HIDDEN)) ** 0.5
    s2 = (2.0 / (D_HIDDEN + N_CLASSES)) ** 0.5
    W1 = jax.random.normal(k3, (D_FEAT, D_HIDDEN), dtype=jnp.float32) * s1
    b1 = jnp.zeros((D_HIDDEN,), dtype=jnp.float32)
    W2 = jax.random.normal(k4, (D_HIDDEN, N_CLASSES), dtype=jnp.float32) * s2
    b2 = jnp.zeros((N_CLASSES,), dtype=jnp.float32)
    return {"x": x, "edge_index": edge_index, "W1": W1, "b1": b1, "W2": W2, "b2": b2}


def reference(x, edge_index, W1, b1, W2, b2):
    # SGCN.forward (eval mode, use_bayesian_dropout=False): conv1 -> ReLU
    # (dropout is identity in eval) -> conv2 -> exp evidence -> Dirichlet soft
    h = gcn_conv(x, edge_index, W1, b1)
    h = jax.nn.relu(h)
    h = gcn_conv(h, edge_index, W2, b2)
    evidence = jnp.exp(h)
    alpha = 1.0 + evidence
    soft = alpha / alpha.sum(-1, keepdims=True)
    return soft

if __name__ == "__main__":
    import jax
    _d = setup_inputs()
    print(jax.jit(kernel)(*tuple(_d.values())))

</pallas_src>

<mosaic_0001>
#map = affine_map<(d0, d1) -> (0, 0)>
#map1 = affine_map<(d0, d1) -> (0, 0, 0, 0)>
module attributes {stable_mosaic.version = 14 : i64} {
  func.func @agg(%arg0: i32, %arg1: i32, %arg2: memref<10240x16xf32, #tpu.memory_space<hbm>>, %arg3: memref<2x32x125x80xi32, #tpu.memory_space<hbm>>, %arg4: memref<80x16xf32, #tpu.memory_space<hbm>>, %arg5: memref<10240x16xf32, #tpu.memory_space<hbm>>, %arg6: memref<10240x16xf32, #tpu.memory_space<hbm>>, %arg7: memref<125x80xi32, #tpu.memory_space<vmem>>, %arg8: memref<125x80xi32, #tpu.memory_space<vmem>>, %arg9: memref<80x16xf32, #tpu.memory_space<vmem>>, %arg10: memref<80x16xf32, #tpu.memory_space<vmem>>, %arg11: memref<80x16xf32, #tpu.memory_space<vmem>>, %arg12: memref<80x16xf32, #tpu.memory_space<vmem>>, %arg13: memref<80x16xf32, #tpu.memory_space<vmem>>, %arg14: memref<80x16xf32, #tpu.memory_space<vmem>>, %arg15: memref<80x16xf32, #tpu.memory_space<vmem>>, %arg16: memref<80x16xf32, #tpu.memory_space<vmem>>, %arg17: memref<80x16xf32, #tpu.memory_space<vmem>>, %arg18: memref<80x16xf32, #tpu.memory_space<vmem>>, %arg19: memref<10240x16xf32, #tpu.memory_space<vmem_shared>>, %arg20: memref<!tpu.dma_semaphore, #tpu.memory_space<semaphore_mem>>, %arg21: memref<!tpu.dma_semaphore, #tpu.memory_space<semaphore_mem>>, %arg22: memref<!tpu.dma_semaphore, #tpu.memory_space<semaphore_mem>>, %arg23: memref<!tpu.dma_semaphore, #tpu.memory_space<semaphore_mem>>, %arg24: memref<!tpu.dma_semaphore, #tpu.memory_space<semaphore_mem>>, %arg25: memref<!tpu.dma_semaphore, #tpu.memory_space<semaphore_mem>>, %arg26: memref<!tpu.dma_semaphore, #tpu.memory_space<semaphore_mem>>, %arg27: memref<!tpu.dma_semaphore, #tpu.memory_space<semaphore_mem>>, %arg28: memref<!tpu.dma_semaphore, #tpu.memory_space<semaphore_mem>>, %arg29: memref<!tpu.dma_semaphore, #tpu.memory_space<semaphore_mem>>, %arg30: memref<!tpu.dma_semaphore, #tpu.memory_space<semaphore_mem>>, %arg31: memref<!tpu.dma_semaphore, #tpu.memory_space<semaphore_mem>>, %arg32: memref<!tpu.dma_semaphore, #tpu.memory_space<semaphore_mem>>, %arg33: memref<!tpu.dma_semaphore, #tpu.memory_space<semaphore_mem>>, %arg34: memref<!tpu.dma_semaphore, #tpu.memory_space<semaphore_mem>>, %arg35: memref<!tpu.dma_semaphore, #tpu.memory_space<semaphore_mem>>, %arg36: memref<!tpu.dma_semaphore, #tpu.memory_space<semaphore_mem>>, %arg37: memref<!tpu.dma_semaphore, #tpu.memory_space<semaphore_mem>>, %arg38: memref<!tpu.dma_semaphore, #tpu.memory_space<semaphore_mem>>, %arg39: memref<!tpu.dma_semaphore, #tpu.memory_space<semaphore_mem>>) attributes {dimension_semantics = [#tpu.dimension_semantics<core_parallel>, #tpu.dimension_semantics<subcore_parallel>], iteration_bounds = array<i64: 2, 16>, scalar_prefetch = 0 : i64, scratch_operands = 33 : i64, tpu.core_type = #tpu.core_type<sc_vector_subcore>, window_params = [{transform_indices = #map}, {transform_indices = #map1}, {transform_indices = #map}, {transform_indices = #map}, {transform_indices = #map}]} {
    %mul3A = arith.constant 2 : i32
    %mul3A_0 = arith.muli %arg1, %mul3A : i32
    %add3A = arith.addi %mul3A_0, %arg0 : i32
    "tpu.region"() ({
      %run_scoped3A_322 = tpu.sem_alloc : memref<!tpu.dma_semaphore, #tpu.memory_space<semaphore_mem>>
      tpu.enqueue_dma source(%arg4 : memref<80x16xf32, #tpu.memory_space<hbm>>) target(%arg9 : memref<80x16xf32, #tpu.memory_space<vmem>>) target_semaphore(%run_scoped3A_322 : memref<!tpu.dma_semaphore, #tpu.memory_space<semaphore_mem>>)
      tpu.wait_dma2 semaphore(%run_scoped3A_322 : memref<!tpu.dma_semaphore, #tpu.memory_space<semaphore_mem>>) src(%arg4 : memref<80x16xf32, #tpu.memory_space<hbm>>) dst(%arg9 : memref<80x16xf32, #tpu.memory_space<vmem>>)
      tpu.yield
    }) : () -> ()
    %mul3A_1 = arith.constant 640 : i32
    %mul3A_2 = arith.muli %arg1, %mul3A_1 : i32
    %add3A_3 = arith.constant 0 : i32
    %add3A_4 = arith.addi %mul3A_2, %add3A_3 : i32
    "tpu.region"() ({
      %run_scoped3A_322 = tpu.sem_alloc : memref<!tpu.dma_semaphore, #tpu.memory_space<semaphore_mem>>
      %dma_start3A_323 = arith.constant 0 : i32
      %dma_start3A_324 = tpu.memref_slice %arg19[%add3A_4, %dma_start3A_323] : memref<10240x16xf32, #tpu.memory_space<vmem_shared>> -> memref<80x16xf32, #tpu.memory_space<vmem_shared>>
      %dma_start3A_325 = arith.constant 0 : i32
      %dma_start3A_326 = tpu.memref_slice %arg19[%add3A_4, %dma_start3A_325] : memref<10240x16xf32, #tpu.memory_space<vmem_shared>> -> memref<80x16xf32, #tpu.memory_space<vmem_shared>>
      tpu.enqueue_dma source(%arg9 : memref<80x16xf32, #tpu.memory_space<vmem>>) target(%dma_start3A_326 : memref<80x16xf32, #tpu.memory_space<vmem_shared>>) target_semaphore(%run_scoped3A_322 : memref<!tpu.dma_semaphore, #tpu.memory_space<semaphore_mem>>)
      %dma_wait3A_327 = arith.constant 0 : i32
      %dma_wait3A_328 = tpu.memref_slice %arg19[%add3A_4, %dma_wait3A_327] : memref<10240x16xf32, #tpu.memory_space<vmem_shared>> -> memref<80x16xf32, #tpu.memory_space<vmem_shared>>
      %dma_wait3A_329 = arith.constant 0 : i32
      %dma_wait3A_330 = tpu.memref_slice %arg19[%add3A_4, %dma_wait3A_329] : memref<10240x16xf32, #tpu.memory_space<vmem_shared>> -> memref<80x16xf32, #tpu.memory_space<vmem_shared>>
      tpu.wait_dma2 semaphore(%run_scoped3A_322 : memref<!tpu.dma_semaphore, #tpu.memory_space<semaphore_mem>>) src(%arg9 : memref<80x16xf32, #tpu.memory_space<vmem>>) dst(%dma_wait3A_330 : memref<80x16xf32, #tpu.memory_space<vmem_shared>>)
      tpu.yield
    }) : () -> ()
    %mul3A_5 = arith.constant 640 : i32
    %mul3A_6 = arith.muli %arg1, %mul3A_5 : i32
    %add3A_7 = arith.constant 80 : i32
    %add3A_8 = arith.addi %mul3A_6, %add3A_7 : i32
    "tpu.region"() ({
      %run_scoped3A_322 = tpu.sem_alloc : memref<!tpu.dma_semaphore, #tpu.memory_space<semaphore_mem>>
      %dma_start3A_323 = arith.constant 0 : i32
      %dma_start3A_324 = tpu.memref_slice %arg19[%add3A_8, %dma_start3A_323] : memref<10240x16xf32, #tpu.memory_space<vmem_shared>> -> memref<80x16xf32, #tpu.memory_space<vmem_shared>>
      %dma_start3A_325 = arith.constant 0 : i32
      %dma_start3A_326 = tpu.memref_slice %arg19[%add3A_8, %dma_start3A_325] : memref<10240x16xf32, #tpu.memory_space<vmem_shared>> -> memref<80x16xf32, #tpu.memory_space<vmem_shared>>
      tpu.enqueue_dma source(%arg9 : memref<80x16xf32, #tpu.memory_space<vmem>>) target(%dma_start3A_326 : memref<80x16xf32, #tpu.memory_space<vmem_shared>>) target_semaphore(%run_scoped3A_322 : memref<!tpu.dma_semaphore, #tpu.memory_space<semaphore_mem>>)
      %dma_wait3A_327 = arith.constant 0 : i32
      %dma_wait3A_328 = tpu.memref_slice %arg19[%add3A_8, %dma_wait3A_327] : memref<10240x16xf32, #tpu.memory_space<vmem_shared>> -> memref<80x16xf32, #tpu.memory_space<vmem_shared>>
      %dma_wait3A_329 = arith.constant 0 : i32
      %dma_wait3A_330 = tpu.memref_slice %arg19[%add3A_8, %dma_wait3A_329] : memref<10240x16xf32, #tpu.memory_space<vmem_shared>> -> memref<80x16xf32, #tpu.memory_space<vmem_shared>>
      tpu.wait_dma2 semaphore(%run_scoped3A_322 : memref<!tpu.dma_semaphore, #tpu.memory_space<semaphore_mem>>) src(%arg9 : memref<80x16xf32, #tpu.memory_space<vmem>>) dst(%dma_wait3A_330 : memref<80x16xf32, #tpu.memory_space<vmem_shared>>)
      tpu.yield
    }) : () -> ()
    %mul3A_9 = arith.constant 640 : i32
    %mul3A_10 = arith.muli %arg1, %mul3A_9 : i32
    %add3A_11 = arith.constant 160 : i32
    %add3A_12 = arith.addi %mul3A_10, %add3A_11 : i32
    "tpu.region"() ({
      %run_scoped3A_322 = tpu.sem_alloc : memref<!tpu.dma_semaphore, #tpu.memory_space<semaphore_mem>>
      %dma_start3A_323 = arith.constant 0 : i32
      %dma_start3A_324 = tpu.memref_slice %arg19[%add3A_12, %dma_start3A_323] : memref<10240x16xf32, #tpu.memory_space<vmem_shared>> -> memref<80x16xf32, #tpu.memory_space<vmem_shared>>
      %dma_start3A_325 = arith.constant 0 : i32
      %dma_start3A_326 = tpu.memref_slice %arg19[%add3A_12, %dma_start3A_325] : memref<10240x16xf32, #tpu.memory_space<vmem_shared>> -> memref<80x16xf32, #tpu.memory_space<vmem_shared>>
      tpu.enqueue_dma source(%arg9 : memref<80x16xf32, #tpu.memory_space<vmem>>) target(%dma_start3A_326 : memref<80x16xf32, #tpu.memory_space<vmem_shared>>) target_semaphore(%run_scoped3A_322 : memref<!tpu.dma_semaphore, #tpu.memory_space<semaphore_mem>>)
      %dma_wait3A_327 = arith.constant 0 : i32
      %dma_wait3A_328 = tpu.memref_slice %arg19[%add3A_12, %dma_wait3A_327] : memref<10240x16xf32, #tpu.memory_space<vmem_shared>> -> memref<80x16xf32, #tpu.memory_space<vmem_shared>>
      %dma_wait3A_329 = arith.constant 0 : i32
      %dma_wait3A_330 = tpu.memref_slice %arg19[%add3A_12, %dma_wait3A_329] : memref<10240x16xf32, #tpu.memory_space<vmem_shared>> -> memref<80x16xf32, #tpu.memory_space<vmem_shared>>
      tpu.wait_dma2 semaphore(%run_scoped3A_322 : memref<!tpu.dma_semaphore, #tpu.memory_space<semaphore_mem>>) src(%arg9 : memref<80x16xf32, #tpu.memory_space<vmem>>) dst(%dma_wait3A_330 : memref<80x16xf32, #tpu.memory_space<vmem_shared>>)
      tpu.yield
    }) : () -> ()
    %mul3A_13 = arith.constant 640 : i32
    %mul3A_14 = arith.muli %arg1, %mul3A_13 : i32
    %add3A_15 = arith.constant 240 : i32
    %add3A_16 = arith.addi %mul3A_14, %add3A_15 : i32
    "tpu.region"() ({
      %run_scoped3A_322 = tpu.sem_alloc : memref<!tpu.dma_semaphore, #tpu.memory_space<semaphore_mem>>
      %dma_start3A_323 = arith.constant 0 : i32
      %dma_start3A_324 = tpu.memref_slice %arg19[%add3A_16, %dma_start3A_323] : memref<10240x16xf32, #tpu.memory_space<vmem_shared>> -> memref<80x16xf32, #tpu.memory_space<vmem_shared>>
      %dma_start3A_325 = arith.constant 0 : i32
      %dma_start3A_326 = tpu.memref_slice %arg19[%add3A_16, %dma_start3A_325] : memref<10240x16xf32, #tpu.memory_space<vmem_shared>> -> memref<80x16xf32, #tpu.memory_space<vmem_shared>>
      tpu.enqueue_dma source(%arg9 : memref<80x16xf32, #tpu.memory_space<vmem>>) target(%dma_start3A_326 : memref<80x16xf32, #tpu.memory_space<vmem_shared>>) target_semaphore(%run_scoped3A_322 : memref<!tpu.dma_semaphore, #tpu.memory_space<semaphore_mem>>)
      %dma_wait3A_327 = arith.constant 0 : i32
      %dma_wait3A_328 = tpu.memref_slice %arg19[%add3A_16, %dma_wait3A_327] : memref<10240x16xf32, #tpu.memory_space<vmem_shared>> -> memref<80x16xf32, #tpu.memory_space<vmem_shared>>
      %dma_wait3A_329 = arith.constant 0 : i32
      %dma_wait3A_330 = tpu.memref_slice %arg19[%add3A_16, %dma_wait3A_329] : memref<10240x16xf32, #tpu.memory_space<vmem_shared>> -> memref<80x16xf32, #tpu.memory_space<vmem_shared>>
      tpu.wait_dma2 semaphore(%run_scoped3A_322 : memref<!tpu.dma_semaphore, #tpu.memory_space<semaphore_mem>>) src(%arg9 : memref<80x16xf32, #tpu.memory_space<vmem>>) dst(%dma_wait3A_330 : memref<80x16xf32, #tpu.memory_space<vmem_shared>>)
      tpu.yield
    }) : () -> ()
    %mul3A_17 = arith.constant 640 : i32
    %mul3A_18 = arith.muli %arg1, %mul3A_17 : i32
    %add3A_19 = arith.constant 320 : i32
    %add3A_20 = arith.addi %mul3A_18, %add3A_19 : i32
    "tpu.region"() ({
      %run_scoped3A_322 = tpu.sem_alloc : memref<!tpu.dma_semaphore, #tpu.memory_space<semaphore_mem>>
      %dma_start3A_323 = arith.constant 0 : i32
      %dma_start3A_324 = tpu.memref_slice %arg19[%add3A_20, %dma_start3A_323] : memref<10240x16xf32, #tpu.memory_space<vmem_shared>> -> memref<80x16xf32, #tpu.memory_space<vmem_shared>>
      %dma_start3A_325 = arith.constant 0 : i32
      %dma_start3A_326 = tpu.memref_slice %arg19[%add3A_20, %dma_start3A_325] : memref<10240x16xf32, #tpu.memory_space<vmem_shared>> -> memref<80x16xf32, #tpu.memory_space<vmem_shared>>
      tpu.enqueue_dma source(%arg9 : memref<80x16xf32, #tpu.memory_space<vmem>>) target(%dma_start3A_326 : memref<80x16xf32, #tpu.memory_space<vmem_shared>>) target_semaphore(%run_scoped3A_322 : memref<!tpu.dma_semaphore, #tpu.memory_space<semaphore_mem>>)
      %dma_wait3A_327 = arith.constant 0 : i32
      %dma_wait3A_328 = tpu.memref_slice %arg19[%add3A_20, %dma_wait3A_327] : memref<10240x16xf32, #tpu.memory_space<vmem_shared>> -> memref<80x16xf32, #tpu.memory_space<vmem_shared>>
      %dma_wait3A_329 = arith.constant 0 : i32
      %dma_wait3A_330 = tpu.memref_slice %arg19[%add3A_20, %dma_wait3A_329] : memref<10240x16xf32, #tpu.memory_space<vmem_shared>> -> memref<80x16xf32, #tpu.memory_space<vmem_shared>>
      tpu.wait_dma2 semaphore(%run_scoped3A_322 : memref<!tpu.dma_semaphore, #tpu.memory_space<semaphore_mem>>) src(%arg9 : memref<80x16xf32, #tpu.memory_space<vmem>>) dst(%dma_wait3A_330 : memref<80x16xf32, #tpu.memory_space<vmem_shared>>)
      tpu.yield
    }) : () -> ()
    %mul3A_21 = arith.constant 640 : i32
    %mul3A_22 = arith.muli %arg1, %mul3A_21 : i32
    %add3A_23 = arith.constant 400 : i32
    %add3A_24 = arith.addi %mul3A_22, %add3A_23 : i32
    "tpu.region"() ({
      %run_scoped3A_322 = tpu.sem_alloc : memref<!tpu.dma_semaphore, #tpu.memory_space<semaphore_mem>>
      %dma_start3A_323 = arith.constant 0 : i32
      %dma_start3A_324 = tpu.memref_slice %arg19[%add3A_24, %dma_start3A_323] : memref<10240x16xf32, #tpu.memory_space<vmem_shared>> -> memref<80x16xf32, #tpu.memory_space<vmem_shared>>
      %dma_start3A_325 = arith.constant 0 : i32
      %dma_start3A_326 = tpu.memref_slice %arg19[%add3A_24, %dma_start3A_325] : memref<10240x16xf32, #tpu.memory_space<vmem_shared>> -> memref<80x16xf32, #tpu.memory_space<vmem_shared>>
      tpu.enqueue_dma source(%arg9 : memref<80x16xf32, #tpu.memory_space<vmem>>) target(%dma_start3A_326 : memref<80x16xf32, #tpu.memory_space<vmem_shared>>) target_semaphore(%run_scoped3A_322 : memref<!tpu.dma_semaphore, #tpu.memory_space<semaphore_mem>>)
      %dma_wait3A_327 = arith.constant 0 : i32
      %dma_wait3A_328 = tpu.memref_slice %arg19[%add3A_24, %dma_wait3A_327] : memref<10240x16xf32, #tpu.memory_space<vmem_shared>> -> memref<80x16xf32, #tpu.memory_space<vmem_shared>>
      %dma_wait3A_329 = arith.constant 0 : i32
      %dma_wait3A_330 = tpu.memref_slice %arg19[%add3A_24, %dma_wait3A_329] : memref<10240x16xf32, #tpu.memory_space<vmem_shared>> -> memref<80x16xf32, #tpu.memory_space<vmem_shared>>
      tpu.wait_dma2 semaphore(%run_scoped3A_322 : memref<!tpu.dma_semaphore, #tpu.memory_space<semaphore_mem>>) src(%arg9 : memref<80x16xf32, #tpu.memory_space<vmem>>) dst(%dma_wait3A_330 : memref<80x16xf32, #tpu.memory_space<vmem_shared>>)
      tpu.yield
    }) : () -> ()
    %mul3A_25 = arith.constant 640 : i32
    %mul3A_26 = arith.muli %arg1, %mul3A_25 : i32
    %add3A_27 = arith.constant 480 : i32
    %add3A_28 = arith.addi %mul3A_26, %add3A_27 : i32
    "tpu.region"() ({
      %run_scoped3A_322 = tpu.sem_alloc : memref<!tpu.dma_semaphore, #tpu.memory_space<semaphore_mem>>
      %dma_start3A_323 = arith.constant 0 : i32
      %dma_start3A_324 = tpu.memref_slice %arg19[%add3A_28, %dma_start3A_323] : memref<10240x16xf32, #tpu.memory_space<vmem_shared>> -> memref<80x16xf32, #tpu.memory_space<vmem_shared>>
      %dma_start3A_325 = arith.constant 0 : i32
      %dma_start3A_326 = tpu.memref_slice %arg19[%add3A_28, %dma_start3A_325] : memref<10240x16xf32, #tpu.memory_space<vmem_shared>> -> memref<80x16xf32, #tpu.memory_space<vmem_shared>>
      tpu.enqueue_dma source(%arg9 : memref<80x16xf32, #tpu.memory_space<vmem>>) target(%dma_start3A_326 : memref<80x16xf32, #tpu.memory_space<vmem_shared>>) target_semaphore(%run_scoped3A_322 : memref<!tpu.dma_semaphore, #tpu.memory_space<semaphore_mem>>)
      %dma_wait3A_327 = arith.constant 0 : i32
      %dma_wait3A_328 = tpu.memref_slice %arg19[%add3A_28, %dma_wait3A_327] : memref<10240x16xf32, #tpu.memory_space<vmem_shared>> -> memref<80x16xf32, #tpu.memory_space<vmem_shared>>
      %dma_wait3A_329 = arith.constant 0 : i32
      %dma_wait3A_330 = tpu.memref_slice %arg19[%add3A_28, %dma_wait3A_329] : memref<10240x16xf32, #tpu.memory_space<vmem_shared>> -> memref<80x16xf32, #tpu.memory_space<vmem_shared>>
      tpu.wait_dma2 semaphore(%run_scoped3A_322 : memref<!tpu.dma_semaphore, #tpu.memory_space<semaphore_mem>>) src(%arg9 : memref<80x16xf32, #tpu.memory_space<vmem>>) dst(%dma_wait3A_330 : memref<80x16xf32, #tpu.memory_space<vmem_shared>>)
      tpu.yield
    }) : () -> ()
    %mul3A_29 = arith.constant 640 : i32
    %mul3A_30 = arith.muli %arg1, %mul3A_29 : i32
    %add3A_31 = arith.constant 560 : i32
    %add3A_32 = arith.addi %mul3A_30, %add3A_31 : i32
    "tpu.region"() ({
      %run_scoped3A_322 = tpu.sem_alloc : memref<!tpu.dma_semaphore, #tpu.memory_space<semaphore_mem>>
      %dma_start3A_323 = arith.constant 0 : i32
      %dma_start3A_324 = tpu.memref_slice %arg19[%add3A_32, %dma_start3A_323] : memref<10240x16xf32, #tpu.memory_space<vmem_shared>> -> memref<80x16xf32, #tpu.memory_space<vmem_shared>>
      %dma_start3A_325 = arith.constant 0 : i32
      %dma_start3A_326 = tpu.memref_slice %arg19[%add3A_32, %dma_start3A_325] : memref<10240x16xf32, #tpu.memory_space<vmem_shared>> -> memref<80x16xf32, #tpu.memory_space<vmem_shared>>
      tpu.enqueue_dma source(%arg9 : memref<80x16xf32, #tpu.memory_space<vmem>>) target(%dma_start3A_326 : memref<80x16xf32, #tpu.memory_space<vmem_shared>>) target_semaphore(%run_scoped3A_322 : memref<!tpu.dma_semaphore, #tpu.memory_space<semaphore_mem>>)
      %dma_wait3A_327 = arith.constant 0 : i32
      %dma_wait3A_328 = tpu.memref_slice %arg19[%add3A_32, %dma_wait3A_327] : memref<10240x16xf32, #tpu.memory_space<vmem_shared>> -> memref<80x16xf32, #tpu.memory_space<vmem_shared>>
      %dma_wait3A_329 = arith.constant 0 : i32
      %dma_wait3A_330 = tpu.memref_slice %arg19[%add3A_32, %dma_wait3A_329] : memref<10240x16xf32, #tpu.memory_space<vmem_shared>> -> memref<80x16xf32, #tpu.memory_space<vmem_shared>>
      tpu.wait_dma2 semaphore(%run_scoped3A_322 : memref<!tpu.dma_semaphore, #tpu.memory_space<semaphore_mem>>) src(%arg9 : memref<80x16xf32, #tpu.memory_space<vmem>>) dst(%dma_wait3A_330 : memref<80x16xf32, #tpu.memory_space<vmem_shared>>)
      tpu.yield
    }) : () -> ()
    %run_scoped3A = arith.constant 0 : i32
    "tpu.region"() ({
      %run_scoped3A_322 = tpu.sem_alloc : memref<!tpu.dma_semaphore, #tpu.memory_space<semaphore_mem>>
      %dma_start3A_323 = arith.constant 0 : i32
      %dma_start3A_324 = arith.constant 0 : i32
      %dma_start3A_325 = tpu.memref_slice %arg3[%run_scoped3A, %add3A, %dma_start3A_323, %dma_start3A_324] : memref<2x32x125x80xi32, #tpu.memory_space<hbm>> -> memref<1x1x125x80xi32, #tpu.memory_space<hbm>>
      %dma_start3A_326 = tpu.memref_squeeze %dma_start3A_325 : memref<1x1x125x80xi32, #tpu.memory_space<hbm>> -> memref<125x80xi32, #tpu.memory_space<hbm>>
      %dma_start3A_327 = arith.constant 0 : i32
      %dma_start3A_328 = arith.constant 0 : i32
      %dma_start3A_329 = tpu.memref_slice %arg3[%run_scoped3A, %add3A, %dma_start3A_327, %dma_start3A_328] : memref<2x32x125x80xi32, #tpu.memory_space<hbm>> -> memref<1x1x125x80xi32, #tpu.memory_space<hbm>>
      %dma_start3A_330 = tpu.memref_squeeze %dma_start3A_329 : memref<1x1x125x80xi32, #tpu.memory_space<hbm>> -> memref<125x80xi32, #tpu.memory_space<hbm>>
      tpu.enqueue_dma source(%dma_start3A_330 : memref<125x80xi32, #tpu.memory_space<hbm>>) target(%arg7 : memref<125x80xi32, #tpu.memory_space<vmem>>) target_semaphore(%run_scoped3A_322 : memref<!tpu.dma_semaphore, #tpu.memory_space<semaphore_mem>>)
      %dma_wait3A_331 = arith.constant 0 : i32
      %dma_wait3A_332 = arith.constant 0 : i32
      %dma_wait3A_333 = tpu.memref_slice %arg3[%run_scoped3A, %add3A, %dma_wait3A_331, %dma_wait3A_332] : memref<2x32x125x80xi32, #tpu.memory_space<hbm>> -> memref<1x1x125x80xi32, #tpu.memory_space<hbm>>
      %dma_wait3A_334 = tpu.memref_squeeze %dma_wait3A_333 : memref<1x1x125x80xi32, #tpu.memory_space<hbm>> -> memref<125x80xi32, #tpu.memory_space<hbm>>
      %dma_wait3A_335 = arith.constant 0 : i32
      %dma_wait3A_336 = arith.constant 0 : i32
      %dma_wait3A_337 = tpu.memref_slice %arg3[%run_scoped3A, %add3A, %dma_wait3A_335, %dma_wait3A_336] : memref<2x32x125x80xi32, #tpu.memory_space<hbm>> -> memref<1x1x125x80xi32, #tpu.memory_space<hbm>>
      %dma_wait3A_338 = tpu.memref_squeeze %dma_wait3A_337 : memref<1x1x125x80xi32, #tpu.memory_space<hbm>> -> memref<125x80xi32, #tpu.memory_space<hbm>>
      tpu.wait_dma2 semaphore(%run_scoped3A_322 : memref<!tpu.dma_semaphore, #tpu.memory_space<semaphore_mem>>) src(%dma_wait3A_338 : memref<125x80xi32, #tpu.memory_space<hbm>>) dst(%arg7 : memref<125x80xi32, #tpu.memory_space<vmem>>)
      tpu.yield
    }) : () -> ()
    %run_scoped3A_33 = arith.constant 1 : i32
    "tpu.region"() ({
      %run_scoped3A_322 = tpu.sem_alloc : memref<!tpu.dma_semaphore, #tpu.memory_space<semaphore_mem>>
      %dma_start3A_323 = arith.constant 0 : i32
      %dma_start3A_324 = arith.constant 0 : i32
      %dma_start3A_325 = tpu.memref_slice %arg3[%run_scoped3A_33, %add3A, %dma_start3A_323, %dma_start3A_324] : memref<2x32x125x80xi32, #tpu.memory_space<hbm>> -> memref<1x1x125x80xi32, #tpu.memory_space<hbm>>
      %dma_start3A_326 = tpu.memref_squeeze %dma_start3A_325 : memref<1x1x125x80xi32, #tpu.memory_space<hbm>> -> memref<125x80xi32, #tpu.memory_space<hbm>>
      %dma_start3A_327 = arith.constant 0 : i32
      %dma_start3A_328 = arith.constant 0 : i32
      %dma_start3A_329 = tpu.memref_slice %arg3[%run_scoped3A_33, %add3A, %dma_start3A_327, %dma_start3A_328] : memref<2x32x125x80xi32, #tpu.memory_space<hbm>> -> memref<1x1x125x80xi32, #tpu.memory_space<hbm>>
      %dma_start3A_330 = tpu.memref_squeeze %dma_start3A_329 : memref<1x1x125x80xi32, #tpu.memory_space<hbm>> -> memref<125x80xi32, #tpu.memory_space<hbm>>
      tpu.enqueue_dma source(%dma_start3A_330 : memref<125x80xi32, #tpu.memory_space<hbm>>) target(%arg8 : memref<125x80xi32, #tpu.memory_space<vmem>>) target_semaphore(%run_scoped3A_322 : memref<!tpu.dma_semaphore, #tpu.memory_space<semaphore_mem>>)
      %dma_wait3A_331 = arith.constant 0 : i32
      %dma_wait3A_332 = arith.constant 0 : i32
      %dma_wait3A_333 = tpu.memref_slice %arg3[%run_scoped3A_33, %add3A, %dma_wait3A_331, %dma_wait3A_332] : memref<2x32x125x80xi32, #tpu.memory_space<hbm>> -> memref<1x1x125x80xi32, #tpu.memory_space<hbm>>
      %dma_wait3A_334 = tpu.memref_squeeze %dma_wait3A_333 : memref<1x1x125x80xi32, #tpu.memory_space<hbm>> -> memref<125x80xi32, #tpu.memory_space<hbm>>
      %dma_wait3A_335 = arith.constant 0 : i32
      %dma_wait3A_336 = arith.constant 0 : i32
      %dma_wait3A_337 = tpu.memref_slice %arg3[%run_scoped3A_33, %add3A, %dma_wait3A_335, %dma_wait3A_336] : memref<2x32x125x80xi32, #tpu.memory_space<hbm>> -> memref<1x1x125x80xi32, #tpu.memory_space<hbm>>
      %dma_wait3A_338 = tpu.memref_squeeze %dma_wait3A_337 : memref<1x1x125x80xi32, #tpu.memory_space<hbm>> -> memref<125x80xi32, #tpu.memory_space<hbm>>
      tpu.wait_dma2 semaphore(%run_scoped3A_322 : memref<!tpu.dma_semaphore, #tpu.memory_space<semaphore_mem>>) src(%dma_wait3A_338 : memref<125x80xi32, #tpu.memory_space<hbm>>) dst(%arg8 : memref<125x80xi32, #tpu.memory_space<vmem>>)
      tpu.yield
    }) : () -> ()
    %dma_start3A = arith.constant 0 : i32
    %dma_start3A_34 = arith.constant 0 : i32
    %dma_start3A_35 = tpu.memref_slice %arg7[%dma_start3A, %dma_start3A_34] : memref<125x80xi32, #tpu.memory_space<vmem>> -> memref<1x80xi32, #tpu.memory_space<vmem>>
    %dma_start3A_36 = tpu.memref_squeeze %dma_start3A_35 : memref<1x80xi32, #tpu.memory_space<vmem>> -> memref<80xi32, #tpu.memory_space<vmem>>
    %dma_start3A_37 = arith.constant 0 : i32
    %dma_start3A_38 = arith.constant 0 : i32
    %dma_start3A_39 = tpu.memref_slice %arg2[%dma_start3A_37, %dma_start3A_38] : memref<10240x16xf32, #tpu.memory_space<hbm>> -> memref<10240x16xf32, #tpu.memory_space<hbm>>
    tpu.enqueue_indirect_dma source(%dma_start3A_39 : memref<10240x16xf32, #tpu.memory_space<hbm>>) target(%arg9 : memref<80x16xf32, #tpu.memory_space<vmem>>) offsets(%dma_start3A_36 : memref<80xi32, #tpu.memory_space<vmem>>) semaphore(%arg20 : memref<!tpu.dma_semaphore, #tpu.memory_space<semaphore_mem>>)
    %dma_start3A_40 = arith.constant 1 : i32
    %dma_start3A_41 = arith.constant 0 : i32
    %dma_start3A_42 = tpu.memref_slice %arg7[%dma_start3A_40, %dma_start3A_41] : memref<125x80xi32, #tpu.memory_space<vmem>> -> memref<1x80xi32, #tpu.memory_space<vmem>>
    %dma_start3A_43 = tpu.memref_squeeze %dma_start3A_42 : memref<1x80xi32, #tpu.memory_space<vmem>> -> memref<80xi32, #tpu.memory_space<vmem>>
    %dma_start3A_44 = arith.constant 0 : i32
    %dma_start3A_45 = arith.constant 0 : i32
    %dma_start3A_46 = tpu.memref_slice %arg2[%dma_start3A_44, %dma_start3A_45] : memref<10240x16xf32, #tpu.memory_space<hbm>> -> memref<10240x16xf32, #tpu.memory_space<hbm>>
    tpu.enqueue_indirect_dma source(%dma_start3A_46 : memref<10240x16xf32, #tpu.memory_space<hbm>>) target(%arg10 : memref<80x16xf32, #tpu.memory_space<vmem>>) offsets(%dma_start3A_43 : memref<80xi32, #tpu.memory_space<vmem>>) semaphore(%arg21 : memref<!tpu.dma_semaphore, #tpu.memory_space<semaphore_mem>>)
    %dma_start3A_47 = arith.constant 2 : i32
    %dma_start3A_48 = arith.constant 0 : i32
    %dma_start3A_49 = tpu.memref_slice %arg7[%dma_start3A_47, %dma_start3A_48] : memref<125x80xi32, #tpu.memory_space<vmem>> -> memref<1x80xi32, #tpu.memory_space<vmem>>
    %dma_start3A_50 = tpu.memref_squeeze %dma_start3A_49 : memref<1x80xi32, #tpu.memory_space<vmem>> -> memref<80xi32, #tpu.memory_space<vmem>>
    %dma_start3A_51 = arith.constant 0 : i32
    %dma_start3A_52 = arith.constant 0 : i32
    %dma_start3A_53 = tpu.memref_slice %arg2[%dma_start3A_51, %dma_start3A_52] : memref<10240x16xf32, #tpu.memory_space<hbm>> -> memref<10240x16xf32, #tpu.memory_space<hbm>>
    tpu.enqueue_indirect_dma source(%dma_start3A_53 : memref<10240x16xf32, #tpu.memory_space<hbm>>) target(%arg11 : memref<80x16xf32, #tpu.memory_space<vmem>>) offsets(%dma_start3A_50 : memref<80xi32, #tpu.memory_space<vmem>>) semaphore(%arg22 : memref<!tpu.dma_semaphore, #tpu.memory_space<semaphore_mem>>)
    %dma_start3A_54 = arith.constant 3 : i32
    %dma_start3A_55 = arith.constant 0 : i32
    %dma_start3A_56 = tpu.memref_slice %arg7[%dma_start3A_54, %dma_start3A_55] : memref<125x80xi32, #tpu.memory_space<vmem>> -> memref<1x80xi32, #tpu.memory_space<vmem>>
    %dma_start3A_57 = tpu.memref_squeeze %dma_start3A_56 : memref<1x80xi32, #tpu.memory_space<vmem>> -> memref<80xi32, #tpu.memory_space<vmem>>
    %dma_start3A_58 = arith.constant 0 : i32
    %dma_start3A_59 = arith.constant 0 : i32
    %dma_start3A_60 = tpu.memref_slice %arg2[%dma_start3A_58, %dma_start3A_59] : memref<10240x16xf32, #tpu.memory_space<hbm>> -> memref<10240x16xf32, #tpu.memory_space<hbm>>
    tpu.enqueue_indirect_dma source(%dma_start3A_60 : memref<10240x16xf32, #tpu.memory_space<hbm>>) target(%arg12 : memref<80x16xf32, #tpu.memory_space<vmem>>) offsets(%dma_start3A_57 : memref<80xi32, #tpu.memory_space<vmem>>) semaphore(%arg23 : memref<!tpu.dma_semaphore, #tpu.memory_space<semaphore_mem>>)
    %dma_start3A_61 = arith.constant 4 : i32
    %dma_start3A_62 = arith.constant 0 : i32
    %dma_start3A_63 = tpu.memref_slice %arg7[%dma_start3A_61, %dma_start3A_62] : memref<125x80xi32, #tpu.memory_space<vmem>> -> memref<1x80xi32, #tpu.memory_space<vmem>>
    %dma_start3A_64 = tpu.memref_squeeze %dma_start3A_63 : memref<1x80xi32, #tpu.memory_space<vmem>> -> memref<80xi32, #tpu.memory_space<vmem>>
    %dma_start3A_65 = arith.constant 0 : i32
    %dma_start3A_66 = arith.constant 0 : i32
    %dma_start3A_67 = tpu.memref_slice %arg2[%dma_start3A_65, %dma_start3A_66] : memref<10240x16xf32, #tpu.memory_space<hbm>> -> memref<10240x16xf32, #tpu.memory_space<hbm>>
    tpu.enqueue_indirect_dma source(%dma_start3A_67 : memref<10240x16xf32, #tpu.memory_space<hbm>>) target(%arg13 : memref<80x16xf32, #tpu.memory_space<vmem>>) offsets(%dma_start3A_64 : memref<80xi32, #tpu.memory_space<vmem>>) semaphore(%arg24 : memref<!tpu.dma_semaphore, #tpu.memory_space<semaphore_mem>>)
    %dma_start3A_68 = arith.constant 5 : i32
    %dma_start3A_69 = arith.constant 0 : i32
    %dma_start3A_70 = tpu.memref_slice %arg7[%dma_start3A_68, %dma_start3A_69] : memref<125x80xi32, #tpu.memory_space<vmem>> -> memref<1x80xi32, #tpu.memory_space<vmem>>
    %dma_start3A_71 = tpu.memref_squeeze %dma_start3A_70 : memref<1x80xi32, #tpu.memory_space<vmem>> -> memref<80xi32, #tpu.memory_space<vmem>>
    %dma_start3A_72 = arith.constant 0 : i32
    %dma_start3A_73 = arith.constant 0 : i32
    %dma_start3A_74 = tpu.memref_slice %arg2[%dma_start3A_72, %dma_start3A_73] : memref<10240x16xf32, #tpu.memory_space<hbm>> -> memref<10240x16xf32, #tpu.memory_space<hbm>>
    tpu.enqueue_indirect_dma source(%dma_start3A_74 : memref<10240x16xf32, #tpu.memory_space<hbm>>) target(%arg14 : memref<80x16xf32, #tpu.memory_space<vmem>>) offsets(%dma_start3A_71 : memref<80xi32, #tpu.memory_space<vmem>>) semaphore(%arg25 : memref<!tpu.dma_semaphore, #tpu.memory_space<semaphore_mem>>)
    %dma_start3A_75 = arith.constant 6 : i32
    %dma_start3A_76 = arith.constant 0 : i32
    %dma_start3A_77 = tpu.memref_slice %arg7[%dma_start3A_75, %dma_start3A_76] : memref<125x80xi32, #tpu.memory_space<vmem>> -> memref<1x80xi32, #tpu.memory_space<vmem>>
    %dma_start3A_78 = tpu.memref_squeeze %dma_start3A_77 : memref<1x80xi32, #tpu.memory_space<vmem>> -> memref<80xi32, #tpu.memory_space<vmem>>
    %dma_start3A_79 = arith.constant 0 : i32
    %dma_start3A_80 = arith.constant 0 : i32
    %dma_start3A_81 = tpu.memref_slice %arg2[%dma_start3A_79, %dma_start3A_80] : memref<10240x16xf32, #tpu.memory_space<hbm>> -> memref<10240x16xf32, #tpu.memory_space<hbm>>
    tpu.enqueue_indirect_dma source(%dma_start3A_81 : memref<10240x16xf32, #tpu.memory_space<hbm>>) target(%arg15 : memref<80x16xf32, #tpu.memory_space<vmem>>) offsets(%dma_start3A_78 : memref<80xi32, #tpu.memory_space<vmem>>) semaphore(%arg26 : memref<!tpu.dma_semaphore, #tpu.memory_space<semaphore_mem>>)
    %dma_start3A_82 = arith.constant 7 : i32
    %dma_start3A_83 = arith.constant 0 : i32
    %dma_start3A_84 = tpu.memref_slice %arg7[%dma_start3A_82, %dma_start3A_83] : memref<125x80xi32, #tpu.memory_space<vmem>> -> memref<1x80xi32, #tpu.memory_space<vmem>>
    %dma_start3A_85 = tpu.memref_squeeze %dma_start3A_84 : memref<1x80xi32, #tpu.memory_space<vmem>> -> memref<80xi32, #tpu.memory_space<vmem>>
    %dma_start3A_86 = arith.constant 0 : i32
    %dma_start3A_87 = arith.constant 0 : i32
    %dma_start3A_88 = tpu.memref_slice %arg2[%dma_start3A_86, %dma_start3A_87] : memref<10240x16xf32, #tpu.memory_space<hbm>> -> memref<10240x16xf32, #tpu.memory_space<hbm>>
    tpu.enqueue_indirect_dma source(%dma_start3A_88 : memref<10240x16xf32, #tpu.memory_space<hbm>>) target(%arg16 : memref<80x16xf32, #tpu.memory_space<vmem>>) offsets(%dma_start3A_85 : memref<80xi32, #tpu.memory_space<vmem>>) semaphore(%arg27 : memref<!tpu.dma_semaphore, #tpu.memory_space<semaphore_mem>>)
    %dma_start3A_89 = arith.constant 8 : i32
    %dma_start3A_90 = arith.constant 0 : i32
    %dma_start3A_91 = tpu.memref_slice %arg7[%dma_start3A_89, %dma_start3A_90] : memref<125x80xi32, #tpu.memory_space<vmem>> -> memref<1x80xi32, #tpu.memory_space<vmem>>
    %dma_start3A_92 = tpu.memref_squeeze %dma_start3A_91 : memref<1x80xi32, #tpu.memory_space<vmem>> -> memref<80xi32, #tpu.memory_space<vmem>>
    %dma_start3A_93 = arith.constant 0 : i32
    %dma_start3A_94 = arith.constant 0 : i32
    %dma_start3A_95 = tpu.memref_slice %arg2[%dma_start3A_93, %dma_start3A_94] : memref<10240x16xf32, #tpu.memory_space<hbm>> -> memref<10240x16xf32, #tpu.memory_space<hbm>>
    tpu.enqueue_indirect_dma source(%dma_start3A_95 : memref<10240x16xf32, #tpu.memory_space<hbm>>) target(%arg17 : memref<80x16xf32, #tpu.memory_space<vmem>>) offsets(%dma_start3A_92 : memref<80xi32, #tpu.memory_space<vmem>>) semaphore(%arg28 : memref<!tpu.dma_semaphore, #tpu.memory_space<semaphore_mem>>)
    %dma_start3A_96 = arith.constant 9 : i32
    %dma_start3A_97 = arith.constant 0 : i32
    %dma_start3A_98 = tpu.memref_slice %arg7[%dma_start3A_96, %dma_start3A_97] : memref<125x80xi32, #tpu.memory_space<vmem>> -> memref<1x80xi32, #tpu.memory_space<vmem>>
    %dma_start3A_99 = tpu.memref_squeeze %dma_start3A_98 : memref<1x80xi32, #tpu.memory_space<vmem>> -> memref<80xi32, #tpu.memory_space<vmem>>
    %dma_start3A_100 = arith.constant 0 : i32
    %dma_start3A_101 = arith.constant 0 : i32
    %dma_start3A_102 = tpu.memref_slice %arg2[%dma_start3A_100, %dma_start3A_101] : memref<10240x16xf32, #tpu.memory_space<hbm>> -> memref<10240x16xf32, #tpu.memory_space<hbm>>
    tpu.enqueue_indirect_dma source(%dma_start3A_102 : memref<10240x16xf32, #tpu.memory_space<hbm>>) target(%arg18 : memref<80x16xf32, #tpu.memory_space<vmem>>) offsets(%dma_start3A_99 : memref<80xi32, #tpu.memory_space<vmem>>) semaphore(%arg29 : memref<!tpu.dma_semaphore, #tpu.memory_space<semaphore_mem>>)
    %barrier3A = arith.constant 0 : index
    tpu.barrier barrier_id(%barrier3A)
    %scan3A = arith.constant 0 : i32
    %scan3A_103 = arith.constant 0 : i32
    %scan3A_104 = arith.constant 12 : i32
    %scan3A_105 = arith.addi %scan3A_103, %scan3A_104 : i32
    %scan3A_106 = arith.constant 1 : i32
    scf.for %scan3A_322 = %scan3A_103 to %scan3A_105 step %scan3A_106  : i32 {
      %mul3A_323 = arith.constant 10 : i32
      %mul3A_324 = arith.muli %scan3A_322, %mul3A_323 : i32
      %add3A_325 = arith.constant 0 : i32
      %add3A_326 = arith.addi %mul3A_324, %add3A_325 : i32
      %dma_wait3A_327 = arith.constant 0 : i32
      %dma_wait3A_328 = tpu.memref_slice %arg7[%add3A_326, %dma_wait3A_327] : memref<125x80xi32, #tpu.memory_space<vmem>> -> memref<1x80xi32, #tpu.memory_space<vmem>>
      %dma_wait3A_329 = tpu.memref_squeeze %dma_wait3A_328 : memref<1x80xi32, #tpu.memory_space<vmem>> -> memref<80xi32, #tpu.memory_space<vmem>>
      %dma_wait3A_330 = arith.constant 0 : i32
      %dma_wait3A_331 = arith.constant 0 : i32
      %dma_wait3A_332 = tpu.memref_slice %arg2[%dma_wait3A_330, %dma_wait3A_331] : memref<10240x16xf32, #tpu.memory_space<hbm>> -> memref<10240x16xf32, #tpu.memory_space<hbm>>
      tpu.wait_indirect_dma semaphore(%arg20 : memref<!tpu.dma_semaphore, #tpu.memory_space<semaphore_mem>>) src(%dma_wait3A_332 : memref<10240x16xf32, #tpu.memory_space<hbm>>) dst(%arg9 : memref<80x16xf32, #tpu.memory_space<vmem>>)
      %dma_start3A_333 = arith.constant 0 : i32
      %dma_start3A_334 = tpu.memref_slice %arg8[%add3A_326, %dma_start3A_333] : memref<125x80xi32, #tpu.memory_space<vmem>> -> memref<1x80xi32, #tpu.memory_space<vmem>>
      %dma_start3A_335 = tpu.memref_squeeze %dma_start3A_334 : memref<1x80xi32, #tpu.memory_space<vmem>> -> memref<80xi32, #tpu.memory_space<vmem>>
      %dma_start3A_336 = arith.constant 0 : i32
      %dma_start3A_337 = arith.constant 0 : i32
      %dma_start3A_338 = tpu.memref_slice %arg19[%dma_start3A_336, %dma_start3A_337] : memref<10240x16xf32, #tpu.memory_space<vmem_shared>> -> memref<10240x16xf32, #tpu.memory_space<vmem_shared>>
      tpu.enqueue_indirect_dma source(%arg9 : memref<80x16xf32, #tpu.memory_space<vmem>>) target(%dma_start3A_338 : memref<10240x16xf32, #tpu.memory_space<vmem_shared>>) offsets(%dma_start3A_335 : memref<80xi32, #tpu.memory_space<vmem>>) semaphore(%arg30 : memref<!tpu.dma_semaphore, #tpu.memory_space<semaphore_mem>>) {add = true}
      %mul3A_339 = arith.constant 10 : i32
      %mul3A_340 = arith.muli %scan3A_322, %mul3A_339 : i32
      %add3A_341 = arith.constant 1 : i32
      %add3A_342 = arith.addi %mul3A_340, %add3A_341 : i32
      %dma_wait3A_343 = arith.constant 0 : i32
      %dma_wait3A_344 = tpu.memref_slice %arg7[%add3A_342, %dma_wait3A_343] : memref<125x80xi32, #tpu.memory_space<vmem>> -> memref<1x80xi32, #tpu.memory_space<vmem>>
      %dma_wait3A_345 = tpu.memref_squeeze %dma_wait3A_344 : memref<1x80xi32, #tpu.memory_space<vmem>> -> memref<80xi32, #tpu.memory_space<vmem>>
      %dma_wait3A_346 = arith.constant 0 : i32
      %dma_wait3A_347 = arith.constant 0 : i32
      %dma_wait3A_348 = tpu.memref_slice %arg2[%dma_wait3A_346, %dma_wait3A_347] : memref<10240x16xf32, #tpu.memory_space<hbm>> -> memref<10240x16xf32, #tpu.memory_space<hbm>>
      tpu.wait_indirect_dma semaphore(%arg21 : memref<!tpu.dma_semaphore, #tpu.memory_space<semaphore_mem>>) src(%dma_wait3A_348 : memref<10240x16xf32, #tpu.memory_space<hbm>>) dst(%arg10 : memref<80x16xf32, #tpu.memory_space<vmem>>)
      %dma_start3A_349 = arith.constant 0 : i32
      %dma_start3A_350 = tpu.memref_slice %arg8[%add3A_342, %dma_start3A_349] : memref<125x80xi32, #tpu.memory_space<vmem>> -> memref<1x80xi32, #tpu.memory_space<vmem>>
      %dma_start3A_351 = tpu.memref_squeeze %dma_start3A_350 : memref<1x80xi32, #tpu.memory_space<vmem>> -> memref<80xi32, #tpu.memory_space<vmem>>
      %dma_start3A_352 = arith.constant 0 : i32
      %dma_start3A_353 = arith.constant 0 : i32
      %dma_start3A_354 = tpu.memref_slice %arg19[%dma_start3A_352, %dma_start3A_353] : memref<10240x16xf32, #tpu.memory_space<vmem_shared>> -> memref<10240x16xf32, #tpu.memory_space<vmem_shared>>
      tpu.enqueue_indirect_dma source(%arg10 : memref<80x16xf32, #tpu.memory_space<vmem>>) target(%dma_start3A_354 : memref<10240x16xf32, #tpu.memory_space<vmem_shared>>) offsets(%dma_start3A_351 : memref<80xi32, #tpu.memory_space<vmem>>) semaphore(%arg31 : memref<!tpu.dma_semaphore, #tpu.memory_space<semaphore_mem>>) {add = true}
      %mul3A_355 = arith.constant 10 : i32
      %mul3A_356 = arith.muli %scan3A_322, %mul3A_355 : i32
      %add3A_357 = arith.constant 2 : i32
      %add3A_358 = arith.addi %mul3A_356, %add3A_357 : i32
      %dma_wait3A_359 = arith.constant 0 : i32
      %dma_wait3A_360 = tpu.memref_slice %arg7[%add3A_358, %dma_wait3A_359] : memref<125x80xi32, #tpu.memory_space<vmem>> -> memref<1x80xi32, #tpu.memory_space<vmem>>
      %dma_wait3A_361 = tpu.memref_squeeze %dma_wait3A_360 : memref<1x80xi32, #tpu.memory_space<vmem>> -> memref<80xi32, #tpu.memory_space<vmem>>
      %dma_wait3A_362 = arith.constant 0 : i32
      %dma_wait3A_363 = arith.constant 0 : i32
      %dma_wait3A_364 = tpu.memref_slice %arg2[%dma_wait3A_362, %dma_wait3A_363] : memref<10240x16xf32, #tpu.memory_space<hbm>> -> memref<10240x16xf32, #tpu.memory_space<hbm>>
      tpu.wait_indirect_dma semaphore(%arg22 : memref<!tpu.dma_semaphore, #tpu.memory_space<semaphore_mem>>) src(%dma_wait3A_364 : memref<10240x16xf32, #tpu.memory_space<hbm>>) dst(%arg11 : memref<80x16xf32, #tpu.memory_space<vmem>>)
      %dma_start3A_365 = arith.constant 0 : i32
      %dma_start3A_366 = tpu.memref_slice %arg8[%add3A_358, %dma_start3A_365] : memref<125x80xi32, #tpu.memory_space<vmem>> -> memref<1x80xi32, #tpu.memory_space<vmem>>
      %dma_start3A_367 = tpu.memref_squeeze %dma_start3A_366 : memref<1x80xi32, #tpu.memory_space<vmem>> -> memref<80xi32, #tpu.memory_space<vmem>>
      %dma_start3A_368 = arith.constant 0 : i32
      %dma_start3A_369 = arith.constant 0 : i32
      %dma_start3A_370 = tpu.memref_slice %arg19[%dma_start3A_368, %dma_start3A_369] : memref<10240x16xf32, #tpu.memory_space<vmem_shared>> -> memref<10240x16xf32, #tpu.memory_space<vmem_shared>>
      tpu.enqueue_indirect_dma source(%arg11 : memref<80x16xf32, #tpu.memory_space<vmem>>) target(%dma_start3A_370 : memref<10240x16xf32, #tpu.memory_space<vmem_shared>>) offsets(%dma_start3A_367 : memref<80xi32, #tpu.memory_space<vmem>>) semaphore(%arg32 : memref<!tpu.dma_semaphore, #tpu.memory_space<semaphore_mem>>) {add = true}
      %mul3A_371 = arith.constant 10 : i32
      %mul3A_372 = arith.muli %scan3A_322, %mul3A_371 : i32
      %add3A_373 = arith.constant 3 : i32
      %add3A_374 = arith.addi %mul3A_372, %add3A_373 : i32
      %dma_wait3A_375 = arith.constant 0 : i32
      %dma_wait3A_376 = tpu.memref_slice %arg7[%add3A_374, %dma_wait3A_375] : memref<125x80xi32, #tpu.memory_space<vmem>> -> memref<1x80xi32, #tpu.memory_space<vmem>>
      %dma_wait3A_377 = tpu.memref_squeeze %dma_wait3A_376 : memref<1x80xi32, #tpu.memory_space<vmem>> -> memref<80xi32, #tpu.memory_space<vmem>>
      %dma_wait3A_378 = arith.constant 0 : i32
      %dma_wait3A_379 = arith.constant 0 : i32
      %dma_wait3A_380 = tpu.memref_slice %arg2[%dma_wait3A_378, %dma_wait3A_379] : memref<10240x16xf32, #tpu.memory_space<hbm>> -> memref<10240x16xf32, #tpu.memory_space<hbm>>
      tpu.wait_indirect_dma semaphore(%arg23 : memref<!tpu.dma_semaphore, #tpu.memory_space<semaphore_mem>>) src(%dma_wait3A_380 : memref<10240x16xf32, #tpu.memory_space<hbm>>) dst(%arg12 : memref<80x16xf32, #tpu.memory_space<vmem>>)
      %dma_start3A_381 = arith.constant 0 : i32
      %dma_start3A_382 = tpu.memref_slice %arg8[%add3A_374, %dma_start3A_381] : memref<125x80xi32, #tpu.memory_space<vmem>> -> memref<1x80xi32, #tpu.memory_space<vmem>>
      %dma_start3A_383 = tpu.memref_squeeze %dma_start3A_382 : memref<1x80xi32, #tpu.memory_space<vmem>> -> memref<80xi32, #tpu.memory_space<vmem>>
      %dma_start3A_384 = arith.constant 0 : i32
      %dma_start3A_385 = arith.constant 0 : i32
      %dma_start3A_386 = tpu.memref_slice %arg19[%dma_start3A_384, %dma_start3A_385] : memref<10240x16xf32, #tpu.memory_space<vmem_shared>> -> memref<10240x16xf32, #tpu.memory_space<vmem_shared>>
      tpu.enqueue_indirect_dma source(%arg12 : memref<80x16xf32, #tpu.memory_space<vmem>>) target(%dma_start3A_386 : memref<10240x16xf32, #tpu.memory_space<vmem_shared>>) offsets(%dma_start3A_383 : memref<80xi32, #tpu.memory_space<vmem>>) semaphore(%arg33 : memref<!tpu.dma_semaphore, #tpu.memory_space<semaphore_mem>>) {add = true}
      %mul3A_387 = arith.constant 10 : i32
      %mul3A_388 = arith.muli %scan3A_322, %mul3A_387 : i32
      %add3A_389 = arith.constant 4 : i32
      %add3A_390 = arith.addi %mul3A_388, %add3A_389 : i32
      %dma_wait3A_391 = arith.constant 0 : i32
      %dma_wait3A_392 = tpu.memref_slice %arg7[%add3A_390, %dma_wait3A_391] : memref<125x80xi32, #tpu.memory_space<vmem>> -> memref<1x80xi32, #tpu.memory_space<vmem>>
      %dma_wait3A_393 = tpu.memref_squeeze %dma_wait3A_392 : memref<1x80xi32, #tpu.memory_space<vmem>> -> memref<80xi32, #tpu.memory_space<vmem>>
      %dma_wait3A_394 = arith.constant 0 : i32
      %dma_wait3A_395 = arith.constant 0 : i32
      %dma_wait3A_396 = tpu.memref_slice %arg2[%dma_wait3A_394, %dma_wait3A_395] : memref<10240x16xf32, #tpu.memory_space<hbm>> -> memref<10240x16xf32, #tpu.memory_space<hbm>>
      tpu.wait_indirect_dma semaphore(%arg24 : memref<!tpu.dma_semaphore, #tpu.memory_space<semaphore_mem>>) src(%dma_wait3A_396 : memref<10240x16xf32, #tpu.memory_space<hbm>>) dst(%arg13 : memref<80x16xf32, #tpu.memory_space<vmem>>)
      %dma_start3A_397 = arith.constant 0 : i32
      %dma_start3A_398 = tpu.memref_slice %arg8[%add3A_390, %dma_start3A_397] : memref<125x80xi32, #tpu.memory_space<vmem>> -> memref<1x80xi32, #tpu.memory_space<vmem>>
      %dma_start3A_399 = tpu.memref_squeeze %dma_start3A_398 : memref<1x80xi32, #tpu.memory_space<vmem>> -> memref<80xi32, #tpu.memory_space<vmem>>
      %dma_start3A_400 = arith.constant 0 : i32
      %dma_start3A_401 = arith.constant 0 : i32
      %dma_start3A_402 = tpu.memref_slice %arg19[%dma_start3A_400, %dma_start3A_401] : memref<10240x16xf32, #tpu.memory_space<vmem_shared>> -> memref<10240x16xf32, #tpu.memory_space<vmem_shared>>
      tpu.enqueue_indirect_dma source(%arg13 : memref<80x16xf32, #tpu.memory_space<vmem>>) target(%dma_start3A_402 : memref<10240x16xf32, #tpu.memory_space<vmem_shared>>) offsets(%dma_start3A_399 : memref<80xi32, #tpu.memory_space<vmem>>) semaphore(%arg34 : memref<!tpu.dma_semaphore, #tpu.memory_space<semaphore_mem>>) {add = true}
      %mul3A_403 = arith.constant 10 : i32
      %mul3A_404 = arith.muli %scan3A_322, %mul3A_403 : i32
      %add3A_405 = arith.constant 5 : i32
      %add3A_406 = arith.addi %mul3A_404, %add3A_405 : i32
      %dma_wait3A_407 = arith.constant 0 : i32
      %dma_wait3A_408 = tpu.memref_slice %arg7[%add3A_406, %dma_wait3A_407] : memref<125x80xi32, #tpu.memory_space<vmem>> -> memref<1x80xi32, #tpu.memory_space<vmem>>
      %dma_wait3A_409 = tpu.memref_squeeze %dma_wait3A_408 : memref<1x80xi32, #tpu.memory_space<vmem>> -> memref<80xi32, #tpu.memory_space<vmem>>
      %dma_wait3A_410 = arith.constant 0 : i32
      %dma_wait3A_411 = arith.constant 0 : i32
      %dma_wait3A_412 = tpu.memref_slice %arg2[%dma_wait3A_410, %dma_wait3A_411] : memref<10240x16xf32, #tpu.memory_space<hbm>> -> memref<10240x16xf32, #tpu.memory_space<hbm>>
      tpu.wait_indirect_dma semaphore(%arg25 : memref<!tpu.dma_semaphore, #tpu.memory_space<semaphore_mem>>) src(%dma_wait3A_412 : memref<10240x16xf32, #tpu.memory_space<hbm>>) dst(%arg14 : memref<80x16xf32, #tpu.memory_space<vmem>>)
      %dma_start3A_413 = arith.constant 0 : i32
      %dma_start3A_414 = tpu.memref_slice %arg8[%add3A_406, %dma_start3A_413] : memref<125x80xi32, #tpu.memory_space<vmem>> -> memref<1x80xi32, #tpu.memory_space<vmem>>
      %dma_start3A_415 = tpu.memref_squeeze %dma_start3A_414 : memref<1x80xi32, #tpu.memory_space<vmem>> -> memref<80xi32, #tpu.memory_space<vmem>>
      %dma_start3A_416 = arith.constant 0 : i32
      %dma_start3A_417 = arith.constant 0 : i32
      %dma_start3A_418 = tpu.memref_slice %arg19[%dma_start3A_416, %dma_start3A_417] : memref<10240x16xf32, #tpu.memory_space<vmem_shared>> -> memref<10240x16xf32, #tpu.memory_space<vmem_shared>>
      tpu.enqueue_indirect_dma source(%arg14 : memref<80x16xf32, #tpu.memory_space<vmem>>) target(%dma_start3A_418 : memref<10240x16xf32, #tpu.memory_space<vmem_shared>>) offsets(%dma_start3A_415 : memref<80xi32, #tpu.memory_space<vmem>>) semaphore(%arg35 : memref<!tpu.dma_semaphore, #tpu.memory_space<semaphore_mem>>) {add = true}
      %mul3A_419 = arith.constant 10 : i32
      %mul3A_420 = arith.muli %scan3A_322, %mul3A_419 : i32
      %add3A_421 = arith.constant 6 : i32
      %add3A_422 = arith.addi %mul3A_420, %add3A_421 : i32
      %dma_wait3A_423 = arith.constant 0 : i32
      %dma_wait3A_424 = tpu.memref_slice %arg7[%add3A_422, %dma_wait3A_423] : memref<125x80xi32, #tpu.memory_space<vmem>> -> memref<1x80xi32, #tpu.memory_space<vmem>>
      %dma_wait3A_425 = tpu.memref_squeeze %dma_wait3A_424 : memref<1x80xi32, #tpu.memory_space<vmem>> -> memref<80xi32, #tpu.memory_space<vmem>>
      %dma_wait3A_426 = arith.constant 0 : i32
      %dma_wait3A_427 = arith.constant 0 : i32
      %dma_wait3A_428 = tpu.memref_slice %arg2[%dma_wait3A_426, %dma_wait3A_427] : memref<10240x16xf32, #tpu.memory_space<hbm>> -> memref<10240x16xf32, #tpu.memory_space<hbm>>
      tpu.wait_indirect_dma semaphore(%arg26 : memref<!tpu.dma_semaphore, #tpu.memory_space<semaphore_mem>>) src(%dma_wait3A_428 : memref<10240x16xf32, #tpu.memory_space<hbm>>) dst(%arg15 : memref<80x16xf32, #tpu.memory_space<vmem>>)
      %dma_start3A_429 = arith.constant 0 : i32
      %dma_start3A_430 = tpu.memref_slice %arg8[%add3A_422, %dma_start3A_429] : memref<125x80xi32, #tpu.memory_space<vmem>> -> memref<1x80xi32, #tpu.memory_space<vmem>>
      %dma_start3A_431 = tpu.memref_squeeze %dma_start3A_430 : memref<1x80xi32, #tpu.memory_space<vmem>> -> memref<80xi32, #tpu.memory_space<vmem>>
      %dma_start3A_432 = arith.constant 0 : i32
      %dma_start3A_433 = arith.constant 0 : i32
      %dma_start3A_434 = tpu.memref_slice %arg19[%dma_start3A_432, %dma_start3A_433] : memref<10240x16xf32, #tpu.memory_space<vmem_shared>> -> memref<10240x16xf32, #tpu.memory_space<vmem_shared>>
      tpu.enqueue_indirect_dma source(%arg15 : memref<80x16xf32, #tpu.memory_space<vmem>>) target(%dma_start3A_434 : memref<10240x16xf32, #tpu.memory_space<vmem_shared>>) offsets(%dma_start3A_431 : memref<80xi32, #tpu.memory_space<vmem>>) semaphore(%arg36 : memref<!tpu.dma_semaphore, #tpu.memory_space<semaphore_mem>>) {add = true}
      %mul3A_435 = arith.constant 10 : i32
      %mul3A_436 = arith.muli %scan3A_322, %mul3A_435 : i32
      %add3A_437 = arith.constant 7 : i32
      %add3A_438 = arith.addi %mul3A_436, %add3A_437 : i32
      %dma_wait3A_439 = arith.constant 0 : i32
      %dma_wait3A_440 = tpu.memref_slice %arg7[%add3A_438, %dma_wait3A_439] : memref<125x80xi32, #tpu.memory_space<vmem>> -> memref<1x80xi32, #tpu.memory_space<vmem>>
      %dma_wait3A_441 = tpu.memref_squeeze %dma_wait3A_440 : memref<1x80xi32, #tpu.memory_space<vmem>> -> memref<80xi32, #tpu.memory_space<vmem>>
      %dma_wait3A_442 = arith.constant 0 : i32
      %dma_wait3A_443 = arith.constant 0 : i32
      %dma_wait3A_444 = tpu.memref_slice %arg2[%dma_wait3A_442, %dma_wait3A_443] : memref<10240x16xf32, #tpu.memory_space<hbm>> -> memref<10240x16xf32, #tpu.memory_space<hbm>>
      tpu.wait_indirect_dma semaphore(%arg27 : memref<!tpu.dma_semaphore, #tpu.memory_space<semaphore_mem>>) src(%dma_wait3A_444 : memref<10240x16xf32, #tpu.memory_space<hbm>>) dst(%arg16 : memref<80x16xf32, #tpu.memory_space<vmem>>)
      %dma_start3A_445 = arith.constant 0 : i32
      %dma_start3A_446 = tpu.memref_slice %arg8[%add3A_438, %dma_start3A_445] : memref<125x80xi32, #tpu.memory_space<vmem>> -> memref<1x80xi32, #tpu.memory_space<vmem>>
      %dma_start3A_447 = tpu.memref_squeeze %dma_start3A_446 : memref<1x80xi32, #tpu.memory_space<vmem>> -> memref<80xi32, #tpu.memory_space<vmem>>
      %dma_start3A_448 = arith.constant 0 : i32
      %dma_start3A_449 = arith.constant 0 : i32
      %dma_start3A_450 = tpu.memref_slice %arg19[%dma_start3A_448, %dma_start3A_449] : memref<10240x16xf32, #tpu.memory_space<vmem_shared>> -> memref<10240x16xf32, #tpu.memory_space<vmem_shared>>
      tpu.enqueue_indirect_dma source(%arg16 : memref<80x16xf32, #tpu.memory_space<vmem>>) target(%dma_start3A_450 : memref<10240x16xf32, #tpu.memory_space<vmem_shared>>) offsets(%dma_start3A_447 : memref<80xi32, #tpu.memory_space<vmem>>) semaphore(%arg37 : memref<!tpu.dma_semaphore, #tpu.memory_space<semaphore_mem>>) {add = true}
      %mul3A_451 = arith.constant 10 : i32
      %mul3A_452 = arith.muli %scan3A_322, %mul3A_451 : i32
      %add3A_453 = arith.constant 8 : i32
      %add3A_454 = arith.addi %mul3A_452, %add3A_453 : i32
      %dma_wait3A_455 = arith.constant 0 : i32
      %dma_wait3A_456 = tpu.memref_slice %arg7[%add3A_454, %dma_wait3A_455] : memref<125x80xi32, #tpu.memory_space<vmem>> -> memref<1x80xi32, #tpu.memory_space<vmem>>
      %dma_wait3A_457 = tpu.memref_squeeze %dma_wait3A_456 : memref<1x80xi32, #tpu.memory_space<vmem>> -> memref<80xi32, #tpu.memory_space<vmem>>
      %dma_wait3A_458 = arith.constant 0 : i32
      %dma_wait3A_459 = arith.constant 0 : i32
      %dma_wait3A_460 = tpu.memref_slice %arg2[%dma_wait3A_458, %dma_wait3A_459] : memref<10240x16xf32, #tpu.memory_space<hbm>> -> memref<10240x16xf32, #tpu.memory_space<hbm>>
      tpu.wait_indirect_dma semaphore(%arg28 : memref<!tpu.dma_semaphore, #tpu.memory_space<semaphore_mem>>) src(%dma_wait3A_460 : memref<10240x16xf32, #tpu.memory_space<hbm>>) dst(%arg17 : memref<80x16xf32, #tpu.memory_space<vmem>>)
      %dma_start3A_461 = arith.constant 0 : i32
      %dma_start3A_462 = tpu.memref_slice %arg8[%add3A_454, %dma_start3A_461] : memref<125x80xi32, #tpu.memory_space<vmem>> -> memref<1x80xi32, #tpu.memory_space<vmem>>
      %dma_start3A_463 = tpu.memref_squeeze %dma_start3A_462 : memref<1x80xi32, #tpu.memory_space<vmem>> -> memref<80xi32, #tpu.memory_space<vmem>>
      %dma_start3A_464 = arith.constant 0 : i32
      %dma_start3A_465 = arith.constant 0 : i32
      %dma_start3A_466 = tpu.memref_slice %arg19[%dma_start3A_464, %dma_start3A_465] : memref<10240x16xf32, #tpu.memory_space<vmem_shared>> -> memref<10240x16xf32, #tpu.memory_space<vmem_shared>>
      tpu.enqueue_indirect_dma source(%arg17 : memref<80x16xf32, #tpu.memory_space<vmem>>) target(%dma_start3A_466 : memref<10240x16xf32, #tpu.memory_space<vmem_shared>>) offsets(%dma_start3A_463 : memref<80xi32, #tpu.memory_space<vmem>>) semaphore(%arg38 : memref<!tpu.dma_semaphore, #tpu.memory_space<semaphore_mem>>) {add = true}
      %mul3A_467 = arith.constant 10 : i32
      %mul3A_468 = arith.muli %scan3A_322, %mul3A_467 : i32
      %add3A_469 = arith.constant 9 : i32
      %add3A_470 = arith.addi %mul3A_468, %add3A_469 : i32
      %dma_wait3A_471 = arith.constant 0 : i32
      %dma_wait3A_472 = tpu.memref_slice %arg7[%add3A_470, %dma_wait3A_471] : memref<125x80xi32, #tpu.memory_space<vmem>> -> memref<1x80xi32, #tpu.memory_space<vmem>>
      %dma_wait3A_473 = tpu.memref_squeeze %dma_wait3A_472 : memref<1x80xi32, #tpu.memory_space<vmem>> -> memref<80xi32, #tpu.memory_space<vmem>>
      %dma_wait3A_474 = arith.constant 0 : i32
      %dma_wait3A_475 = arith.constant 0 : i32
      %dma_wait3A_476 = tpu.memref_slice %arg2[%dma_wait3A_474, %dma_wait3A_475] : memref<10240x16xf32, #tpu.memory_space<hbm>> -> memref<10240x16xf32, #tpu.memory_space<hbm>>
      tpu.wait_indirect_dma semaphore(%arg29 : memref<!tpu.dma_semaphore, #tpu.memory_space<semaphore_mem>>) src(%dma_wait3A_476 : memref<10240x16xf32, #tpu.memory_space<hbm>>) dst(%arg18 : memref<80x16xf32, #tpu.memory_space<vmem>>)
      %dma_start3A_477 = arith.constant 0 : i32
      %dma_start3A_478 = tpu.memref_slice %arg8[%add3A_470, %dma_start3A_477] : memref<125x80xi32, #tpu.memory_space<vmem>> -> memref<1x80xi32, #tpu.memory_space<vmem>>
      %dma_start3A_479 = tpu.memref_squeeze %dma_start3A_478 : memref<1x80xi32, #tpu.memory_space<vmem>> -> memref<80xi32, #tpu.memory_space<vmem>>
      %dma_start3A_480 = arith.constant 0 : i32
      %dma_start3A_481 = arith.constant 0 : i32
      %dma_start3A_482 = tpu.memref_slice %arg19[%dma_start3A_480, %dma_start3A_481] : memref<10240x16xf32, #tpu.memory_space<vmem_shared>> -> memref<10240x16xf32, #tpu.memory_space<vmem_shared>>
      tpu.enqueue_indirect_dma source(%arg18 : memref<80x16xf32, #tpu.memory_space<vmem>>) target(%dma_start3A_482 : memref<10240x16xf32, #tpu.memory_space<vmem_shared>>) offsets(%dma_start3A_479 : memref<80xi32, #tpu.memory_space<vmem>>) semaphore(%arg39 : memref<!tpu.dma_semaphore, #tpu.memory_space<semaphore_mem>>) {add = true}
      %add3A_483 = arith.constant 1 : i32
      %add3A_484 = arith.addi %scan3A_322, %add3A_483 : i32
      %mul3A_485 = arith.constant 10 : i32
      %mul3A_486 = arith.muli %add3A_484, %mul3A_485 : i32
      %add3A_487 = arith.constant 0 : i32
      %add3A_488 = arith.addi %mul3A_486, %add3A_487 : i32
      %dma_wait3A_489 = arith.constant 0 : i32
      %dma_wait3A_490 = arith.constant 0 : i32
      %dma_wait3A_491 = tpu.memref_slice %arg8[%dma_wait3A_489, %dma_wait3A_490] : memref<125x80xi32, #tpu.memory_space<vmem>> -> memref<1x80xi32, #tpu.memory_space<vmem>>
      %dma_wait3A_492 = tpu.memref_squeeze %dma_wait3A_491 : memref<1x80xi32, #tpu.memory_space<vmem>> -> memref<80xi32, #tpu.memory_space<vmem>>
      %dma_wait3A_493 = arith.constant 0 : i32
      %dma_wait3A_494 = arith.constant 0 : i32
      %dma_wait3A_495 = tpu.memref_slice %arg19[%dma_wait3A_493, %dma_wait3A_494] : memref<10240x16xf32, #tpu.memory_space<vmem_shared>> -> memref<10240x16xf32, #tpu.memory_space<vmem_shared>>
      tpu.wait_indirect_dma semaphore(%arg30 : memref<!tpu.dma_semaphore, #tpu.memory_space<semaphore_mem>>) src(%arg9 : memref<80x16xf32, #tpu.memory_space<vmem>>) dst(%dma_wait3A_495 : memref<10240x16xf32, #tpu.memory_space<vmem_shared>>)
      %lt3A = arith.constant 125 : i32
      %lt3A_496 = arith.cmpi slt, %add3A_488, %lt3A : i32
      %convert_element_type3A_497 = arith.extui %lt3A_496 : i1 to i32
      %cond3A_498 = arith.constant 0 : i32
      %cond3A_499 = arith.cmpi ne, %convert_element_type3A_497, %cond3A_498 : i32
      scf.if %cond3A_499 {
        %dma_start3A_662 = arith.constant 0 : i32
        %dma_start3A_663 = tpu.memref_slice %arg7[%add3A_488, %dma_start3A_662] : memref<125x80xi32, #tpu.memory_space<vmem>> -> memref<1x80xi32, #tpu.memory_space<vmem>>
        %dma_start3A_664 = tpu.memref_squeeze %dma_start3A_663 : memref<1x80xi32, #tpu.memory_space<vmem>> -> memref<80xi32, #tpu.memory_space<vmem>>
        %dma_start3A_665 = arith.constant 0 : i32
        %dma_start3A_666 = arith.constant 0 : i32
        %dma_start3A_667 = tpu.memref_slice %arg2[%dma_start3A_665, %dma_start3A_666] : memref<10240x16xf32, #tpu.memory_space<hbm>> -> memref<10240x16xf32, #tpu.memory_space<hbm>>
        tpu.enqueue_indirect_dma source(%dma_start3A_667 : memref<10240x16xf32, #tpu.memory_space<hbm>>) target(%arg9 : memref<80x16xf32, #tpu.memory_space<vmem>>) offsets(%dma_start3A_664 : memref<80xi32, #tpu.memory_space<vmem>>) semaphore(%arg20 : memref<!tpu.dma_semaphore, #tpu.memory_space<semaphore_mem>>)
      } else {
      }
      %add3A_500 = arith.constant 1 : i32
      %add3A_501 = arith.addi %scan3A_322, %add3A_500 : i32
      %mul3A_502 = arith.constant 10 : i32
      %mul3A_503 = arith.muli %add3A_501, %mul3A_502 : i32
      %add3A_504 = arith.constant 1 : i32
      %add3A_505 = arith.addi %mul3A_503, %add3A_504 : i32
      %dma_wait3A_506 = arith.constant 0 : i32
      %dma_wait3A_507 = arith.constant 0 : i32
      %dma_wait3A_508 = tpu.memref_slice %arg8[%dma_wait3A_506, %dma_wait3A_507] : memref<125x80xi32, #tpu.memory_space<vmem>> -> memref<1x80xi32, #tpu.memory_space<vmem>>
      %dma_wait3A_509 = tpu.memref_squeeze %dma_wait3A_508 : memref<1x80xi32, #tpu.memory_space<vmem>> -> memref<80xi32, #tpu.memory_space<vmem>>
      %dma_wait3A_510 = arith.constant 0 : i32
      %dma_wait3A_511 = arith.constant 0 : i32
      %dma_wait3A_512 = tpu.memref_slice %arg19[%dma_wait3A_510, %dma_wait3A_511] : memref<10240x16xf32, #tpu.memory_space<vmem_shared>> -> memref<10240x16xf32, #tpu.memory_space<vmem_shared>>
      tpu.wait_indirect_dma semaphore(%arg31 : memref<!tpu.dma_semaphore, #tpu.memory_space<semaphore_mem>>) src(%arg10 : memref<80x16xf32, #tpu.memory_space<vmem>>) dst(%dma_wait3A_512 : memref<10240x16xf32, #tpu.memory_space<vmem_shared>>)
      %lt3A_513 = arith.constant 125 : i32
      %lt3A_514 = arith.cmpi slt, %add3A_505, %lt3A_513 : i32
      %convert_element_type3A_515 = arith.extui %lt3A_514 : i1 to i32
      %cond3A_516 = arith.constant 0 : i32
      %cond3A_517 = arith.cmpi ne, %convert_element_type3A_515, %cond3A_516 : i32
      scf.if %cond3A_517 {
        %dma_start3A_662 = arith.constant 0 : i32
        %dma_start3A_663 = tpu.memref_slice %arg7[%add3A_505, %dma_start3A_662] : memref<125x80xi32, #tpu.memory_space<vmem>> -> memref<1x80xi32, #tpu.memory_space<vmem>>
        %dma_start3A_664 = tpu.memref_squeeze %dma_start3A_663 : memref<1x80xi32, #tpu.memory_space<vmem>> -> memref<80xi32, #tpu.memory_space<vmem>>
        %dma_start3A_665 = arith.constant 0 : i32
        %dma_start3A_666 = arith.constant 0 : i32
        %dma_start3A_667 = tpu.memref_slice %arg2[%dma_start3A_665, %dma_start3A_666] : memref<10240x16xf32, #tpu.memory_space<hbm>> -> memref<10240x16xf32, #tpu.memory_space<hbm>>
        tpu.enqueue_indirect_dma source(%dma_start3A_667 : memref<10240x16xf32, #tpu.memory_space<hbm>>) target(%arg10 : memref<80x16xf32, #tpu.memory_space<vmem>>) offsets(%dma_start3A_664 : memref<80xi32, #tpu.memory_space<vmem>>) semaphore(%arg21 : memref<!tpu.dma_semaphore, #tpu.memory_space<semaphore_mem>>)
      } else {
      }
      %add3A_518 = arith.constant 1 : i32
      %add3A_519 = arith.addi %scan3A_322, %add3A_518 : i32
      %mul3A_520 = arith.constant 10 : i32
      %mul3A_521 = arith.muli %add3A_519, %mul3A_520 : i32
      %add3A_522 = arith.constant 2 : i32
      %add3A_523 = arith.addi %mul3A_521, %add3A_522 : i32
      %dma_wait3A_524 = arith.constant 0 : i32
      %dma_wait3A_525 = arith.constant 0 : i32
      %dma_wait3A_526 = tpu.memref_slice %arg8[%dma_wait3A_524, %dma_wait3A_525] : memref<125x80xi32, #tpu.memory_space<vmem>> -> memref<1x80xi32, #tpu.memory_space<vmem>>
      %dma_wait3A_527 = tpu.memref_squeeze %dma_wait3A_526 : memref<1x80xi32, #tpu.memory_space<vmem>> -> memref<80xi32, #tpu.memory_space<vmem>>
      %dma_wait3A_528 = arith.constant 0 : i32
      %dma_wait3A_529 = arith.constant 0 : i32
      %dma_wait3A_530 = tpu.memref_slice %arg19[%dma_wait3A_528, %dma_wait3A_529] : memref<10240x16xf32, #tpu.memory_space<vmem_shared>> -> memref<10240x16xf32, #tpu.memory_space<vmem_shared>>
      tpu.wait_indirect_dma semaphore(%arg32 : memref<!tpu.dma_semaphore, #tpu.memory_space<semaphore_mem>>) src(%arg11 : memref<80x16xf32, #tpu.memory_space<vmem>>) dst(%dma_wait3A_530 : memref<10240x16xf32, #tpu.memory_space<vmem_shared>>)
      %lt3A_531 = arith.constant 125 : i32
      %lt3A_532 = arith.cmpi slt, %add3A_523, %lt3A_531 : i32
      %convert_element_type3A_533 = arith.extui %lt3A_532 : i1 to i32
      %cond3A_534 = arith.constant 0 : i32
      %cond3A_535 = arith.cmpi ne, %convert_element_type3A_533, %cond3A_534 : i32
      scf.if %cond3A_535 {
        %dma_start3A_662 = arith.constant 0 : i32
        %dma_start3A_663 = tpu.memref_slice %arg7[%add3A_523, %dma_start3A_662] : memref<125x80xi32, #tpu.memory_space<vmem>> -> memref<1x80xi32, #tpu.memory_space<vmem>>
        %dma_start3A_664 = tpu.memref_squeeze %dma_start3A_663 : memref<1x80xi32, #tpu.memory_space<vmem>> -> memref<80xi32, #tpu.memory_space<vmem>>
        %dma_start3A_665 = arith.constant 0 : i32
        %dma_start3A_666 = arith.constant 0 : i32
        %dma_start3A_667 = tpu.memref_slice %arg2[%dma_start3A_665, %dma_start3A_666] : memref<10240x16xf32, #tpu.memory_space<hbm>> -> memref<10240x16xf32, #tpu.memory_space<hbm>>
        tpu.enqueue_indirect_dma source(%dma_start3A_667 : memref<10240x16xf32, #tpu.memory_space<hbm>>) target(%arg11 : memref<80x16xf32, #tpu.memory_space<vmem>>) offsets(%dma_start3A_664 : memref<80xi32, #tpu.memory_space<vmem>>) semaphore(%arg22 : memref<!tpu.dma_semaphore, #tpu.memory_space<semaphore_mem>>)
      } else {
      }
      %add3A_536 = arith.constant 1 : i32
      %add3A_537 = arith.addi %scan3A_322, %add3A_536 : i32
      %mul3A_538 = arith.constant 10 : i32
      %mul3A_539 = arith.muli %add3A_537, %mul3A_538 : i32
      %add3A_540 = arith.constant 3 : i32
      %add3A_541 = arith.addi %mul3A_539, %add3A_540 : i32
      %dma_wait3A_542 = arith.constant 0 : i32
      %dma_wait3A_543 = arith.constant 0 : i32
      %dma_wait3A_544 = tpu.memref_slice %arg8[%dma_wait3A_542, %dma_wait3A_543] : memref<125x80xi32, #tpu.memory_space<vmem>> -> memref<1x80xi32, #tpu.memory_space<vmem>>
      %dma_wait3A_545 = tpu.memref_squeeze %dma_wait3A_544 : memref<1x80xi32, #tpu.memory_space<vmem>> -> memref<80xi32, #tpu.memory_space<vmem>>
      %dma_wait3A_546 = arith.constant 0 : i32
      %dma_wait3A_547 = arith.constant 0 : i32
      %dma_wait3A_548 = tpu.memref_slice %arg19[%dma_wait3A_546, %dma_wait3A_547] : memref<10240x16xf32, #tpu.memory_space<vmem_shared>> -> memref<10240x16xf32, #tpu.memory_space<vmem_shared>>
      tpu.wait_indirect_dma semaphore(%arg33 : memref<!tpu.dma_semaphore, #tpu.memory_space<semaphore_mem>>) src(%arg12 : memref<80x16xf32, #tpu.memory_space<vmem>>) dst(%dma_wait3A_548 : memref<10240x16xf32, #tpu.memory_space<vmem_shared>>)
      %lt3A_549 = arith.constant 125 : i32
      %lt3A_550 = arith.cmpi slt, %add3A_541, %lt3A_549 : i32
      %convert_element_type3A_551 = arith.extui %lt3A_550 : i1 to i32
      %cond3A_552 = arith.constant 0 : i32
      %cond3A_553 = arith.cmpi ne, %convert_element_type3A_551, %cond3A_552 : i32
      scf.if %cond3A_553 {
        %dma_start3A_662 = arith.constant 0 : i32
        %dma_start3A_663 = tpu.memref_slice %arg7[%add3A_541, %dma_start3A_662] : memref<125x80xi32, #tpu.memory_space<vmem>> -> memref<1x80xi32, #tpu.memory_space<vmem>>
        %dma_start3A_664 = tpu.memref_squeeze %dma_start3A_663 : memref<1x80xi32, #tpu.memory_space<vmem>> -> memref<80xi32, #tpu.memory_space<vmem>>
        %dma_start3A_665 = arith.constant 0 : i32
        %dma_start3A_666 = arith.constant 0 : i32
        %dma_start3A_667 = tpu.memref_slice %arg2[%dma_start3A_665, %dma_start3A_666] : memref<10240x16xf32, #tpu.memory_space<hbm>> -> memref<10240x16xf32, #tpu.memory_space<hbm>>
        tpu.enqueue_indirect_dma source(%dma_start3A_667 : memref<10240x16xf32, #tpu.memory_space<hbm>>) target(%arg12 : memref<80x16xf32, #tpu.memory_space<vmem>>) offsets(%dma_start3A_664 : memref<80xi32, #tpu.memory_space<vmem>>) semaphore(%arg23 : memref<!tpu.dma_semaphore, #tpu.memory_space<semaphore_mem>>)
      } else {
      }
      %add3A_554 = arith.constant 1 : i32
      %add3A_555 = arith.addi %scan3A_322, %add3A_554 : i32
      %mul3A_556 = arith.constant 10 : i32
      %mul3A_557 = arith.muli %add3A_555, %mul3A_556 : i32
      %add3A_558 = arith.constant 4 : i32
      %add3A_559 = arith.addi %mul3A_557, %add3A_558 : i32
      %dma_wait3A_560 = arith.constant 0 : i32
      %dma_wait3A_561 = arith.constant 0 : i32
      %dma_wait3A_562 = tpu.memref_slice %arg8[%dma_wait3A_560, %dma_wait3A_561] : memref<125x80xi32, #tpu.memory_space<vmem>> -> memref<1x80xi32, #tpu.memory_space<vmem>>
      %dma_wait3A_563 = tpu.memref_squeeze %dma_wait3A_562 : memref<1x80xi32, #tpu.memory_space<vmem>> -> memref<80xi32, #tpu.memory_space<vmem>>
      %dma_wait3A_564 = arith.constant 0 : i32
      %dma_wait3A_565 = arith.constant 0 : i32
      %dma_wait3A_566 = tpu.memref_slice %arg19[%dma_wait3A_564, %dma_wait3A_565] : memref<10240x16xf32, #tpu.memory_space<vmem_shared>> -> memref<10240x16xf32, #tpu.memory_space<vmem_shared>>
      tpu.wait_indirect_dma semaphore(%arg34 : memref<!tpu.dma_semaphore, #tpu.memory_space<semaphore_mem>>) src(%arg13 : memref<80x16xf32, #tpu.memory_space<vmem>>) dst(%dma_wait3A_566 : memref<10240x16xf32, #tpu.memory_space<vmem_shared>>)
      %lt3A_567 = arith.constant 125 : i32
      %lt3A_568 = arith.cmpi slt, %add3A_559, %lt3A_567 : i32
      %convert_element_type3A_569 = arith.extui %lt3A_568 : i1 to i32
      %cond3A_570 = arith.constant 0 : i32
      %cond3A_571 = arith.cmpi ne, %convert_element_type3A_569, %cond3A_570 : i32
      scf.if %cond3A_571 {
        %dma_start3A_662 = arith.constant 0 : i32
        %dma_start3A_663 = tpu.memref_slice %arg7[%add3A_559, %dma_start3A_662] : memref<125x80xi32, #tpu.memory_space<vmem>> -> memref<1x80xi32, #tpu.memory_space<vmem>>
        %dma_start3A_664 = tpu.memref_squeeze %dma_start3A_663 : memref<1x80xi32, #tpu.memory_space<vmem>> -> memref<80xi32, #tpu.memory_space<vmem>>
        %dma_start3A_665 = arith.constant 0 : i32
        %dma_start3A_666 = arith.constant 0 : i32
        %dma_start3A_667 = tpu.memref_slice %arg2[%dma_start3A_665, %dma_start3A_666] : memref<10240x16xf32, #tpu.memory_space<hbm>> -> memref<10240x16xf32, #tpu.memory_space<hbm>>
        tpu.enqueue_indirect_dma source(%dma_start3A_667 : memref<10240x16xf32, #tpu.memory_space<hbm>>) target(%arg13 : memref<80x16xf32, #tpu.memory_space<vmem>>) offsets(%dma_start3A_664 : memref<80xi32, #tpu.memory_space<vmem>>) semaphore(%arg24 : memref<!tpu.dma_semaphore, #tpu.memory_space<semaphore_mem>>)
      } else {
      }
      %add3A_572 = arith.constant 1 : i32
      %add3A_573 = arith.addi %scan3A_322, %add3A_572 : i32
      %mul3A_574 = arith.constant 10 : i32
      %mul3A_575 = arith.muli %add3A_573, %mul3A_574 : i32
      %add3A_576 = arith.constant 5 : i32
      %add3A_577 = arith.addi %mul3A_575, %add3A_576 : i32
      %dma_wait3A_578 = arith.constant 0 : i32
      %dma_wait3A_579 = arith.constant 0 : i32
      %dma_wait3A_580 = tpu.memref_slice %arg8[%dma_wait3A_578, %dma_wait3A_579] : memref<125x80xi32, #tpu.memory_space<vmem>> -> memref<1x80xi32, #tpu.memory_space<vmem>>
      %dma_wait3A_581 = tpu.memref_squeeze %dma_wait3A_580 : memref<1x80xi32, #tpu.memory_space<vmem>> -> memref<80xi32, #tpu.memory_space<vmem>>
      %dma_wait3A_582 = arith.constant 0 : i32
      %dma_wait3A_583 = arith.constant 0 : i32
      %dma_wait3A_584 = tpu.memref_slice %arg19[%dma_wait3A_582, %dma_wait3A_583] : memref<10240x16xf32, #tpu.memory_space<vmem_shared>> -> memref<10240x16xf32, #tpu.memory_space<vmem_shared>>
      tpu.wait_indirect_dma semaphore(%arg35 : memref<!tpu.dma_semaphore, #tpu.memory_space<semaphore_mem>>) src(%arg14 : memref<80x16xf32, #tpu.memory_space<vmem>>) dst(%dma_wait3A_584 : memref<10240x16xf32, #tpu.memory_space<vmem_shared>>)
      %lt3A_585 = arith.constant 125 : i32
      %lt3A_586 = arith.cmpi slt, %add3A_577, %lt3A_585 : i32
      %convert_element_type3A_587 = arith.extui %lt3A_586 : i1 to i32
      %cond3A_588 = arith.constant 0 : i32
      %cond3A_589 = arith.cmpi ne, %convert_element_type3A_587, %cond3A_588 : i32
      scf.if %cond3A_589 {
        %dma_start3A_662 = arith.constant 0 : i32
        %dma_start3A_663 = tpu.memref_slice %arg7[%add3A_577, %dma_start3A_662] : memref<125x80xi32, #tpu.memory_space<vmem>> -> memref<1x80xi32, #tpu.memory_space<vmem>>
        %dma_start3A_664 = tpu.memref_squeeze %dma_start3A_663 : memref<1x80xi32, #tpu.memory_space<vmem>> -> memref<80xi32, #tpu.memory_space<vmem>>
        %dma_start3A_665 = arith.constant 0 : i32
        %dma_start3A_666 = arith.constant 0 : i32
        %dma_start3A_667 = tpu.memref_slice %arg2[%dma_start3A_665, %dma_start3A_666] : memref<10240x16xf32, #tpu.memory_space<hbm>> -> memref<10240x16xf32, #tpu.memory_space<hbm>>
        tpu.enqueue_indirect_dma source(%dma_start3A_667 : memref<10240x16xf32, #tpu.memory_space<hbm>>) target(%arg14 : memref<80x16xf32, #tpu.memory_space<vmem>>) offsets(%dma_start3A_664 : memref<80xi32, #tpu.memory_space<vmem>>) semaphore(%arg25 : memref<!tpu.dma_semaphore, #tpu.memory_space<semaphore_mem>>)
      } else {
      }
      %add3A_590 = arith.constant 1 : i32
      %add3A_591 = arith.addi %scan3A_322, %add3A_590 : i32
      %mul3A_592 = arith.constant 10 : i32
      %mul3A_593 = arith.muli %add3A_591, %mul3A_592 : i32
      %add3A_594 = arith.constant 6 : i32
      %add3A_595 = arith.addi %mul3A_593, %add3A_594 : i32
      %dma_wait3A_596 = arith.constant 0 : i32
      %dma_wait3A_597 = arith.constant 0 : i32
      %dma_wait3A_598 = tpu.memref_slice %arg8[%dma_wait3A_596, %dma_wait3A_597] : memref<125x80xi32, #tpu.memory_space<vmem>> -> memref<1x80xi32, #tpu.memory_space<vmem>>
      %dma_wait3A_599 = tpu.memref_squeeze %dma_wait3A_598 : memref<1x80xi32, #tpu.memory_space<vmem>> -> memref<80xi32, #tpu.memory_space<vmem>>
      %dma_wait3A_600 = arith.constant 0 : i32
      %dma_wait3A_601 = arith.constant 0 : i32
      %dma_wait3A_602 = tpu.memref_slice %arg19[%dma_wait3A_600, %dma_wait3A_601] : memref<10240x16xf32, #tpu.memory_space<vmem_shared>> -> memref<10240x16xf32, #tpu.memory_space<vmem_shared>>
      tpu.wait_indirect_dma semaphore(%arg36 : memref<!tpu.dma_semaphore, #tpu.memory_space<semaphore_mem>>) src(%arg15 : memref<80x16xf32, #tpu.memory_space<vmem>>) dst(%dma_wait3A_602 : memref<10240x16xf32, #tpu.memory_space<vmem_shared>>)
      %lt3A_603 = arith.constant 125 : i32
      %lt3A_604 = arith.cmpi slt, %add3A_595, %lt3A_603 : i32
      %convert_element_type3A_605 = arith.extui %lt3A_604 : i1 to i32
      %cond3A_606 = arith.constant 0 : i32
      %cond3A_607 = arith.cmpi ne, %convert_element_type3A_605, %cond3A_606 : i32
      scf.if %cond3A_607 {
        %dma_start3A_662 = arith.constant 0 : i32
        %dma_start3A_663 = tpu.memref_slice %arg7[%add3A_595, %dma_start3A_662] : memref<125x80xi32, #tpu.memory_space<vmem>> -> memref<1x80xi32, #tpu.memory_space<vmem>>
        %dma_start3A_664 = tpu.memref_squeeze %dma_start3A_663 : memref<1x80xi32, #tpu.memory_space<vmem>> -> memref<80xi32, #tpu.memory_space<vmem>>
        %dma_start3A_665 = arith.constant 0 : i32
        %dma_start3A_666 = arith.constant 0 : i32
        %dma_start3A_667 = tpu.memref_slice %arg2[%dma_start3A_665, %dma_start3A_666] : memref<10240x16xf32, #tpu.memory_space<hbm>> -> memref<10240x16xf32, #tpu.memory_space<hbm>>
        tpu.enqueue_indirect_dma source(%dma_start3A_667 : memref<10240x16xf32, #tpu.memory_space<hbm>>) target(%arg15 : memref<80x16xf32, #tpu.memory_space<vmem>>) offsets(%dma_start3A_664 : memref<80xi32, #tpu.memory_space<vmem>>) semaphore(%arg26 : memref<!tpu.dma_semaphore, #tpu.memory_space<semaphore_mem>>)
      } else {
      }
      %add3A_608 = arith.constant 1 : i32
      %add3A_609 = arith.addi %scan3A_322, %add3A_608 : i32
      %mul3A_610 = arith.constant 10 : i32
      %mul3A_611 = arith.muli %add3A_609, %mul3A_610 : i32
      %add3A_612 = arith.constant 7 : i32
      %add3A_613 = arith.addi %mul3A_611, %add3A_612 : i32
      %dma_wait3A_614 = arith.constant 0 : i32
      %dma_wait3A_615 = arith.constant 0 : i32
      %dma_wait3A_616 = tpu.memref_slice %arg8[%dma_wait3A_614, %dma_wait3A_615] : memref<125x80xi32, #tpu.memory_space<vmem>> -> memref<1x80xi32, #tpu.memory_space<vmem>>
      %dma_wait3A_617 = tpu.memref_squeeze %dma_wait3A_616 : memref<1x80xi32, #tpu.memory_space<vmem>> -> memref<80xi32, #tpu.memory_space<vmem>>
      %dma_wait3A_618 = arith.constant 0 : i32
      %dma_wait3A_619 = arith.constant 0 : i32
      %dma_wait3A_620 = tpu.memref_slice %arg19[%dma_wait3A_618, %dma_wait3A_619] : memref<10240x16xf32, #tpu.memory_space<vmem_shared>> -> memref<10240x16xf32, #tpu.memory_space<vmem_shared>>
      tpu.wait_indirect_dma semaphore(%arg37 : memref<!tpu.dma_semaphore, #tpu.memory_space<semaphore_mem>>) src(%arg16 : memref<80x16xf32, #tpu.memory_space<vmem>>) dst(%dma_wait3A_620 : memref<10240x16xf32, #tpu.memory_space<vmem_shared>>)
      %lt3A_621 = arith.constant 125 : i32
      %lt3A_622 = arith.cmpi slt, %add3A_613, %lt3A_621 : i32
      %convert_element_type3A_623 = arith.extui %lt3A_622 : i1 to i32
      %cond3A_624 = arith.constant 0 : i32
      %cond3A_625 = arith.cmpi ne, %convert_element_type3A_623, %cond3A_624 : i32
      scf.if %cond3A_625 {
        %dma_start3A_662 = arith.constant 0 : i32
        %dma_start3A_663 = tpu.memref_slice %arg7[%add3A_613, %dma_start3A_662] : memref<125x80xi32, #tpu.memory_space<vmem>> -> memref<1x80xi32, #tpu.memory_space<vmem>>
        %dma_start3A_664 = tpu.memref_squeeze %dma_start3A_663 : memref<1x80xi32, #tpu.memory_space<vmem>> -> memref<80xi32, #tpu.memory_space<vmem>>
        %dma_start3A_665 = arith.constant 0 : i32
        %dma_start3A_666 = arith.constant 0 : i32
        %dma_start3A_667 = tpu.memref_slice %arg2[%dma_start3A_665, %dma_start3A_666] : memref<10240x16xf32, #tpu.memory_space<hbm>> -> memref<10240x16xf32, #tpu.memory_space<hbm>>
        tpu.enqueue_indirect_dma source(%dma_start3A_667 : memref<10240x16xf32, #tpu.memory_space<hbm>>) target(%arg16 : memref<80x16xf32, #tpu.memory_space<vmem>>) offsets(%dma_start3A_664 : memref<80xi32, #tpu.memory_space<vmem>>) semaphore(%arg27 : memref<!tpu.dma_semaphore, #tpu.memory_space<semaphore_mem>>)
      } else {
      }
      %add3A_626 = arith.constant 1 : i32
      %add3A_627 = arith.addi %scan3A_322, %add3A_626 : i32
      %mul3A_628 = arith.constant 10 : i32
      %mul3A_629 = arith.muli %add3A_627, %mul3A_628 : i32
      %add3A_630 = arith.constant 8 : i32
      %add3A_631 = arith.addi %mul3A_629, %add3A_630 : i32
      %dma_wait3A_632 = arith.constant 0 : i32
      %dma_wait3A_633 = arith.constant 0 : i32
      %dma_wait3A_634 = tpu.memref_slice %arg8[%dma_wait3A_632, %dma_wait3A_633] : memref<125x80xi32, #tpu.memory_space<vmem>> -> memref<1x80xi32, #tpu.memory_space<vmem>>
      %dma_wait3A_635 = tpu.memref_squeeze %dma_wait3A_634 : memref<1x80xi32, #tpu.memory_space<vmem>> -> memref<80xi32, #tpu.memory_space<vmem>>
      %dma_wait3A_636 = arith.constant 0 : i32
      %dma_wait3A_637 = arith.constant 0 : i32
      %dma_wait3A_638 = tpu.memref_slice %arg19[%dma_wait3A_636, %dma_wait3A_637] : memref<10240x16xf32, #tpu.memory_space<vmem_shared>> -> memref<10240x16xf32, #tpu.memory_space<vmem_shared>>
      tpu.wait_indirect_dma semaphore(%arg38 : memref<!tpu.dma_semaphore, #tpu.memory_space<semaphore_mem>>) src(%arg17 : memref<80x16xf32, #tpu.memory_space<vmem>>) dst(%dma_wait3A_638 : memref<10240x16xf32, #tpu.memory_space<vmem_shared>>)
      %lt3A_639 = arith.constant 125 : i32
      %lt3A_640 = arith.cmpi slt, %add3A_631, %lt3A_639 : i32
      %convert_element_type3A_641 = arith.extui %lt3A_640 : i1 to i32
      %cond3A_642 = arith.constant 0 : i32
      %cond3A_643 = arith.cmpi ne, %convert_element_type3A_641, %cond3A_642 : i32
      scf.if %cond3A_643 {
        %dma_start3A_662 = arith.constant 0 : i32
        %dma_start3A_663 = tpu.memref_slice %arg7[%add3A_631, %dma_start3A_662] : memref<125x80xi32, #tpu.memory_space<vmem>> -> memref<1x80xi32, #tpu.memory_space<vmem>>
        %dma_start3A_664 = tpu.memref_squeeze %dma_start3A_663 : memref<1x80xi32, #tpu.memory_space<vmem>> -> memref<80xi32, #tpu.memory_space<vmem>>
        %dma_start3A_665 = arith.constant 0 : i32
        %dma_start3A_666 = arith.constant 0 : i32
        %dma_start3A_667 = tpu.memref_slice %arg2[%dma_start3A_665, %dma_start3A_666] : memref<10240x16xf32, #tpu.memory_space<hbm>> -> memref<10240x16xf32, #tpu.memory_space<hbm>>
        tpu.enqueue_indirect_dma source(%dma_start3A_667 : memref<10240x16xf32, #tpu.memory_space<hbm>>) target(%arg17 : memref<80x16xf32, #tpu.memory_space<vmem>>) offsets(%dma_start3A_664 : memref<80xi32, #tpu.memory_space<vmem>>) semaphore(%arg28 : memref<!tpu.dma_semaphore, #tpu.memory_space<semaphore_mem>>)
      } else {
      }
      %add3A_644 = arith.constant 1 : i32
      %add3A_645 = arith.addi %scan3A_322, %add3A_644 : i32
      %mul3A_646 = arith.constant 10 : i32
      %mul3A_647 = arith.muli %add3A_645, %mul3A_646 : i32
      %add3A_648 = arith.constant 9 : i32
      %add3A_649 = arith.addi %mul3A_647, %add3A_648 : i32
      %dma_wait3A_650 = arith.constant 0 : i32
      %dma_wait3A_651 = arith.constant 0 : i32
      %dma_wait3A_652 = tpu.memref_slice %arg8[%dma_wait3A_650, %dma_wait3A_651] : memref<125x80xi32, #tpu.memory_space<vmem>> -> memref<1x80xi32, #tpu.memory_space<vmem>>
      %dma_wait3A_653 = tpu.memref_squeeze %dma_wait3A_652 : memref<1x80xi32, #tpu.memory_space<vmem>> -> memref<80xi32, #tpu.memory_space<vmem>>
      %dma_wait3A_654 = arith.constant 0 : i32
      %dma_wait3A_655 = arith.constant 0 : i32
      %dma_wait3A_656 = tpu.memref_slice %arg19[%dma_wait3A_654, %dma_wait3A_655] : memref<10240x16xf32, #tpu.memory_space<vmem_shared>> -> memref<10240x16xf32, #tpu.memory_space<vmem_shared>>
      tpu.wait_indirect_dma semaphore(%arg39 : memref<!tpu.dma_semaphore, #tpu.memory_space<semaphore_mem>>) src(%arg18 : memref<80x16xf32, #tpu.memory_space<vmem>>) dst(%dma_wait3A_656 : memref<10240x16xf32, #tpu.memory_space<vmem_shared>>)
      %lt3A_657 = arith.constant 125 : i32
      %lt3A_658 = arith.cmpi slt, %add3A_649, %lt3A_657 : i32
      %convert_element_type3A_659 = arith.extui %lt3A_658 : i1 to i32
      %cond3A_660 = arith.constant 0 : i32
      %cond3A_661 = arith.cmpi ne, %convert_element_type3A_659, %cond3A_660 : i32
      scf.if %cond3A_661 {
        %dma_start3A_662 = arith.constant 0 : i32
        %dma_start3A_663 = tpu.memref_slice %arg7[%add3A_649, %dma_start3A_662] : memref<125x80xi32, #tpu.memory_space<vmem>> -> memref<1x80xi32, #tpu.memory_space<vmem>>
        %dma_start3A_664 = tpu.memref_squeeze %dma_start3A_663 : memref<1x80xi32, #tpu.memory_space<vmem>> -> memref<80xi32, #tpu.memory_space<vmem>>
        %dma_start3A_665 = arith.constant 0 : i32
        %dma_start3A_666 = arith.constant 0 : i32
        %dma_start3A_667 = tpu.memref_slice %arg2[%dma_start3A_665, %dma_start3A_666] : memref<10240x16xf32, #tpu.memory_space<hbm>> -> memref<10240x16xf32, #tpu.memory_space<hbm>>
        tpu.enqueue_indirect_dma source(%dma_start3A_667 : memref<10240x16xf32, #tpu.memory_space<hbm>>) target(%arg18 : memref<80x16xf32, #tpu.memory_space<vmem>>) offsets(%dma_start3A_664 : memref<80xi32, #tpu.memory_space<vmem>>) semaphore(%arg29 : memref<!tpu.dma_semaphore, #tpu.memory_space<semaphore_mem>>)
      } else {
      }
    }
    %scan3A_107 = arith.constant 12 : i32
    %dma_wait3A = arith.constant 120 : i32
    %dma_wait3A_108 = arith.constant 0 : i32
    %dma_wait3A_109 = tpu.memref_slice %arg7[%dma_wait3A, %dma_wait3A_108] : memref<125x80xi32, #tpu.memory_space<vmem>> -> memref<1x80xi32, #tpu.memory_space<vmem>>
    %dma_wait3A_110 = tpu.memref_squeeze %dma_wait3A_109 : memref<1x80xi32, #tpu.memory_space<vmem>> -> memref<80xi32, #tpu.memory_space<vmem>>
    %dma_wait3A_111 = arith.constant 0 : i32
    %dma_wait3A_112 = arith.constant 0 : i32
    %dma_wait3A_113 = tpu.memref_slice %arg2[%dma_wait3A_111, %dma_wait3A_112] : memref<10240x16xf32, #tpu.memory_space<hbm>> -> memref<10240x16xf32, #tpu.memory_space<hbm>>
    tpu.wait_indirect_dma semaphore(%arg20 : memref<!tpu.dma_semaphore, #tpu.memory_space<semaphore_mem>>) src(%dma_wait3A_113 : memref<10240x16xf32, #tpu.memory_space<hbm>>) dst(%arg9 : memref<80x16xf32, #tpu.memory_space<vmem>>)
    %dma_start3A_114 = arith.constant 120 : i32
    %dma_start3A_115 = arith.constant 0 : i32
    %dma_start3A_116 = tpu.memref_slice %arg8[%dma_start3A_114, %dma_start3A_115] : memref<125x80xi32, #tpu.memory_space<vmem>> -> memref<1x80xi32, #tpu.memory_space<vmem>>
    %dma_start3A_117 = tpu.memref_squeeze %dma_start3A_116 : memref<1x80xi32, #tpu.memory_space<vmem>> -> memref<80xi32, #tpu.memory_space<vmem>>
    %dma_start3A_118 = arith.constant 0 : i32
    %dma_start3A_119 = arith.constant 0 : i32
    %dma_start3A_120 = tpu.memref_slice %arg19[%dma_start3A_118, %dma_start3A_119] : memref<10240x16xf32, #tpu.memory_space<vmem_shared>> -> memref<10240x16xf32, #tpu.memory_space<vmem_shared>>
    tpu.enqueue_indirect_dma source(%arg9 : memref<80x16xf32, #tpu.memory_space<vmem>>) target(%dma_start3A_120 : memref<10240x16xf32, #tpu.memory_space<vmem_shared>>) offsets(%dma_start3A_117 : memref<80xi32, #tpu.memory_space<vmem>>) semaphore(%arg30 : memref<!tpu.dma_semaphore, #tpu.memory_space<semaphore_mem>>) {add = true}
    %dma_wait3A_121 = arith.constant 121 : i32
    %dma_wait3A_122 = arith.constant 0 : i32
    %dma_wait3A_123 = tpu.memref_slice %arg7[%dma_wait3A_121, %dma_wait3A_122] : memref<125x80xi32, #tpu.memory_space<vmem>> -> memref<1x80xi32, #tpu.memory_space<vmem>>
    %dma_wait3A_124 = tpu.memref_squeeze %dma_wait3A_123 : memref<1x80xi32, #tpu.memory_space<vmem>> -> memref<80xi32, #tpu.memory_space<vmem>>
    %dma_wait3A_125 = arith.constant 0 : i32
    %dma_wait3A_126 = arith.constant 0 : i32
    %dma_wait3A_127 = tpu.memref_slice %arg2[%dma_wait3A_125, %dma_wait3A_126] : memref<10240x16xf32, #tpu.memory_space<hbm>> -> memref<10240x16xf32, #tpu.memory_space<hbm>>
    tpu.wait_indirect_dma semaphore(%arg21 : memref<!tpu.dma_semaphore, #tpu.memory_space<semaphore_mem>>) src(%dma_wait3A_127 : memref<10240x16xf32, #tpu.memory_space<hbm>>) dst(%arg10 : memref<80x16xf32, #tpu.memory_space<vmem>>)
    %dma_start3A_128 = arith.constant 121 : i32
    %dma_start3A_129 = arith.constant 0 : i32
    %dma_start3A_130 = tpu.memref_slice %arg8[%dma_start3A_128, %dma_start3A_129] : memref<125x80xi32, #tpu.memory_space<vmem>> -> memref<1x80xi32, #tpu.memory_space<vmem>>
    %dma_start3A_131 = tpu.memref_squeeze %dma_start3A_130 : memref<1x80xi32, #tpu.memory_space<vmem>> -> memref<80xi32, #tpu.memory_space<vmem>>
    %dma_start3A_132 = arith.constant 0 : i32
    %dma_start3A_133 = arith.constant 0 : i32
    %dma_start3A_134 = tpu.memref_slice %arg19[%dma_start3A_132, %dma_start3A_133] : memref<10240x16xf32, #tpu.memory_space<vmem_shared>> -> memref<10240x16xf32, #tpu.memory_space<vmem_shared>>
    tpu.enqueue_indirect_dma source(%arg10 : memref<80x16xf32, #tpu.memory_space<vmem>>) target(%dma_start3A_134 : memref<10240x16xf32, #tpu.memory_space<vmem_shared>>) offsets(%dma_start3A_131 : memref<80xi32, #tpu.memory_space<vmem>>) semaphore(%arg31 : memref<!tpu.dma_semaphore, #tpu.memory_space<semaphore_mem>>) {add = true}
    %dma_wait3A_135 = arith.constant 122 : i32
    %dma_wait3A_136 = arith.constant 0 : i32
    %dma_wait3A_137 = tpu.memref_slice %arg7[%dma_wait3A_135, %dma_wait3A_136] : memref<125x80xi32, #tpu.memory_space<vmem>> -> memref<1x80xi32, #tpu.memory_space<vmem>>
    %dma_wait3A_138 = tpu.memref_squeeze %dma_wait3A_137 : memref<1x80xi32, #tpu.memory_space<vmem>> -> memref<80xi32, #tpu.memory_space<vmem>>
    %dma_wait3A_139 = arith.constant 0 : i32
    %dma_wait3A_140 = arith.constant 0 : i32
    %dma_wait3A_141 = tpu.memref_slice %arg2[%dma_wait3A_139, %dma_wait3A_140] : memref<10240x16xf32, #tpu.memory_space<hbm>> -> memref<10240x16xf32, #tpu.memory_space<hbm>>
    tpu.wait_indirect_dma semaphore(%arg22 : memref<!tpu.dma_semaphore, #tpu.memory_space<semaphore_mem>>) src(%dma_wait3A_141 : memref<10240x16xf32, #tpu.memory_space<hbm>>) dst(%arg11 : memref<80x16xf32, #tpu.memory_space<vmem>>)
    %dma_start3A_142 = arith.constant 122 : i32
    %dma_start3A_143 = arith.constant 0 : i32
    %dma_start3A_144 = tpu.memref_slice %arg8[%dma_start3A_142, %dma_start3A_143] : memref<125x80xi32, #tpu.memory_space<vmem>> -> memref<1x80xi32, #tpu.memory_space<vmem>>
    %dma_start3A_145 = tpu.memref_squeeze %dma_start3A_144 : memref<1x80xi32, #tpu.memory_space<vmem>> -> memref<80xi32, #tpu.memory_space<vmem>>
    %dma_start3A_146 = arith.constant 0 : i32
    %dma_start3A_147 = arith.constant 0 : i32
    %dma_start3A_148 = tpu.memref_slice %arg19[%dma_start3A_146, %dma_start3A_147] : memref<10240x16xf32, #tpu.memory_space<vmem_shared>> -> memref<10240x16xf32, #tpu.memory_space<vmem_shared>>
    tpu.enqueue_indirect_dma source(%arg11 : memref<80x16xf32, #tpu.memory_space<vmem>>) target(%dma_start3A_148 : memref<10240x16xf32, #tpu.memory_space<vmem_shared>>) offsets(%dma_start3A_145 : memref<80xi32, #tpu.memory_space<vmem>>) semaphore(%arg32 : memref<!tpu.dma_semaphore, #tpu.memory_space<semaphore_mem>>) {add = true}
    %dma_wait3A_149 = arith.constant 123 : i32
    %dma_wait3A_150 = arith.constant 0 : i32
    %dma_wait3A_151 = tpu.memref_slice %arg7[%dma_wait3A_149, %dma_wait3A_150] : memref<125x80xi32, #tpu.memory_space<vmem>> -> memref<1x80xi32, #tpu.memory_space<vmem>>
    %dma_wait3A_152 = tpu.memref_squeeze %dma_wait3A_151 : memref<1x80xi32, #tpu.memory_space<vmem>> -> memref<80xi32, #tpu.memory_space<vmem>>
    %dma_wait3A_153 = arith.constant 0 : i32
    %dma_wait3A_154 = arith.constant 0 : i32
    %dma_wait3A_155 = tpu.memref_slice %arg2[%dma_wait3A_153, %dma_wait3A_154] : memref<10240x16xf32, #tpu.memory_space<hbm>> -> memref<10240x16xf32, #tpu.memory_space<hbm>>
    tpu.wait_indirect_dma semaphore(%arg23 : memref<!tpu.dma_semaphore, #tpu.memory_space<semaphore_mem>>) src(%dma_wait3A_155 : memref<10240x16xf32, #tpu.memory_space<hbm>>) dst(%arg12 : memref<80x16xf32, #tpu.memory_space<vmem>>)
    %dma_start3A_156 = arith.constant 123 : i32
    %dma_start3A_157 = arith.constant 0 : i32
    %dma_start3A_158 = tpu.memref_slice %arg8[%dma_start3A_156, %dma_start3A_157] : memref<125x80xi32, #tpu.memory_space<vmem>> -> memref<1x80xi32, #tpu.memory_space<vmem>>
    %dma_start3A_159 = tpu.memref_squeeze %dma_start3A_158 : memref<1x80xi32, #tpu.memory_space<vmem>> -> memref<80xi32, #tpu.memory_space<vmem>>
    %dma_start3A_160 = arith.constant 0 : i32
    %dma_start3A_161 = arith.constant 0 : i32
    %dma_start3A_162 = tpu.memref_slice %arg19[%dma_start3A_160, %dma_start3A_161] : memref<10240x16xf32, #tpu.memory_space<vmem_shared>> -> memref<10240x16xf32, #tpu.memory_space<vmem_shared>>
    tpu.enqueue_indirect_dma source(%arg12 : memref<80x16xf32, #tpu.memory_space<vmem>>) target(%dma_start3A_162 : memref<10240x16xf32, #tpu.memory_space<vmem_shared>>) offsets(%dma_start3A_159 : memref<80xi32, #tpu.memory_space<vmem>>) semaphore(%arg33 : memref<!tpu.dma_semaphore, #tpu.memory_space<semaphore_mem>>) {add = true}
    %dma_wait3A_163 = arith.constant 124 : i32
    %dma_wait3A_164 = arith.constant 0 : i32
    %dma_wait3A_165 = tpu.memref_slice %arg7[%dma_wait3A_163, %dma_wait3A_164] : memref<125x80xi32, #tpu.memory_space<vmem>> -> memref<1x80xi32, #tpu.memory_space<vmem>>
    %dma_wait3A_166 = tpu.memref_squeeze %dma_wait3A_165 : memref<1x80xi32, #tpu.memory_space<vmem>> -> memref<80xi32, #tpu.memory_space<vmem>>
    %dma_wait3A_167 = arith.constant 0 : i32
    %dma_wait3A_168 = arith.constant 0 : i32
    %dma_wait3A_169 = tpu.memref_slice %arg2[%dma_wait3A_167, %dma_wait3A_168] : memref<10240x16xf32, #tpu.memory_space<hbm>> -> memref<10240x16xf32, #tpu.memory_space<hbm>>
    tpu.wait_indirect_dma semaphore(%arg24 : memref<!tpu.dma_semaphore, #tpu.memory_space<semaphore_mem>>) src(%dma_wait3A_169 : memref<10240x16xf32, #tpu.memory_space<hbm>>) dst(%arg13 : memref<80x16xf32, #tpu.memory_space<vmem>>)
    %dma_start3A_170 = arith.constant 124 : i32
    %dma_start3A_171 = arith.constant 0 : i32
    %dma_start3A_172 = tpu.memref_slice %arg8[%dma_start3A_170, %dma_start3A_171] : memref<125x80xi32, #tpu.memory_space<vmem>> -> memref<1x80xi32, #tpu.memory_space<vmem>>
    %dma_start3A_173 = tpu.memref_squeeze %dma_start3A_172 : memref<1x80xi32, #tpu.memory_space<vmem>> -> memref<80xi32, #tpu.memory_space<vmem>>
    %dma_start3A_174 = arith.constant 0 : i32
    %dma_start3A_175 = arith.constant 0 : i32
    %dma_start3A_176 = tpu.memref_slice %arg19[%dma_start3A_174, %dma_start3A_175] : memref<10240x16xf32, #tpu.memory_space<vmem_shared>> -> memref<10240x16xf32, #tpu.memory_space<vmem_shared>>
    tpu.enqueue_indirect_dma source(%arg13 : memref<80x16xf32, #tpu.memory_space<vmem>>) target(%dma_start3A_176 : memref<10240x16xf32, #tpu.memory_space<vmem_shared>>) offsets(%dma_start3A_173 : memref<80xi32, #tpu.memory_space<vmem>>) semaphore(%arg34 : memref<!tpu.dma_semaphore, #tpu.memory_space<semaphore_mem>>) {add = true}
    %dma_wait3A_177 = arith.constant 0 : i32
    %dma_wait3A_178 = arith.constant 0 : i32
    %dma_wait3A_179 = tpu.memref_slice %arg8[%dma_wait3A_177, %dma_wait3A_178] : memref<125x80xi32, #tpu.memory_space<vmem>> -> memref<1x80xi32, #tpu.memory_space<vmem>>
    %dma_wait3A_180 = tpu.memref_squeeze %dma_wait3A_179 : memref<1x80xi32, #tpu.memory_space<vmem>> -> memref<80xi32, #tpu.memory_space<vmem>>
    %dma_wait3A_181 = arith.constant 0 : i32
    %dma_wait3A_182 = arith.constant 0 : i32
    %dma_wait3A_183 = tpu.memref_slice %arg19[%dma_wait3A_181, %dma_wait3A_182] : memref<10240x16xf32, #tpu.memory_space<vmem_shared>> -> memref<10240x16xf32, #tpu.memory_space<vmem_shared>>
    tpu.wait_indirect_dma semaphore(%arg30 : memref<!tpu.dma_semaphore, #tpu.memory_space<semaphore_mem>>) src(%arg9 : memref<80x16xf32, #tpu.memory_space<vmem>>) dst(%dma_wait3A_183 : memref<10240x16xf32, #tpu.memory_space<vmem_shared>>)
    %dma_wait3A_184 = arith.constant 0 : i32
    %dma_wait3A_185 = arith.constant 0 : i32
    %dma_wait3A_186 = tpu.memref_slice %arg8[%dma_wait3A_184, %dma_wait3A_185] : memref<125x80xi32, #tpu.memory_space<vmem>> -> memref<1x80xi32, #tpu.memory_space<vmem>>
    %dma_wait3A_187 = tpu.memref_squeeze %dma_wait3A_186 : memref<1x80xi32, #tpu.memory_space<vmem>> -> memref<80xi32, #tpu.memory_space<vmem>>
    %dma_wait3A_188 = arith.constant 0 : i32
    %dma_wait3A_189 = arith.constant 0 : i32
    %dma_wait3A_190 = tpu.memref_slice %arg19[%dma_wait3A_188, %dma_wait3A_189] : memref<10240x16xf32, #tpu.memory_space<vmem_shared>> -> memref<10240x16xf32, #tpu.memory_space<vmem_shared>>
    tpu.wait_indirect_dma semaphore(%arg31 : memref<!tpu.dma_semaphore, #tpu.memory_space<semaphore_mem>>) src(%arg10 : memref<80x16xf32, #tpu.memory_space<vmem>>) dst(%dma_wait3A_190 : memref<10240x16xf32, #tpu.memory_space<vmem_shared>>)
    %dma_wait3A_191 = arith.constant 0 : i32
    %dma_wait3A_192 = arith.constant 0 : i32
    %dma_wait3A_193 = tpu.memref_slice %arg8[%dma_wait3A_191, %dma_wait3A_192] : memref<125x80xi32, #tpu.memory_space<vmem>> -> memref<1x80xi32, #tpu.memory_space<vmem>>
    %dma_wait3A_194 = tpu.memref_squeeze %dma_wait3A_193 : memref<1x80xi32, #tpu.memory_space<vmem>> -> memref<80xi32, #tpu.memory_space<vmem>>
    %dma_wait3A_195 = arith.constant 0 : i32
    %dma_wait3A_196 = arith.constant 0 : i32
    %dma_wait3A_197 = tpu.memref_slice %arg19[%dma_wait3A_195, %dma_wait3A_196] : memref<10240x16xf32, #tpu.memory_space<vmem_shared>> -> memref<10240x16xf32, #tpu.memory_space<vmem_shared>>
    tpu.wait_indirect_dma semaphore(%arg32 : memref<!tpu.dma_semaphore, #tpu.memory_space<semaphore_mem>>) src(%arg11 : memref<80x16xf32, #tpu.memory_space<vmem>>) dst(%dma_wait3A_197 : memref<10240x16xf32, #tpu.memory_space<vmem_shared>>)
    %dma_wait3A_198 = arith.constant 0 : i32
    %dma_wait3A_199 = arith.constant 0 : i32
    %dma_wait3A_200 = tpu.memref_slice %arg8[%dma_wait3A_198, %dma_wait3A_199] : memref<125x80xi32, #tpu.memory_space<vmem>> -> memref<1x80xi32, #tpu.memory_space<vmem>>
    %dma_wait3A_201 = tpu.memref_squeeze %dma_wait3A_200 : memref<1x80xi32, #tpu.memory_space<vmem>> -> memref<80xi32, #tpu.memory_space<vmem>>
    %dma_wait3A_202 = arith.constant 0 : i32
    %dma_wait3A_203 = arith.constant 0 : i32
    %dma_wait3A_204 = tpu.memref_slice %arg19[%dma_wait3A_202, %dma_wait3A_203] : memref<10240x16xf32, #tpu.memory_space<vmem_shared>> -> memref<10240x16xf32, #tpu.memory_space<vmem_shared>>
    tpu.wait_indirect_dma semaphore(%arg33 : memref<!tpu.dma_semaphore, #tpu.memory_space<semaphore_mem>>) src(%arg12 : memref<80x16xf32, #tpu.memory_space<vmem>>) dst(%dma_wait3A_204 : memref<10240x16xf32, #tpu.memory_space<vmem_shared>>)
    %dma_wait3A_205 = arith.constant 0 : i32
    %dma_wait3A_206 = arith.constant 0 : i32
    %dma_wait3A_207 = tpu.memref_slice %arg8[%dma_wait3A_205, %dma_wait3A_206] : memref<125x80xi32, #tpu.memory_space<vmem>> -> memref<1x80xi32, #tpu.memory_space<vmem>>
    %dma_wait3A_208 = tpu.memref_squeeze %dma_wait3A_207 : memref<1x80xi32, #tpu.memory_space<vmem>> -> memref<80xi32, #tpu.memory_space<vmem>>
    %dma_wait3A_209 = arith.constant 0 : i32
    %dma_wait3A_210 = arith.constant 0 : i32
    %dma_wait3A_211 = tpu.memref_slice %arg19[%dma_wait3A_209, %dma_wait3A_210] : memref<10240x16xf32, #tpu.memory_space<vmem_shared>> -> memref<10240x16xf32, #tpu.memory_space<vmem_shared>>
    tpu.wait_indirect_dma semaphore(%arg34 : memref<!tpu.dma_semaphore, #tpu.memory_space<semaphore_mem>>) src(%arg13 : memref<80x16xf32, #tpu.memory_space<vmem>>) dst(%dma_wait3A_211 : memref<10240x16xf32, #tpu.memory_space<vmem_shared>>)
    %barrier3A_212 = arith.constant 0 : index
    tpu.barrier barrier_id(%barrier3A_212)
    %mul3A_213 = arith.constant 640 : i32
    %mul3A_214 = arith.muli %arg1, %mul3A_213 : i32
    %add3A_215 = arith.constant 0 : i32
    %add3A_216 = arith.addi %mul3A_214, %add3A_215 : i32
    "tpu.region"() ({
      %run_scoped3A_322 = tpu.sem_alloc : memref<!tpu.dma_semaphore, #tpu.memory_space<semaphore_mem>>
      %dma_start3A_323 = arith.constant 0 : i32
      %dma_start3A_324 = tpu.memref_slice %arg19[%add3A_216, %dma_start3A_323] : memref<10240x16xf32, #tpu.memory_space<vmem_shared>> -> memref<80x16xf32, #tpu.memory_space<vmem_shared>>
      %dma_start3A_325 = arith.constant 0 : i32
      %dma_start3A_326 = tpu.memref_slice %arg19[%add3A_216, %dma_start3A_325] : memref<10240x16xf32, #tpu.memory_space<vmem_shared>> -> memref<80x16xf32, #tpu.memory_space<vmem_shared>>
      tpu.enqueue_dma source(%dma_start3A_326 : memref<80x16xf32, #tpu.memory_space<vmem_shared>>) target(%arg9 : memref<80x16xf32, #tpu.memory_space<vmem>>) target_semaphore(%run_scoped3A_322 : memref<!tpu.dma_semaphore, #tpu.memory_space<semaphore_mem>>)
      %dma_wait3A_327 = arith.constant 0 : i32
      %dma_wait3A_328 = tpu.memref_slice %arg19[%add3A_216, %dma_wait3A_327] : memref<10240x16xf32, #tpu.memory_space<vmem_shared>> -> memref<80x16xf32, #tpu.memory_space<vmem_shared>>
      %dma_wait3A_329 = arith.constant 0 : i32
      %dma_wait3A_330 = tpu.memref_slice %arg19[%add3A_216, %dma_wait3A_329] : memref<10240x16xf32, #tpu.memory_space<vmem_shared>> -> memref<80x16xf32, #tpu.memory_space<vmem_shared>>
      tpu.wait_dma2 semaphore(%run_scoped3A_322 : memref<!tpu.dma_semaphore, #tpu.memory_space<semaphore_mem>>) src(%dma_wait3A_330 : memref<80x16xf32, #tpu.memory_space<vmem_shared>>) dst(%arg9 : memref<80x16xf32, #tpu.memory_space<vmem>>)
      tpu.yield
    }) : () -> ()
    %eq3A = arith.constant 0 : i32
    %eq3A_217 = arith.cmpi eq, %arg0, %eq3A : i32
    %convert_element_type3A = arith.extui %eq3A_217 : i1 to i32
    %cond3A = arith.constant 0 : i32
    %cond3A_218 = arith.cmpi ne, %convert_element_type3A, %cond3A : i32
    scf.if %cond3A_218 {
      "tpu.region"() ({
        %run_scoped3A_322 = tpu.sem_alloc : memref<!tpu.dma_semaphore, #tpu.memory_space<semaphore_mem>>
        %dma_start3A_323 = arith.constant 0 : i32
        %dma_start3A_324 = tpu.memref_slice %arg5[%add3A_216, %dma_start3A_323] : memref<10240x16xf32, #tpu.memory_space<hbm>> -> memref<80x16xf32, #tpu.memory_space<hbm>>
        %dma_start3A_325 = arith.constant 0 : i32
        %dma_start3A_326 = tpu.memref_slice %arg5[%add3A_216, %dma_start3A_325] : memref<10240x16xf32, #tpu.memory_space<hbm>> -> memref<80x16xf32, #tpu.memory_space<hbm>>
        tpu.enqueue_dma source(%arg9 : memref<80x16xf32, #tpu.memory_space<vmem>>) target(%dma_start3A_326 : memref<80x16xf32, #tpu.memory_space<hbm>>) target_semaphore(%run_scoped3A_322 : memref<!tpu.dma_semaphore, #tpu.memory_space<semaphore_mem>>)
        %dma_wait3A_327 = arith.constant 0 : i32
        %dma_wait3A_328 = tpu.memref_slice %arg5[%add3A_216, %dma_wait3A_327] : memref<10240x16xf32, #tpu.memory_space<hbm>> -> memref<80x16xf32, #tpu.memory_space<hbm>>
        %dma_wait3A_329 = arith.constant 0 : i32
        %dma_wait3A_330 = tpu.memref_slice %arg5[%add3A_216, %dma_wait3A_329] : memref<10240x16xf32, #tpu.memory_space<hbm>> -> memref<80x16xf32, #tpu.memory_space<hbm>>
        tpu.wait_dma2 semaphore(%run_scoped3A_322 : memref<!tpu.dma_semaphore, #tpu.memory_space<semaphore_mem>>) src(%arg9 : memref<80x16xf32, #tpu.memory_space<vmem>>) dst(%dma_wait3A_330 : memref<80x16xf32, #tpu.memory_space<hbm>>)
        tpu.yield
      }) : () -> ()
    } else {
    }
    %eq3A_219 = arith.constant 1 : i32
    %eq3A_220 = arith.cmpi eq, %arg0, %eq3A_219 : i32
    %convert_element_type3A_221 = arith.extui %eq3A_220 : i1 to i32
    %cond3A_222 = arith.constant 0 : i32
    %cond3A_223 = arith.cmpi ne, %convert_element_type3A_221, %cond3A_222 : i32
    scf.if %cond3A_223 {
      "tpu.region"() ({
        %run_scoped3A_322 = tpu.sem_alloc : memref<!tpu.dma_semaphore, #tpu.memory_space<semaphore_mem>>
        %dma_start3A_323 = arith.constant 0 : i32
        %dma_start3A_324 = tpu.memref_slice %arg6[%add3A_216, %dma_start3A_323] : memref<10240x16xf32, #tpu.memory_space<hbm>> -> memref<80x16xf32, #tpu.memory_space<hbm>>
        %dma_start3A_325 = arith.constant 0 : i32
        %dma_start3A_326 = tpu.memref_slice %arg6[%add3A_216, %dma_start3A_325] : memref<10240x16xf32, #tpu.memory_space<hbm>> -> memref<80x16xf32, #tpu.memory_space<hbm>>
        tpu.enqueue_dma source(%arg9 : memref<80x16xf32, #tpu.memory_space<vmem>>) target(%dma_start3A_326 : memref<80x16xf32, #tpu.memory_space<hbm>>) target_semaphore(%run_scoped3A_322 : memref<!tpu.dma_semaphore, #tpu.memory_space<semaphore_mem>>)
        %dma_wait3A_327 = arith.constant 0 : i32
        %dma_wait3A_328 = tpu.memref_slice %arg6[%add3A_216, %dma_wait3A_327] : memref<10240x16xf32, #tpu.memory_space<hbm>> -> memref<80x16xf32, #tpu.memory_space<hbm>>
        %dma_wait3A_329 = arith.constant 0 : i32
        %dma_wait3A_330 = tpu.memref_slice %arg6[%add3A_216, %dma_wait3A_329] : memref<10240x16xf32, #tpu.memory_space<hbm>> -> memref<80x16xf32, #tpu.memory_space<hbm>>
        tpu.wait_dma2 semaphore(%run_scoped3A_322 : memref<!tpu.dma_semaphore, #tpu.memory_space<semaphore_mem>>) src(%arg9 : memref<80x16xf32, #tpu.memory_space<vmem>>) dst(%dma_wait3A_330 : memref<80x16xf32, #tpu.memory_space<hbm>>)
        tpu.yield
      }) : () -> ()
    } else {
    }
    %mul3A_224 = arith.constant 640 : i32
    %mul3A_225 = arith.muli %arg1, %mul3A_224 : i32
    %add3A_226 = arith.constant 80 : i32
    %add3A_227 = arith.addi %mul3A_225, %add3A_226 : i32
    "tpu.region"() ({
      %run_scoped3A_322 = tpu.sem_alloc : memref<!tpu.dma_semaphore, #tpu.memory_space<semaphore_mem>>
      %dma_start3A_323 = arith.constant 0 : i32
      %dma_start3A_324 = tpu.memref_slice %arg19[%add3A_227, %dma_start3A_323] : memref<10240x16xf32, #tpu.memory_space<vmem_shared>> -> memref<80x16xf32, #tpu.memory_space<vmem_shared>>
      %dma_start3A_325 = arith.constant 0 : i32
      %dma_start3A_326 = tpu.memref_slice %arg19[%add3A_227, %dma_start3A_325] : memref<10240x16xf32, #tpu.memory_space<vmem_shared>> -> memref<80x16xf32, #tpu.memory_space<vmem_shared>>
      tpu.enqueue_dma source(%dma_start3A_326 : memref<80x16xf32, #tpu.memory_space<vmem_shared>>) target(%arg9 : memref<80x16xf32, #tpu.memory_space<vmem>>) target_semaphore(%run_scoped3A_322 : memref<!tpu.dma_semaphore, #tpu.memory_space<semaphore_mem>>)
      %dma_wait3A_327 = arith.constant 0 : i32
      %dma_wait3A_328 = tpu.memref_slice %arg19[%add3A_227, %dma_wait3A_327] : memref<10240x16xf32, #tpu.memory_space<vmem_shared>> -> memref<80x16xf32, #tpu.memory_space<vmem_shared>>
      %dma_wait3A_329 = arith.constant 0 : i32
      %dma_wait3A_330 = tpu.memref_slice %arg19[%add3A_227, %dma_wait3A_329] : memref<10240x16xf32, #tpu.memory_space<vmem_shared>> -> memref<80x16xf32, #tpu.memory_space<vmem_shared>>
      tpu.wait_dma2 semaphore(%run_scoped3A_322 : memref<!tpu.dma_semaphore, #tpu.memory_space<semaphore_mem>>) src(%dma_wait3A_330 : memref<80x16xf32, #tpu.memory_space<vmem_shared>>) dst(%arg9 : memref<80x16xf32, #tpu.memory_space<vmem>>)
      tpu.yield
    }) : () -> ()
    %eq3A_228 = arith.constant 0 : i32
    %eq3A_229 = arith.cmpi eq, %arg0, %eq3A_228 : i32
    %convert_element_type3A_230 = arith.extui %eq3A_229 : i1 to i32
    %cond3A_231 = arith.constant 0 : i32
    %cond3A_232 = arith.cmpi ne, %convert_element_type3A_230, %cond3A_231 : i32
    scf.if %cond3A_232 {
      "tpu.region"() ({
        %run_scoped3A_322 = tpu.sem_alloc : memref<!tpu.dma_semaphore, #tpu.memory_space<semaphore_mem>>
        %dma_start3A_323 = arith.constant 0 : i32
        %dma_start3A_324 = tpu.memref_slice %arg5[%add3A_227, %dma_start3A_323] : memref<10240x16xf32, #tpu.memory_space<hbm>> -> memref<80x16xf32, #tpu.memory_space<hbm>>
        %dma_start3A_325 = arith.constant 0 : i32
        %dma_start3A_326 = tpu.memref_slice %arg5[%add3A_227, %dma_start3A_325] : memref<10240x16xf32, #tpu.memory_space<hbm>> -> memref<80x16xf32, #tpu.memory_space<hbm>>
        tpu.enqueue_dma source(%arg9 : memref<80x16xf32, #tpu.memory_space<vmem>>) target(%dma_start3A_326 : memref<80x16xf32, #tpu.memory_space<hbm>>) target_semaphore(%run_scoped3A_322 : memref<!tpu.dma_semaphore, #tpu.memory_space<semaphore_mem>>)
        %dma_wait3A_327 = arith.constant 0 : i32
        %dma_wait3A_328 = tpu.memref_slice %arg5[%add3A_227, %dma_wait3A_327] : memref<10240x16xf32, #tpu.memory_space<hbm>> -> memref<80x16xf32, #tpu.memory_space<hbm>>
        %dma_wait3A_329 = arith.constant 0 : i32
        %dma_wait3A_330 = tpu.memref_slice %arg5[%add3A_227, %dma_wait3A_329] : memref<10240x16xf32, #tpu.memory_space<hbm>> -> memref<80x16xf32, #tpu.memory_space<hbm>>
        tpu.wait_dma2 semaphore(%run_scoped3A_322 : memref<!tpu.dma_semaphore, #tpu.memory_space<semaphore_mem>>) src(%arg9 : memref<80x16xf32, #tpu.memory_space<vmem>>) dst(%dma_wait3A_330 : memref<80x16xf32, #tpu.memory_space<hbm>>)
        tpu.yield
      }) : () -> ()
    } else {
    }
    %eq3A_233 = arith.constant 1 : i32
    %eq3A_234 = arith.cmpi eq, %arg0, %eq3A_233 : i32
    %convert_element_type3A_235 = arith.extui %eq3A_234 : i1 to i32
    %cond3A_236 = arith.constant 0 : i32
    %cond3A_237 = arith.cmpi ne, %convert_element_type3A_235, %cond3A_236 : i32
    scf.if %cond3A_237 {
      "tpu.region"() ({
        %run_scoped3A_322 = tpu.sem_alloc : memref<!tpu.dma_semaphore, #tpu.memory_space<semaphore_mem>>
        %dma_start3A_323 = arith.constant 0 : i32
        %dma_start3A_324 = tpu.memref_slice %arg6[%add3A_227, %dma_start3A_323] : memref<10240x16xf32, #tpu.memory_space<hbm>> -> memref<80x16xf32, #tpu.memory_space<hbm>>
        %dma_start3A_325 = arith.constant 0 : i32
        %dma_start3A_326 = tpu.memref_slice %arg6[%add3A_227, %dma_start3A_325] : memref<10240x16xf32, #tpu.memory_space<hbm>> -> memref<80x16xf32, #tpu.memory_space<hbm>>
        tpu.enqueue_dma source(%arg9 : memref<80x16xf32, #tpu.memory_space<vmem>>) target(%dma_start3A_326 : memref<80x16xf32, #tpu.memory_space<hbm>>) target_semaphore(%run_scoped3A_322 : memref<!tpu.dma_semaphore, #tpu.memory_space<semaphore_mem>>)
        %dma_wait3A_327 = arith.constant 0 : i32
        %dma_wait3A_328 = tpu.memref_slice %arg6[%add3A_227, %dma_wait3A_327] : memref<10240x16xf32, #tpu.memory_space<hbm>> -> memref<80x16xf32, #tpu.memory_space<hbm>>
        %dma_wait3A_329 = arith.constant 0 : i32
        %dma_wait3A_330 = tpu.memref_slice %arg6[%add3A_227, %dma_wait3A_329] : memref<10240x16xf32, #tpu.memory_space<hbm>> -> memref<80x16xf32, #tpu.memory_space<hbm>>
        tpu.wait_dma2 semaphore(%run_scoped3A_322 : memref<!tpu.dma_semaphore, #tpu.memory_space<semaphore_mem>>) src(%arg9 : memref<80x16xf32, #tpu.memory_space<vmem>>) dst(%dma_wait3A_330 : memref<80x16xf32, #tpu.memory_space<hbm>>)
        tpu.yield
      }) : () -> ()
    } else {
    }
    %mul3A_238 = arith.constant 640 : i32
    %mul3A_239 = arith.muli %arg1, %mul3A_238 : i32
    %add3A_240 = arith.constant 160 : i32
    %add3A_241 = arith.addi %mul3A_239, %add3A_240 : i32
    "tpu.region"() ({
      %run_scoped3A_322 = tpu.sem_alloc : memref<!tpu.dma_semaphore, #tpu.memory_space<semaphore_mem>>
      %dma_start3A_323 = arith.constant 0 : i32
      %dma_start3A_324 = tpu.memref_slice %arg19[%add3A_241, %dma_start3A_323] : memref<10240x16xf32, #tpu.memory_space<vmem_shared>> -> memref<80x16xf32, #tpu.memory_space<vmem_shared>>
      %dma_start3A_325 = arith.constant 0 : i32
      %dma_start3A_326 = tpu.memref_slice %arg19[%add3A_241, %dma_start3A_325] : memref<10240x16xf32, #tpu.memory_space<vmem_shared>> -> memref<80x16xf32, #tpu.memory_space<vmem_shared>>
      tpu.enqueue_dma source(%dma_start3A_326 : memref<80x16xf32, #tpu.memory_space<vmem_shared>>) target(%arg9 : memref<80x16xf32, #tpu.memory_space<vmem>>) target_semaphore(%run_scoped3A_322 : memref<!tpu.dma_semaphore, #tpu.memory_space<semaphore_mem>>)
      %dma_wait3A_327 = arith.constant 0 : i32
      %dma_wait3A_328 = tpu.memref_slice %arg19[%add3A_241, %dma_wait3A_327] : memref<10240x16xf32, #tpu.memory_space<vmem_shared>> -> memref<80x16xf32, #tpu.memory_space<vmem_shared>>
      %dma_wait3A_329 = arith.constant 0 : i32
      %dma_wait3A_330 = tpu.memref_slice %arg19[%add3A_241, %dma_wait3A_329] : memref<10240x16xf32, #tpu.memory_space<vmem_shared>> -> memref<80x16xf32, #tpu.memory_space<vmem_shared>>
      tpu.wait_dma2 semaphore(%run_scoped3A_322 : memref<!tpu.dma_semaphore, #tpu.memory_space<semaphore_mem>>) src(%dma_wait3A_330 : memref<80x16xf32, #tpu.memory_space<vmem_shared>>) dst(%arg9 : memref<80x16xf32, #tpu.memory_space<vmem>>)
      tpu.yield
    }) : () -> ()
    %eq3A_242 = arith.constant 0 : i32
    %eq3A_243 = arith.cmpi eq, %arg0, %eq3A_242 : i32
    %convert_element_type3A_244 = arith.extui %eq3A_243 : i1 to i32
    %cond3A_245 = arith.constant 0 : i32
    %cond3A_246 = arith.cmpi ne, %convert_element_type3A_244, %cond3A_245 : i32
    scf.if %cond3A_246 {
      "tpu.region"() ({
        %run_scoped3A_322 = tpu.sem_alloc : memref<!tpu.dma_semaphore, #tpu.memory_space<semaphore_mem>>
        %dma_start3A_323 = arith.constant 0 : i32
        %dma_start3A_324 = tpu.memref_slice %arg5[%add3A_241, %dma_start3A_323] : memref<10240x16xf32, #tpu.memory_space<hbm>> -> memref<80x16xf32, #tpu.memory_space<hbm>>
        %dma_start3A_325 = arith.constant 0 : i32
        %dma_start3A_326 = tpu.memref_slice %arg5[%add3A_241, %dma_start3A_325] : memref<10240x16xf32, #tpu.memory_space<hbm>> -> memref<80x16xf32, #tpu.memory_space<hbm>>
        tpu.enqueue_dma source(%arg9 : memref<80x16xf32, #tpu.memory_space<vmem>>) target(%dma_start3A_326 : memref<80x16xf32, #tpu.memory_space<hbm>>) target_semaphore(%run_scoped3A_322 : memref<!tpu.dma_semaphore, #tpu.memory_space<semaphore_mem>>)
        %dma_wait3A_327 = arith.constant 0 : i32
        %dma_wait3A_328 = tpu.memref_slice %arg5[%add3A_241, %dma_wait3A_327] : memref<10240x16xf32, #tpu.memory_space<hbm>> -> memref<80x16xf32, #tpu.memory_space<hbm>>
        %dma_wait3A_329 = arith.constant 0 : i32
        %dma_wait3A_330 = tpu.memref_slice %arg5[%add3A_241, %dma_wait3A_329] : memref<10240x16xf32, #tpu.memory_space<hbm>> -> memref<80x16xf32, #tpu.memory_space<hbm>>
        tpu.wait_dma2 semaphore(%run_scoped3A_322 : memref<!tpu.dma_semaphore, #tpu.memory_space<semaphore_mem>>) src(%arg9 : memref<80x16xf32, #tpu.memory_space<vmem>>) dst(%dma_wait3A_330 : memref<80x16xf32, #tpu.memory_space<hbm>>)
        tpu.yield
      }) : () -> ()
    } else {
    }
    %eq3A_247 = arith.constant 1 : i32
    %eq3A_248 = arith.cmpi eq, %arg0, %eq3A_247 : i32
    %convert_element_type3A_249 = arith.extui %eq3A_248 : i1 to i32
    %cond3A_250 = arith.constant 0 : i32
    %cond3A_251 = arith.cmpi ne, %convert_element_type3A_249, %cond3A_250 : i32
    scf.if %cond3A_251 {
      "tpu.region"() ({
        %run_scoped3A_322 = tpu.sem_alloc : memref<!tpu.dma_semaphore, #tpu.memory_space<semaphore_mem>>
        %dma_start3A_323 = arith.constant 0 : i32
        %dma_start3A_324 = tpu.memref_slice %arg6[%add3A_241, %dma_start3A_323] : memref<10240x16xf32, #tpu.memory_space<hbm>> -> memref<80x16xf32, #tpu.memory_space<hbm>>
        %dma_start3A_325 = arith.constant 0 : i32
        %dma_start3A_326 = tpu.memref_slice %arg6[%add3A_241, %dma_start3A_325] : memref<10240x16xf32, #tpu.memory_space<hbm>> -> memref<80x16xf32, #tpu.memory_space<hbm>>
        tpu.enqueue_dma source(%arg9 : memref<80x16xf32, #tpu.memory_space<vmem>>) target(%dma_start3A_326 : memref<80x16xf32, #tpu.memory_space<hbm>>) target_semaphore(%run_scoped3A_322 : memref<!tpu.dma_semaphore, #tpu.memory_space<semaphore_mem>>)
        %dma_wait3A_327 = arith.constant 0 : i32
        %dma_wait3A_328 = tpu.memref_slice %arg6[%add3A_241, %dma_wait3A_327] : memref<10240x16xf32, #tpu.memory_space<hbm>> -> memref<80x16xf32, #tpu.memory_space<hbm>>
        %dma_wait3A_329 = arith.constant 0 : i32
        %dma_wait3A_330 = tpu.memref_slice %arg6[%add3A_241, %dma_wait3A_329] : memref<10240x16xf32, #tpu.memory_space<hbm>> -> memref<80x16xf32, #tpu.memory_space<hbm>>
        tpu.wait_dma2 semaphore(%run_scoped3A_322 : memref<!tpu.dma_semaphore, #tpu.memory_space<semaphore_mem>>) src(%arg9 : memref<80x16xf32, #tpu.memory_space<vmem>>) dst(%dma_wait3A_330 : memref<80x16xf32, #tpu.memory_space<hbm>>)
        tpu.yield
      }) : () -> ()
    } else {
    }
    %mul3A_252 = arith.constant 640 : i32
    %mul3A_253 = arith.muli %arg1, %mul3A_252 : i32
    %add3A_254 = arith.constant 240 : i32
    %add3A_255 = arith.addi %mul3A_253, %add3A_254 : i32
    "tpu.region"() ({
      %run_scoped3A_322 = tpu.sem_alloc : memref<!tpu.dma_semaphore, #tpu.memory_space<semaphore_mem>>
      %dma_start3A_323 = arith.constant 0 : i32
      %dma_start3A_324 = tpu.memref_slice %arg19[%add3A_255, %dma_start3A_323] : memref<10240x16xf32, #tpu.memory_space<vmem_shared>> -> memref<80x16xf32, #tpu.memory_space<vmem_shared>>
      %dma_start3A_325 = arith.constant 0 : i32
      %dma_start3A_326 = tpu.memref_slice %arg19[%add3A_255, %dma_start3A_325] : memref<10240x16xf32, #tpu.memory_space<vmem_shared>> -> memref<80x16xf32, #tpu.memory_space<vmem_shared>>
      tpu.enqueue_dma source(%dma_start3A_326 : memref<80x16xf32, #tpu.memory_space<vmem_shared>>) target(%arg9 : memref<80x16xf32, #tpu.memory_space<vmem>>) target_semaphore(%run_scoped3A_322 : memref<!tpu.dma_semaphore, #tpu.memory_space<semaphore_mem>>)
      %dma_wait3A_327 = arith.constant 0 : i32
      %dma_wait3A_328 = tpu.memref_slice %arg19[%add3A_255, %dma_wait3A_327] : memref<10240x16xf32, #tpu.memory_space<vmem_shared>> -> memref<80x16xf32, #tpu.memory_space<vmem_shared>>
      %dma_wait3A_329 = arith.constant 0 : i32
      %dma_wait3A_330 = tpu.memref_slice %arg19[%add3A_255, %dma_wait3A_329] : memref<10240x16xf32, #tpu.memory_space<vmem_shared>> -> memref<80x16xf32, #tpu.memory_space<vmem_shared>>
      tpu.wait_dma2 semaphore(%run_scoped3A_322 : memref<!tpu.dma_semaphore, #tpu.memory_space<semaphore_mem>>) src(%dma_wait3A_330 : memref<80x16xf32, #tpu.memory_space<vmem_shared>>) dst(%arg9 : memref<80x16xf32, #tpu.memory_space<vmem>>)
      tpu.yield
    }) : () -> ()
    %eq3A_256 = arith.constant 0 : i32
    %eq3A_257 = arith.cmpi eq, %arg0, %eq3A_256 : i32
    %convert_element_type3A_258 = arith.extui %eq3A_257 : i1 to i32
    %cond3A_259 = arith.constant 0 : i32
    %cond3A_260 = arith.cmpi ne, %convert_element_type3A_258, %cond3A_259 : i32
    scf.if %cond3A_260 {
      "tpu.region"() ({
        %run_scoped3A_322 = tpu.sem_alloc : memref<!tpu.dma_semaphore, #tpu.memory_space<semaphore_mem>>
        %dma_start3A_323 = arith.constant 0 : i32
        %dma_start3A_324 = tpu.memref_slice %arg5[%add3A_255, %dma_start3A_323] : memref<10240x16xf32, #tpu.memory_space<hbm>> -> memref<80x16xf32, #tpu.memory_space<hbm>>
        %dma_start3A_325 = arith.constant 0 : i32
        %dma_start3A_326 = tpu.memref_slice %arg5[%add3A_255, %dma_start3A_325] : memref<10240x16xf32, #tpu.memory_space<hbm>> -> memref<80x16xf32, #tpu.memory_space<hbm>>
        tpu.enqueue_dma source(%arg9 : memref<80x16xf32, #tpu.memory_space<vmem>>) target(%dma_start3A_326 : memref<80x16xf32, #tpu.memory_space<hbm>>) target_semaphore(%run_scoped3A_322 : memref<!tpu.dma_semaphore, #tpu.memory_space<semaphore_mem>>)
        %dma_wait3A_327 = arith.constant 0 : i32
        %dma_wait3A_328 = tpu.memref_slice %arg5[%add3A_255, %dma_wait3A_327] : memref<10240x16xf32, #tpu.memory_space<hbm>> -> memref<80x16xf32, #tpu.memory_space<hbm>>
        %dma_wait3A_329 = arith.constant 0 : i32
        %dma_wait3A_330 = tpu.memref_slice %arg5[%add3A_255, %dma_wait3A_329] : memref<10240x16xf32, #tpu.memory_space<hbm>> -> memref<80x16xf32, #tpu.memory_space<hbm>>
        tpu.wait_dma2 semaphore(%run_scoped3A_322 : memref<!tpu.dma_semaphore, #tpu.memory_space<semaphore_mem>>) src(%arg9 : memref<80x16xf32, #tpu.memory_space<vmem>>) dst(%dma_wait3A_330 : memref<80x16xf32, #tpu.memory_space<hbm>>)
        tpu.yield
      }) : () -> ()
    } else {
    }
    %eq3A_261 = arith.constant 1 : i32
    %eq3A_262 = arith.cmpi eq, %arg0, %eq3A_261 : i32
    %convert_element_type3A_263 = arith.extui %eq3A_262 : i1 to i32
    %cond3A_264 = arith.constant 0 : i32
    %cond3A_265 = arith.cmpi ne, %convert_element_type3A_263, %cond3A_264 : i32
    scf.if %cond3A_265 {
      "tpu.region"() ({
        %run_scoped3A_322 = tpu.sem_alloc : memref<!tpu.dma_semaphore, #tpu.memory_space<semaphore_mem>>
        %dma_start3A_323 = arith.constant 0 : i32
        %dma_start3A_324 = tpu.memref_slice %arg6[%add3A_255, %dma_start3A_323] : memref<10240x16xf32, #tpu.memory_space<hbm>> -> memref<80x16xf32, #tpu.memory_space<hbm>>
        %dma_start3A_325 = arith.constant 0 : i32
        %dma_start3A_326 = tpu.memref_slice %arg6[%add3A_255, %dma_start3A_325] : memref<10240x16xf32, #tpu.memory_space<hbm>> -> memref<80x16xf32, #tpu.memory_space<hbm>>
        tpu.enqueue_dma source(%arg9 : memref<80x16xf32, #tpu.memory_space<vmem>>) target(%dma_start3A_326 : memref<80x16xf32, #tpu.memory_space<hbm>>) target_semaphore(%run_scoped3A_322 : memref<!tpu.dma_semaphore, #tpu.memory_space<semaphore_mem>>)
        %dma_wait3A_327 = arith.constant 0 : i32
        %dma_wait3A_328 = tpu.memref_slice %arg6[%add3A_255, %dma_wait3A_327] : memref<10240x16xf32, #tpu.memory_space<hbm>> -> memref<80x16xf32, #tpu.memory_space<hbm>>
        %dma_wait3A_329 = arith.constant 0 : i32
        %dma_wait3A_330 = tpu.memref_slice %arg6[%add3A_255, %dma_wait3A_329] : memref<10240x16xf32, #tpu.memory_space<hbm>> -> memref<80x16xf32, #tpu.memory_space<hbm>>
        tpu.wait_dma2 semaphore(%run_scoped3A_322 : memref<!tpu.dma_semaphore, #tpu.memory_space<semaphore_mem>>) src(%arg9 : memref<80x16xf32, #tpu.memory_space<vmem>>) dst(%dma_wait3A_330 : memref<80x16xf32, #tpu.memory_space<hbm>>)
        tpu.yield
      }) : () -> ()
    } else {
    }
    %mul3A_266 = arith.constant 640 : i32
    %mul3A_267 = arith.muli %arg1, %mul3A_266 : i32
    %add3A_268 = arith.constant 320 : i32
    %add3A_269 = arith.addi %mul3A_267, %add3A_268 : i32
    "tpu.region"() ({
      %run_scoped3A_322 = tpu.sem_alloc : memref<!tpu.dma_semaphore, #tpu.memory_space<semaphore_mem>>
      %dma_start3A_323 = arith.constant 0 : i32
      %dma_start3A_324 = tpu.memref_slice %arg19[%add3A_269, %dma_start3A_323] : memref<10240x16xf32, #tpu.memory_space<vmem_shared>> -> memref<80x16xf32, #tpu.memory_space<vmem_shared>>
      %dma_start3A_325 = arith.constant 0 : i32
      %dma_start3A_326 = tpu.memref_slice %arg19[%add3A_269, %dma_start3A_325] : memref<10240x16xf32, #tpu.memory_space<vmem_shared>> -> memref<80x16xf32, #tpu.memory_space<vmem_shared>>
      tpu.enqueue_dma source(%dma_start3A_326 : memref<80x16xf32, #tpu.memory_space<vmem_shared>>) target(%arg9 : memref<80x16xf32, #tpu.memory_space<vmem>>) target_semaphore(%run_scoped3A_322 : memref<!tpu.dma_semaphore, #tpu.memory_space<semaphore_mem>>)
      %dma_wait3A_327 = arith.constant 0 : i32
      %dma_wait3A_328 = tpu.memref_slice %arg19[%add3A_269, %dma_wait3A_327] : memref<10240x16xf32, #tpu.memory_space<vmem_shared>> -> memref<80x16xf32, #tpu.memory_space<vmem_shared>>
      %dma_wait3A_329 = arith.constant 0 : i32
      %dma_wait3A_330 = tpu.memref_slice %arg19[%add3A_269, %dma_wait3A_329] : memref<10240x16xf32, #tpu.memory_space<vmem_shared>> -> memref<80x16xf32, #tpu.memory_space<vmem_shared>>
      tpu.wait_dma2 semaphore(%run_scoped3A_322 : memref<!tpu.dma_semaphore, #tpu.memory_space<semaphore_mem>>) src(%dma_wait3A_330 : memref<80x16xf32, #tpu.memory_space<vmem_shared>>) dst(%arg9 : memref<80x16xf32, #tpu.memory_space<vmem>>)
      tpu.yield
    }) : () -> ()
    %eq3A_270 = arith.constant 0 : i32
    %eq3A_271 = arith.cmpi eq, %arg0, %eq3A_270 : i32
    %convert_element_type3A_272 = arith.extui %eq3A_271 : i1 to i32
    %cond3A_273 = arith.constant 0 : i32
    %cond3A_274 = arith.cmpi ne, %convert_element_type3A_272, %cond3A_273 : i32
    scf.if %cond3A_274 {
      "tpu.region"() ({
        %run_scoped3A_322 = tpu.sem_alloc : memref<!tpu.dma_semaphore, #tpu.memory_space<semaphore_mem>>
        %dma_start3A_323 = arith.constant 0 : i32
        %dma_start3A_324 = tpu.memref_slice %arg5[%add3A_269, %dma_start3A_323] : memref<10240x16xf32, #tpu.memory_space<hbm>> -> memref<80x16xf32, #tpu.memory_space<hbm>>
        %dma_start3A_325 = arith.constant 0 : i32
        %dma_start3A_326 = tpu.memref_slice %arg5[%add3A_269, %dma_start3A_325] : memref<10240x16xf32, #tpu.memory_space<hbm>> -> memref<80x16xf32, #tpu.memory_space<hbm>>
        tpu.enqueue_dma source(%arg9 : memref<80x16xf32, #tpu.memory_space<vmem>>) target(%dma_start3A_326 : memref<80x16xf32, #tpu.memory_space<hbm>>) target_semaphore(%run_scoped3A_322 : memref<!tpu.dma_semaphore, #tpu.memory_space<semaphore_mem>>)
        %dma_wait3A_327 = arith.constant 0 : i32
        %dma_wait3A_328 = tpu.memref_slice %arg5[%add3A_269, %dma_wait3A_327] : memref<10240x16xf32, #tpu.memory_space<hbm>> -> memref<80x16xf32, #tpu.memory_space<hbm>>
        %dma_wait3A_329 = arith.constant 0 : i32
        %dma_wait3A_330 = tpu.memref_slice %arg5[%add3A_269, %dma_wait3A_329] : memref<10240x16xf32, #tpu.memory_space<hbm>> -> memref<80x16xf32, #tpu.memory_space<hbm>>
        tpu.wait_dma2 semaphore(%run_scoped3A_322 : memref<!tpu.dma_semaphore, #tpu.memory_space<semaphore_mem>>) src(%arg9 : memref<80x16xf32, #tpu.memory_space<vmem>>) dst(%dma_wait3A_330 : memref<80x16xf32, #tpu.memory_space<hbm>>)
        tpu.yield
      }) : () -> ()
    } else {
    }
    %eq3A_275 = arith.constant 1 : i32
    %eq3A_276 = arith.cmpi eq, %arg0, %eq3A_275 : i32
    %convert_element_type3A_277 = arith.extui %eq3A_276 : i1 to i32
    %cond3A_278 = arith.constant 0 : i32
    %cond3A_279 = arith.cmpi ne, %convert_element_type3A_277, %cond3A_278 : i32
    scf.if %cond3A_279 {
      "tpu.region"() ({
        %run_scoped3A_322 = tpu.sem_alloc : memref<!tpu.dma_semaphore, #tpu.memory_space<semaphore_mem>>
        %dma_start3A_323 = arith.constant 0 : i32
        %dma_start3A_324 = tpu.memref_slice %arg6[%add3A_269, %dma_start3A_323] : memref<10240x16xf32, #tpu.memory_space<hbm>> -> memref<80x16xf32, #tpu.memory_space<hbm>>
        %dma_start3A_325 = arith.constant 0 : i32
        %dma_start3A_326 = tpu.memref_slice %arg6[%add3A_269, %dma_start3A_325] : memref<10240x16xf32, #tpu.memory_space<hbm>> -> memref<80x16xf32, #tpu.memory_space<hbm>>
        tpu.enqueue_dma source(%arg9 : memref<80x16xf32, #tpu.memory_space<vmem>>) target(%dma_start3A_326 : memref<80x16xf32, #tpu.memory_space<hbm>>) target_semaphore(%run_scoped3A_322 : memref<!tpu.dma_semaphore, #tpu.memory_space<semaphore_mem>>)
        %dma_wait3A_327 = arith.constant 0 : i32
        %dma_wait3A_328 = tpu.memref_slice %arg6[%add3A_269, %dma_wait3A_327] : memref<10240x16xf32, #tpu.memory_space<hbm>> -> memref<80x16xf32, #tpu.memory_space<hbm>>
        %dma_wait3A_329 = arith.constant 0 : i32
        %dma_wait3A_330 = tpu.memref_slice %arg6[%add3A_269, %dma_wait3A_329] : memref<10240x16xf32, #tpu.memory_space<hbm>> -> memref<80x16xf32, #tpu.memory_space<hbm>>
        tpu.wait_dma2 semaphore(%run_scoped3A_322 : memref<!tpu.dma_semaphore, #tpu.memory_space<semaphore_mem>>) src(%arg9 : memref<80x16xf32, #tpu.memory_space<vmem>>) dst(%dma_wait3A_330 : memref<80x16xf32, #tpu.memory_space<hbm>>)
        tpu.yield
      }) : () -> ()
    } else {
    }
    %mul3A_280 = arith.constant 640 : i32
    %mul3A_281 = arith.muli %arg1, %mul3A_280 : i32
    %add3A_282 = arith.constant 400 : i32
    %add3A_283 = arith.addi %mul3A_281, %add3A_282 : i32
    "tpu.region"() ({
      %run_scoped3A_322 = tpu.sem_alloc : memref<!tpu.dma_semaphore, #tpu.memory_space<semaphore_mem>>
      %dma_start3A_323 = arith.constant 0 : i32
      %dma_start3A_324 = tpu.memref_slice %arg19[%add3A_283, %dma_start3A_323] : memref<10240x16xf32, #tpu.memory_space<vmem_shared>> -> memref<80x16xf32, #tpu.memory_space<vmem_shared>>
      %dma_start3A_325 = arith.constant 0 : i32
      %dma_start3A_326 = tpu.memref_slice %arg19[%add3A_283, %dma_start3A_325] : memref<10240x16xf32, #tpu.memory_space<vmem_shared>> -> memref<80x16xf32, #tpu.memory_space<vmem_shared>>
      tpu.enqueue_dma source(%dma_start3A_326 : memref<80x16xf32, #tpu.memory_space<vmem_shared>>) target(%arg9 : memref<80x16xf32, #tpu.memory_space<vmem>>) target_semaphore(%run_scoped3A_322 : memref<!tpu.dma_semaphore, #tpu.memory_space<semaphore_mem>>)
      %dma_wait3A_327 = arith.constant 0 : i32
      %dma_wait3A_328 = tpu.memref_slice %arg19[%add3A_283, %dma_wait3A_327] : memref<10240x16xf32, #tpu.memory_space<vmem_shared>> -> memref<80x16xf32, #tpu.memory_space<vmem_shared>>
      %dma_wait3A_329 = arith.constant 0 : i32
      %dma_wait3A_330 = tpu.memref_slice %arg19[%add3A_283, %dma_wait3A_329] : memref<10240x16xf32, #tpu.memory_space<vmem_shared>> -> memref<80x16xf32, #tpu.memory_space<vmem_shared>>
      tpu.wait_dma2 semaphore(%run_scoped3A_322 : memref<!tpu.dma_semaphore, #tpu.memory_space<semaphore_mem>>) src(%dma_wait3A_330 : memref<80x16xf32, #tpu.memory_space<vmem_shared>>) dst(%arg9 : memref<80x16xf32, #tpu.memory_space<vmem>>)
      tpu.yield
    }) : () -> ()
    %eq3A_284 = arith.constant 0 : i32
    %eq3A_285 = arith.cmpi eq, %arg0, %eq3A_284 : i32
    %convert_element_type3A_286 = arith.extui %eq3A_285 : i1 to i32
    %cond3A_287 = arith.constant 0 : i32
    %cond3A_288 = arith.cmpi ne, %convert_element_type3A_286, %cond3A_287 : i32
    scf.if %cond3A_288 {
      "tpu.region"() ({
        %run_scoped3A_322 = tpu.sem_alloc : memref<!tpu.dma_semaphore, #tpu.memory_space<semaphore_mem>>
        %dma_start3A_323 = arith.constant 0 : i32
        %dma_start3A_324 = tpu.memref_slice %arg5[%add3A_283, %dma_start3A_323] : memref<10240x16xf32, #tpu.memory_space<hbm>> -> memref<80x16xf32, #tpu.memory_space<hbm>>
        %dma_start3A_325 = arith.constant 0 : i32
        %dma_start3A_326 = tpu.memref_slice %arg5[%add3A_283, %dma_start3A_325] : memref<10240x16xf32, #tpu.memory_space<hbm>> -> memref<80x16xf32, #tpu.memory_space<hbm>>
        tpu.enqueue_dma source(%arg9 : memref<80x16xf32, #tpu.memory_space<vmem>>) target(%dma_start3A_326 : memref<80x16xf32, #tpu.memory_space<hbm>>) target_semaphore(%run_scoped3A_322 : memref<!tpu.dma_semaphore, #tpu.memory_space<semaphore_mem>>)
        %dma_wait3A_327 = arith.constant 0 : i32
        %dma_wait3A_328 = tpu.memref_slice %arg5[%add3A_283, %dma_wait3A_327] : memref<10240x16xf32, #tpu.memory_space<hbm>> -> memref<80x16xf32, #tpu.memory_space<hbm>>
        %dma_wait3A_329 = arith.constant 0 : i32
        %dma_wait3A_330 = tpu.memref_slice %arg5[%add3A_283, %dma_wait3A_329] : memref<10240x16xf32, #tpu.memory_space<hbm>> -> memref<80x16xf32, #tpu.memory_space<hbm>>
        tpu.wait_dma2 semaphore(%run_scoped3A_322 : memref<!tpu.dma_semaphore, #tpu.memory_space<semaphore_mem>>) src(%arg9 : memref<80x16xf32, #tpu.memory_space<vmem>>) dst(%dma_wait3A_330 : memref<80x16xf32, #tpu.memory_space<hbm>>)
        tpu.yield
      }) : () -> ()
    } else {
    }
    %eq3A_289 = arith.constant 1 : i32
    %eq3A_290 = arith.cmpi eq, %arg0, %eq3A_289 : i32
    %convert_element_type3A_291 = arith.extui %eq3A_290 : i1 to i32
    %cond3A_292 = arith.constant 0 : i32
    %cond3A_293 = arith.cmpi ne, %convert_element_type3A_291, %cond3A_292 : i32
    scf.if %cond3A_293 {
      "tpu.region"() ({
        %run_scoped3A_322 = tpu.sem_alloc : memref<!tpu.dma_semaphore, #tpu.memory_space<semaphore_mem>>
        %dma_start3A_323 = arith.constant 0 : i32
        %dma_start3A_324 = tpu.memref_slice %arg6[%add3A_283, %dma_start3A_323] : memref<10240x16xf32, #tpu.memory_space<hbm>> -> memref<80x16xf32, #tpu.memory_space<hbm>>
        %dma_start3A_325 = arith.constant 0 : i32
        %dma_start3A_326 = tpu.memref_slice %arg6[%add3A_283, %dma_start3A_325] : memref<10240x16xf32, #tpu.memory_space<hbm>> -> memref<80x16xf32, #tpu.memory_space<hbm>>
        tpu.enqueue_dma source(%arg9 : memref<80x16xf32, #tpu.memory_space<vmem>>) target(%dma_start3A_326 : memref<80x16xf32, #tpu.memory_space<hbm>>) target_semaphore(%run_scoped3A_322 : memref<!tpu.dma_semaphore, #tpu.memory_space<semaphore_mem>>)
        %dma_wait3A_327 = arith.constant 0 : i32
        %dma_wait3A_328 = tpu.memref_slice %arg6[%add3A_283, %dma_wait3A_327] : memref<10240x16xf32, #tpu.memory_space<hbm>> -> memref<80x16xf32, #tpu.memory_space<hbm>>
        %dma_wait3A_329 = arith.constant 0 : i32
        %dma_wait3A_330 = tpu.memref_slice %arg6[%add3A_283, %dma_wait3A_329] : memref<10240x16xf32, #tpu.memory_space<hbm>> -> memref<80x16xf32, #tpu.memory_space<hbm>>
        tpu.wait_dma2 semaphore(%run_scoped3A_322 : memref<!tpu.dma_semaphore, #tpu.memory_space<semaphore_mem>>) src(%arg9 : memref<80x16xf32, #tpu.memory_space<vmem>>) dst(%dma_wait3A_330 : memref<80x16xf32, #tpu.memory_space<hbm>>)
        tpu.yield
      }) : () -> ()
    } else {
    }
    %mul3A_294 = arith.constant 640 : i32
    %mul3A_295 = arith.muli %arg1, %mul3A_294 : i32
    %add3A_296 = arith.constant 480 : i32
    %add3A_297 = arith.addi %mul3A_295, %add3A_296 : i32
    "tpu.region"() ({
      %run_scoped3A_322 = tpu.sem_alloc : memref<!tpu.dma_semaphore, #tpu.memory_space<semaphore_mem>>
      %dma_start3A_323 = arith.constant 0 : i32
      %dma_start3A_324 = tpu.memref_slice %arg19[%add3A_297, %dma_start3A_323] : memref<10240x16xf32, #tpu.memory_space<vmem_shared>> -> memref<80x16xf32, #tpu.memory_space<vmem_shared>>
      %dma_start3A_325 = arith.constant 0 : i32
      %dma_start3A_326 = tpu.memref_slice %arg19[%add3A_297, %dma_start3A_325] : memref<10240x16xf32, #tpu.memory_space<vmem_shared>> -> memref<80x16xf32, #tpu.memory_space<vmem_shared>>
      tpu.enqueue_dma source(%dma_start3A_326 : memref<80x16xf32, #tpu.memory_space<vmem_shared>>) target(%arg9 : memref<80x16xf32, #tpu.memory_space<vmem>>) target_semaphore(%run_scoped3A_322 : memref<!tpu.dma_semaphore, #tpu.memory_space<semaphore_mem>>)
      %dma_wait3A_327 = arith.constant 0 : i32
      %dma_wait3A_328 = tpu.memref_slice %arg19[%add3A_297, %dma_wait3A_327] : memref<10240x16xf32, #tpu.memory_space<vmem_shared>> -> memref<80x16xf32, #tpu.memory_space<vmem_shared>>
      %dma_wait3A_329 = arith.constant 0 : i32
      %dma_wait3A_330 = tpu.memref_slice %arg19[%add3A_297, %dma_wait3A_329] : memref<10240x16xf32, #tpu.memory_space<vmem_shared>> -> memref<80x16xf32, #tpu.memory_space<vmem_shared>>
      tpu.wait_dma2 semaphore(%run_scoped3A_322 : memref<!tpu.dma_semaphore, #tpu.memory_space<semaphore_mem>>) src(%dma_wait3A_330 : memref<80x16xf32, #tpu.memory_space<vmem_shared>>) dst(%arg9 : memref<80x16xf32, #tpu.memory_space<vmem>>)
      tpu.yield
    }) : () -> ()
    %eq3A_298 = arith.constant 0 : i32
    %eq3A_299 = arith.cmpi eq, %arg0, %eq3A_298 : i32
    %convert_element_type3A_300 = arith.extui %eq3A_299 : i1 to i32
    %cond3A_301 = arith.constant 0 : i32
    %cond3A_302 = arith.cmpi ne, %convert_element_type3A_300, %cond3A_301 : i32
    scf.if %cond3A_302 {
      "tpu.region"() ({
        %run_scoped3A_322 = tpu.sem_alloc : memref<!tpu.dma_semaphore, #tpu.memory_space<semaphore_mem>>
        %dma_start3A_323 = arith.constant 0 : i32
        %dma_start3A_324 = tpu.memref_slice %arg5[%add3A_297, %dma_start3A_323] : memref<10240x16xf32, #tpu.memory_space<hbm>> -> memref<80x16xf32, #tpu.memory_space<hbm>>
        %dma_start3A_325 = arith.constant 0 : i32
        %dma_start3A_326 = tpu.memref_slice %arg5[%add3A_297, %dma_start3A_325] : memref<10240x16xf32, #tpu.memory_space<hbm>> -> memref<80x16xf32, #tpu.memory_space<hbm>>
        tpu.enqueue_dma source(%arg9 : memref<80x16xf32, #tpu.memory_space<vmem>>) target(%dma_start3A_326 : memref<80x16xf32, #tpu.memory_space<hbm>>) target_semaphore(%run_scoped3A_322 : memref<!tpu.dma_semaphore, #tpu.memory_space<semaphore_mem>>)
        %dma_wait3A_327 = arith.constant 0 : i32
        %dma_wait3A_328 = tpu.memref_slice %arg5[%add3A_297, %dma_wait3A_327] : memref<10240x16xf32, #tpu.memory_space<hbm>> -> memref<80x16xf32, #tpu.memory_space<hbm>>
        %dma_wait3A_329 = arith.constant 0 : i32
        %dma_wait3A_330 = tpu.memref_slice %arg5[%add3A_297, %dma_wait3A_329] : memref<10240x16xf32, #tpu.memory_space<hbm>> -> memref<80x16xf32, #tpu.memory_space<hbm>>
        tpu.wait_dma2 semaphore(%run_scoped3A_322 : memref<!tpu.dma_semaphore, #tpu.memory_space<semaphore_mem>>) src(%arg9 : memref<80x16xf32, #tpu.memory_space<vmem>>) dst(%dma_wait3A_330 : memref<80x16xf32, #tpu.memory_space<hbm>>)
        tpu.yield
      }) : () -> ()
    } else {
    }
    %eq3A_303 = arith.constant 1 : i32
    %eq3A_304 = arith.cmpi eq, %arg0, %eq3A_303 : i32
    %convert_element_type3A_305 = arith.extui %eq3A_304 : i1 to i32
    %cond3A_306 = arith.constant 0 : i32
    %cond3A_307 = arith.cmpi ne, %convert_element_type3A_305, %cond3A_306 : i32
    scf.if %cond3A_307 {
      "tpu.region"() ({
        %run_scoped3A_322 = tpu.sem_alloc : memref<!tpu.dma_semaphore, #tpu.memory_space<semaphore_mem>>
        %dma_start3A_323 = arith.constant 0 : i32
        %dma_start3A_324 = tpu.memref_slice %arg6[%add3A_297, %dma_start3A_323] : memref<10240x16xf32, #tpu.memory_space<hbm>> -> memref<80x16xf32, #tpu.memory_space<hbm>>
        %dma_start3A_325 = arith.constant 0 : i32
        %dma_start3A_326 = tpu.memref_slice %arg6[%add3A_297, %dma_start3A_325] : memref<10240x16xf32, #tpu.memory_space<hbm>> -> memref<80x16xf32, #tpu.memory_space<hbm>>
        tpu.enqueue_dma source(%arg9 : memref<80x16xf32, #tpu.memory_space<vmem>>) target(%dma_start3A_326 : memref<80x16xf32, #tpu.memory_space<hbm>>) target_semaphore(%run_scoped3A_322 : memref<!tpu.dma_semaphore, #tpu.memory_space<semaphore_mem>>)
        %dma_wait3A_327 = arith.constant 0 : i32
        %dma_wait3A_328 = tpu.memref_slice %arg6[%add3A_297, %dma_wait3A_327] : memref<10240x16xf32, #tpu.memory_space<hbm>> -> memref<80x16xf32, #tpu.memory_space<hbm>>
        %dma_wait3A_329 = arith.constant 0 : i32
        %dma_wait3A_330 = tpu.memref_slice %arg6[%add3A_297, %dma_wait3A_329] : memref<10240x16xf32, #tpu.memory_space<hbm>> -> memref<80x16xf32, #tpu.memory_space<hbm>>
        tpu.wait_dma2 semaphore(%run_scoped3A_322 : memref<!tpu.dma_semaphore, #tpu.memory_space<semaphore_mem>>) src(%arg9 : memref<80x16xf32, #tpu.memory_space<vmem>>) dst(%dma_wait3A_330 : memref<80x16xf32, #tpu.memory_space<hbm>>)
        tpu.yield
      }) : () -> ()
    } else {
    }
    %mul3A_308 = arith.constant 640 : i32
    %mul3A_309 = arith.muli %arg1, %mul3A_308 : i32
    %add3A_310 = arith.constant 560 : i32
    %add3A_311 = arith.addi %mul3A_309, %add3A_310 : i32
    "tpu.region"() ({
      %run_scoped3A_322 = tpu.sem_alloc : memref<!tpu.dma_semaphore, #tpu.memory_space<semaphore_mem>>
      %dma_start3A_323 = arith.constant 0 : i32
      %dma_start3A_324 = tpu.memref_slice %arg19[%add3A_311, %dma_start3A_323] : memref<10240x16xf32, #tpu.memory_space<vmem_shared>> -> memref<80x16xf32, #tpu.memory_space<vmem_shared>>
      %dma_start3A_325 = arith.constant 0 : i32
      %dma_start3A_326 = tpu.memref_slice %arg19[%add3A_311, %dma_start3A_325] : memref<10240x16xf32, #tpu.memory_space<vmem_shared>> -> memref<80x16xf32, #tpu.memory_space<vmem_shared>>
      tpu.enqueue_dma source(%dma_start3A_326 : memref<80x16xf32, #tpu.memory_space<vmem_shared>>) target(%arg9 : memref<80x16xf32, #tpu.memory_space<vmem>>) target_semaphore(%run_scoped3A_322 : memref<!tpu.dma_semaphore, #tpu.memory_space<semaphore_mem>>)
      %dma_wait3A_327 = arith.constant 0 : i32
      %dma_wait3A_328 = tpu.memref_slice %arg19[%add3A_311, %dma_wait3A_327] : memref<10240x16xf32, #tpu.memory_space<vmem_shared>> -> memref<80x16xf32, #tpu.memory_space<vmem_shared>>
      %dma_wait3A_329 = arith.constant 0 : i32
      %dma_wait3A_330 = tpu.memref_slice %arg19[%add3A_311, %dma_wait3A_329] : memref<10240x16xf32, #tpu.memory_space<vmem_shared>> -> memref<80x16xf32, #tpu.memory_space<vmem_shared>>
      tpu.wait_dma2 semaphore(%run_scoped3A_322 : memref<!tpu.dma_semaphore, #tpu.memory_space<semaphore_mem>>) src(%dma_wait3A_330 : memref<80x16xf32, #tpu.memory_space<vmem_shared>>) dst(%arg9 : memref<80x16xf32, #tpu.memory_space<vmem>>)
      tpu.yield
    }) : () -> ()
    %eq3A_312 = arith.constant 0 : i32
    %eq3A_313 = arith.cmpi eq, %arg0, %eq3A_312 : i32
    %convert_element_type3A_314 = arith.extui %eq3A_313 : i1 to i32
    %cond3A_315 = arith.constant 0 : i32
    %cond3A_316 = arith.cmpi ne, %convert_element_type3A_314, %cond3A_315 : i32
    scf.if %cond3A_316 {
      "tpu.region"() ({
        %run_scoped3A_322 = tpu.sem_alloc : memref<!tpu.dma_semaphore, #tpu.memory_space<semaphore_mem>>
        %dma_start3A_323 = arith.constant 0 : i32
        %dma_start3A_324 = tpu.memref_slice %arg5[%add3A_311, %dma_start3A_323] : memref<10240x16xf32, #tpu.memory_space<hbm>> -> memref<80x16xf32, #tpu.memory_space<hbm>>
        %dma_start3A_325 = arith.constant 0 : i32
        %dma_start3A_326 = tpu.memref_slice %arg5[%add3A_311, %dma_start3A_325] : memref<10240x16xf32, #tpu.memory_space<hbm>> -> memref<80x16xf32, #tpu.memory_space<hbm>>
        tpu.enqueue_dma source(%arg9 : memref<80x16xf32, #tpu.memory_space<vmem>>) target(%dma_start3A_326 : memref<80x16xf32, #tpu.memory_space<hbm>>) target_semaphore(%run_scoped3A_322 : memref<!tpu.dma_semaphore, #tpu.memory_space<semaphore_mem>>)
        %dma_wait3A_327 = arith.constant 0 : i32
        %dma_wait3A_328 = tpu.memref_slice %arg5[%add3A_311, %dma_wait3A_327] : memref<10240x16xf32, #tpu.memory_space<hbm>> -> memref<80x16xf32, #tpu.memory_space<hbm>>
        %dma_wait3A_329 = arith.constant 0 : i32
        %dma_wait3A_330 = tpu.memref_slice %arg5[%add3A_311, %dma_wait3A_329] : memref<10240x16xf32, #tpu.memory_space<hbm>> -> memref<80x16xf32, #tpu.memory_space<hbm>>
        tpu.wait_dma2 semaphore(%run_scoped3A_322 : memref<!tpu.dma_semaphore, #tpu.memory_space<semaphore_mem>>) src(%arg9 : memref<80x16xf32, #tpu.memory_space<vmem>>) dst(%dma_wait3A_330 : memref<80x16xf32, #tpu.memory_space<hbm>>)
        tpu.yield
      }) : () -> ()
    } else {
    }
    %eq3A_317 = arith.constant 1 : i32
    %eq3A_318 = arith.cmpi eq, %arg0, %eq3A_317 : i32
    %convert_element_type3A_319 = arith.extui %eq3A_318 : i1 to i32
    %cond3A_320 = arith.constant 0 : i32
    %cond3A_321 = arith.cmpi ne, %convert_element_type3A_319, %cond3A_320 : i32
    scf.if %cond3A_321 {
      "tpu.region"() ({
        %run_scoped3A_322 = tpu.sem_alloc : memref<!tpu.dma_semaphore, #tpu.memory_space<semaphore_mem>>
        %dma_start3A_323 = arith.constant 0 : i32
        %dma_start3A_324 = tpu.memref_slice %arg6[%add3A_311, %dma_start3A_323] : memref<10240x16xf32, #tpu.memory_space<hbm>> -> memref<80x16xf32, #tpu.memory_space<hbm>>
        %dma_start3A_325 = arith.constant 0 : i32
        %dma_start3A_326 = tpu.memref_slice %arg6[%add3A_311, %dma_start3A_325] : memref<10240x16xf32, #tpu.memory_space<hbm>> -> memref<80x16xf32, #tpu.memory_space<hbm>>
        tpu.enqueue_dma source(%arg9 : memref<80x16xf32, #tpu.memory_space<vmem>>) target(%dma_start3A_326 : memref<80x16xf32, #tpu.memory_space<hbm>>) target_semaphore(%run_scoped3A_322 : memref<!tpu.dma_semaphore, #tpu.memory_space<semaphore_mem>>)
        %dma_wait3A_327 = arith.constant 0 : i32
        %dma_wait3A_328 = tpu.memref_slice %arg6[%add3A_311, %dma_wait3A_327] : memref<10240x16xf32, #tpu.memory_space<hbm>> -> memref<80x16xf32, #tpu.memory_space<hbm>>
        %dma_wait3A_329 = arith.constant 0 : i32
        %dma_wait3A_330 = tpu.memref_slice %arg6[%add3A_311, %dma_wait3A_329] : memref<10240x16xf32, #tpu.memory_space<hbm>> -> memref<80x16xf32, #tpu.memory_space<hbm>>
        tpu.wait_dma2 semaphore(%run_scoped3A_322 : memref<!tpu.dma_semaphore, #tpu.memory_space<semaphore_mem>>) src(%arg9 : memref<80x16xf32, #tpu.memory_space<vmem>>) dst(%dma_wait3A_330 : memref<80x16xf32, #tpu.memory_space<hbm>>)
        tpu.yield
      }) : () -> ()
    } else {
    }
    return
  }
}

#map = affine_map<(d0, d1) -> (0, 0, 0, 0)>
#map1 = affine_map<(d0, d1) -> (0, 0)>
module attributes {stable_mosaic.version = 14 : i64} {
  func.func @_deg(%arg0: i32, %arg1: i32, %arg2: memref<2x32x125x80xi32, #tpu.memory_space<hbm>>, %arg3: memref<80x16xf32, #tpu.memory_space<hbm>>, %arg4: memref<80x16xf32, #tpu.memory_space<hbm>>, %arg5: memref<2x10240xf32, #tpu.memory_space<hbm>>, %arg6: memref<125x80xi32, #tpu.memory_space<vmem>>, %arg7: memref<80x16xf32, #tpu.memory_space<vmem>>, %arg8: memref<640x16xf32, #tpu.memory_space<vmem>>, %arg9: memref<640xf32, #tpu.memory_space<vmem>>, %arg10: memref<10240x16xf32, #tpu.memory_space<vmem_shared>>, %arg11: memref<!tpu.dma_semaphore, #tpu.memory_space<semaphore_mem>>) attributes {dimension_semantics = [#tpu.dimension_semantics<core_parallel>, #tpu.dimension_semantics<subcore_parallel>], iteration_bounds = array<i64: 2, 16>, scalar_prefetch = 0 : i64, scratch_operands = 6 : i64, tpu.core_type = #tpu.core_type<sc_vector_subcore>, window_params = [{transform_indices = #map}, {transform_indices = #map1}, {transform_indices = #map1}, {transform_indices = #map1}]} {
    %mul3A = arith.constant 2 : i32
    %mul3A_0 = arith.muli %arg1, %mul3A : i32
    %add3A = arith.addi %mul3A_0, %arg0 : i32
    "tpu.region"() ({
      %run_scoped3A_55 = tpu.sem_alloc : memref<!tpu.dma_semaphore, #tpu.memory_space<semaphore_mem>>
      tpu.enqueue_dma source(%arg3 : memref<80x16xf32, #tpu.memory_space<hbm>>) target(%arg7 : memref<80x16xf32, #tpu.memory_space<vmem>>) target_semaphore(%run_scoped3A_55 : memref<!tpu.dma_semaphore, #tpu.memory_space<semaphore_mem>>)
      tpu.wait_dma2 semaphore(%run_scoped3A_55 : memref<!tpu.dma_semaphore, #tpu.memory_space<semaphore_mem>>) src(%arg3 : memref<80x16xf32, #tpu.memory_space<hbm>>) dst(%arg7 : memref<80x16xf32, #tpu.memory_space<vmem>>)
      tpu.yield
    }) : () -> ()
    %mul3A_1 = arith.constant 640 : i32
    %mul3A_2 = arith.muli %arg1, %mul3A_1 : i32
    %add3A_3 = arith.constant 0 : i32
    %add3A_4 = arith.addi %mul3A_2, %add3A_3 : i32
    "tpu.region"() ({
      %run_scoped3A_55 = tpu.sem_alloc : memref<!tpu.dma_semaphore, #tpu.memory_space<semaphore_mem>>
      %dma_start3A = arith.constant 0 : i32
      %dma_start3A_56 = tpu.memref_slice %arg10[%add3A_4, %dma_start3A] : memref<10240x16xf32, #tpu.memory_space<vmem_shared>> -> memref<80x16xf32, #tpu.memory_space<vmem_shared>>
      %dma_start3A_57 = arith.constant 0 : i32
      %dma_start3A_58 = tpu.memref_slice %arg10[%add3A_4, %dma_start3A_57] : memref<10240x16xf32, #tpu.memory_space<vmem_shared>> -> memref<80x16xf32, #tpu.memory_space<vmem_shared>>
      tpu.enqueue_dma source(%arg7 : memref<80x16xf32, #tpu.memory_space<vmem>>) target(%dma_start3A_58 : memref<80x16xf32, #tpu.memory_space<vmem_shared>>) target_semaphore(%run_scoped3A_55 : memref<!tpu.dma_semaphore, #tpu.memory_space<semaphore_mem>>)
      %dma_wait3A = arith.constant 0 : i32
      %dma_wait3A_59 = tpu.memref_slice %arg10[%add3A_4, %dma_wait3A] : memref<10240x16xf32, #tpu.memory_space<vmem_shared>> -> memref<80x16xf32, #tpu.memory_space<vmem_shared>>
      %dma_wait3A_60 = arith.constant 0 : i32
      %dma_wait3A_61 = tpu.memref_slice %arg10[%add3A_4, %dma_wait3A_60] : memref<10240x16xf32, #tpu.memory_space<vmem_shared>> -> memref<80x16xf32, #tpu.memory_space<vmem_shared>>
      tpu.wait_dma2 semaphore(%run_scoped3A_55 : memref<!tpu.dma_semaphore, #tpu.memory_space<semaphore_mem>>) src(%arg7 : memref<80x16xf32, #tpu.memory_space<vmem>>) dst(%dma_wait3A_61 : memref<80x16xf32, #tpu.memory_space<vmem_shared>>)
      tpu.yield
    }) : () -> ()
    %mul3A_5 = arith.constant 640 : i32
    %mul3A_6 = arith.muli %arg1, %mul3A_5 : i32
    %add3A_7 = arith.constant 80 : i32
    %add3A_8 = arith.addi %mul3A_6, %add3A_7 : i32
    "tpu.region"() ({
      %run_scoped3A_55 = tpu.sem_alloc : memref<!tpu.dma_semaphore, #tpu.memory_space<semaphore_mem>>
      %dma_start3A = arith.constant 0 : i32
      %dma_start3A_56 = tpu.memref_slice %arg10[%add3A_8, %dma_start3A] : memref<10240x16xf32, #tpu.memory_space<vmem_shared>> -> memref<80x16xf32, #tpu.memory_space<vmem_shared>>
      %dma_start3A_57 = arith.constant 0 : i32
      %dma_start3A_58 = tpu.memref_slice %arg10[%add3A_8, %dma_start3A_57] : memref<10240x16xf32, #tpu.memory_space<vmem_shared>> -> memref<80x16xf32, #tpu.memory_space<vmem_shared>>
      tpu.enqueue_dma source(%arg7 : memref<80x16xf32, #tpu.memory_space<vmem>>) target(%dma_start3A_58 : memref<80x16xf32, #tpu.memory_space<vmem_shared>>) target_semaphore(%run_scoped3A_55 : memref<!tpu.dma_semaphore, #tpu.memory_space<semaphore_mem>>)
      %dma_wait3A = arith.constant 0 : i32
      %dma_wait3A_59 = tpu.memref_slice %arg10[%add3A_8, %dma_wait3A] : memref<10240x16xf32, #tpu.memory_space<vmem_shared>> -> memref<80x16xf32, #tpu.memory_space<vmem_shared>>
      %dma_wait3A_60 = arith.constant 0 : i32
      %dma_wait3A_61 = tpu.memref_slice %arg10[%add3A_8, %dma_wait3A_60] : memref<10240x16xf32, #tpu.memory_space<vmem_shared>> -> memref<80x16xf32, #tpu.memory_space<vmem_shared>>
      tpu.wait_dma2 semaphore(%run_scoped3A_55 : memref<!tpu.dma_semaphore, #tpu.memory_space<semaphore_mem>>) src(%arg7 : memref<80x16xf32, #tpu.memory_space<vmem>>) dst(%dma_wait3A_61 : memref<80x16xf32, #tpu.memory_space<vmem_shared>>)
      tpu.yield
    }) : () -> ()
    %mul3A_9 = arith.constant 640 : i32
    %mul3A_10 = arith.muli %arg1, %mul3A_9 : i32
    %add3A_11 = arith.constant 160 : i32
    %add3A_12 = arith.addi %mul3A_10, %add3A_11 : i32
    "tpu.region"() ({
      %run_scoped3A_55 = tpu.sem_alloc : memref<!tpu.dma_semaphore, #tpu.memory_space<semaphore_mem>>
      %dma_start3A = arith.constant 0 : i32
      %dma_start3A_56 = tpu.memref_slice %arg10[%add3A_12, %dma_start3A] : memref<10240x16xf32, #tpu.memory_space<vmem_shared>> -> memref<80x16xf32, #tpu.memory_space<vmem_shared>>
      %dma_start3A_57 = arith.constant 0 : i32
      %dma_start3A_58 = tpu.memref_slice %arg10[%add3A_12, %dma_start3A_57] : memref<10240x16xf32, #tpu.memory_space<vmem_shared>> -> memref<80x16xf32, #tpu.memory_space<vmem_shared>>
      tpu.enqueue_dma source(%arg7 : memref<80x16xf32, #tpu.memory_space<vmem>>) target(%dma_start3A_58 : memref<80x16xf32, #tpu.memory_space<vmem_shared>>) target_semaphore(%run_scoped3A_55 : memref<!tpu.dma_semaphore, #tpu.memory_space<semaphore_mem>>)
      %dma_wait3A = arith.constant 0 : i32
      %dma_wait3A_59 = tpu.memref_slice %arg10[%add3A_12, %dma_wait3A] : memref<10240x16xf32, #tpu.memory_space<vmem_shared>> -> memref<80x16xf32, #tpu.memory_space<vmem_shared>>
      %dma_wait3A_60 = arith.constant 0 : i32
      %dma_wait3A_61 = tpu.memref_slice %arg10[%add3A_12, %dma_wait3A_60] : memref<10240x16xf32, #tpu.memory_space<vmem_shared>> -> memref<80x16xf32, #tpu.memory_space<vmem_shared>>
      tpu.wait_dma2 semaphore(%run_scoped3A_55 : memref<!tpu.dma_semaphore, #tpu.memory_space<semaphore_mem>>) src(%arg7 : memref<80x16xf32, #tpu.memory_space<vmem>>) dst(%dma_wait3A_61 : memref<80x16xf32, #tpu.memory_space<vmem_shared>>)
      tpu.yield
    }) : () -> ()
    %mul3A_13 = arith.constant 640 : i32
    %mul3A_14 = arith.muli %arg1, %mul3A_13 : i32
    %add3A_15 = arith.constant 240 : i32
    %add3A_16 = arith.addi %mul3A_14, %add3A_15 : i32
    "tpu.region"() ({
      %run_scoped3A_55 = tpu.sem_alloc : memref<!tpu.dma_semaphore, #tpu.memory_space<semaphore_mem>>
      %dma_start3A = arith.constant 0 : i32
      %dma_start3A_56 = tpu.memref_slice %arg10[%add3A_16, %dma_start3A] : memref<10240x16xf32, #tpu.memory_space<vmem_shared>> -> memref<80x16xf32, #tpu.memory_space<vmem_shared>>
      %dma_start3A_57 = arith.constant 0 : i32
      %dma_start3A_58 = tpu.memref_slice %arg10[%add3A_16, %dma_start3A_57] : memref<10240x16xf32, #tpu.memory_space<vmem_shared>> -> memref<80x16xf32, #tpu.memory_space<vmem_shared>>
      tpu.enqueue_dma source(%arg7 : memref<80x16xf32, #tpu.memory_space<vmem>>) target(%dma_start3A_58 : memref<80x16xf32, #tpu.memory_space<vmem_shared>>) target_semaphore(%run_scoped3A_55 : memref<!tpu.dma_semaphore, #tpu.memory_space<semaphore_mem>>)
      %dma_wait3A = arith.constant 0 : i32
      %dma_wait3A_59 = tpu.memref_slice %arg10[%add3A_16, %dma_wait3A] : memref<10240x16xf32, #tpu.memory_space<vmem_shared>> -> memref<80x16xf32, #tpu.memory_space<vmem_shared>>
      %dma_wait3A_60 = arith.constant 0 : i32
      %dma_wait3A_61 = tpu.memref_slice %arg10[%add3A_16, %dma_wait3A_60] : memref<10240x16xf32, #tpu.memory_space<vmem_shared>> -> memref<80x16xf32, #tpu.memory_space<vmem_shared>>
      tpu.wait_dma2 semaphore(%run_scoped3A_55 : memref<!tpu.dma_semaphore, #tpu.memory_space<semaphore_mem>>) src(%arg7 : memref<80x16xf32, #tpu.memory_space<vmem>>) dst(%dma_wait3A_61 : memref<80x16xf32, #tpu.memory_space<vmem_shared>>)
      tpu.yield
    }) : () -> ()
    %mul3A_17 = arith.constant 640 : i32
    %mul3A_18 = arith.muli %arg1, %mul3A_17 : i32
    %add3A_19 = arith.constant 320 : i32
    %add3A_20 = arith.addi %mul3A_18, %add3A_19 : i32
    "tpu.region"() ({
      %run_scoped3A_55 = tpu.sem_alloc : memref<!tpu.dma_semaphore, #tpu.memory_space<semaphore_mem>>
      %dma_start3A = arith.constant 0 : i32
      %dma_start3A_56 = tpu.memref_slice %arg10[%add3A_20, %dma_start3A] : memref<10240x16xf32, #tpu.memory_space<vmem_shared>> -> memref<80x16xf32, #tpu.memory_space<vmem_shared>>
      %dma_start3A_57 = arith.constant 0 : i32
      %dma_start3A_58 = tpu.memref_slice %arg10[%add3A_20, %dma_start3A_57] : memref<10240x16xf32, #tpu.memory_space<vmem_shared>> -> memref<80x16xf32, #tpu.memory_space<vmem_shared>>
      tpu.enqueue_dma source(%arg7 : memref<80x16xf32, #tpu.memory_space<vmem>>) target(%dma_start3A_58 : memref<80x16xf32, #tpu.memory_space<vmem_shared>>) target_semaphore(%run_scoped3A_55 : memref<!tpu.dma_semaphore, #tpu.memory_space<semaphore_mem>>)
      %dma_wait3A = arith.constant 0 : i32
      %dma_wait3A_59 = tpu.memref_slice %arg10[%add3A_20, %dma_wait3A] : memref<10240x16xf32, #tpu.memory_space<vmem_shared>> -> memref<80x16xf32, #tpu.memory_space<vmem_shared>>
      %dma_wait3A_60 = arith.constant 0 : i32
      %dma_wait3A_61 = tpu.memref_slice %arg10[%add3A_20, %dma_wait3A_60] : memref<10240x16xf32, #tpu.memory_space<vmem_shared>> -> memref<80x16xf32, #tpu.memory_space<vmem_shared>>
      tpu.wait_dma2 semaphore(%run_scoped3A_55 : memref<!tpu.dma_semaphore, #tpu.memory_space<semaphore_mem>>) src(%arg7 : memref<80x16xf32, #tpu.memory_space<vmem>>) dst(%dma_wait3A_61 : memref<80x16xf32, #tpu.memory_space<vmem_shared>>)
      tpu.yield
    }) : () -> ()
    %mul3A_21 = arith.constant 640 : i32
    %mul3A_22 = arith.muli %arg1, %mul3A_21 : i32
    %add3A_23 = arith.constant 400 : i32
    %add3A_24 = arith.addi %mul3A_22, %add3A_23 : i32
    "tpu.region"() ({
      %run_scoped3A_55 = tpu.sem_alloc : memref<!tpu.dma_semaphore, #tpu.memory_space<semaphore_mem>>
      %dma_start3A = arith.constant 0 : i32
      %dma_start3A_56 = tpu.memref_slice %arg10[%add3A_24, %dma_start3A] : memref<10240x16xf32, #tpu.memory_space<vmem_shared>> -> memref<80x16xf32, #tpu.memory_space<vmem_shared>>
      %dma_start3A_57 = arith.constant 0 : i32
      %dma_start3A_58 = tpu.memref_slice %arg10[%add3A_24, %dma_start3A_57] : memref<10240x16xf32, #tpu.memory_space<vmem_shared>> -> memref<80x16xf32, #tpu.memory_space<vmem_shared>>
      tpu.enqueue_dma source(%arg7 : memref<80x16xf32, #tpu.memory_space<vmem>>) target(%dma_start3A_58 : memref<80x16xf32, #tpu.memory_space<vmem_shared>>) target_semaphore(%run_scoped3A_55 : memref<!tpu.dma_semaphore, #tpu.memory_space<semaphore_mem>>)
      %dma_wait3A = arith.constant 0 : i32
      %dma_wait3A_59 = tpu.memref_slice %arg10[%add3A_24, %dma_wait3A] : memref<10240x16xf32, #tpu.memory_space<vmem_shared>> -> memref<80x16xf32, #tpu.memory_space<vmem_shared>>
      %dma_wait3A_60 = arith.constant 0 : i32
      %dma_wait3A_61 = tpu.memref_slice %arg10[%add3A_24, %dma_wait3A_60] : memref<10240x16xf32, #tpu.memory_space<vmem_shared>> -> memref<80x16xf32, #tpu.memory_space<vmem_shared>>
      tpu.wait_dma2 semaphore(%run_scoped3A_55 : memref<!tpu.dma_semaphore, #tpu.memory_space<semaphore_mem>>) src(%arg7 : memref<80x16xf32, #tpu.memory_space<vmem>>) dst(%dma_wait3A_61 : memref<80x16xf32, #tpu.memory_space<vmem_shared>>)
      tpu.yield
    }) : () -> ()
    %mul3A_25 = arith.constant 640 : i32
    %mul3A_26 = arith.muli %arg1, %mul3A_25 : i32
    %add3A_27 = arith.constant 480 : i32
    %add3A_28 = arith.addi %mul3A_26, %add3A_27 : i32
    "tpu.region"() ({
      %run_scoped3A_55 = tpu.sem_alloc : memref<!tpu.dma_semaphore, #tpu.memory_space<semaphore_mem>>
      %dma_start3A = arith.constant 0 : i32
      %dma_start3A_56 = tpu.memref_slice %arg10[%add3A_28, %dma_start3A] : memref<10240x16xf32, #tpu.memory_space<vmem_shared>> -> memref<80x16xf32, #tpu.memory_space<vmem_shared>>
      %dma_start3A_57 = arith.constant 0 : i32
      %dma_start3A_58 = tpu.memref_slice %arg10[%add3A_28, %dma_start3A_57] : memref<10240x16xf32, #tpu.memory_space<vmem_shared>> -> memref<80x16xf32, #tpu.memory_space<vmem_shared>>
      tpu.enqueue_dma source(%arg7 : memref<80x16xf32, #tpu.memory_space<vmem>>) target(%dma_start3A_58 : memref<80x16xf32, #tpu.memory_space<vmem_shared>>) target_semaphore(%run_scoped3A_55 : memref<!tpu.dma_semaphore, #tpu.memory_space<semaphore_mem>>)
      %dma_wait3A = arith.constant 0 : i32
      %dma_wait3A_59 = tpu.memref_slice %arg10[%add3A_28, %dma_wait3A] : memref<10240x16xf32, #tpu.memory_space<vmem_shared>> -> memref<80x16xf32, #tpu.memory_space<vmem_shared>>
      %dma_wait3A_60 = arith.constant 0 : i32
      %dma_wait3A_61 = tpu.memref_slice %arg10[%add3A_28, %dma_wait3A_60] : memref<10240x16xf32, #tpu.memory_space<vmem_shared>> -> memref<80x16xf32, #tpu.memory_space<vmem_shared>>
      tpu.wait_dma2 semaphore(%run_scoped3A_55 : memref<!tpu.dma_semaphore, #tpu.memory_space<semaphore_mem>>) src(%arg7 : memref<80x16xf32, #tpu.memory_space<vmem>>) dst(%dma_wait3A_61 : memref<80x16xf32, #tpu.memory_space<vmem_shared>>)
      tpu.yield
    }) : () -> ()
    %mul3A_29 = arith.constant 640 : i32
    %mul3A_30 = arith.muli %arg1, %mul3A_29 : i32
    %add3A_31 = arith.constant 560 : i32
    %add3A_32 = arith.addi %mul3A_30, %add3A_31 : i32
    "tpu.region"() ({
      %run_scoped3A_55 = tpu.sem_alloc : memref<!tpu.dma_semaphore, #tpu.memory_space<semaphore_mem>>
      %dma_start3A = arith.constant 0 : i32
      %dma_start3A_56 = tpu.memref_slice %arg10[%add3A_32, %dma_start3A] : memref<10240x16xf32, #tpu.memory_space<vmem_shared>> -> memref<80x16xf32, #tpu.memory_space<vmem_shared>>
      %dma_start3A_57 = arith.constant 0 : i32
      %dma_start3A_58 = tpu.memref_slice %arg10[%add3A_32, %dma_start3A_57] : memref<10240x16xf32, #tpu.memory_space<vmem_shared>> -> memref<80x16xf32, #tpu.memory_space<vmem_shared>>
      tpu.enqueue_dma source(%arg7 : memref<80x16xf32, #tpu.memory_space<vmem>>) target(%dma_start3A_58 : memref<80x16xf32, #tpu.memory_space<vmem_shared>>) target_semaphore(%run_scoped3A_55 : memref<!tpu.dma_semaphore, #tpu.memory_space<semaphore_mem>>)
      %dma_wait3A = arith.constant 0 : i32
      %dma_wait3A_59 = tpu.memref_slice %arg10[%add3A_32, %dma_wait3A] : memref<10240x16xf32, #tpu.memory_space<vmem_shared>> -> memref<80x16xf32, #tpu.memory_space<vmem_shared>>
      %dma_wait3A_60 = arith.constant 0 : i32
      %dma_wait3A_61 = tpu.memref_slice %arg10[%add3A_32, %dma_wait3A_60] : memref<10240x16xf32, #tpu.memory_space<vmem_shared>> -> memref<80x16xf32, #tpu.memory_space<vmem_shared>>
      tpu.wait_dma2 semaphore(%run_scoped3A_55 : memref<!tpu.dma_semaphore, #tpu.memory_space<semaphore_mem>>) src(%arg7 : memref<80x16xf32, #tpu.memory_space<vmem>>) dst(%dma_wait3A_61 : memref<80x16xf32, #tpu.memory_space<vmem_shared>>)
      tpu.yield
    }) : () -> ()
    %run_scoped3A = arith.constant 1 : i32
    "tpu.region"() ({
      %run_scoped3A_55 = tpu.sem_alloc : memref<!tpu.dma_semaphore, #tpu.memory_space<semaphore_mem>>
      %dma_start3A = arith.constant 0 : i32
      %dma_start3A_56 = arith.constant 0 : i32
      %dma_start3A_57 = tpu.memref_slice %arg2[%run_scoped3A, %add3A, %dma_start3A, %dma_start3A_56] : memref<2x32x125x80xi32, #tpu.memory_space<hbm>> -> memref<1x1x125x80xi32, #tpu.memory_space<hbm>>
      %dma_start3A_58 = tpu.memref_squeeze %dma_start3A_57 : memref<1x1x125x80xi32, #tpu.memory_space<hbm>> -> memref<125x80xi32, #tpu.memory_space<hbm>>
      %dma_start3A_59 = arith.constant 0 : i32
      %dma_start3A_60 = arith.constant 0 : i32
      %dma_start3A_61 = tpu.memref_slice %arg2[%run_scoped3A, %add3A, %dma_start3A_59, %dma_start3A_60] : memref<2x32x125x80xi32, #tpu.memory_space<hbm>> -> memref<1x1x125x80xi32, #tpu.memory_space<hbm>>
      %dma_start3A_62 = tpu.memref_squeeze %dma_start3A_61 : memref<1x1x125x80xi32, #tpu.memory_space<hbm>> -> memref<125x80xi32, #tpu.memory_space<hbm>>
      tpu.enqueue_dma source(%dma_start3A_62 : memref<125x80xi32, #tpu.memory_space<hbm>>) target(%arg6 : memref<125x80xi32, #tpu.memory_space<vmem>>) target_semaphore(%run_scoped3A_55 : memref<!tpu.dma_semaphore, #tpu.memory_space<semaphore_mem>>)
      %dma_wait3A = arith.constant 0 : i32
      %dma_wait3A_63 = arith.constant 0 : i32
      %dma_wait3A_64 = tpu.memref_slice %arg2[%run_scoped3A, %add3A, %dma_wait3A, %dma_wait3A_63] : memref<2x32x125x80xi32, #tpu.memory_space<hbm>> -> memref<1x1x125x80xi32, #tpu.memory_space<hbm>>
      %dma_wait3A_65 = tpu.memref_squeeze %dma_wait3A_64 : memref<1x1x125x80xi32, #tpu.memory_space<hbm>> -> memref<125x80xi32, #tpu.memory_space<hbm>>
      %dma_wait3A_66 = arith.constant 0 : i32
      %dma_wait3A_67 = arith.constant 0 : i32
      %dma_wait3A_68 = tpu.memref_slice %arg2[%run_scoped3A, %add3A, %dma_wait3A_66, %dma_wait3A_67] : memref<2x32x125x80xi32, #tpu.memory_space<hbm>> -> memref<1x1x125x80xi32, #tpu.memory_space<hbm>>
      %dma_wait3A_69 = tpu.memref_squeeze %dma_wait3A_68 : memref<1x1x125x80xi32, #tpu.memory_space<hbm>> -> memref<125x80xi32, #tpu.memory_space<hbm>>
      tpu.wait_dma2 semaphore(%run_scoped3A_55 : memref<!tpu.dma_semaphore, #tpu.memory_space<semaphore_mem>>) src(%dma_wait3A_69 : memref<125x80xi32, #tpu.memory_space<hbm>>) dst(%arg6 : memref<125x80xi32, #tpu.memory_space<vmem>>)
      tpu.yield
    }) : () -> ()
    "tpu.region"() ({
      %run_scoped3A_55 = tpu.sem_alloc : memref<!tpu.dma_semaphore, #tpu.memory_space<semaphore_mem>>
      tpu.enqueue_dma source(%arg4 : memref<80x16xf32, #tpu.memory_space<hbm>>) target(%arg7 : memref<80x16xf32, #tpu.memory_space<vmem>>) target_semaphore(%run_scoped3A_55 : memref<!tpu.dma_semaphore, #tpu.memory_space<semaphore_mem>>)
      tpu.wait_dma2 semaphore(%run_scoped3A_55 : memref<!tpu.dma_semaphore, #tpu.memory_space<semaphore_mem>>) src(%arg4 : memref<80x16xf32, #tpu.memory_space<hbm>>) dst(%arg7 : memref<80x16xf32, #tpu.memory_space<vmem>>)
      tpu.yield
    }) : () -> ()
    %barrier3A = arith.constant 0 : index
    tpu.barrier barrier_id(%barrier3A)
    %scan3A = arith.constant 0 : i32
    %scan3A_33 = arith.constant 0 : i32
    %scan3A_34 = arith.constant 125 : i32
    %scan3A_35 = arith.addi %scan3A_33, %scan3A_34 : i32
    %scan3A_36 = arith.constant 1 : i32
    scf.for %scan3A_55 = %scan3A_33 to %scan3A_35 step %scan3A_36  : i32 {
      %dma_start3A = arith.constant 0 : i32
      %dma_start3A_56 = tpu.memref_slice %arg6[%scan3A_55, %dma_start3A] : memref<125x80xi32, #tpu.memory_space<vmem>> -> memref<1x80xi32, #tpu.memory_space<vmem>>
      %dma_start3A_57 = tpu.memref_squeeze %dma_start3A_56 : memref<1x80xi32, #tpu.memory_space<vmem>> -> memref<80xi32, #tpu.memory_space<vmem>>
      %dma_start3A_58 = arith.constant 0 : i32
      %dma_start3A_59 = arith.constant 0 : i32
      %dma_start3A_60 = tpu.memref_slice %arg10[%dma_start3A_58, %dma_start3A_59] : memref<10240x16xf32, #tpu.memory_space<vmem_shared>> -> memref<10240x16xf32, #tpu.memory_space<vmem_shared>>
      tpu.enqueue_indirect_dma source(%arg7 : memref<80x16xf32, #tpu.memory_space<vmem>>) target(%dma_start3A_60 : memref<10240x16xf32, #tpu.memory_space<vmem_shared>>) offsets(%dma_start3A_57 : memref<80xi32, #tpu.memory_space<vmem>>) semaphore(%arg11 : memref<!tpu.dma_semaphore, #tpu.memory_space<semaphore_mem>>) {add = true}
    }
    %scan3A_37 = arith.constant 125 : i32
    %scan3A_38 = arith.constant 0 : i32
    %scan3A_39 = arith.constant 0 : i32
    %scan3A_40 = arith.constant 125 : i32
    %scan3A_41 = arith.addi %scan3A_39, %scan3A_40 : i32
    %scan3A_42 = arith.constant 1 : i32
    scf.for %scan3A_55 = %scan3A_39 to %scan3A_41 step %scan3A_42  : i32 {
      %dma_wait3A = arith.constant 0 : i32
      %dma_wait3A_56 = arith.constant 0 : i32
      %dma_wait3A_57 = tpu.memref_slice %arg6[%dma_wait3A, %dma_wait3A_56] : memref<125x80xi32, #tpu.memory_space<vmem>> -> memref<1x80xi32, #tpu.memory_space<vmem>>
      %dma_wait3A_58 = tpu.memref_squeeze %dma_wait3A_57 : memref<1x80xi32, #tpu.memory_space<vmem>> -> memref<80xi32, #tpu.memory_space<vmem>>
      %dma_wait3A_59 = arith.constant 0 : i32
      %dma_wait3A_60 = arith.constant 0 : i32
      %dma_wait3A_61 = tpu.memref_slice %arg10[%dma_wait3A_59, %dma_wait3A_60] : memref<10240x16xf32, #tpu.memory_space<vmem_shared>> -> memref<10240x16xf32, #tpu.memory_space<vmem_shared>>
      tpu.wait_indirect_dma semaphore(%arg11 : memref<!tpu.dma_semaphore, #tpu.memory_space<semaphore_mem>>) src(%arg7 : memref<80x16xf32, #tpu.memory_space<vmem>>) dst(%dma_wait3A_61 : memref<10240x16xf32, #tpu.memory_space<vmem_shared>>)
    }
    %scan3A_43 = arith.constant 125 : i32
    %barrier3A_44 = arith.constant 0 : index
    tpu.barrier barrier_id(%barrier3A_44)
    %mul3A_45 = arith.constant 640 : i32
    %mul3A_46 = arith.muli %arg1, %mul3A_45 : i32
    "tpu.region"() ({
      %run_scoped3A_55 = tpu.sem_alloc : memref<!tpu.dma_semaphore, #tpu.memory_space<semaphore_mem>>
      %dma_start3A = arith.constant 0 : i32
      %dma_start3A_56 = tpu.memref_slice %arg10[%mul3A_46, %dma_start3A] : memref<10240x16xf32, #tpu.memory_space<vmem_shared>> -> memref<640x16xf32, #tpu.memory_space<vmem_shared>>
      %dma_start3A_57 = arith.constant 0 : i32
      %dma_start3A_58 = tpu.memref_slice %arg10[%mul3A_46, %dma_start3A_57] : memref<10240x16xf32, #tpu.memory_space<vmem_shared>> -> memref<640x16xf32, #tpu.memory_space<vmem_shared>>
      tpu.enqueue_dma source(%dma_start3A_58 : memref<640x16xf32, #tpu.memory_space<vmem_shared>>) target(%arg8 : memref<640x16xf32, #tpu.memory_space<vmem>>) target_semaphore(%run_scoped3A_55 : memref<!tpu.dma_semaphore, #tpu.memory_space<semaphore_mem>>)
      %dma_wait3A = arith.constant 0 : i32
      %dma_wait3A_59 = tpu.memref_slice %arg10[%mul3A_46, %dma_wait3A] : memref<10240x16xf32, #tpu.memory_space<vmem_shared>> -> memref<640x16xf32, #tpu.memory_space<vmem_shared>>
      %dma_wait3A_60 = arith.constant 0 : i32
      %dma_wait3A_61 = tpu.memref_slice %arg10[%mul3A_46, %dma_wait3A_60] : memref<10240x16xf32, #tpu.memory_space<vmem_shared>> -> memref<640x16xf32, #tpu.memory_space<vmem_shared>>
      tpu.wait_dma2 semaphore(%run_scoped3A_55 : memref<!tpu.dma_semaphore, #tpu.memory_space<semaphore_mem>>) src(%dma_wait3A_61 : memref<640x16xf32, #tpu.memory_space<vmem_shared>>) dst(%arg8 : memref<640x16xf32, #tpu.memory_space<vmem>>)
      tpu.yield
    }) : () -> ()
    %scan3A_47 = arith.constant 0 : i32
    %scan3A_48 = arith.constant 0 : i32
    %scan3A_49 = arith.constant 40 : i32
    %scan3A_50 = arith.addi %scan3A_48, %scan3A_49 : i32
    %scan3A_51 = arith.constant 1 : i32
    scf.for %scan3A_55 = %scan3A_48 to %scan3A_50 step %scan3A_51  : i32 {
      %mul3A_56 = arith.constant 16 : i32
      %mul3A_57 = arith.muli %scan3A_55, %mul3A_56 : i32
      %iota3A = tpu.iota {dimensions = array<i32: 0>} : vector<16xi32>
      %add3A_58 = vector.broadcast %mul3A_57 : i32 to vector<16xi32>
      %add3A_59 = arith.addi %add3A_58, %iota3A : vector<16xi32>
      %broadcast_in_dim3A = arith.constant 0 : i32
      %broadcast_in_dim3A_60 = vector.broadcast %broadcast_in_dim3A : i32 to vector<16xi32>
      %gather3A = tpu.vector_load_idx %arg8[%add3A_59, %broadcast_in_dim3A_60] : memref<640x16xf32, #tpu.memory_space<vmem>>[vector<16xi32>, vector<16xi32>], vector<16xf32>,
      %mul3A_61 = arith.constant 16 : i32
      %mul3A_62 = arith.muli %scan3A_55, %mul3A_61 : i32
      %swap3A = arith.index_cast %mul3A_62 : i32 to index
      %swap3A_63 = tpu.vector_load %arg9[%swap3A] {strides = array<i32>} : memref<640xf32, #tpu.memory_space<vmem>>, vector<16xf32>,
      tpu.vector_store %arg9[%swap3A], %gather3A {strides = array<i32>} : memref<640xf32, #tpu.memory_space<vmem>>, vector<16xf32>,
    }
    %scan3A_52 = arith.constant 40 : i32
    %mul3A_53 = arith.constant 640 : i32
    %mul3A_54 = arith.muli %arg1, %mul3A_53 : i32
    "tpu.region"() ({
      %run_scoped3A_55 = tpu.sem_alloc : memref<!tpu.dma_semaphore, #tpu.memory_space<semaphore_mem>>
      %dma_start3A = tpu.memref_slice %arg5[%arg0, %mul3A_54] : memref<2x10240xf32, #tpu.memory_space<hbm>> -> memref<1x640xf32, #tpu.memory_space<hbm>>
      %dma_start3A_56 = tpu.memref_squeeze %dma_start3A : memref<1x640xf32, #tpu.memory_space<hbm>> -> memref<640xf32, #tpu.memory_space<hbm>>
      %dma_start3A_57 = tpu.memref_slice %arg5[%arg0, %mul3A_54] : memref<2x10240xf32, #tpu.memory_space<hbm>> -> memref<1x640xf32, #tpu.memory_space<hbm>>
      %dma_start3A_58 = tpu.memref_squeeze %dma_start3A_57 : memref<1x640xf32, #tpu.memory_space<hbm>> -> memref<640xf32, #tpu.memory_space<hbm>>
      tpu.enqueue_dma source(%arg9 : memref<640xf32, #tpu.memory_space<vmem>>) target(%dma_start3A_58 : memref<640xf32, #tpu.memory_space<hbm>>) target_semaphore(%run_scoped3A_55 : memref<!tpu.dma_semaphore, #tpu.memory_space<semaphore_mem>>)
      %dma_wait3A = tpu.memref_slice %arg5[%arg0, %mul3A_54] : memref<2x10240xf32, #tpu.memory_space<hbm>> -> memref<1x640xf32, #tpu.memory_space<hbm>>
      %dma_wait3A_59 = tpu.memref_squeeze %dma_wait3A : memref<1x640xf32, #tpu.memory_space<hbm>> -> memref<640xf32, #tpu.memory_space<hbm>>
      %dma_wait3A_60 = tpu.memref_slice %arg5[%arg0, %mul3A_54] : memref<2x10240xf32, #tpu.memory_space<hbm>> -> memref<1x640xf32, #tpu.memory_space<hbm>>
      %dma_wait3A_61 = tpu.memref_squeeze %dma_wait3A_60 : memref<1x640xf32, #tpu.memory_space<hbm>> -> memref<640xf32, #tpu.memory_space<hbm>>
      tpu.wait_dma2 semaphore(%run_scoped3A_55 : memref<!tpu.dma_semaphore, #tpu.memory_space<semaphore_mem>>) src(%arg9 : memref<640xf32, #tpu.memory_space<vmem>>) dst(%dma_wait3A_61 : memref<640xf32, #tpu.memory_space<hbm>>)
      tpu.yield
    }) : () -> ()
    return
  }
}

#map = affine_map<(d0, d1) -> (0, 0)>
#map1 = affine_map<(d0, d1) -> (0, 0, 0, 0)>
module attributes {stable_mosaic.version = 14 : i64} {
  func.func @agg(%arg0: i32, %arg1: i32, %arg2: memref<10240x64xf32, #tpu.memory_space<hbm>>, %arg3: memref<2x32x125x80xi32, #tpu.memory_space<hbm>>, %arg4: memref<80x64xf32, #tpu.memory_space<hbm>>, %arg5: memref<10240x64xf32, #tpu.memory_space<hbm>>, %arg6: memref<10240x64xf32, #tpu.memory_space<hbm>>, %arg7: memref<125x80xi32, #tpu.memory_space<vmem>>, %arg8: memref<125x80xi32, #tpu.memory_space<vmem>>, %arg9: memref<80x64xf32, #tpu.memory_space<vmem>>, %arg10: memref<80x64xf32, #tpu.memory_space<vmem>>, %arg11: memref<80x64xf32, #tpu.memory_space<vmem>>, %arg12: memref<80x64xf32, #tpu.memory_space<vmem>>, %arg13: memref<80x64xf32, #tpu.memory_space<vmem>>, %arg14: memref<80x64xf32, #tpu.memory_space<vmem>>, %arg15: memref<80x64xf32, #tpu.memory_space<vmem>>, %arg16: memref<80x64xf32, #tpu.memory_space<vmem>>, %arg17: memref<80x64xf32, #tpu.memory_space<vmem>>, %arg18: memref<80x64xf32, #tpu.memory_space<vmem>>, %arg19: memref<10240x64xf32, #tpu.memory_space<vmem_shared>>, %arg20: memref<!tpu.dma_semaphore, #tpu.memory_space<semaphore_mem>>, %arg21: memref<!tpu.dma_semaphore, #tpu.memory_space<semaphore_mem>>, %arg22: memref<!tpu.dma_semaphore, #tpu.memory_space<semaphore_mem>>, %arg23: memref<!tpu.dma_semaphore, #tpu.memory_space<semaphore_mem>>, %arg24: memref<!tpu.dma_semaphore, #tpu.memory_space<semaphore_mem>>, %arg25: memref<!tpu.dma_semaphore, #tpu.memory_space<semaphore_mem>>, %arg26: memref<!tpu.dma_semaphore, #tpu.memory_space<semaphore_mem>>, %arg27: memref<!tpu.dma_semaphore, #tpu.memory_space<semaphore_mem>>, %arg28: memref<!tpu.dma_semaphore, #tpu.memory_space<semaphore_mem>>, %arg29: memref<!tpu.dma_semaphore, #tpu.memory_space<semaphore_mem>>, %arg30: memref<!tpu.dma_semaphore, #tpu.memory_space<semaphore_mem>>, %arg31: memref<!tpu.dma_semaphore, #tpu.memory_space<semaphore_mem>>, %arg32: memref<!tpu.dma_semaphore, #tpu.memory_space<semaphore_mem>>, %arg33: memref<!tpu.dma_semaphore, #tpu.memory_space<semaphore_mem>>, %arg34: memref<!tpu.dma_semaphore, #tpu.memory_space<semaphore_mem>>, %arg35: memref<!tpu.dma_semaphore, #tpu.memory_space<semaphore_mem>>, %arg36: memref<!tpu.dma_semaphore, #tpu.memory_space<semaphore_mem>>, %arg37: memref<!tpu.dma_semaphore, #tpu.memory_space<semaphore_mem>>, %arg38: memref<!tpu.dma_semaphore, #tpu.memory_space<semaphore_mem>>, %arg39: memref<!tpu.dma_semaphore, #tpu.memory_space<semaphore_mem>>) attributes {dimension_semantics = [#tpu.dimension_semantics<core_parallel>, #tpu.dimension_semantics<subcore_parallel>], iteration_bounds = array<i64: 2, 16>, scalar_prefetch = 0 : i64, scratch_operands = 33 : i64, tpu.core_type = #tpu.core_type<sc_vector_subcore>, window_params = [{transform_indices = #map}, {transform_indices = #map1}, {transform_indices = #map}, {transform_indices = #map}, {transform_indices = #map}]} {
    %mul3A = arith.constant 2 : i32
    %mul3A_0 = arith.muli %arg1, %mul3A : i32
    %add3A = arith.addi %mul3A_0, %arg0 : i32
    "tpu.region"() ({
      %run_scoped3A_322 = tpu.sem_alloc : memref<!tpu.dma_semaphore, #tpu.memory_space<semaphore_mem>>
      tpu.enqueue_dma source(%arg4 : memref<80x64xf32, #tpu.memory_space<hbm>>) target(%arg9 : memref<80x64xf32, #tpu.memory_space<vmem>>) target_semaphore(%run_scoped3A_322 : memref<!tpu.dma_semaphore, #tpu.memory_space<semaphore_mem>>)
      tpu.wait_dma2 semaphore(%run_scoped3A_322 : memref<!tpu.dma_semaphore, #tpu.memory_space<semaphore_mem>>) src(%arg4 : memref<80x64xf32, #tpu.memory_space<hbm>>) dst(%arg9 : memref<80x64xf32, #tpu.memory_space<vmem>>)
      tpu.yield
    }) : () -> ()
    %mul3A_1 = arith.constant 640 : i32
    %mul3A_2 = arith.muli %arg1, %mul3A_1 : i32
    %add3A_3 = arith.constant 0 : i32
    %add3A_4 = arith.addi %mul3A_2, %add3A_3 : i32
    "tpu.region"() ({
      %run_scoped3A_322 = tpu.sem_alloc : memref<!tpu.dma_semaphore, #tpu.memory_space<semaphore_mem>>
      %dma_start3A_323 = arith.constant 0 : i32
      %dma_start3A_324 = tpu.memref_slice %arg19[%add3A_4, %dma_start3A_323] : memref<10240x64xf32, #tpu.memory_space<vmem_shared>> -> memref<80x64xf32, #tpu.memory_space<vmem_shared>>
      %dma_start3A_325 = arith.constant 0 : i32
      %dma_start3A_326 = tpu.memref_slice %arg19[%add3A_4, %dma_start3A_325] : memref<10240x64xf32, #tpu.memory_space<vmem_shared>> -> memref<80x64xf32, #tpu.memory_space<vmem_shared>>
      tpu.enqueue_dma source(%arg9 : memref<80x64xf32, #tpu.memory_space<vmem>>) target(%dma_start3A_326 : memref<80x64xf32, #tpu.memory_space<vmem_shared>>) target_semaphore(%run_scoped3A_322 : memref<!tpu.dma_semaphore, #tpu.memory_space<semaphore_mem>>)
      %dma_wait3A_327 = arith.constant 0 : i32
      %dma_wait3A_328 = tpu.memref_slice %arg19[%add3A_4, %dma_wait3A_327] : memref<10240x64xf32, #tpu.memory_space<vmem_shared>> -> memref<80x64xf32, #tpu.memory_space<vmem_shared>>
      %dma_wait3A_329 = arith.constant 0 : i32
      %dma_wait3A_330 = tpu.memref_slice %arg19[%add3A_4, %dma_wait3A_329] : memref<10240x64xf32, #tpu.memory_space<vmem_shared>> -> memref<80x64xf32, #tpu.memory_space<vmem_shared>>
      tpu.wait_dma2 semaphore(%run_scoped3A_322 : memref<!tpu.dma_semaphore, #tpu.memory_space<semaphore_mem>>) src(%arg9 : memref<80x64xf32, #tpu.memory_space<vmem>>) dst(%dma_wait3A_330 : memref<80x64xf32, #tpu.memory_space<vmem_shared>>)
      tpu.yield
    }) : () -> ()
    %mul3A_5 = arith.constant 640 : i32
    %mul3A_6 = arith.muli %arg1, %mul3A_5 : i32
    %add3A_7 = arith.constant 80 : i32
    %add3A_8 = arith.addi %mul3A_6, %add3A_7 : i32
    "tpu.region"() ({
      %run_scoped3A_322 = tpu.sem_alloc : memref<!tpu.dma_semaphore, #tpu.memory_space<semaphore_mem>>
      %dma_start3A_323 = arith.constant 0 : i32
      %dma_start3A_324 = tpu.memref_slice %arg19[%add3A_8, %dma_start3A_323] : memref<10240x64xf32, #tpu.memory_space<vmem_shared>> -> memref<80x64xf32, #tpu.memory_space<vmem_shared>>
      %dma_start3A_325 = arith.constant 0 : i32
      %dma_start3A_326 = tpu.memref_slice %arg19[%add3A_8, %dma_start3A_325] : memref<10240x64xf32, #tpu.memory_space<vmem_shared>> -> memref<80x64xf32, #tpu.memory_space<vmem_shared>>
      tpu.enqueue_dma source(%arg9 : memref<80x64xf32, #tpu.memory_space<vmem>>) target(%dma_start3A_326 : memref<80x64xf32, #tpu.memory_space<vmem_shared>>) target_semaphore(%run_scoped3A_322 : memref<!tpu.dma_semaphore, #tpu.memory_space<semaphore_mem>>)
      %dma_wait3A_327 = arith.constant 0 : i32
      %dma_wait3A_328 = tpu.memref_slice %arg19[%add3A_8, %dma_wait3A_327] : memref<10240x64xf32, #tpu.memory_space<vmem_shared>> -> memref<80x64xf32, #tpu.memory_space<vmem_shared>>
      %dma_wait3A_329 = arith.constant 0 : i32
      %dma_wait3A_330 = tpu.memref_slice %arg19[%add3A_8, %dma_wait3A_329] : memref<10240x64xf32, #tpu.memory_space<vmem_shared>> -> memref<80x64xf32, #tpu.memory_space<vmem_shared>>
      tpu.wait_dma2 semaphore(%run_scoped3A_322 : memref<!tpu.dma_semaphore, #tpu.memory_space<semaphore_mem>>) src(%arg9 : memref<80x64xf32, #tpu.memory_space<vmem>>) dst(%dma_wait3A_330 : memref<80x64xf32, #tpu.memory_space<vmem_shared>>)
      tpu.yield
    }) : () -> ()
    %mul3A_9 = arith.constant 640 : i32
    %mul3A_10 = arith.muli %arg1, %mul3A_9 : i32
    %add3A_11 = arith.constant 160 : i32
    %add3A_12 = arith.addi %mul3A_10, %add3A_11 : i32
    "tpu.region"() ({
      %run_scoped3A_322 = tpu.sem_alloc : memref<!tpu.dma_semaphore, #tpu.memory_space<semaphore_mem>>
      %dma_start3A_323 = arith.constant 0 : i32
      %dma_start3A_324 = tpu.memref_slice %arg19[%add3A_12, %dma_start3A_323] : memref<10240x64xf32, #tpu.memory_space<vmem_shared>> -> memref<80x64xf32, #tpu.memory_space<vmem_shared>>
      %dma_start3A_325 = arith.constant 0 : i32
      %dma_start3A_326 = tpu.memref_slice %arg19[%add3A_12, %dma_start3A_325] : memref<10240x64xf32, #tpu.memory_space<vmem_shared>> -> memref<80x64xf32, #tpu.memory_space<vmem_shared>>
      tpu.enqueue_dma source(%arg9 : memref<80x64xf32, #tpu.memory_space<vmem>>) target(%dma_start3A_326 : memref<80x64xf32, #tpu.memory_space<vmem_shared>>) target_semaphore(%run_scoped3A_322 : memref<!tpu.dma_semaphore, #tpu.memory_space<semaphore_mem>>)
      %dma_wait3A_327 = arith.constant 0 : i32
      %dma_wait3A_328 = tpu.memref_slice %arg19[%add3A_12, %dma_wait3A_327] : memref<10240x64xf32, #tpu.memory_space<vmem_shared>> -> memref<80x64xf32, #tpu.memory_space<vmem_shared>>
      %dma_wait3A_329 = arith.constant 0 : i32
      %dma_wait3A_330 = tpu.memref_slice %arg19[%add3A_12, %dma_wait3A_329] : memref<10240x64xf32, #tpu.memory_space<vmem_shared>> -> memref<80x64xf32, #tpu.memory_space<vmem_shared>>
      tpu.wait_dma2 semaphore(%run_scoped3A_322 : memref<!tpu.dma_semaphore, #tpu.memory_space<semaphore_mem>>) src(%arg9 : memref<80x64xf32, #tpu.memory_space<vmem>>) dst(%dma_wait3A_330 : memref<80x64xf32, #tpu.memory_space<vmem_shared>>)
      tpu.yield
    }) : () -> ()
    %mul3A_13 = arith.constant 640 : i32
    %mul3A_14 = arith.muli %arg1, %mul3A_13 : i32
    %add3A_15 = arith.constant 240 : i32
    %add3A_16 = arith.addi %mul3A_14, %add3A_15 : i32
    "tpu.region"() ({
      %run_scoped3A_322 = tpu.sem_alloc : memref<!tpu.dma_semaphore, #tpu.memory_space<semaphore_mem>>
      %dma_start3A_323 = arith.constant 0 : i32
      %dma_start3A_324 = tpu.memref_slice %arg19[%add3A_16, %dma_start3A_323] : memref<10240x64xf32, #tpu.memory_space<vmem_shared>> -> memref<80x64xf32, #tpu.memory_space<vmem_shared>>
      %dma_start3A_325 = arith.constant 0 : i32
      %dma_start3A_326 = tpu.memref_slice %arg19[%add3A_16, %dma_start3A_325] : memref<10240x64xf32, #tpu.memory_space<vmem_shared>> -> memref<80x64xf32, #tpu.memory_space<vmem_shared>>
      tpu.enqueue_dma source(%arg9 : memref<80x64xf32, #tpu.memory_space<vmem>>) target(%dma_start3A_326 : memref<80x64xf32, #tpu.memory_space<vmem_shared>>) target_semaphore(%run_scoped3A_322 : memref<!tpu.dma_semaphore, #tpu.memory_space<semaphore_mem>>)
      %dma_wait3A_327 = arith.constant 0 : i32
      %dma_wait3A_328 = tpu.memref_slice %arg19[%add3A_16, %dma_wait3A_327] : memref<10240x64xf32, #tpu.memory_space<vmem_shared>> -> memref<80x64xf32, #tpu.memory_space<vmem_shared>>
      %dma_wait3A_329 = arith.constant 0 : i32
      %dma_wait3A_330 = tpu.memref_slice %arg19[%add3A_16, %dma_wait3A_329] : memref<10240x64xf32, #tpu.memory_space<vmem_shared>> -> memref<80x64xf32, #tpu.memory_space<vmem_shared>>
      tpu.wait_dma2 semaphore(%run_scoped3A_322 : memref<!tpu.dma_semaphore, #tpu.memory_space<semaphore_mem>>) src(%arg9 : memref<80x64xf32, #tpu.memory_space<vmem>>) dst(%dma_wait3A_330 : memref<80x64xf32, #tpu.memory_space<vmem_shared>>)
      tpu.yield
    }) : () -> ()
    %mul3A_17 = arith.constant 640 : i32
    %mul3A_18 = arith.muli %arg1, %mul3A_17 : i32
    %add3A_19 = arith.constant 320 : i32
    %add3A_20 = arith.addi %mul3A_18, %add3A_19 : i32
    "tpu.region"() ({
      %run_scoped3A_322 = tpu.sem_alloc : memref<!tpu.dma_semaphore, #tpu.memory_space<semaphore_mem>>
      %dma_start3A_323 = arith.constant 0 : i32
      %dma_start3A_324 = tpu.memref_slice %arg19[%add3A_20, %dma_start3A_323] : memref<10240x64xf32, #tpu.memory_space<vmem_shared>> -> memref<80x64xf32, #tpu.memory_space<vmem_shared>>
      %dma_start3A_325 = arith.constant 0 : i32
      %dma_start3A_326 = tpu.memref_slice %arg19[%add3A_20, %dma_start3A_325] : memref<10240x64xf32, #tpu.memory_space<vmem_shared>> -> memref<80x64xf32, #tpu.memory_space<vmem_shared>>
      tpu.enqueue_dma source(%arg9 : memref<80x64xf32, #tpu.memory_space<vmem>>) target(%dma_start3A_326 : memref<80x64xf32, #tpu.memory_space<vmem_shared>>) target_semaphore(%run_scoped3A_322 : memref<!tpu.dma_semaphore, #tpu.memory_space<semaphore_mem>>)
      %dma_wait3A_327 = arith.constant 0 : i32
      %dma_wait3A_328 = tpu.memref_slice %arg19[%add3A_20, %dma_wait3A_327] : memref<10240x64xf32, #tpu.memory_space<vmem_shared>> -> memref<80x64xf32, #tpu.memory_space<vmem_shared>>
      %dma_wait3A_329 = arith.constant 0 : i32
      %dma_wait3A_330 = tpu.memref_slice %arg19[%add3A_20, %dma_wait3A_329] : memref<10240x64xf32, #tpu.memory_space<vmem_shared>> -> memref<80x64xf32, #tpu.memory_space<vmem_shared>>
      tpu.wait_dma2 semaphore(%run_scoped3A_322 : memref<!tpu.dma_semaphore, #tpu.memory_space<semaphore_mem>>) src(%arg9 : memref<80x64xf32, #tpu.memory_space<vmem>>) dst(%dma_wait3A_330 : memref<80x64xf32, #tpu.memory_space<vmem_shared>>)
      tpu.yield
    }) : () -> ()
    %mul3A_21 = arith.constant 640 : i32
    %mul3A_22 = arith.muli %arg1, %mul3A_21 : i32
    %add3A_23 = arith.constant 400 : i32
    %add3A_24 = arith.addi %mul3A_22, %add3A_23 : i32
    "tpu.region"() ({
      %run_scoped3A_322 = tpu.sem_alloc : memref<!tpu.dma_semaphore, #tpu.memory_space<semaphore_mem>>
      %dma_start3A_323 = arith.constant 0 : i32
      %dma_start3A_324 = tpu.memref_slice %arg19[%add3A_24, %dma_start3A_323] : memref<10240x64xf32, #tpu.memory_space<vmem_shared>> -> memref<80x64xf32, #tpu.memory_space<vmem_shared>>
      %dma_start3A_325 = arith.constant 0 : i32
      %dma_start3A_326 = tpu.memref_slice %arg19[%add3A_24, %dma_start3A_325] : memref<10240x64xf32, #tpu.memory_space<vmem_shared>> -> memref<80x64xf32, #tpu.memory_space<vmem_shared>>
      tpu.enqueue_dma source(%arg9 : memref<80x64xf32, #tpu.memory_space<vmem>>) target(%dma_start3A_326 : memref<80x64xf32, #tpu.memory_space<vmem_shared>>) target_semaphore(%run_scoped3A_322 : memref<!tpu.dma_semaphore, #tpu.memory_space<semaphore_mem>>)
      %dma_wait3A_327 = arith.constant 0 : i32
      %dma_wait3A_328 = tpu.memref_slice %arg19[%add3A_24, %dma_wait3A_327] : memref<10240x64xf32, #tpu.memory_space<vmem_shared>> -> memref<80x64xf32, #tpu.memory_space<vmem_shared>>
      %dma_wait3A_329 = arith.constant 0 : i32
      %dma_wait3A_330 = tpu.memref_slice %arg19[%add3A_24, %dma_wait3A_329] : memref<10240x64xf32, #tpu.memory_space<vmem_shared>> -> memref<80x64xf32, #tpu.memory_space<vmem_shared>>
      tpu.wait_dma2 semaphore(%run_scoped3A_322 : memref<!tpu.dma_semaphore, #tpu.memory_space<semaphore_mem>>) src(%arg9 : memref<80x64xf32, #tpu.memory_space<vmem>>) dst(%dma_wait3A_330 : memref<80x64xf32, #tpu.memory_space<vmem_shared>>)
      tpu.yield
    }) : () -> ()
    %mul3A_25 = arith.constant 640 : i32
    %mul3A_26 = arith.muli %arg1, %mul3A_25 : i32
    %add3A_27 = arith.constant 480 : i32
    %add3A_28 = arith.addi %mul3A_26, %add3A_27 : i32
    "tpu.region"() ({
      %run_scoped3A_322 = tpu.sem_alloc : memref<!tpu.dma_semaphore, #tpu.memory_space<semaphore_mem>>
      %dma_start3A_323 = arith.constant 0 : i32
      %dma_start3A_324 = tpu.memref_slice %arg19[%add3A_28, %dma_start3A_323] : memref<10240x64xf32, #tpu.memory_space<vmem_shared>> -> memref<80x64xf32, #tpu.memory_space<vmem_shared>>
      %dma_start3A_325 = arith.constant 0 : i32
      %dma_start3A_326 = tpu.memref_slice %arg19[%add3A_28, %dma_start3A_325] : memref<10240x64xf32, #tpu.memory_space<vmem_shared>> -> memref<80x64xf32, #tpu.memory_space<vmem_shared>>
      tpu.enqueue_dma source(%arg9 : memref<80x64xf32, #tpu.memory_space<vmem>>) target(%dma_start3A_326 : memref<80x64xf32, #tpu.memory_space<vmem_shared>>) target_semaphore(%run_scoped3A_322 : memref<!tpu.dma_semaphore, #tpu.memory_space<semaphore_mem>>)
      %dma_wait3A_327 = arith.constant 0 : i32
      %dma_wait3A_328 = tpu.memref_slice %arg19[%add3A_28, %dma_wait3A_327] : memref<10240x64xf32, #tpu.memory_space<vmem_shared>> -> memref<80x64xf32, #tpu.memory_space<vmem_shared>>
      %dma_wait3A_329 = arith.constant 0 : i32
      %dma_wait3A_330 = tpu.memref_slice %arg19[%add3A_28, %dma_wait3A_329] : memref<10240x64xf32, #tpu.memory_space<vmem_shared>> -> memref<80x64xf32, #tpu.memory_space<vmem_shared>>
      tpu.wait_dma2 semaphore(%run_scoped3A_322 : memref<!tpu.dma_semaphore, #tpu.memory_space<semaphore_mem>>) src(%arg9 : memref<80x64xf32, #tpu.memory_space<vmem>>) dst(%dma_wait3A_330 : memref<80x64xf32, #tpu.memory_space<vmem_shared>>)
      tpu.yield
    }) : () -> ()
    %mul3A_29 = arith.constant 640 : i32
    %mul3A_30 = arith.muli %arg1, %mul3A_29 : i32
    %add3A_31 = arith.constant 560 : i32
    %add3A_32 = arith.addi %mul3A_30, %add3A_31 : i32
    "tpu.region"() ({
      %run_scoped3A_322 = tpu.sem_alloc : memref<!tpu.dma_semaphore, #tpu.memory_space<semaphore_mem>>
      %dma_start3A_323 = arith.constant 0 : i32
      %dma_start3A_324 = tpu.memref_slice %arg19[%add3A_32, %dma_start3A_323] : memref<10240x64xf32, #tpu.memory_space<vmem_shared>> -> memref<80x64xf32, #tpu.memory_space<vmem_shared>>
      %dma_start3A_325 = arith.constant 0 : i32
      %dma_start3A_326 = tpu.memref_slice %arg19[%add3A_32, %dma_start3A_325] : memref<10240x64xf32, #tpu.memory_space<vmem_shared>> -> memref<80x64xf32, #tpu.memory_space<vmem_shared>>
      tpu.enqueue_dma source(%arg9 : memref<80x64xf32, #tpu.memory_space<vmem>>) target(%dma_start3A_326 : memref<80x64xf32, #tpu.memory_space<vmem_shared>>) target_semaphore(%run_scoped3A_322 : memref<!tpu.dma_semaphore, #tpu.memory_space<semaphore_mem>>)
      %dma_wait3A_327 = arith.constant 0 : i32
      %dma_wait3A_328 = tpu.memref_slice %arg19[%add3A_32, %dma_wait3A_327] : memref<10240x64xf32, #tpu.memory_space<vmem_shared>> -> memref<80x64xf32, #tpu.memory_space<vmem_shared>>
      %dma_wait3A_329 = arith.constant 0 : i32
      %dma_wait3A_330 = tpu.memref_slice %arg19[%add3A_32, %dma_wait3A_329] : memref<10240x64xf32, #tpu.memory_space<vmem_shared>> -> memref<80x64xf32, #tpu.memory_space<vmem_shared>>
      tpu.wait_dma2 semaphore(%run_scoped3A_322 : memref<!tpu.dma_semaphore, #tpu.memory_space<semaphore_mem>>) src(%arg9 : memref<80x64xf32, #tpu.memory_space<vmem>>) dst(%dma_wait3A_330 : memref<80x64xf32, #tpu.memory_space<vmem_shared>>)
      tpu.yield
    }) : () -> ()
    %run_scoped3A = arith.constant 0 : i32
    "tpu.region"() ({
      %run_scoped3A_322 = tpu.sem_alloc : memref<!tpu.dma_semaphore, #tpu.memory_space<semaphore_mem>>
      %dma_start3A_323 = arith.constant 0 : i32
      %dma_start3A_324 = arith.constant 0 : i32
      %dma_start3A_325 = tpu.memref_slice %arg3[%run_scoped3A, %add3A, %dma_start3A_323, %dma_start3A_324] : memref<2x32x125x80xi32, #tpu.memory_space<hbm>> -> memref<1x1x125x80xi32, #tpu.memory_space<hbm>>
      %dma_start3A_326 = tpu.memref_squeeze %dma_start3A_325 : memref<1x1x125x80xi32, #tpu.memory_space<hbm>> -> memref<125x80xi32, #tpu.memory_space<hbm>>
      %dma_start3A_327 = arith.constant 0 : i32
      %dma_start3A_328 = arith.constant 0 : i32
      %dma_start3A_329 = tpu.memref_slice %arg3[%run_scoped3A, %add3A, %dma_start3A_327, %dma_start3A_328] : memref<2x32x125x80xi32, #tpu.memory_space<hbm>> -> memref<1x1x125x80xi32, #tpu.memory_space<hbm>>
      %dma_start3A_330 = tpu.memref_squeeze %dma_start3A_329 : memref<1x1x125x80xi32, #tpu.memory_space<hbm>> -> memref<125x80xi32, #tpu.memory_space<hbm>>
      tpu.enqueue_dma source(%dma_start3A_330 : memref<125x80xi32, #tpu.memory_space<hbm>>) target(%arg7 : memref<125x80xi32, #tpu.memory_space<vmem>>) target_semaphore(%run_scoped3A_322 : memref<!tpu.dma_semaphore, #tpu.memory_space<semaphore_mem>>)
      %dma_wait3A_331 = arith.constant 0 : i32
      %dma_wait3A_332 = arith.constant 0 : i32
      %dma_wait3A_333 = tpu.memref_slice %arg3[%run_scoped3A, %add3A, %dma_wait3A_331, %dma_wait3A_332] : memref<2x32x125x80xi32, #tpu.memory_space<hbm>> -> memref<1x1x125x80xi32, #tpu.memory_space<hbm>>
      %dma_wait3A_334 = tpu.memref_squeeze %dma_wait3A_333 : memref<1x1x125x80xi32, #tpu.memory_space<hbm>> -> memref<125x80xi32, #tpu.memory_space<hbm>>
      %dma_wait3A_335 = arith.constant 0 : i32
      %dma_wait3A_336 = arith.constant 0 : i32
      %dma_wait3A_337 = tpu.memref_slice %arg3[%run_scoped3A, %add3A, %dma_wait3A_335, %dma_wait3A_336] : memref<2x32x125x80xi32, #tpu.memory_space<hbm>> -> memref<1x1x125x80xi32, #tpu.memory_space<hbm>>
      %dma_wait3A_338 = tpu.memref_squeeze %dma_wait3A_337 : memref<1x1x125x80xi32, #tpu.memory_space<hbm>> -> memref<125x80xi32, #tpu.memory_space<hbm>>
      tpu.wait_dma2 semaphore(%run_scoped3A_322 : memref<!tpu.dma_semaphore, #tpu.memory_space<semaphore_mem>>) src(%dma_wait3A_338 : memref<125x80xi32, #tpu.memory_space<hbm>>) dst(%arg7 : memref<125x80xi32, #tpu.memory_space<vmem>>)
      tpu.yield
    }) : () -> ()
    %run_scoped3A_33 = arith.constant 1 : i32
    "tpu.region"() ({
      %run_scoped3A_322 = tpu.sem_alloc : memref<!tpu.dma_semaphore, #tpu.memory_space<semaphore_mem>>
      %dma_start3A_323 = arith.constant 0 : i32
      %dma_start3A_324 = arith.constant 0 : i32
      %dma_start3A_325 = tpu.memref_slice %arg3[%run_scoped3A_33, %add3A, %dma_start3A_323, %dma_start3A_324] : memref<2x32x125x80xi32, #tpu.memory_space<hbm>> -> memref<1x1x125x80xi32, #tpu.memory_space<hbm>>
      %dma_start3A_326 = tpu.memref_squeeze %dma_start3A_325 : memref<1x1x125x80xi32, #tpu.memory_space<hbm>> -> memref<125x80xi32, #tpu.memory_space<hbm>>
      %dma_start3A_327 = arith.constant 0 : i32
      %dma_start3A_328 = arith.constant 0 : i32
      %dma_start3A_329 = tpu.memref_slice %arg3[%run_scoped3A_33, %add3A, %dma_start3A_327, %dma_start3A_328] : memref<2x32x125x80xi32, #tpu.memory_space<hbm>> -> memref<1x1x125x80xi32, #tpu.memory_space<hbm>>
      %dma_start3A_330 = tpu.memref_squeeze %dma_start3A_329 : memref<1x1x125x80xi32, #tpu.memory_space<hbm>> -> memref<125x80xi32, #tpu.memory_space<hbm>>
      tpu.enqueue_dma source(%dma_start3A_330 : memref<125x80xi32, #tpu.memory_space<hbm>>) target(%arg8 : memref<125x80xi32, #tpu.memory_space<vmem>>) target_semaphore(%run_scoped3A_322 : memref<!tpu.dma_semaphore, #tpu.memory_space<semaphore_mem>>)
      %dma_wait3A_331 = arith.constant 0 : i32
      %dma_wait3A_332 = arith.constant 0 : i32
      %dma_wait3A_333 = tpu.memref_slice %arg3[%run_scoped3A_33, %add3A, %dma_wait3A_331, %dma_wait3A_332] : memref<2x32x125x80xi32, #tpu.memory_space<hbm>> -> memref<1x1x125x80xi32, #tpu.memory_space<hbm>>
      %dma_wait3A_334 = tpu.memref_squeeze %dma_wait3A_333 : memref<1x1x125x80xi32, #tpu.memory_space<hbm>> -> memref<125x80xi32, #tpu.memory_space<hbm>>
      %dma_wait3A_335 = arith.constant 0 : i32
      %dma_wait3A_336 = arith.constant 0 : i32
      %dma_wait3A_337 = tpu.memref_slice %arg3[%run_scoped3A_33, %add3A, %dma_wait3A_335, %dma_wait3A_336] : memref<2x32x125x80xi32, #tpu.memory_space<hbm>> -> memref<1x1x125x80xi32, #tpu.memory_space<hbm>>
      %dma_wait3A_338 = tpu.memref_squeeze %dma_wait3A_337 : memref<1x1x125x80xi32, #tpu.memory_space<hbm>> -> memref<125x80xi32, #tpu.memory_space<hbm>>
      tpu.wait_dma2 semaphore(%run_scoped3A_322 : memref<!tpu.dma_semaphore, #tpu.memory_space<semaphore_mem>>) src(%dma_wait3A_338 : memref<125x80xi32, #tpu.memory_space<hbm>>) dst(%arg8 : memref<125x80xi32, #tpu.memory_space<vmem>>)
      tpu.yield
    }) : () -> ()
    %dma_start3A = arith.constant 0 : i32
    %dma_start3A_34 = arith.constant 0 : i32
    %dma_start3A_35 = tpu.memref_slice %arg7[%dma_start3A, %dma_start3A_34] : memref<125x80xi32, #tpu.memory_space<vmem>> -> memref<1x80xi32, #tpu.memory_space<vmem>>
    %dma_start3A_36 = tpu.memref_squeeze %dma_start3A_35 : memref<1x80xi32, #tpu.memory_space<vmem>> -> memref<80xi32, #tpu.memory_space<vmem>>
    %dma_start3A_37 = arith.constant 0 : i32
    %dma_start3A_38 = arith.constant 0 : i32
    %dma_start3A_39 = tpu.memref_slice %arg2[%dma_start3A_37, %dma_start3A_38] : memref<10240x64xf32, #tpu.memory_space<hbm>> -> memref<10240x64xf32, #tpu.memory_space<hbm>>
    tpu.enqueue_indirect_dma source(%dma_start3A_39 : memref<10240x64xf32, #tpu.memory_space<hbm>>) target(%arg9 : memref<80x64xf32, #tpu.memory_space<vmem>>) offsets(%dma_start3A_36 : memref<80xi32, #tpu.memory_space<vmem>>) semaphore(%arg20 : memref<!tpu.dma_semaphore, #tpu.memory_space<semaphore_mem>>)
    %dma_start3A_40 = arith.constant 1 : i32
    %dma_start3A_41 = arith.constant 0 : i32
    %dma_start3A_42 = tpu.memref_slice %arg7[%dma_start3A_40, %dma_start3A_41] : memref<125x80xi32, #tpu.memory_space<vmem>> -> memref<1x80xi32, #tpu.memory_space<vmem>>
    %dma_start3A_43 = tpu.memref_squeeze %dma_start3A_42 : memref<1x80xi32, #tpu.memory_space<vmem>> -> memref<80xi32, #tpu.memory_space<vmem>>
    %dma_start3A_44 = arith.constant 0 : i32
    %dma_start3A_45 = arith.constant 0 : i32
    %dma_start3A_46 = tpu.memref_slice %arg2[%dma_start3A_44, %dma_start3A_45] : memref<10240x64xf32, #tpu.memory_space<hbm>> -> memref<10240x64xf32, #tpu.memory_space<hbm>>
    tpu.enqueue_indirect_dma source(%dma_start3A_46 : memref<10240x64xf32, #tpu.memory_space<hbm>>) target(%arg10 : memref<80x64xf32, #tpu.memory_space<vmem>>) offsets(%dma_start3A_43 : memref<80xi32, #tpu.memory_space<vmem>>) semaphore(%arg21 : memref<!tpu.dma_semaphore, #tpu.memory_space<semaphore_mem>>)
    %dma_start3A_47 = arith.constant 2 : i32
    %dma_start3A_48 = arith.constant 0 : i32
    %dma_start3A_49 = tpu.memref_slice %arg7[%dma_start3A_47, %dma_start3A_48] : memref<125x80xi32, #tpu.memory_space<vmem>> -> memref<1x80xi32, #tpu.memory_space<vmem>>
    %dma_start3A_50 = tpu.memref_squeeze %dma_start3A_49 : memref<1x80xi32, #tpu.memory_space<vmem>> -> memref<80xi32, #tpu.memory_space<vmem>>
    %dma_start3A_51 = arith.constant 0 : i32
    %dma_start3A_52 = arith.constant 0 : i32
    %dma_start3A_53 = tpu.memref_slice %arg2[%dma_start3A_51, %dma_start3A_52] : memref<10240x64xf32, #tpu.memory_space<hbm>> -> memref<10240x64xf32, #tpu.memory_space<hbm>>
    tpu.enqueue_indirect_dma source(%dma_start3A_53 : memref<10240x64xf32, #tpu.memory_space<hbm>>) target(%arg11 : memref<80x64xf32, #tpu.memory_space<vmem>>) offsets(%dma_start3A_50 : memref<80xi32, #tpu.memory_space<vmem>>) semaphore(%arg22 : memref<!tpu.dma_semaphore, #tpu.memory_space<semaphore_mem>>)
    %dma_start3A_54 = arith.constant 3 : i32
    %dma_start3A_55 = arith.constant 0 : i32
    %dma_start3A_56 = tpu.memref_slice %arg7[%dma_start3A_54, %dma_start3A_55] : memref<125x80xi32, #tpu.memory_space<vmem>> -> memref<1x80xi32, #tpu.memory_space<vmem>>
    %dma_start3A_57 = tpu.memref_squeeze %dma_start3A_56 : memref<1x80xi32, #tpu.memory_space<vmem>> -> memref<80xi32, #tpu.memory_space<vmem>>
    %dma_start3A_58 = arith.constant 0 : i32
    %dma_start3A_59 = arith.constant 0 : i32
    %dma_start3A_60 = tpu.memref_slice %arg2[%dma_start3A_58, %dma_start3A_59] : memref<10240x64xf32, #tpu.memory_space<hbm>> -> memref<10240x64xf32, #tpu.memory_space<hbm>>
    tpu.enqueue_indirect_dma source(%dma_start3A_60 : memref<10240x64xf32, #tpu.memory_space<hbm>>) target(%arg12 : memref<80x64xf32, #tpu.memory_space<vmem>>) offsets(%dma_start3A_57 : memref<80xi32, #tpu.memory_space<vmem>>) semaphore(%arg23 : memref<!tpu.dma_semaphore, #tpu.memory_space<semaphore_mem>>)
    %dma_start3A_61 = arith.constant 4 : i32
    %dma_start3A_62 = arith.constant 0 : i32
    %dma_start3A_63 = tpu.memref_slice %arg7[%dma_start3A_61, %dma_start3A_62] : memref<125x80xi32, #tpu.memory_space<vmem>> -> memref<1x80xi32, #tpu.memory_space<vmem>>
    %dma_start3A_64 = tpu.memref_squeeze %dma_start3A_63 : memref<1x80xi32, #tpu.memory_space<vmem>> -> memref<80xi32, #tpu.memory_space<vmem>>
    %dma_start3A_65 = arith.constant 0 : i32
    %dma_start3A_66 = arith.constant 0 : i32
    %dma_start3A_67 = tpu.memref_slice %arg2[%dma_start3A_65, %dma_start3A_66] : memref<10240x64xf32, #tpu.memory_space<hbm>> -> memref<10240x64xf32, #tpu.memory_space<hbm>>
    tpu.enqueue_indirect_dma source(%dma_start3A_67 : memref<10240x64xf32, #tpu.memory_space<hbm>>) target(%arg13 : memref<80x64xf32, #tpu.memory_space<vmem>>) offsets(%dma_start3A_64 : memref<80xi32, #tpu.memory_space<vmem>>) semaphore(%arg24 : memref<!tpu.dma_semaphore, #tpu.memory_space<semaphore_mem>>)
    %dma_start3A_68 = arith.constant 5 : i32
    %dma_start3A_69 = arith.constant 0 : i32
    %dma_start3A_70 = tpu.memref_slice %arg7[%dma_start3A_68, %dma_start3A_69] : memref<125x80xi32, #tpu.memory_space<vmem>> -> memref<1x80xi32, #tpu.memory_space<vmem>>
    %dma_start3A_71 = tpu.memref_squeeze %dma_start3A_70 : memref<1x80xi32, #tpu.memory_space<vmem>> -> memref<80xi32, #tpu.memory_space<vmem>>
    %dma_start3A_72 = arith.constant 0 : i32
    %dma_start3A_73 = arith.constant 0 : i32
    %dma_start3A_74 = tpu.memref_slice %arg2[%dma_start3A_72, %dma_start3A_73] : memref<10240x64xf32, #tpu.memory_space<hbm>> -> memref<10240x64xf32, #tpu.memory_space<hbm>>
    tpu.enqueue_indirect_dma source(%dma_start3A_74 : memref<10240x64xf32, #tpu.memory_space<hbm>>) target(%arg14 : memref<80x64xf32, #tpu.memory_space<vmem>>) offsets(%dma_start3A_71 : memref<80xi32, #tpu.memory_space<vmem>>) semaphore(%arg25 : memref<!tpu.dma_semaphore, #tpu.memory_space<semaphore_mem>>)
    %dma_start3A_75 = arith.constant 6 : i32
    %dma_start3A_76 = arith.constant 0 : i32
    %dma_start3A_77 = tpu.memref_slice %arg7[%dma_start3A_75, %dma_start3A_76] : memref<125x80xi32, #tpu.memory_space<vmem>> -> memref<1x80xi32, #tpu.memory_space<vmem>>
    %dma_start3A_78 = tpu.memref_squeeze %dma_start3A_77 : memref<1x80xi32, #tpu.memory_space<vmem>> -> memref<80xi32, #tpu.memory_space<vmem>>
    %dma_start3A_79 = arith.constant 0 : i32
    %dma_start3A_80 = arith.constant 0 : i32
    %dma_start3A_81 = tpu.memref_slice %arg2[%dma_start3A_79, %dma_start3A_80] : memref<10240x64xf32, #tpu.memory_space<hbm>> -> memref<10240x64xf32, #tpu.memory_space<hbm>>
    tpu.enqueue_indirect_dma source(%dma_start3A_81 : memref<10240x64xf32, #tpu.memory_space<hbm>>) target(%arg15 : memref<80x64xf32, #tpu.memory_space<vmem>>) offsets(%dma_start3A_78 : memref<80xi32, #tpu.memory_space<vmem>>) semaphore(%arg26 : memref<!tpu.dma_semaphore, #tpu.memory_space<semaphore_mem>>)
    %dma_start3A_82 = arith.constant 7 : i32
    %dma_start3A_83 = arith.constant 0 : i32
    %dma_start3A_84 = tpu.memref_slice %arg7[%dma_start3A_82, %dma_start3A_83] : memref<125x80xi32, #tpu.memory_space<vmem>> -> memref<1x80xi32, #tpu.memory_space<vmem>>
    %dma_start3A_85 = tpu.memref_squeeze %dma_start3A_84 : memref<1x80xi32, #tpu.memory_space<vmem>> -> memref<80xi32, #tpu.memory_space<vmem>>
    %dma_start3A_86 = arith.constant 0 : i32
    %dma_start3A_87 = arith.constant 0 : i32
    %dma_start3A_88 = tpu.memref_slice %arg2[%dma_start3A_86, %dma_start3A_87] : memref<10240x64xf32, #tpu.memory_space<hbm>> -> memref<10240x64xf32, #tpu.memory_space<hbm>>
    tpu.enqueue_indirect_dma source(%dma_start3A_88 : memref<10240x64xf32, #tpu.memory_space<hbm>>) target(%arg16 : memref<80x64xf32, #tpu.memory_space<vmem>>) offsets(%dma_start3A_85 : memref<80xi32, #tpu.memory_space<vmem>>) semaphore(%arg27 : memref<!tpu.dma_semaphore, #tpu.memory_space<semaphore_mem>>)
    %dma_start3A_89 = arith.constant 8 : i32
    %dma_start3A_90 = arith.constant 0 : i32
    %dma_start3A_91 = tpu.memref_slice %arg7[%dma_start3A_89, %dma_start3A_90] : memref<125x80xi32, #tpu.memory_space<vmem>> -> memref<1x80xi32, #tpu.memory_space<vmem>>
    %dma_start3A_92 = tpu.memref_squeeze %dma_start3A_91 : memref<1x80xi32, #tpu.memory_space<vmem>> -> memref<80xi32, #tpu.memory_space<vmem>>
    %dma_start3A_93 = arith.constant 0 : i32
    %dma_start3A_94 = arith.constant 0 : i32
    %dma_start3A_95 = tpu.memref_slice %arg2[%dma_start3A_93, %dma_start3A_94] : memref<10240x64xf32, #tpu.memory_space<hbm>> -> memref<10240x64xf32, #tpu.memory_space<hbm>>
    tpu.enqueue_indirect_dma source(%dma_start3A_95 : memref<10240x64xf32, #tpu.memory_space<hbm>>) target(%arg17 : memref<80x64xf32, #tpu.memory_space<vmem>>) offsets(%dma_start3A_92 : memref<80xi32, #tpu.memory_space<vmem>>) semaphore(%arg28 : memref<!tpu.dma_semaphore, #tpu.memory_space<semaphore_mem>>)
    %dma_start3A_96 = arith.constant 9 : i32
    %dma_start3A_97 = arith.constant 0 : i32
    %dma_start3A_98 = tpu.memref_slice %arg7[%dma_start3A_96, %dma_start3A_97] : memref<125x80xi32, #tpu.memory_space<vmem>> -> memref<1x80xi32, #tpu.memory_space<vmem>>
    %dma_start3A_99 = tpu.memref_squeeze %dma_start3A_98 : memref<1x80xi32, #tpu.memory_space<vmem>> -> memref<80xi32, #tpu.memory_space<vmem>>
    %dma_start3A_100 = arith.constant 0 : i32
    %dma_start3A_101 = arith.constant 0 : i32
    %dma_start3A_102 = tpu.memref_slice %arg2[%dma_start3A_100, %dma_start3A_101] : memref<10240x64xf32, #tpu.memory_space<hbm>> -> memref<10240x64xf32, #tpu.memory_space<hbm>>
    tpu.enqueue_indirect_dma source(%dma_start3A_102 : memref<10240x64xf32, #tpu.memory_space<hbm>>) target(%arg18 : memref<80x64xf32, #tpu.memory_space<vmem>>) offsets(%dma_start3A_99 : memref<80xi32, #tpu.memory_space<vmem>>) semaphore(%arg29 : memref<!tpu.dma_semaphore, #tpu.memory_space<semaphore_mem>>)
    %barrier3A = arith.constant 0 : index
    tpu.barrier barrier_id(%barrier3A)
    %scan3A = arith.constant 0 : i32
    %scan3A_103 = arith.constant 0 : i32
    %scan3A_104 = arith.constant 12 : i32
    %scan3A_105 = arith.addi %scan3A_103, %scan3A_104 : i32
    %scan3A_106 = arith.constant 1 : i32
    scf.for %scan3A_322 = %scan3A_103 to %scan3A_105 step %scan3A_106  : i32 {
      %mul3A_323 = arith.constant 10 : i32
      %mul3A_324 = arith.muli %scan3A_322, %mul3A_323 : i32
      %add3A_325 = arith.constant 0 : i32
      %add3A_326 = arith.addi %mul3A_324, %add3A_325 : i32
      %dma_wait3A_327 = arith.constant 0 : i32
      %dma_wait3A_328 = tpu.memref_slice %arg7[%add3A_326, %dma_wait3A_327] : memref<125x80xi32, #tpu.memory_space<vmem>> -> memref<1x80xi32, #tpu.memory_space<vmem>>
      %dma_wait3A_329 = tpu.memref_squeeze %dma_wait3A_328 : memref<1x80xi32, #tpu.memory_space<vmem>> -> memref<80xi32, #tpu.memory_space<vmem>>
      %dma_wait3A_330 = arith.constant 0 : i32
      %dma_wait3A_331 = arith.constant 0 : i32
      %dma_wait3A_332 = tpu.memref_slice %arg2[%dma_wait3A_330, %dma_wait3A_331] : memref<10240x64xf32, #tpu.memory_space<hbm>> -> memref<10240x64xf32, #tpu.memory_space<hbm>>
      tpu.wait_indirect_dma semaphore(%arg20 : memref<!tpu.dma_semaphore, #tpu.memory_space<semaphore_mem>>) src(%dma_wait3A_332 : memref<10240x64xf32, #tpu.memory_space<hbm>>) dst(%arg9 : memref<80x64xf32, #tpu.memory_space<vmem>>)
      %dma_start3A_333 = arith.constant 0 : i32
      %dma_start3A_334 = tpu.memref_slice %arg8[%add3A_326, %dma_start3A_333] : memref<125x80xi32, #tpu.memory_space<vmem>> -> memref<1x80xi32, #tpu.memory_space<vmem>>
      %dma_start3A_335 = tpu.memref_squeeze %dma_start3A_334 : memref<1x80xi32, #tpu.memory_space<vmem>> -> memref<80xi32, #tpu.memory_space<vmem>>
      %dma_start3A_336 = arith.constant 0 : i32
      %dma_start3A_337 = arith.constant 0 : i32
      %dma_start3A_338 = tpu.memref_slice %arg19[%dma_start3A_336, %dma_start3A_337] : memref<10240x64xf32, #tpu.memory_space<vmem_shared>> -> memref<10240x64xf32, #tpu.memory_space<vmem_shared>>
      tpu.enqueue_indirect_dma source(%arg9 : memref<80x64xf32, #tpu.memory_space<vmem>>) target(%dma_start3A_338 : memref<10240x64xf32, #tpu.memory_space<vmem_shared>>) offsets(%dma_start3A_335 : memref<80xi32, #tpu.memory_space<vmem>>) semaphore(%arg30 : memref<!tpu.dma_semaphore, #tpu.memory_space<semaphore_mem>>) {add = true}
      %mul3A_339 = arith.constant 10 : i32
      %mul3A_340 = arith.muli %scan3A_322, %mul3A_339 : i32
      %add3A_341 = arith.constant 1 : i32
      %add3A_342 = arith.addi %mul3A_340, %add3A_341 : i32
      %dma_wait3A_343 = arith.constant 0 : i32
      %dma_wait3A_344 = tpu.memref_slice %arg7[%add3A_342, %dma_wait3A_343] : memref<125x80xi32, #tpu.memory_space<vmem>> -> memref<1x80xi32, #tpu.memory_space<vmem>>
      %dma_wait3A_345 = tpu.memref_squeeze %dma_wait3A_344 : memref<1x80xi32, #tpu.memory_space<vmem>> -> memref<80xi32, #tpu.memory_space<vmem>>
      %dma_wait3A_346 = arith.constant 0 : i32
      %dma_wait3A_347 = arith.constant 0 : i32
      %dma_wait3A_348 = tpu.memref_slice %arg2[%dma_wait3A_346, %dma_wait3A_347] : memref<10240x64xf32, #tpu.memory_space<hbm>> -> memref<10240x64xf32, #tpu.memory_space<hbm>>
      tpu.wait_indirect_dma semaphore(%arg21 : memref<!tpu.dma_semaphore, #tpu.memory_space<semaphore_mem>>) src(%dma_wait3A_348 : memref<10240x64xf32, #tpu.memory_space<hbm>>) dst(%arg10 : memref<80x64xf32, #tpu.memory_space<vmem>>)
      %dma_start3A_349 = arith.constant 0 : i32
      %dma_start3A_350 = tpu.memref_slice %arg8[%add3A_342, %dma_start3A_349] : memref<125x80xi32, #tpu.memory_space<vmem>> -> memref<1x80xi32, #tpu.memory_space<vmem>>
      %dma_start3A_351 = tpu.memref_squeeze %dma_start3A_350 : memref<1x80xi32, #tpu.memory_space<vmem>> -> memref<80xi32, #tpu.memory_space<vmem>>
      %dma_start3A_352 = arith.constant 0 : i32
      %dma_start3A_353 = arith.constant 0 : i32
      %dma_start3A_354 = tpu.memref_slice %arg19[%dma_start3A_352, %dma_start3A_353] : memref<10240x64xf32, #tpu.memory_space<vmem_shared>> -> memref<10240x64xf32, #tpu.memory_space<vmem_shared>>
      tpu.enqueue_indirect_dma source(%arg10 : memref<80x64xf32, #tpu.memory_space<vmem>>) target(%dma_start3A_354 : memref<10240x64xf32, #tpu.memory_space<vmem_shared>>) offsets(%dma_start3A_351 : memref<80xi32, #tpu.memory_space<vmem>>) semaphore(%arg31 : memref<!tpu.dma_semaphore, #tpu.memory_space<semaphore_mem>>) {add = true}
      %mul3A_355 = arith.constant 10 : i32
      %mul3A_356 = arith.muli %scan3A_322, %mul3A_355 : i32
      %add3A_357 = arith.constant 2 : i32
      %add3A_358 = arith.addi %mul3A_356, %add3A_357 : i32
      %dma_wait3A_359 = arith.constant 0 : i32
      %dma_wait3A_360 = tpu.memref_slice %arg7[%add3A_358, %dma_wait3A_359] : memref<125x80xi32, #tpu.memory_space<vmem>> -> memref<1x80xi32, #tpu.memory_space<vmem>>
      %dma_wait3A_361 = tpu.memref_squeeze %dma_wait3A_360 : memref<1x80xi32, #tpu.memory_space<vmem>> -> memref<80xi32, #tpu.memory_space<vmem>>
      %dma_wait3A_362 = arith.constant 0 : i32
      %dma_wait3A_363 = arith.constant 0 : i32
      %dma_wait3A_364 = tpu.memref_slice %arg2[%dma_wait3A_362, %dma_wait3A_363] : memref<10240x64xf32, #tpu.memory_space<hbm>> -> memref<10240x64xf32, #tpu.memory_space<hbm>>
      tpu.wait_indirect_dma semaphore(%arg22 : memref<!tpu.dma_semaphore, #tpu.memory_space<semaphore_mem>>) src(%dma_wait3A_364 : memref<10240x64xf32, #tpu.memory_space<hbm>>) dst(%arg11 : memref<80x64xf32, #tpu.memory_space<vmem>>)
      %dma_start3A_365 = arith.constant 0 : i32
      %dma_start3A_366 = tpu.memref_slice %arg8[%add3A_358, %dma_start3A_365] : memref<125x80xi32, #tpu.memory_space<vmem>> -> memref<1x80xi32, #tpu.memory_space<vmem>>
      %dma_start3A_367 = tpu.memref_squeeze %dma_start3A_366 : memref<1x80xi32, #tpu.memory_space<vmem>> -> memref<80xi32, #tpu.memory_space<vmem>>
      %dma_start3A_368 = arith.constant 0 : i32
      %dma_start3A_369 = arith.constant 0 : i32
      %dma_start3A_370 = tpu.memref_slice %arg19[%dma_start3A_368, %dma_start3A_369] : memref<10240x64xf32, #tpu.memory_space<vmem_shared>> -> memref<10240x64xf32, #tpu.memory_space<vmem_shared>>
      tpu.enqueue_indirect_dma source(%arg11 : memref<80x64xf32, #tpu.memory_space<vmem>>) target(%dma_start3A_370 : memref<10240x64xf32, #tpu.memory_space<vmem_shared>>) offsets(%dma_start3A_367 : memref<80xi32, #tpu.memory_space<vmem>>) semaphore(%arg32 : memref<!tpu.dma_semaphore, #tpu.memory_space<semaphore_mem>>) {add = true}
      %mul3A_371 = arith.constant 10 : i32
      %mul3A_372 = arith.muli %scan3A_322, %mul3A_371 : i32
      %add3A_373 = arith.constant 3 : i32
      %add3A_374 = arith.addi %mul3A_372, %add3A_373 : i32
      %dma_wait3A_375 = arith.constant 0 : i32
      %dma_wait3A_376 = tpu.memref_slice %arg7[%add3A_374, %dma_wait3A_375] : memref<125x80xi32, #tpu.memory_space<vmem>> -> memref<1x80xi32, #tpu.memory_space<vmem>>
      %dma_wait3A_377 = tpu.memref_squeeze %dma_wait3A_376 : memref<1x80xi32, #tpu.memory_space<vmem>> -> memref<80xi32, #tpu.memory_space<vmem>>
      %dma_wait3A_378 = arith.constant 0 : i32
      %dma_wait3A_379 = arith.constant 0 : i32
      %dma_wait3A_380 = tpu.memref_slice %arg2[%dma_wait3A_378, %dma_wait3A_379] : memref<10240x64xf32, #tpu.memory_space<hbm>> -> memref<10240x64xf32, #tpu.memory_space<hbm>>
      tpu.wait_indirect_dma semaphore(%arg23 : memref<!tpu.dma_semaphore, #tpu.memory_space<semaphore_mem>>) src(%dma_wait3A_380 : memref<10240x64xf32, #tpu.memory_space<hbm>>) dst(%arg12 : memref<80x64xf32, #tpu.memory_space<vmem>>)
      %dma_start3A_381 = arith.constant 0 : i32
      %dma_start3A_382 = tpu.memref_slice %arg8[%add3A_374, %dma_start3A_381] : memref<125x80xi32, #tpu.memory_space<vmem>> -> memref<1x80xi32, #tpu.memory_space<vmem>>
      %dma_start3A_383 = tpu.memref_squeeze %dma_start3A_382 : memref<1x80xi32, #tpu.memory_space<vmem>> -> memref<80xi32, #tpu.memory_space<vmem>>
      %dma_start3A_384 = arith.constant 0 : i32
      %dma_start3A_385 = arith.constant 0 : i32
      %dma_start3A_386 = tpu.memref_slice %arg19[%dma_start3A_384, %dma_start3A_385] : memref<10240x64xf32, #tpu.memory_space<vmem_shared>> -> memref<10240x64xf32, #tpu.memory_space<vmem_shared>>
      tpu.enqueue_indirect_dma source(%arg12 : memref<80x64xf32, #tpu.memory_space<vmem>>) target(%dma_start3A_386 : memref<10240x64xf32, #tpu.memory_space<vmem_shared>>) offsets(%dma_start3A_383 : memref<80xi32, #tpu.memory_space<vmem>>) semaphore(%arg33 : memref<!tpu.dma_semaphore, #tpu.memory_space<semaphore_mem>>) {add = true}
      %mul3A_387 = arith.constant 10 : i32
      %mul3A_388 = arith.muli %scan3A_322, %mul3A_387 : i32
      %add3A_389 = arith.constant 4 : i32
      %add3A_390 = arith.addi %mul3A_388, %add3A_389 : i32
      %dma_wait3A_391 = arith.constant 0 : i32
      %dma_wait3A_392 = tpu.memref_slice %arg7[%add3A_390, %dma_wait3A_391] : memref<125x80xi32, #tpu.memory_space<vmem>> -> memref<1x80xi32, #tpu.memory_space<vmem>>
      %dma_wait3A_393 = tpu.memref_squeeze %dma_wait3A_392 : memref<1x80xi32, #tpu.memory_space<vmem>> -> memref<80xi32, #tpu.memory_space<vmem>>
      %dma_wait3A_394 = arith.constant 0 : i32
      %dma_wait3A_395 = arith.constant 0 : i32
      %dma_wait3A_396 = tpu.memref_slice %arg2[%dma_wait3A_394, %dma_wait3A_395] : memref<10240x64xf32, #tpu.memory_space<hbm>> -> memref<10240x64xf32, #tpu.memory_space<hbm>>
      tpu.wait_indirect_dma semaphore(%arg24 : memref<!tpu.dma_semaphore, #tpu.memory_space<semaphore_mem>>) src(%dma_wait3A_396 : memref<10240x64xf32, #tpu.memory_space<hbm>>) dst(%arg13 : memref<80x64xf32, #tpu.memory_space<vmem>>)
      %dma_start3A_397 = arith.constant 0 : i32
      %dma_start3A_398 = tpu.memref_slice %arg8[%add3A_390, %dma_start3A_397] : memref<125x80xi32, #tpu.memory_space<vmem>> -> memref<1x80xi32, #tpu.memory_space<vmem>>
      %dma_start3A_399 = tpu.memref_squeeze %dma_start3A_398 : memref<1x80xi32, #tpu.memory_space<vmem>> -> memref<80xi32, #tpu.memory_space<vmem>>
      %dma_start3A_400 = arith.constant 0 : i32
      %dma_start3A_401 = arith.constant 0 : i32
      %dma_start3A_402 = tpu.memref_slice %arg19[%dma_start3A_400, %dma_start3A_401] : memref<10240x64xf32, #tpu.memory_space<vmem_shared>> -> memref<10240x64xf32, #tpu.memory_space<vmem_shared>>
      tpu.enqueue_indirect_dma source(%arg13 : memref<80x64xf32, #tpu.memory_space<vmem>>) target(%dma_start3A_402 : memref<10240x64xf32, #tpu.memory_space<vmem_shared>>) offsets(%dma_start3A_399 : memref<80xi32, #tpu.memory_space<vmem>>) semaphore(%arg34 : memref<!tpu.dma_semaphore, #tpu.memory_space<semaphore_mem>>) {add = true}
      %mul3A_403 = arith.constant 10 : i32
      %mul3A_404 = arith.muli %scan3A_322, %mul3A_403 : i32
      %add3A_405 = arith.constant 5 : i32
      %add3A_406 = arith.addi %mul3A_404, %add3A_405 : i32
      %dma_wait3A_407 = arith.constant 0 : i32
      %dma_wait3A_408 = tpu.memref_slice %arg7[%add3A_406, %dma_wait3A_407] : memref<125x80xi32, #tpu.memory_space<vmem>> -> memref<1x80xi32, #tpu.memory_space<vmem>>
      %dma_wait3A_409 = tpu.memref_squeeze %dma_wait3A_408 : memref<1x80xi32, #tpu.memory_space<vmem>> -> memref<80xi32, #tpu.memory_space<vmem>>
      %dma_wait3A_410 = arith.constant 0 : i32
      %dma_wait3A_411 = arith.constant 0 : i32
      %dma_wait3A_412 = tpu.memref_slice %arg2[%dma_wait3A_410, %dma_wait3A_411] : memref<10240x64xf32, #tpu.memory_space<hbm>> -> memref<10240x64xf32, #tpu.memory_space<hbm>>
      tpu.wait_indirect_dma semaphore(%arg25 : memref<!tpu.dma_semaphore, #tpu.memory_space<semaphore_mem>>) src(%dma_wait3A_412 : memref<10240x64xf32, #tpu.memory_space<hbm>>) dst(%arg14 : memref<80x64xf32, #tpu.memory_space<vmem>>)
      %dma_start3A_413 = arith.constant 0 : i32
      %dma_start3A_414 = tpu.memref_slice %arg8[%add3A_406, %dma_start3A_413] : memref<125x80xi32, #tpu.memory_space<vmem>> -> memref<1x80xi32, #tpu.memory_space<vmem>>
      %dma_start3A_415 = tpu.memref_squeeze %dma_start3A_414 : memref<1x80xi32, #tpu.memory_space<vmem>> -> memref<80xi32, #tpu.memory_space<vmem>>
      %dma_start3A_416 = arith.constant 0 : i32
      %dma_start3A_417 = arith.constant 0 : i32
      %dma_start3A_418 = tpu.memref_slice %arg19[%dma_start3A_416, %dma_start3A_417] : memref<10240x64xf32, #tpu.memory_space<vmem_shared>> -> memref<10240x64xf32, #tpu.memory_space<vmem_shared>>
      tpu.enqueue_indirect_dma source(%arg14 : memref<80x64xf32, #tpu.memory_space<vmem>>) target(%dma_start3A_418 : memref<10240x64xf32, #tpu.memory_space<vmem_shared>>) offsets(%dma_start3A_415 : memref<80xi32, #tpu.memory_space<vmem>>) semaphore(%arg35 : memref<!tpu.dma_semaphore, #tpu.memory_space<semaphore_mem>>) {add = true}
      %mul3A_419 = arith.constant 10 : i32
      %mul3A_420 = arith.muli %scan3A_322, %mul3A_419 : i32
      %add3A_421 = arith.constant 6 : i32
      %add3A_422 = arith.addi %mul3A_420, %add3A_421 : i32
      %dma_wait3A_423 = arith.constant 0 : i32
      %dma_wait3A_424 = tpu.memref_slice %arg7[%add3A_422, %dma_wait3A_423] : memref<125x80xi32, #tpu.memory_space<vmem>> -> memref<1x80xi32, #tpu.memory_space<vmem>>
      %dma_wait3A_425 = tpu.memref_squeeze %dma_wait3A_424 : memref<1x80xi32, #tpu.memory_space<vmem>> -> memref<80xi32, #tpu.memory_space<vmem>>
      %dma_wait3A_426 = arith.constant 0 : i32
      %dma_wait3A_427 = arith.constant 0 : i32
      %dma_wait3A_428 = tpu.memref_slice %arg2[%dma_wait3A_426, %dma_wait3A_427] : memref<10240x64xf32, #tpu.memory_space<hbm>> -> memref<10240x64xf32, #tpu.memory_space<hbm>>
      tpu.wait_indirect_dma semaphore(%arg26 : memref<!tpu.dma_semaphore, #tpu.memory_space<semaphore_mem>>) src(%dma_wait3A_428 : memref<10240x64xf32, #tpu.memory_space<hbm>>) dst(%arg15 : memref<80x64xf32, #tpu.memory_space<vmem>>)
      %dma_start3A_429 = arith.constant 0 : i32
      %dma_start3A_430 = tpu.memref_slice %arg8[%add3A_422, %dma_start3A_429] : memref<125x80xi32, #tpu.memory_space<vmem>> -> memref<1x80xi32, #tpu.memory_space<vmem>>
      %dma_start3A_431 = tpu.memref_squeeze %dma_start3A_430 : memref<1x80xi32, #tpu.memory_space<vmem>> -> memref<80xi32, #tpu.memory_space<vmem>>
      %dma_start3A_432 = arith.constant 0 : i32
      %dma_start3A_433 = arith.constant 0 : i32
      %dma_start3A_434 = tpu.memref_slice %arg19[%dma_start3A_432, %dma_start3A_433] : memref<10240x64xf32, #tpu.memory_space<vmem_shared>> -> memref<10240x64xf32, #tpu.memory_space<vmem_shared>>
      tpu.enqueue_indirect_dma source(%arg15 : memref<80x64xf32, #tpu.memory_space<vmem>>) target(%dma_start3A_434 : memref<10240x64xf32, #tpu.memory_space<vmem_shared>>) offsets(%dma_start3A_431 : memref<80xi32, #tpu.memory_space<vmem>>) semaphore(%arg36 : memref<!tpu.dma_semaphore, #tpu.memory_space<semaphore_mem>>) {add = true}
      %mul3A_435 = arith.constant 10 : i32
      %mul3A_436 = arith.muli %scan3A_322, %mul3A_435 : i32
      %add3A_437 = arith.constant 7 : i32
      %add3A_438 = arith.addi %mul3A_436, %add3A_437 : i32
      %dma_wait3A_439 = arith.constant 0 : i32
      %dma_wait3A_440 = tpu.memref_slice %arg7[%add3A_438, %dma_wait3A_439] : memref<125x80xi32, #tpu.memory_space<vmem>> -> memref<1x80xi32, #tpu.memory_space<vmem>>
      %dma_wait3A_441 = tpu.memref_squeeze %dma_wait3A_440 : memref<1x80xi32, #tpu.memory_space<vmem>> -> memref<80xi32, #tpu.memory_space<vmem>>
      %dma_wait3A_442 = arith.constant 0 : i32
      %dma_wait3A_443 = arith.constant 0 : i32
      %dma_wait3A_444 = tpu.memref_slice %arg2[%dma_wait3A_442, %dma_wait3A_443] : memref<10240x64xf32, #tpu.memory_space<hbm>> -> memref<10240x64xf32, #tpu.memory_space<hbm>>
      tpu.wait_indirect_dma semaphore(%arg27 : memref<!tpu.dma_semaphore, #tpu.memory_space<semaphore_mem>>) src(%dma_wait3A_444 : memref<10240x64xf32, #tpu.memory_space<hbm>>) dst(%arg16 : memref<80x64xf32, #tpu.memory_space<vmem>>)
      %dma_start3A_445 = arith.constant 0 : i32
      %dma_start3A_446 = tpu.memref_slice %arg8[%add3A_438, %dma_start3A_445] : memref<125x80xi32, #tpu.memory_space<vmem>> -> memref<1x80xi32, #tpu.memory_space<vmem>>
      %dma_start3A_447 = tpu.memref_squeeze %dma_start3A_446 : memref<1x80xi32, #tpu.memory_space<vmem>> -> memref<80xi32, #tpu.memory_space<vmem>>
      %dma_start3A_448 = arith.constant 0 : i32
      %dma_start3A_449 = arith.constant 0 : i32
      %dma_start3A_450 = tpu.memref_slice %arg19[%dma_start3A_448, %dma_start3A_449] : memref<10240x64xf32, #tpu.memory_space<vmem_shared>> -> memref<10240x64xf32, #tpu.memory_space<vmem_shared>>
      tpu.enqueue_indirect_dma source(%arg16 : memref<80x64xf32, #tpu.memory_space<vmem>>) target(%dma_start3A_450 : memref<10240x64xf32, #tpu.memory_space<vmem_shared>>) offsets(%dma_start3A_447 : memref<80xi32, #tpu.memory_space<vmem>>) semaphore(%arg37 : memref<!tpu.dma_semaphore, #tpu.memory_space<semaphore_mem>>) {add = true}
      %mul3A_451 = arith.constant 10 : i32
      %mul3A_452 = arith.muli %scan3A_322, %mul3A_451 : i32
      %add3A_453 = arith.constant 8 : i32
      %add3A_454 = arith.addi %mul3A_452, %add3A_453 : i32
      %dma_wait3A_455 = arith.constant 0 : i32
      %dma_wait3A_456 = tpu.memref_slice %arg7[%add3A_454, %dma_wait3A_455] : memref<125x80xi32, #tpu.memory_space<vmem>> -> memref<1x80xi32, #tpu.memory_space<vmem>>
      %dma_wait3A_457 = tpu.memref_squeeze %dma_wait3A_456 : memref<1x80xi32, #tpu.memory_space<vmem>> -> memref<80xi32, #tpu.memory_space<vmem>>
      %dma_wait3A_458 = arith.constant 0 : i32
      %dma_wait3A_459 = arith.constant 0 : i32
      %dma_wait3A_460 = tpu.memref_slice %arg2[%dma_wait3A_458, %dma_wait3A_459] : memref<10240x64xf32, #tpu.memory_space<hbm>> -> memref<10240x64xf32, #tpu.memory_space<hbm>>
      tpu.wait_indirect_dma semaphore(%arg28 : memref<!tpu.dma_semaphore, #tpu.memory_space<semaphore_mem>>) src(%dma_wait3A_460 : memref<10240x64xf32, #tpu.memory_space<hbm>>) dst(%arg17 : memref<80x64xf32, #tpu.memory_space<vmem>>)
      %dma_start3A_461 = arith.constant 0 : i32
      %dma_start3A_462 = tpu.memref_slice %arg8[%add3A_454, %dma_start3A_461] : memref<125x80xi32, #tpu.memory_space<vmem>> -> memref<1x80xi32, #tpu.memory_space<vmem>>
      %dma_start3A_463 = tpu.memref_squeeze %dma_start3A_462 : memref<1x80xi32, #tpu.memory_space<vmem>> -> memref<80xi32, #tpu.memory_space<vmem>>
      %dma_start3A_464 = arith.constant 0 : i32
      %dma_start3A_465 = arith.constant 0 : i32
      %dma_start3A_466 = tpu.memref_slice %arg19[%dma_start3A_464, %dma_start3A_465] : memref<10240x64xf32, #tpu.memory_space<vmem_shared>> -> memref<10240x64xf32, #tpu.memory_space<vmem_shared>>
      tpu.enqueue_indirect_dma source(%arg17 : memref<80x64xf32, #tpu.memory_space<vmem>>) target(%dma_start3A_466 : memref<10240x64xf32, #tpu.memory_space<vmem_shared>>) offsets(%dma_start3A_463 : memref<80xi32, #tpu.memory_space<vmem>>) semaphore(%arg38 : memref<!tpu.dma_semaphore, #tpu.memory_space<semaphore_mem>>) {add = true}
      %mul3A_467 = arith.constant 10 : i32
      %mul3A_468 = arith.muli %scan3A_322, %mul3A_467 : i32
      %add3A_469 = arith.constant 9 : i32
      %add3A_470 = arith.addi %mul3A_468, %add3A_469 : i32
      %dma_wait3A_471 = arith.constant 0 : i32
      %dma_wait3A_472 = tpu.memref_slice %arg7[%add3A_470, %dma_wait3A_471] : memref<125x80xi32, #tpu.memory_space<vmem>> -> memref<1x80xi32, #tpu.memory_space<vmem>>
      %dma_wait3A_473 = tpu.memref_squeeze %dma_wait3A_472 : memref<1x80xi32, #tpu.memory_space<vmem>> -> memref<80xi32, #tpu.memory_space<vmem>>
      %dma_wait3A_474 = arith.constant 0 : i32
      %dma_wait3A_475 = arith.constant 0 : i32
      %dma_wait3A_476 = tpu.memref_slice %arg2[%dma_wait3A_474, %dma_wait3A_475] : memref<10240x64xf32, #tpu.memory_space<hbm>> -> memref<10240x64xf32, #tpu.memory_space<hbm>>
      tpu.wait_indirect_dma semaphore(%arg29 : memref<!tpu.dma_semaphore, #tpu.memory_space<semaphore_mem>>) src(%dma_wait3A_476 : memref<10240x64xf32, #tpu.memory_space<hbm>>) dst(%arg18 : memref<80x64xf32, #tpu.memory_space<vmem>>)
      %dma_start3A_477 = arith.constant 0 : i32
      %dma_start3A_478 = tpu.memref_slice %arg8[%add3A_470, %dma_start3A_477] : memref<125x80xi32, #tpu.memory_space<vmem>> -> memref<1x80xi32, #tpu.memory_space<vmem>>
      %dma_start3A_479 = tpu.memref_squeeze %dma_start3A_478 : memref<1x80xi32, #tpu.memory_space<vmem>> -> memref<80xi32, #tpu.memory_space<vmem>>
      %dma_start3A_480 = arith.constant 0 : i32
      %dma_start3A_481 = arith.constant 0 : i32
      %dma_start3A_482 = tpu.memref_slice %arg19[%dma_start3A_480, %dma_start3A_481] : memref<10240x64xf32, #tpu.memory_space<vmem_shared>> -> memref<10240x64xf32, #tpu.memory_space<vmem_shared>>
      tpu.enqueue_indirect_dma source(%arg18 : memref<80x64xf32, #tpu.memory_space<vmem>>) target(%dma_start3A_482 : memref<10240x64xf32, #tpu.memory_space<vmem_shared>>) offsets(%dma_start3A_479 : memref<80xi32, #tpu.memory_space<vmem>>) semaphore(%arg39 : memref<!tpu.dma_semaphore, #tpu.memory_space<semaphore_mem>>) {add = true}
      %add3A_483 = arith.constant 1 : i32
      %add3A_484 = arith.addi %scan3A_322, %add3A_483 : i32
      %mul3A_485 = arith.constant 10 : i32
      %mul3A_486 = arith.muli %add3A_484, %mul3A_485 : i32
      %add3A_487 = arith.constant 0 : i32
      %add3A_488 = arith.addi %mul3A_486, %add3A_487 : i32
      %dma_wait3A_489 = arith.constant 0 : i32
      %dma_wait3A_490 = arith.constant 0 : i32
      %dma_wait3A_491 = tpu.memref_slice %arg8[%dma_wait3A_489, %dma_wait3A_490] : memref<125x80xi32, #tpu.memory_space<vmem>> -> memref<1x80xi32, #tpu.memory_space<vmem>>
      %dma_wait3A_492 = tpu.memref_squeeze %dma_wait3A_491 : memref<1x80xi32, #tpu.memory_space<vmem>> -> memref<80xi32, #tpu.memory_space<vmem>>
      %dma_wait3A_493 = arith.constant 0 : i32
      %dma_wait3A_494 = arith.constant 0 : i32
      %dma_wait3A_495 = tpu.memref_slice %arg19[%dma_wait3A_493, %dma_wait3A_494] : memref<10240x64xf32, #tpu.memory_space<vmem_shared>> -> memref<10240x64xf32, #tpu.memory_space<vmem_shared>>
      tpu.wait_indirect_dma semaphore(%arg30 : memref<!tpu.dma_semaphore, #tpu.memory_space<semaphore_mem>>) src(%arg9 : memref<80x64xf32, #tpu.memory_space<vmem>>) dst(%dma_wait3A_495 : memref<10240x64xf32, #tpu.memory_space<vmem_shared>>)
      %lt3A = arith.constant 125 : i32
      %lt3A_496 = arith.cmpi slt, %add3A_488, %lt3A : i32
      %convert_element_type3A_497 = arith.extui %lt3A_496 : i1 to i32
      %cond3A_498 = arith.constant 0 : i32
      %cond3A_499 = arith.cmpi ne, %convert_element_type3A_497, %cond3A_498 : i32
      scf.if %cond3A_499 {
        %dma_start3A_662 = arith.constant 0 : i32
        %dma_start3A_663 = tpu.memref_slice %arg7[%add3A_488, %dma_start3A_662] : memref<125x80xi32, #tpu.memory_space<vmem>> -> memref<1x80xi32, #tpu.memory_space<vmem>>
        %dma_start3A_664 = tpu.memref_squeeze %dma_start3A_663 : memref<1x80xi32, #tpu.memory_space<vmem>> -> memref<80xi32, #tpu.memory_space<vmem>>
        %dma_start3A_665 = arith.constant 0 : i32
        %dma_start3A_666 = arith.constant 0 : i32
        %dma_start3A_667 = tpu.memref_slice %arg2[%dma_start3A_665, %dma_start3A_666] : memref<10240x64xf32, #tpu.memory_space<hbm>> -> memref<10240x64xf32, #tpu.memory_space<hbm>>
        tpu.enqueue_indirect_dma source(%dma_start3A_667 : memref<10240x64xf32, #tpu.memory_space<hbm>>) target(%arg9 : memref<80x64xf32, #tpu.memory_space<vmem>>) offsets(%dma_start3A_664 : memref<80xi32, #tpu.memory_space<vmem>>) semaphore(%arg20 : memref<!tpu.dma_semaphore, #tpu.memory_space<semaphore_mem>>)
      } else {
      }
      %add3A_500 = arith.constant 1 : i32
      %add3A_501 = arith.addi %scan3A_322, %add3A_500 : i32
      %mul3A_502 = arith.constant 10 : i32
      %mul3A_503 = arith.muli %add3A_501, %mul3A_502 : i32
      %add3A_504 = arith.constant 1 : i32
      %add3A_505 = arith.addi %mul3A_503, %add3A_504 : i32
      %dma_wait3A_506 = arith.constant 0 : i32
      %dma_wait3A_507 = arith.constant 0 : i32
      %dma_wait3A_508 = tpu.memref_slice %arg8[%dma_wait3A_506, %dma_wait3A_507] : memref<125x80xi32, #tpu.memory_space<vmem>> -> memref<1x80xi32, #tpu.memory_space<vmem>>
      %dma_wait3A_509 = tpu.memref_squeeze %dma_wait3A_508 : memref<1x80xi32, #tpu.memory_space<vmem>> -> memref<80xi32, #tpu.memory_space<vmem>>
      %dma_wait3A_510 = arith.constant 0 : i32
      %dma_wait3A_511 = arith.constant 0 : i32
      %dma_wait3A_512 = tpu.memref_slice %arg19[%dma_wait3A_510, %dma_wait3A_511] : memref<10240x64xf32, #tpu.memory_space<vmem_shared>> -> memref<10240x64xf32, #tpu.memory_space<vmem_shared>>
      tpu.wait_indirect_dma semaphore(%arg31 : memref<!tpu.dma_semaphore, #tpu.memory_space<semaphore_mem>>) src(%arg10 : memref<80x64xf32, #tpu.memory_space<vmem>>) dst(%dma_wait3A_512 : memref<10240x64xf32, #tpu.memory_space<vmem_shared>>)
      %lt3A_513 = arith.constant 125 : i32
      %lt3A_514 = arith.cmpi slt, %add3A_505, %lt3A_513 : i32
      %convert_element_type3A_515 = arith.extui %lt3A_514 : i1 to i32
      %cond3A_516 = arith.constant 0 : i32
      %cond3A_517 = arith.cmpi ne, %convert_element_type3A_515, %cond3A_516 : i32
      scf.if %cond3A_517 {
        %dma_start3A_662 = arith.constant 0 : i32
        %dma_start3A_663 = tpu.memref_slice %arg7[%add3A_505, %dma_start3A_662] : memref<125x80xi32, #tpu.memory_space<vmem>> -> memref<1x80xi32, #tpu.memory_space<vmem>>
        %dma_start3A_664 = tpu.memref_squeeze %dma_start3A_663 : memref<1x80xi32, #tpu.memory_space<vmem>> -> memref<80xi32, #tpu.memory_space<vmem>>
        %dma_start3A_665 = arith.constant 0 : i32
        %dma_start3A_666 = arith.constant 0 : i32
        %dma_start3A_667 = tpu.memref_slice %arg2[%dma_start3A_665, %dma_start3A_666] : memref<10240x64xf32, #tpu.memory_space<hbm>> -> memref<10240x64xf32, #tpu.memory_space<hbm>>
        tpu.enqueue_indirect_dma source(%dma_start3A_667 : memref<10240x64xf32, #tpu.memory_space<hbm>>) target(%arg10 : memref<80x64xf32, #tpu.memory_space<vmem>>) offsets(%dma_start3A_664 : memref<80xi32, #tpu.memory_space<vmem>>) semaphore(%arg21 : memref<!tpu.dma_semaphore, #tpu.memory_space<semaphore_mem>>)
      } else {
      }
      %add3A_518 = arith.constant 1 : i32
      %add3A_519 = arith.addi %scan3A_322, %add3A_518 : i32
      %mul3A_520 = arith.constant 10 : i32
      %mul3A_521 = arith.muli %add3A_519, %mul3A_520 : i32
      %add3A_522 = arith.constant 2 : i32
      %add3A_523 = arith.addi %mul3A_521, %add3A_522 : i32
      %dma_wait3A_524 = arith.constant 0 : i32
      %dma_wait3A_525 = arith.constant 0 : i32
      %dma_wait3A_526 = tpu.memref_slice %arg8[%dma_wait3A_524, %dma_wait3A_525] : memref<125x80xi32, #tpu.memory_space<vmem>> -> memref<1x80xi32, #tpu.memory_space<vmem>>
      %dma_wait3A_527 = tpu.memref_squeeze %dma_wait3A_526 : memref<1x80xi32, #tpu.memory_space<vmem>> -> memref<80xi32, #tpu.memory_space<vmem>>
      %dma_wait3A_528 = arith.constant 0 : i32
      %dma_wait3A_529 = arith.constant 0 : i32
      %dma_wait3A_530 = tpu.memref_slice %arg19[%dma_wait3A_528, %dma_wait3A_529] : memref<10240x64xf32, #tpu.memory_space<vmem_shared>> -> memref<10240x64xf32, #tpu.memory_space<vmem_shared>>
      tpu.wait_indirect_dma semaphore(%arg32 : memref<!tpu.dma_semaphore, #tpu.memory_space<semaphore_mem>>) src(%arg11 : memref<80x64xf32, #tpu.memory_space<vmem>>) dst(%dma_wait3A_530 : memref<10240x64xf32, #tpu.memory_space<vmem_shared>>)
      %lt3A_531 = arith.constant 125 : i32
      %lt3A_532 = arith.cmpi slt, %add3A_523, %lt3A_531 : i32
      %convert_element_type3A_533 = arith.extui %lt3A_532 : i1 to i32
      %cond3A_534 = arith.constant 0 : i32
      %cond3A_535 = arith.cmpi ne, %convert_element_type3A_533, %cond3A_534 : i32
      scf.if %cond3A_535 {
        %dma_start3A_662 = arith.constant 0 : i32
        %dma_start3A_663 = tpu.memref_slice %arg7[%add3A_523, %dma_start3A_662] : memref<125x80xi32, #tpu.memory_space<vmem>> -> memref<1x80xi32, #tpu.memory_space<vmem>>
        %dma_start3A_664 = tpu.memref_squeeze %dma_start3A_663 : memref<1x80xi32, #tpu.memory_space<vmem>> -> memref<80xi32, #tpu.memory_space<vmem>>
        %dma_start3A_665 = arith.constant 0 : i32
        %dma_start3A_666 = arith.constant 0 : i32
        %dma_start3A_667 = tpu.memref_slice %arg2[%dma_start3A_665, %dma_start3A_666] : memref<10240x64xf32, #tpu.memory_space<hbm>> -> memref<10240x64xf32, #tpu.memory_space<hbm>>
        tpu.enqueue_indirect_dma source(%dma_start3A_667 : memref<10240x64xf32, #tpu.memory_space<hbm>>) target(%arg11 : memref<80x64xf32, #tpu.memory_space<vmem>>) offsets(%dma_start3A_664 : memref<80xi32, #tpu.memory_space<vmem>>) semaphore(%arg22 : memref<!tpu.dma_semaphore, #tpu.memory_space<semaphore_mem>>)
      } else {
      }
      %add3A_536 = arith.constant 1 : i32
      %add3A_537 = arith.addi %scan3A_322, %add3A_536 : i32
      %mul3A_538 = arith.constant 10 : i32
      %mul3A_539 = arith.muli %add3A_537, %mul3A_538 : i32
      %add3A_540 = arith.constant 3 : i32
      %add3A_541 = arith.addi %mul3A_539, %add3A_540 : i32
      %dma_wait3A_542 = arith.constant 0 : i32
      %dma_wait3A_543 = arith.constant 0 : i32
      %dma_wait3A_544 = tpu.memref_slice %arg8[%dma_wait3A_542, %dma_wait3A_543] : memref<125x80xi32, #tpu.memory_space<vmem>> -> memref<1x80xi32, #tpu.memory_space<vmem>>
      %dma_wait3A_545 = tpu.memref_squeeze %dma_wait3A_544 : memref<1x80xi32, #tpu.memory_space<vmem>> -> memref<80xi32, #tpu.memory_space<vmem>>
      %dma_wait3A_546 = arith.constant 0 : i32
      %dma_wait3A_547 = arith.constant 0 : i32
      %dma_wait3A_548 = tpu.memref_slice %arg19[%dma_wait3A_546, %dma_wait3A_547] : memref<10240x64xf32, #tpu.memory_space<vmem_shared>> -> memref<10240x64xf32, #tpu.memory_space<vmem_shared>>
      tpu.wait_indirect_dma semaphore(%arg33 : memref<!tpu.dma_semaphore, #tpu.memory_space<semaphore_mem>>) src(%arg12 : memref<80x64xf32, #tpu.memory_space<vmem>>) dst(%dma_wait3A_548 : memref<10240x64xf32, #tpu.memory_space<vmem_shared>>)
      %lt3A_549 = arith.constant 125 : i32
      %lt3A_550 = arith.cmpi slt, %add3A_541, %lt3A_549 : i32
      %convert_element_type3A_551 = arith.extui %lt3A_550 : i1 to i32
      %cond3A_552 = arith.constant 0 : i32
      %cond3A_553 = arith.cmpi ne, %convert_element_type3A_551, %cond3A_552 : i32
      scf.if %cond3A_553 {
        %dma_start3A_662 = arith.constant 0 : i32
        %dma_start3A_663 = tpu.memref_slice %arg7[%add3A_541, %dma_start3A_662] : memref<125x80xi32, #tpu.memory_space<vmem>> -> memref<1x80xi32, #tpu.memory_space<vmem>>
        %dma_start3A_664 = tpu.memref_squeeze %dma_start3A_663 : memref<1x80xi32, #tpu.memory_space<vmem>> -> memref<80xi32, #tpu.memory_space<vmem>>
        %dma_start3A_665 = arith.constant 0 : i32
        %dma_start3A_666 = arith.constant 0 : i32
        %dma_start3A_667 = tpu.memref_slice %arg2[%dma_start3A_665, %dma_start3A_666] : memref<10240x64xf32, #tpu.memory_space<hbm>> -> memref<10240x64xf32, #tpu.memory_space<hbm>>
        tpu.enqueue_indirect_dma source(%dma_start3A_667 : memref<10240x64xf32, #tpu.memory_space<hbm>>) target(%arg12 : memref<80x64xf32, #tpu.memory_space<vmem>>) offsets(%dma_start3A_664 : memref<80xi32, #tpu.memory_space<vmem>>) semaphore(%arg23 : memref<!tpu.dma_semaphore, #tpu.memory_space<semaphore_mem>>)
      } else {
      }
      %add3A_554 = arith.constant 1 : i32
      %add3A_555 = arith.addi %scan3A_322, %add3A_554 : i32
      %mul3A_556 = arith.constant 10 : i32
      %mul3A_557 = arith.muli %add3A_555, %mul3A_556 : i32
      %add3A_558 = arith.constant 4 : i32
      %add3A_559 = arith.addi %mul3A_557, %add3A_558 : i32
      %dma_wait3A_560 = arith.constant 0 : i32
      %dma_wait3A_561 = arith.constant 0 : i32
      %dma_wait3A_562 = tpu.memref_slice %arg8[%dma_wait3A_560, %dma_wait3A_561] : memref<125x80xi32, #tpu.memory_space<vmem>> -> memref<1x80xi32, #tpu.memory_space<vmem>>
      %dma_wait3A_563 = tpu.memref_squeeze %dma_wait3A_562 : memref<1x80xi32, #tpu.memory_space<vmem>> -> memref<80xi32, #tpu.memory_space<vmem>>
      %dma_wait3A_564 = arith.constant 0 : i32
      %dma_wait3A_565 = arith.constant 0 : i32
      %dma_wait3A_566 = tpu.memref_slice %arg19[%dma_wait3A_564, %dma_wait3A_565] : memref<10240x64xf32, #tpu.memory_space<vmem_shared>> -> memref<10240x64xf32, #tpu.memory_space<vmem_shared>>
      tpu.wait_indirect_dma semaphore(%arg34 : memref<!tpu.dma_semaphore, #tpu.memory_space<semaphore_mem>>) src(%arg13 : memref<80x64xf32, #tpu.memory_space<vmem>>) dst(%dma_wait3A_566 : memref<10240x64xf32, #tpu.memory_space<vmem_shared>>)
      %lt3A_567 = arith.constant 125 : i32
      %lt3A_568 = arith.cmpi slt, %add3A_559, %lt3A_567 : i32
      %convert_element_type3A_569 = arith.extui %lt3A_568 : i1 to i32
      %cond3A_570 = arith.constant 0 : i32
      %cond3A_571 = arith.cmpi ne, %convert_element_type3A_569, %cond3A_570 : i32
      scf.if %cond3A_571 {
        %dma_start3A_662 = arith.constant 0 : i32
        %dma_start3A_663 = tpu.memref_slice %arg7[%add3A_559, %dma_start3A_662] : memref<125x80xi32, #tpu.memory_space<vmem>> -> memref<1x80xi32, #tpu.memory_space<vmem>>
        %dma_start3A_664 = tpu.memref_squeeze %dma_start3A_663 : memref<1x80xi32, #tpu.memory_space<vmem>> -> memref<80xi32, #tpu.memory_space<vmem>>
        %dma_start3A_665 = arith.constant 0 : i32
        %dma_start3A_666 = arith.constant 0 : i32
        %dma_start3A_667 = tpu.memref_slice %arg2[%dma_start3A_665, %dma_start3A_666] : memref<10240x64xf32, #tpu.memory_space<hbm>> -> memref<10240x64xf32, #tpu.memory_space<hbm>>
        tpu.enqueue_indirect_dma source(%dma_start3A_667 : memref<10240x64xf32, #tpu.memory_space<hbm>>) target(%arg13 : memref<80x64xf32, #tpu.memory_space<vmem>>) offsets(%dma_start3A_664 : memref<80xi32, #tpu.memory_space<vmem>>) semaphore(%arg24 : memref<!tpu.dma_semaphore, #tpu.memory_space<semaphore_mem>>)
      } else {
      }
      %add3A_572 = arith.constant 1 : i32
      %add3A_573 = arith.addi %scan3A_322, %add3A_572 : i32
      %mul3A_574 = arith.constant 10 : i32
      %mul3A_575 = arith.muli %add3A_573, %mul3A_574 : i32
      %add3A_576 = arith.constant 5 : i32
      %add3A_577 = arith.addi %mul3A_575, %add3A_576 : i32
      %dma_wait3A_578 = arith.constant 0 : i32
      %dma_wait3A_579 = arith.constant 0 : i32
      %dma_wait3A_580 = tpu.memref_slice %arg8[%dma_wait3A_578, %dma_wait3A_579] : memref<125x80xi32, #tpu.memory_space<vmem>> -> memref<1x80xi32, #tpu.memory_space<vmem>>
      %dma_wait3A_581 = tpu.memref_squeeze %dma_wait3A_580 : memref<1x80xi32, #tpu.memory_space<vmem>> -> memref<80xi32, #tpu.memory_space<vmem>>
      %dma_wait3A_582 = arith.constant 0 : i32
      %dma_wait3A_583 = arith.constant 0 : i32
      %dma_wait3A_584 = tpu.memref_slice %arg19[%dma_wait3A_582, %dma_wait3A_583] : memref<10240x64xf32, #tpu.memory_space<vmem_shared>> -> memref<10240x64xf32, #tpu.memory_space<vmem_shared>>
      tpu.wait_indirect_dma semaphore(%arg35 : memref<!tpu.dma_semaphore, #tpu.memory_space<semaphore_mem>>) src(%arg14 : memref<80x64xf32, #tpu.memory_space<vmem>>) dst(%dma_wait3A_584 : memref<10240x64xf32, #tpu.memory_space<vmem_shared>>)
      %lt3A_585 = arith.constant 125 : i32
      %lt3A_586 = arith.cmpi slt, %add3A_577, %lt3A_585 : i32
      %convert_element_type3A_587 = arith.extui %lt3A_586 : i1 to i32
      %cond3A_588 = arith.constant 0 : i32
      %cond3A_589 = arith.cmpi ne, %convert_element_type3A_587, %cond3A_588 : i32
      scf.if %cond3A_589 {
        %dma_start3A_662 = arith.constant 0 : i32
        %dma_start3A_663 = tpu.memref_slice %arg7[%add3A_577, %dma_start3A_662] : memref<125x80xi32, #tpu.memory_space<vmem>> -> memref<1x80xi32, #tpu.memory_space<vmem>>
        %dma_start3A_664 = tpu.memref_squeeze %dma_start3A_663 : memref<1x80xi32, #tpu.memory_space<vmem>> -> memref<80xi32, #tpu.memory_space<vmem>>
        %dma_start3A_665 = arith.constant 0 : i32
        %dma_start3A_666 = arith.constant 0 : i32
        %dma_start3A_667 = tpu.memref_slice %arg2[%dma_start3A_665, %dma_start3A_666] : memref<10240x64xf32, #tpu.memory_space<hbm>> -> memref<10240x64xf32, #tpu.memory_space<hbm>>
        tpu.enqueue_indirect_dma source(%dma_start3A_667 : memref<10240x64xf32, #tpu.memory_space<hbm>>) target(%arg14 : memref<80x64xf32, #tpu.memory_space<vmem>>) offsets(%dma_start3A_664 : memref<80xi32, #tpu.memory_space<vmem>>) semaphore(%arg25 : memref<!tpu.dma_semaphore, #tpu.memory_space<semaphore_mem>>)
      } else {
      }
      %add3A_590 = arith.constant 1 : i32
      %add3A_591 = arith.addi %scan3A_322, %add3A_590 : i32
      %mul3A_592 = arith.constant 10 : i32
      %mul3A_593 = arith.muli %add3A_591, %mul3A_592 : i32
      %add3A_594 = arith.constant 6 : i32
      %add3A_595 = arith.addi %mul3A_593, %add3A_594 : i32
      %dma_wait3A_596 = arith.constant 0 : i32
      %dma_wait3A_597 = arith.constant 0 : i32
      %dma_wait3A_598 = tpu.memref_slice %arg8[%dma_wait3A_596, %dma_wait3A_597] : memref<125x80xi32, #tpu.memory_space<vmem>> -> memref<1x80xi32, #tpu.memory_space<vmem>>
      %dma_wait3A_599 = tpu.memref_squeeze %dma_wait3A_598 : memref<1x80xi32, #tpu.memory_space<vmem>> -> memref<80xi32, #tpu.memory_space<vmem>>
      %dma_wait3A_600 = arith.constant 0 : i32
      %dma_wait3A_601 = arith.constant 0 : i32
      %dma_wait3A_602 = tpu.memref_slice %arg19[%dma_wait3A_600, %dma_wait3A_601] : memref<10240x64xf32, #tpu.memory_space<vmem_shared>> -> memref<10240x64xf32, #tpu.memory_space<vmem_shared>>
      tpu.wait_indirect_dma semaphore(%arg36 : memref<!tpu.dma_semaphore, #tpu.memory_space<semaphore_mem>>) src(%arg15 : memref<80x64xf32, #tpu.memory_space<vmem>>) dst(%dma_wait3A_602 : memref<10240x64xf32, #tpu.memory_space<vmem_shared>>)
      %lt3A_603 = arith.constant 125 : i32
      %lt3A_604 = arith.cmpi slt, %add3A_595, %lt3A_603 : i32
      %convert_element_type3A_605 = arith.extui %lt3A_604 : i1 to i32
      %cond3A_606 = arith.constant 0 : i32
      %cond3A_607 = arith.cmpi ne, %convert_element_type3A_605, %cond3A_606 : i32
      scf.if %cond3A_607 {
        %dma_start3A_662 = arith.constant 0 : i32
        %dma_start3A_663 = tpu.memref_slice %arg7[%add3A_595, %dma_start3A_662] : memref<125x80xi32, #tpu.memory_space<vmem>> -> memref<1x80xi32, #tpu.memory_space<vmem>>
        %dma_start3A_664 = tpu.memref_squeeze %dma_start3A_663 : memref<1x80xi32, #tpu.memory_space<vmem>> -> memref<80xi32, #tpu.memory_space<vmem>>
        %dma_start3A_665 = arith.constant 0 : i32
        %dma_start3A_666 = arith.constant 0 : i32
        %dma_start3A_667 = tpu.memref_slice %arg2[%dma_start3A_665, %dma_start3A_666] : memref<10240x64xf32, #tpu.memory_space<hbm>> -> memref<10240x64xf32, #tpu.memory_space<hbm>>
        tpu.enqueue_indirect_dma source(%dma_start3A_667 : memref<10240x64xf32, #tpu.memory_space<hbm>>) target(%arg15 : memref<80x64xf32, #tpu.memory_space<vmem>>) offsets(%dma_start3A_664 : memref<80xi32, #tpu.memory_space<vmem>>) semaphore(%arg26 : memref<!tpu.dma_semaphore, #tpu.memory_space<semaphore_mem>>)
      } else {
      }
      %add3A_608 = arith.constant 1 : i32
      %add3A_609 = arith.addi %scan3A_322, %add3A_608 : i32
      %mul3A_610 = arith.constant 10 : i32
      %mul3A_611 = arith.muli %add3A_609, %mul3A_610 : i32
      %add3A_612 = arith.constant 7 : i32
      %add3A_613 = arith.addi %mul3A_611, %add3A_612 : i32
      %dma_wait3A_614 = arith.constant 0 : i32
      %dma_wait3A_615 = arith.constant 0 : i32
      %dma_wait3A_616 = tpu.memref_slice %arg8[%dma_wait3A_614, %dma_wait3A_615] : memref<125x80xi32, #tpu.memory_space<vmem>> -> memref<1x80xi32, #tpu.memory_space<vmem>>
      %dma_wait3A_617 = tpu.memref_squeeze %dma_wait3A_616 : memref<1x80xi32, #tpu.memory_space<vmem>> -> memref<80xi32, #tpu.memory_space<vmem>>
      %dma_wait3A_618 = arith.constant 0 : i32
      %dma_wait3A_619 = arith.constant 0 : i32
      %dma_wait3A_620 = tpu.memref_slice %arg19[%dma_wait3A_618, %dma_wait3A_619] : memref<10240x64xf32, #tpu.memory_space<vmem_shared>> -> memref<10240x64xf32, #tpu.memory_space<vmem_shared>>
      tpu.wait_indirect_dma semaphore(%arg37 : memref<!tpu.dma_semaphore, #tpu.memory_space<semaphore_mem>>) src(%arg16 : memref<80x64xf32, #tpu.memory_space<vmem>>) dst(%dma_wait3A_620 : memref<10240x64xf32, #tpu.memory_space<vmem_shared>>)
      %lt3A_621 = arith.constant 125 : i32
      %lt3A_622 = arith.cmpi slt, %add3A_613, %lt3A_621 : i32
      %convert_element_type3A_623 = arith.extui %lt3A_622 : i1 to i32
      %cond3A_624 = arith.constant 0 : i32
      %cond3A_625 = arith.cmpi ne, %convert_element_type3A_623, %cond3A_624 : i32
      scf.if %cond3A_625 {
        %dma_start3A_662 = arith.constant 0 : i32
        %dma_start3A_663 = tpu.memref_slice %arg7[%add3A_613, %dma_start3A_662] : memref<125x80xi32, #tpu.memory_space<vmem>> -> memref<1x80xi32, #tpu.memory_space<vmem>>
        %dma_start3A_664 = tpu.memref_squeeze %dma_start3A_663 : memref<1x80xi32, #tpu.memory_space<vmem>> -> memref<80xi32, #tpu.memory_space<vmem>>
        %dma_start3A_665 = arith.constant 0 : i32
        %dma_start3A_666 = arith.constant 0 : i32
        %dma_start3A_667 = tpu.memref_slice %arg2[%dma_start3A_665, %dma_start3A_666] : memref<10240x64xf32, #tpu.memory_space<hbm>> -> memref<10240x64xf32, #tpu.memory_space<hbm>>
        tpu.enqueue_indirect_dma source(%dma_start3A_667 : memref<10240x64xf32, #tpu.memory_space<hbm>>) target(%arg16 : memref<80x64xf32, #tpu.memory_space<vmem>>) offsets(%dma_start3A_664 : memref<80xi32, #tpu.memory_space<vmem>>) semaphore(%arg27 : memref<!tpu.dma_semaphore, #tpu.memory_space<semaphore_mem>>)
      } else {
      }
      %add3A_626 = arith.constant 1 : i32
      %add3A_627 = arith.addi %scan3A_322, %add3A_626 : i32
      %mul3A_628 = arith.constant 10 : i32
      %mul3A_629 = arith.muli %add3A_627, %mul3A_628 : i32
      %add3A_630 = arith.constant 8 : i32
      %add3A_631 = arith.addi %mul3A_629, %add3A_630 : i32
      %dma_wait3A_632 = arith.constant 0 : i32
      %dma_wait3A_633 = arith.constant 0 : i32
      %dma_wait3A_634 = tpu.memref_slice %arg8[%dma_wait3A_632, %dma_wait3A_633] : memref<125x80xi32, #tpu.memory_space<vmem>> -> memref<1x80xi32, #tpu.memory_space<vmem>>
      %dma_wait3A_635 = tpu.memref_squeeze %dma_wait3A_634 : memref<1x80xi32, #tpu.memory_space<vmem>> -> memref<80xi32, #tpu.memory_space<vmem>>
      %dma_wait3A_636 = arith.constant 0 : i32
      %dma_wait3A_637 = arith.constant 0 : i32
      %dma_wait3A_638 = tpu.memref_slice %arg19[%dma_wait3A_636, %dma_wait3A_637] : memref<10240x64xf32, #tpu.memory_space<vmem_shared>> -> memref<10240x64xf32, #tpu.memory_space<vmem_shared>>
      tpu.wait_indirect_dma semaphore(%arg38 : memref<!tpu.dma_semaphore, #tpu.memory_space<semaphore_mem>>) src(%arg17 : memref<80x64xf32, #tpu.memory_space<vmem>>) dst(%dma_wait3A_638 : memref<10240x64xf32, #tpu.memory_space<vmem_shared>>)
      %lt3A_639 = arith.constant 125 : i32
      %lt3A_640 = arith.cmpi slt, %add3A_631, %lt3A_639 : i32
      %convert_element_type3A_641 = arith.extui %lt3A_640 : i1 to i32
      %cond3A_642 = arith.constant 0 : i32
      %cond3A_643 = arith.cmpi ne, %convert_element_type3A_641, %cond3A_642 : i32
      scf.if %cond3A_643 {
        %dma_start3A_662 = arith.constant 0 : i32
        %dma_start3A_663 = tpu.memref_slice %arg7[%add3A_631, %dma_start3A_662] : memref<125x80xi32, #tpu.memory_space<vmem>> -> memref<1x80xi32, #tpu.memory_space<vmem>>
        %dma_start3A_664 = tpu.memref_squeeze %dma_start3A_663 : memref<1x80xi32, #tpu.memory_space<vmem>> -> memref<80xi32, #tpu.memory_space<vmem>>
        %dma_start3A_665 = arith.constant 0 : i32
        %dma_start3A_666 = arith.constant 0 : i32
        %dma_start3A_667 = tpu.memref_slice %arg2[%dma_start3A_665, %dma_start3A_666] : memref<10240x64xf32, #tpu.memory_space<hbm>> -> memref<10240x64xf32, #tpu.memory_space<hbm>>
        tpu.enqueue_indirect_dma source(%dma_start3A_667 : memref<10240x64xf32, #tpu.memory_space<hbm>>) target(%arg17 : memref<80x64xf32, #tpu.memory_space<vmem>>) offsets(%dma_start3A_664 : memref<80xi32, #tpu.memory_space<vmem>>) semaphore(%arg28 : memref<!tpu.dma_semaphore, #tpu.memory_space<semaphore_mem>>)
      } else {
      }
      %add3A_644 = arith.constant 1 : i32
      %add3A_645 = arith.addi %scan3A_322, %add3A_644 : i32
      %mul3A_646 = arith.constant 10 : i32
      %mul3A_647 = arith.muli %add3A_645, %mul3A_646 : i32
      %add3A_648 = arith.constant 9 : i32
      %add3A_649 = arith.addi %mul3A_647, %add3A_648 : i32
      %dma_wait3A_650 = arith.constant 0 : i32
      %dma_wait3A_651 = arith.constant 0 : i32
      %dma_wait3A_652 = tpu.memref_slice %arg8[%dma_wait3A_650, %dma_wait3A_651] : memref<125x80xi32, #tpu.memory_space<vmem>> -> memref<1x80xi32, #tpu.memory_space<vmem>>
      %dma_wait3A_653 = tpu.memref_squeeze %dma_wait3A_652 : memref<1x80xi32, #tpu.memory_space<vmem>> -> memref<80xi32, #tpu.memory_space<vmem>>
      %dma_wait3A_654 = arith.constant 0 : i32
      %dma_wait3A_655 = arith.constant 0 : i32
      %dma_wait3A_656 = tpu.memref_slice %arg19[%dma_wait3A_654, %dma_wait3A_655] : memref<10240x64xf32, #tpu.memory_space<vmem_shared>> -> memref<10240x64xf32, #tpu.memory_space<vmem_shared>>
      tpu.wait_indirect_dma semaphore(%arg39 : memref<!tpu.dma_semaphore, #tpu.memory_space<semaphore_mem>>) src(%arg18 : memref<80x64xf32, #tpu.memory_space<vmem>>) dst(%dma_wait3A_656 : memref<10240x64xf32, #tpu.memory_space<vmem_shared>>)
      %lt3A_657 = arith.constant 125 : i32
      %lt3A_658 = arith.cmpi slt, %add3A_649, %lt3A_657 : i32
      %convert_element_type3A_659 = arith.extui %lt3A_658 : i1 to i32
      %cond3A_660 = arith.constant 0 : i32
      %cond3A_661 = arith.cmpi ne, %convert_element_type3A_659, %cond3A_660 : i32
      scf.if %cond3A_661 {
        %dma_start3A_662 = arith.constant 0 : i32
        %dma_start3A_663 = tpu.memref_slice %arg7[%add3A_649, %dma_start3A_662] : memref<125x80xi32, #tpu.memory_space<vmem>> -> memref<1x80xi32, #tpu.memory_space<vmem>>
        %dma_start3A_664 = tpu.memref_squeeze %dma_start3A_663 : memref<1x80xi32, #tpu.memory_space<vmem>> -> memref<80xi32, #tpu.memory_space<vmem>>
        %dma_start3A_665 = arith.constant 0 : i32
        %dma_start3A_666 = arith.constant 0 : i32
        %dma_start3A_667 = tpu.memref_slice %arg2[%dma_start3A_665, %dma_start3A_666] : memref<10240x64xf32, #tpu.memory_space<hbm>> -> memref<10240x64xf32, #tpu.memory_space<hbm>>
        tpu.enqueue_indirect_dma source(%dma_start3A_667 : memref<10240x64xf32, #tpu.memory_space<hbm>>) target(%arg18 : memref<80x64xf32, #tpu.memory_space<vmem>>) offsets(%dma_start3A_664 : memref<80xi32, #tpu.memory_space<vmem>>) semaphore(%arg29 : memref<!tpu.dma_semaphore, #tpu.memory_space<semaphore_mem>>)
      } else {
      }
    }
    %scan3A_107 = arith.constant 12 : i32
    %dma_wait3A = arith.constant 120 : i32
    %dma_wait3A_108 = arith.constant 0 : i32
    %dma_wait3A_109 = tpu.memref_slice %arg7[%dma_wait3A, %dma_wait3A_108] : memref<125x80xi32, #tpu.memory_space<vmem>> -> memref<1x80xi32, #tpu.memory_space<vmem>>
    %dma_wait3A_110 = tpu.memref_squeeze %dma_wait3A_109 : memref<1x80xi32, #tpu.memory_space<vmem>> -> memref<80xi32, #tpu.memory_space<vmem>>
    %dma_wait3A_111 = arith.constant 0 : i32
    %dma_wait3A_112 = arith.constant 0 : i32
    %dma_wait3A_113 = tpu.memref_slice %arg2[%dma_wait3A_111, %dma_wait3A_112] : memref<10240x64xf32, #tpu.memory_space<hbm>> -> memref<10240x64xf32, #tpu.memory_space<hbm>>
    tpu.wait_indirect_dma semaphore(%arg20 : memref<!tpu.dma_semaphore, #tpu.memory_space<semaphore_mem>>) src(%dma_wait3A_113 : memref<10240x64xf32, #tpu.memory_space<hbm>>) dst(%arg9 : memref<80x64xf32, #tpu.memory_space<vmem>>)
    %dma_start3A_114 = arith.constant 120 : i32
    %dma_start3A_115 = arith.constant 0 : i32
    %dma_start3A_116 = tpu.memref_slice %arg8[%dma_start3A_114, %dma_start3A_115] : memref<125x80xi32, #tpu.memory_space<vmem>> -> memref<1x80xi32, #tpu.memory_space<vmem>>
    %dma_start3A_117 = tpu.memref_squeeze %dma_start3A_116 : memref<1x80xi32, #tpu.memory_space<vmem>> -> memref<80xi32, #tpu.memory_space<vmem>>
    %dma_start3A_118 = arith.constant 0 : i32
    %dma_start3A_119 = arith.constant 0 : i32
    %dma_start3A_120 = tpu.memref_slice %arg19[%dma_start3A_118, %dma_start3A_119] : memref<10240x64xf32, #tpu.memory_space<vmem_shared>> -> memref<10240x64xf32, #tpu.memory_space<vmem_shared>>
    tpu.enqueue_indirect_dma source(%arg9 : memref<80x64xf32, #tpu.memory_space<vmem>>) target(%dma_start3A_120 : memref<10240x64xf32, #tpu.memory_space<vmem_shared>>) offsets(%dma_start3A_117 : memref<80xi32, #tpu.memory_space<vmem>>) semaphore(%arg30 : memref<!tpu.dma_semaphore, #tpu.memory_space<semaphore_mem>>) {add = true}
    %dma_wait3A_121 = arith.constant 121 : i32
    %dma_wait3A_122 = arith.constant 0 : i32
    %dma_wait3A_123 = tpu.memref_slice %arg7[%dma_wait3A_121, %dma_wait3A_122] : memref<125x80xi32, #tpu.memory_space<vmem>> -> memref<1x80xi32, #tpu.memory_space<vmem>>
    %dma_wait3A_124 = tpu.memref_squeeze %dma_wait3A_123 : memref<1x80xi32, #tpu.memory_space<vmem>> -> memref<80xi32, #tpu.memory_space<vmem>>
    %dma_wait3A_125 = arith.constant 0 : i32
    %dma_wait3A_126 = arith.constant 0 : i32
    %dma_wait3A_127 = tpu.memref_slice %arg2[%dma_wait3A_125, %dma_wait3A_126] : memref<10240x64xf32, #tpu.memory_space<hbm>> -> memref<10240x64xf32, #tpu.memory_space<hbm>>
    tpu.wait_indirect_dma semaphore(%arg21 : memref<!tpu.dma_semaphore, #tpu.memory_space<semaphore_mem>>) src(%dma_wait3A_127 : memref<10240x64xf32, #tpu.memory_space<hbm>>) dst(%arg10 : memref<80x64xf32, #tpu.memory_space<vmem>>)
    %dma_start3A_128 = arith.constant 121 : i32
    %dma_start3A_129 = arith.constant 0 : i32
    %dma_start3A_130 = tpu.memref_slice %arg8[%dma_start3A_128, %dma_start3A_129] : memref<125x80xi32, #tpu.memory_space<vmem>> -> memref<1x80xi32, #tpu.memory_space<vmem>>
    %dma_start3A_131 = tpu.memref_squeeze %dma_start3A_130 : memref<1x80xi32, #tpu.memory_space<vmem>> -> memref<80xi32, #tpu.memory_space<vmem>>
    %dma_start3A_132 = arith.constant 0 : i32
    %dma_start3A_133 = arith.constant 0 : i32
    %dma_start3A_134 = tpu.memref_slice %arg19[%dma_start3A_132, %dma_start3A_133] : memref<10240x64xf32, #tpu.memory_space<vmem_shared>> -> memref<10240x64xf32, #tpu.memory_space<vmem_shared>>
    tpu.enqueue_indirect_dma source(%arg10 : memref<80x64xf32, #tpu.memory_space<vmem>>) target(%dma_start3A_134 : memref<10240x64xf32, #tpu.memory_space<vmem_shared>>) offsets(%dma_start3A_131 : memref<80xi32, #tpu.memory_space<vmem>>) semaphore(%arg31 : memref<!tpu.dma_semaphore, #tpu.memory_space<semaphore_mem>>) {add = true}
    %dma_wait3A_135 = arith.constant 122 : i32
    %dma_wait3A_136 = arith.constant 0 : i32
    %dma_wait3A_137 = tpu.memref_slice %arg7[%dma_wait3A_135, %dma_wait3A_136] : memref<125x80xi32, #tpu.memory_space<vmem>> -> memref<1x80xi32, #tpu.memory_space<vmem>>
    %dma_wait3A_138 = tpu.memref_squeeze %dma_wait3A_137 : memref<1x80xi32, #tpu.memory_space<vmem>> -> memref<80xi32, #tpu.memory_space<vmem>>
    %dma_wait3A_139 = arith.constant 0 : i32
    %dma_wait3A_140 = arith.constant 0 : i32
    %dma_wait3A_141 = tpu.memref_slice %arg2[%dma_wait3A_139, %dma_wait3A_140] : memref<10240x64xf32, #tpu.memory_space<hbm>> -> memref<10240x64xf32, #tpu.memory_space<hbm>>
    tpu.wait_indirect_dma semaphore(%arg22 : memref<!tpu.dma_semaphore, #tpu.memory_space<semaphore_mem>>) src(%dma_wait3A_141 : memref<10240x64xf32, #tpu.memory_space<hbm>>) dst(%arg11 : memref<80x64xf32, #tpu.memory_space<vmem>>)
    %dma_start3A_142 = arith.constant 122 : i32
    %dma_start3A_143 = arith.constant 0 : i32
    %dma_start3A_144 = tpu.memref_slice %arg8[%dma_start3A_142, %dma_start3A_143] : memref<125x80xi32, #tpu.memory_space<vmem>> -> memref<1x80xi32, #tpu.memory_space<vmem>>
    %dma_start3A_145 = tpu.memref_squeeze %dma_start3A_144 : memref<1x80xi32, #tpu.memory_space<vmem>> -> memref<80xi32, #tpu.memory_space<vmem>>
    %dma_start3A_146 = arith.constant 0 : i32
    %dma_start3A_147 = arith.constant 0 : i32
    %dma_start3A_148 = tpu.memref_slice %arg19[%dma_start3A_146, %dma_start3A_147] : memref<10240x64xf32, #tpu.memory_space<vmem_shared>> -> memref<10240x64xf32, #tpu.memory_space<vmem_shared>>
    tpu.enqueue_indirect_dma source(%arg11 : memref<80x64xf32, #tpu.memory_space<vmem>>) target(%dma_start3A_148 : memref<10240x64xf32, #tpu.memory_space<vmem_shared>>) offsets(%dma_start3A_145 : memref<80xi32, #tpu.memory_space<vmem>>) semaphore(%arg32 : memref<!tpu.dma_semaphore, #tpu.memory_space<semaphore_mem>>) {add = true}
    %dma_wait3A_149 = arith.constant 123 : i32
    %dma_wait3A_150 = arith.constant 0 : i32
    %dma_wait3A_151 = tpu.memref_slice %arg7[%dma_wait3A_149, %dma_wait3A_150] : memref<125x80xi32, #tpu.memory_space<vmem>> -> memref<1x80xi32, #tpu.memory_space<vmem>>
    %dma_wait3A_152 = tpu.memref_squeeze %dma_wait3A_151 : memref<1x80xi32, #tpu.memory_space<vmem>> -> memref<80xi32, #tpu.memory_space<vmem>>
    %dma_wait3A_153 = arith.constant 0 : i32
    %dma_wait3A_154 = arith.constant 0 : i32
    %dma_wait3A_155 = tpu.memref_slice %arg2[%dma_wait3A_153, %dma_wait3A_154] : memref<10240x64xf32, #tpu.memory_space<hbm>> -> memref<10240x64xf32, #tpu.memory_space<hbm>>
    tpu.wait_indirect_dma semaphore(%arg23 : memref<!tpu.dma_semaphore, #tpu.memory_space<semaphore_mem>>) src(%dma_wait3A_155 : memref<10240x64xf32, #tpu.memory_space<hbm>>) dst(%arg12 : memref<80x64xf32, #tpu.memory_space<vmem>>)
    %dma_start3A_156 = arith.constant 123 : i32
    %dma_start3A_157 = arith.constant 0 : i32
    %dma_start3A_158 = tpu.memref_slice %arg8[%dma_start3A_156, %dma_start3A_157] : memref<125x80xi32, #tpu.memory_space<vmem>> -> memref<1x80xi32, #tpu.memory_space<vmem>>
    %dma_start3A_159 = tpu.memref_squeeze %dma_start3A_158 : memref<1x80xi32, #tpu.memory_space<vmem>> -> memref<80xi32, #tpu.memory_space<vmem>>
    %dma_start3A_160 = arith.constant 0 : i32
    %dma_start3A_161 = arith.constant 0 : i32
    %dma_start3A_162 = tpu.memref_slice %arg19[%dma_start3A_160, %dma_start3A_161] : memref<10240x64xf32, #tpu.memory_space<vmem_shared>> -> memref<10240x64xf32, #tpu.memory_space<vmem_shared>>
    tpu.enqueue_indirect_dma source(%arg12 : memref<80x64xf32, #tpu.memory_space<vmem>>) target(%dma_start3A_162 : memref<10240x64xf32, #tpu.memory_space<vmem_shared>>) offsets(%dma_start3A_159 : memref<80xi32, #tpu.memory_space<vmem>>) semaphore(%arg33 : memref<!tpu.dma_semaphore, #tpu.memory_space<semaphore_mem>>) {add = true}
    %dma_wait3A_163 = arith.constant 124 : i32
    %dma_wait3A_164 = arith.constant 0 : i32
    %dma_wait3A_165 = tpu.memref_slice %arg7[%dma_wait3A_163, %dma_wait3A_164] : memref<125x80xi32, #tpu.memory_space<vmem>> -> memref<1x80xi32, #tpu.memory_space<vmem>>
    %dma_wait3A_166 = tpu.memref_squeeze %dma_wait3A_165 : memref<1x80xi32, #tpu.memory_space<vmem>> -> memref<80xi32, #tpu.memory_space<vmem>>
    %dma_wait3A_167 = arith.constant 0 : i32
    %dma_wait3A_168 = arith.constant 0 : i32
    %dma_wait3A_169 = tpu.memref_slice %arg2[%dma_wait3A_167, %dma_wait3A_168] : memref<10240x64xf32, #tpu.memory_space<hbm>> -> memref<10240x64xf32, #tpu.memory_space<hbm>>
    tpu.wait_indirect_dma semaphore(%arg24 : memref<!tpu.dma_semaphore, #tpu.memory_space<semaphore_mem>>) src(%dma_wait3A_169 : memref<10240x64xf32, #tpu.memory_space<hbm>>) dst(%arg13 : memref<80x64xf32, #tpu.memory_space<vmem>>)
    %dma_start3A_170 = arith.constant 124 : i32
    %dma_start3A_171 = arith.constant 0 : i32
    %dma_start3A_172 = tpu.memref_slice %arg8[%dma_start3A_170, %dma_start3A_171] : memref<125x80xi32, #tpu.memory_space<vmem>> -> memref<1x80xi32, #tpu.memory_space<vmem>>
    %dma_start3A_173 = tpu.memref_squeeze %dma_start3A_172 : memref<1x80xi32, #tpu.memory_space<vmem>> -> memref<80xi32, #tpu.memory_space<vmem>>
    %dma_start3A_174 = arith.constant 0 : i32
    %dma_start3A_175 = arith.constant 0 : i32
    %dma_start3A_176 = tpu.memref_slice %arg19[%dma_start3A_174, %dma_start3A_175] : memref<10240x64xf32, #tpu.memory_space<vmem_shared>> -> memref<10240x64xf32, #tpu.memory_space<vmem_shared>>
    tpu.enqueue_indirect_dma source(%arg13 : memref<80x64xf32, #tpu.memory_space<vmem>>) target(%dma_start3A_176 : memref<10240x64xf32, #tpu.memory_space<vmem_shared>>) offsets(%dma_start3A_173 : memref<80xi32, #tpu.memory_space<vmem>>) semaphore(%arg34 : memref<!tpu.dma_semaphore, #tpu.memory_space<semaphore_mem>>) {add = true}
    %dma_wait3A_177 = arith.constant 0 : i32
    %dma_wait3A_178 = arith.constant 0 : i32
    %dma_wait3A_179 = tpu.memref_slice %arg8[%dma_wait3A_177, %dma_wait3A_178] : memref<125x80xi32, #tpu.memory_space<vmem>> -> memref<1x80xi32, #tpu.memory_space<vmem>>
    %dma_wait3A_180 = tpu.memref_squeeze %dma_wait3A_179 : memref<1x80xi32, #tpu.memory_space<vmem>> -> memref<80xi32, #tpu.memory_space<vmem>>
    %dma_wait3A_181 = arith.constant 0 : i32
    %dma_wait3A_182 = arith.constant 0 : i32
    %dma_wait3A_183 = tpu.memref_slice %arg19[%dma_wait3A_181, %dma_wait3A_182] : memref<10240x64xf32, #tpu.memory_space<vmem_shared>> -> memref<10240x64xf32, #tpu.memory_space<vmem_shared>>
    tpu.wait_indirect_dma semaphore(%arg30 : memref<!tpu.dma_semaphore, #tpu.memory_space<semaphore_mem>>) src(%arg9 : memref<80x64xf32, #tpu.memory_space<vmem>>) dst(%dma_wait3A_183 : memref<10240x64xf32, #tpu.memory_space<vmem_shared>>)
    %dma_wait3A_184 = arith.constant 0 : i32
    %dma_wait3A_185 = arith.constant 0 : i32
    %dma_wait3A_186 = tpu.memref_slice %arg8[%dma_wait3A_184, %dma_wait3A_185] : memref<125x80xi32, #tpu.memory_space<vmem>> -> memref<1x80xi32, #tpu.memory_space<vmem>>
    %dma_wait3A_187 = tpu.memref_squeeze %dma_wait3A_186 : memref<1x80xi32, #tpu.memory_space<vmem>> -> memref<80xi32, #tpu.memory_space<vmem>>
    %dma_wait3A_188 = arith.constant 0 : i32
    %dma_wait3A_189 = arith.constant 0 : i32
    %dma_wait3A_190 = tpu.memref_slice %arg19[%dma_wait3A_188, %dma_wait3A_189] : memref<10240x64xf32, #tpu.memory_space<vmem_shared>> -> memref<10240x64xf32, #tpu.memory_space<vmem_shared>>
    tpu.wait_indirect_dma semaphore(%arg31 : memref<!tpu.dma_semaphore, #tpu.memory_space<semaphore_mem>>) src(%arg10 : memref<80x64xf32, #tpu.memory_space<vmem>>) dst(%dma_wait3A_190 : memref<10240x64xf32, #tpu.memory_space<vmem_shared>>)
    %dma_wait3A_191 = arith.constant 0 : i32
    %dma_wait3A_192 = arith.constant 0 : i32
    %dma_wait3A_193 = tpu.memref_slice %arg8[%dma_wait3A_191, %dma_wait3A_192] : memref<125x80xi32, #tpu.memory_space<vmem>> -> memref<1x80xi32, #tpu.memory_space<vmem>>
    %dma_wait3A_194 = tpu.memref_squeeze %dma_wait3A_193 : memref<1x80xi32, #tpu.memory_space<vmem>> -> memref<80xi32, #tpu.memory_space<vmem>>
    %dma_wait3A_195 = arith.constant 0 : i32
    %dma_wait3A_196 = arith.constant 0 : i32
    %dma_wait3A_197 = tpu.memref_slice %arg19[%dma_wait3A_195, %dma_wait3A_196] : memref<10240x64xf32, #tpu.memory_space<vmem_shared>> -> memref<10240x64xf32, #tpu.memory_space<vmem_shared>>
    tpu.wait_indirect_dma semaphore(%arg32 : memref<!tpu.dma_semaphore, #tpu.memory_space<semaphore_mem>>) src(%arg11 : memref<80x64xf32, #tpu.memory_space<vmem>>) dst(%dma_wait3A_197 : memref<10240x64xf32, #tpu.memory_space<vmem_shared>>)
    %dma_wait3A_198 = arith.constant 0 : i32
    %dma_wait3A_199 = arith.constant 0 : i32
    %dma_wait3A_200 = tpu.memref_slice %arg8[%dma_wait3A_198, %dma_wait3A_199] : memref<125x80xi32, #tpu.memory_space<vmem>> -> memref<1x80xi32, #tpu.memory_space<vmem>>
    %dma_wait3A_201 = tpu.memref_squeeze %dma_wait3A_200 : memref<1x80xi32, #tpu.memory_space<vmem>> -> memref<80xi32, #tpu.memory_space<vmem>>
    %dma_wait3A_202 = arith.constant 0 : i32
    %dma_wait3A_203 = arith.constant 0 : i32
    %dma_wait3A_204 = tpu.memref_slice %arg19[%dma_wait3A_202, %dma_wait3A_203] : memref<10240x64xf32, #tpu.memory_space<vmem_shared>> -> memref<10240x64xf32, #tpu.memory_space<vmem_shared>>
    tpu.wait_indirect_dma semaphore(%arg33 : memref<!tpu.dma_semaphore, #tpu.memory_space<semaphore_mem>>) src(%arg12 : memref<80x64xf32, #tpu.memory_space<vmem>>) dst(%dma_wait3A_204 : memref<10240x64xf32, #tpu.memory_space<vmem_shared>>)
    %dma_wait3A_205 = arith.constant 0 : i32
    %dma_wait3A_206 = arith.constant 0 : i32
    %dma_wait3A_207 = tpu.memref_slice %arg8[%dma_wait3A_205, %dma_wait3A_206] : memref<125x80xi32, #tpu.memory_space<vmem>> -> memref<1x80xi32, #tpu.memory_space<vmem>>
    %dma_wait3A_208 = tpu.memref_squeeze %dma_wait3A_207 : memref<1x80xi32, #tpu.memory_space<vmem>> -> memref<80xi32, #tpu.memory_space<vmem>>
    %dma_wait3A_209 = arith.constant 0 : i32
    %dma_wait3A_210 = arith.constant 0 : i32
    %dma_wait3A_211 = tpu.memref_slice %arg19[%dma_wait3A_209, %dma_wait3A_210] : memref<10240x64xf32, #tpu.memory_space<vmem_shared>> -> memref<10240x64xf32, #tpu.memory_space<vmem_shared>>
    tpu.wait_indirect_dma semaphore(%arg34 : memref<!tpu.dma_semaphore, #tpu.memory_space<semaphore_mem>>) src(%arg13 : memref<80x64xf32, #tpu.memory_space<vmem>>) dst(%dma_wait3A_211 : memref<10240x64xf32, #tpu.memory_space<vmem_shared>>)
    %barrier3A_212 = arith.constant 0 : index
    tpu.barrier barrier_id(%barrier3A_212)
    %mul3A_213 = arith.constant 640 : i32
    %mul3A_214 = arith.muli %arg1, %mul3A_213 : i32
    %add3A_215 = arith.constant 0 : i32
    %add3A_216 = arith.addi %mul3A_214, %add3A_215 : i32
    "tpu.region"() ({
      %run_scoped3A_322 = tpu.sem_alloc : memref<!tpu.dma_semaphore, #tpu.memory_space<semaphore_mem>>
      %dma_start3A_323 = arith.constant 0 : i32
      %dma_start3A_324 = tpu.memref_slice %arg19[%add3A_216, %dma_start3A_323] : memref<10240x64xf32, #tpu.memory_space<vmem_shared>> -> memref<80x64xf32, #tpu.memory_space<vmem_shared>>
      %dma_start3A_325 = arith.constant 0 : i32
      %dma_start3A_326 = tpu.memref_slice %arg19[%add3A_216, %dma_start3A_325] : memref<10240x64xf32, #tpu.memory_space<vmem_shared>> -> memref<80x64xf32, #tpu.memory_space<vmem_shared>>
      tpu.enqueue_dma source(%dma_start3A_326 : memref<80x64xf32, #tpu.memory_space<vmem_shared>>) target(%arg9 : memref<80x64xf32, #tpu.memory_space<vmem>>) target_semaphore(%run_scoped3A_322 : memref<!tpu.dma_semaphore, #tpu.memory_space<semaphore_mem>>)
      %dma_wait3A_327 = arith.constant 0 : i32
      %dma_wait3A_328 = tpu.memref_slice %arg19[%add3A_216, %dma_wait3A_327] : memref<10240x64xf32, #tpu.memory_space<vmem_shared>> -> memref<80x64xf32, #tpu.memory_space<vmem_shared>>
      %dma_wait3A_329 = arith.constant 0 : i32
      %dma_wait3A_330 = tpu.memref_slice %arg19[%add3A_216, %dma_wait3A_329] : memref<10240x64xf32, #tpu.memory_space<vmem_shared>> -> memref<80x64xf32, #tpu.memory_space<vmem_shared>>
      tpu.wait_dma2 semaphore(%run_scoped3A_322 : memref<!tpu.dma_semaphore, #tpu.memory_space<semaphore_mem>>) src(%dma_wait3A_330 : memref<80x64xf32, #tpu.memory_space<vmem_shared>>) dst(%arg9 : memref<80x64xf32, #tpu.memory_space<vmem>>)
      tpu.yield
    }) : () -> ()
    %eq3A = arith.constant 0 : i32
    %eq3A_217 = arith.cmpi eq, %arg0, %eq3A : i32
    %convert_element_type3A = arith.extui %eq3A_217 : i1 to i32
    %cond3A = arith.constant 0 : i32
    %cond3A_218 = arith.cmpi ne, %convert_element_type3A, %cond3A : i32
    scf.if %cond3A_218 {
      "tpu.region"() ({
        %run_scoped3A_322 = tpu.sem_alloc : memref<!tpu.dma_semaphore, #tpu.memory_space<semaphore_mem>>
        %dma_start3A_323 = arith.constant 0 : i32
        %dma_start3A_324 = tpu.memref_slice %arg5[%add3A_216, %dma_start3A_323] : memref<10240x64xf32, #tpu.memory_space<hbm>> -> memref<80x64xf32, #tpu.memory_space<hbm>>
        %dma_start3A_325 = arith.constant 0 : i32
        %dma_start3A_326 = tpu.memref_slice %arg5[%add3A_216, %dma_start3A_325] : memref<10240x64xf32, #tpu.memory_space<hbm>> -> memref<80x64xf32, #tpu.memory_space<hbm>>
        tpu.enqueue_dma source(%arg9 : memref<80x64xf32, #tpu.memory_space<vmem>>) target(%dma_start3A_326 : memref<80x64xf32, #tpu.memory_space<hbm>>) target_semaphore(%run_scoped3A_322 : memref<!tpu.dma_semaphore, #tpu.memory_space<semaphore_mem>>)
        %dma_wait3A_327 = arith.constant 0 : i32
        %dma_wait3A_328 = tpu.memref_slice %arg5[%add3A_216, %dma_wait3A_327] : memref<10240x64xf32, #tpu.memory_space<hbm>> -> memref<80x64xf32, #tpu.memory_space<hbm>>
        %dma_wait3A_329 = arith.constant 0 : i32
        %dma_wait3A_330 = tpu.memref_slice %arg5[%add3A_216, %dma_wait3A_329] : memref<10240x64xf32, #tpu.memory_space<hbm>> -> memref<80x64xf32, #tpu.memory_space<hbm>>
        tpu.wait_dma2 semaphore(%run_scoped3A_322 : memref<!tpu.dma_semaphore, #tpu.memory_space<semaphore_mem>>) src(%arg9 : memref<80x64xf32, #tpu.memory_space<vmem>>) dst(%dma_wait3A_330 : memref<80x64xf32, #tpu.memory_space<hbm>>)
        tpu.yield
      }) : () -> ()
    } else {
    }
    %eq3A_219 = arith.constant 1 : i32
    %eq3A_220 = arith.cmpi eq, %arg0, %eq3A_219 : i32
    %convert_element_type3A_221 = arith.extui %eq3A_220 : i1 to i32
    %cond3A_222 = arith.constant 0 : i32
    %cond3A_223 = arith.cmpi ne, %convert_element_type3A_221, %cond3A_222 : i32
    scf.if %cond3A_223 {
      "tpu.region"() ({
        %run_scoped3A_322 = tpu.sem_alloc : memref<!tpu.dma_semaphore, #tpu.memory_space<semaphore_mem>>
        %dma_start3A_323 = arith.constant 0 : i32
        %dma_start3A_324 = tpu.memref_slice %arg6[%add3A_216, %dma_start3A_323] : memref<10240x64xf32, #tpu.memory_space<hbm>> -> memref<80x64xf32, #tpu.memory_space<hbm>>
        %dma_start3A_325 = arith.constant 0 : i32
        %dma_start3A_326 = tpu.memref_slice %arg6[%add3A_216, %dma_start3A_325] : memref<10240x64xf32, #tpu.memory_space<hbm>> -> memref<80x64xf32, #tpu.memory_space<hbm>>
        tpu.enqueue_dma source(%arg9 : memref<80x64xf32, #tpu.memory_space<vmem>>) target(%dma_start3A_326 : memref<80x64xf32, #tpu.memory_space<hbm>>) target_semaphore(%run_scoped3A_322 : memref<!tpu.dma_semaphore, #tpu.memory_space<semaphore_mem>>)
        %dma_wait3A_327 = arith.constant 0 : i32
        %dma_wait3A_328 = tpu.memref_slice %arg6[%add3A_216, %dma_wait3A_327] : memref<10240x64xf32, #tpu.memory_space<hbm>> -> memref<80x64xf32, #tpu.memory_space<hbm>>
        %dma_wait3A_329 = arith.constant 0 : i32
        %dma_wait3A_330 = tpu.memref_slice %arg6[%add3A_216, %dma_wait3A_329] : memref<10240x64xf32, #tpu.memory_space<hbm>> -> memref<80x64xf32, #tpu.memory_space<hbm>>
        tpu.wait_dma2 semaphore(%run_scoped3A_322 : memref<!tpu.dma_semaphore, #tpu.memory_space<semaphore_mem>>) src(%arg9 : memref<80x64xf32, #tpu.memory_space<vmem>>) dst(%dma_wait3A_330 : memref<80x64xf32, #tpu.memory_space<hbm>>)
        tpu.yield
      }) : () -> ()
    } else {
    }
    %mul3A_224 = arith.constant 640 : i32
    %mul3A_225 = arith.muli %arg1, %mul3A_224 : i32
    %add3A_226 = arith.constant 80 : i32
    %add3A_227 = arith.addi %mul3A_225, %add3A_226 : i32
    "tpu.region"() ({
      %run_scoped3A_322 = tpu.sem_alloc : memref<!tpu.dma_semaphore, #tpu.memory_space<semaphore_mem>>
      %dma_start3A_323 = arith.constant 0 : i32
      %dma_start3A_324 = tpu.memref_slice %arg19[%add3A_227, %dma_start3A_323] : memref<10240x64xf32, #tpu.memory_space<vmem_shared>> -> memref<80x64xf32, #tpu.memory_space<vmem_shared>>
      %dma_start3A_325 = arith.constant 0 : i32
      %dma_start3A_326 = tpu.memref_slice %arg19[%add3A_227, %dma_start3A_325] : memref<10240x64xf32, #tpu.memory_space<vmem_shared>> -> memref<80x64xf32, #tpu.memory_space<vmem_shared>>
      tpu.enqueue_dma source(%dma_start3A_326 : memref<80x64xf32, #tpu.memory_space<vmem_shared>>) target(%arg9 : memref<80x64xf32, #tpu.memory_space<vmem>>) target_semaphore(%run_scoped3A_322 : memref<!tpu.dma_semaphore, #tpu.memory_space<semaphore_mem>>)
      %dma_wait3A_327 = arith.constant 0 : i32
      %dma_wait3A_328 = tpu.memref_slice %arg19[%add3A_227, %dma_wait3A_327] : memref<10240x64xf32, #tpu.memory_space<vmem_shared>> -> memref<80x64xf32, #tpu.memory_space<vmem_shared>>
      %dma_wait3A_329 = arith.constant 0 : i32
      %dma_wait3A_330 = tpu.memref_slice %arg19[%add3A_227, %dma_wait3A_329] : memref<10240x64xf32, #tpu.memory_space<vmem_shared>> -> memref<80x64xf32, #tpu.memory_space<vmem_shared>>
      tpu.wait_dma2 semaphore(%run_scoped3A_322 : memref<!tpu.dma_semaphore, #tpu.memory_space<semaphore_mem>>) src(%dma_wait3A_330 : memref<80x64xf32, #tpu.memory_space<vmem_shared>>) dst(%arg9 : memref<80x64xf32, #tpu.memory_space<vmem>>)
      tpu.yield
    }) : () -> ()
    %eq3A_228 = arith.constant 0 : i32
    %eq3A_229 = arith.cmpi eq, %arg0, %eq3A_228 : i32
    %convert_element_type3A_230 = arith.extui %eq3A_229 : i1 to i32
    %cond3A_231 = arith.constant 0 : i32
    %cond3A_232 = arith.cmpi ne, %convert_element_type3A_230, %cond3A_231 : i32
    scf.if %cond3A_232 {
      "tpu.region"() ({
        %run_scoped3A_322 = tpu.sem_alloc : memref<!tpu.dma_semaphore, #tpu.memory_space<semaphore_mem>>
        %dma_start3A_323 = arith.constant 0 : i32
        %dma_start3A_324 = tpu.memref_slice %arg5[%add3A_227, %dma_start3A_323] : memref<10240x64xf32, #tpu.memory_space<hbm>> -> memref<80x64xf32, #tpu.memory_space<hbm>>
        %dma_start3A_325 = arith.constant 0 : i32
        %dma_start3A_326 = tpu.memref_slice %arg5[%add3A_227, %dma_start3A_325] : memref<10240x64xf32, #tpu.memory_space<hbm>> -> memref<80x64xf32, #tpu.memory_space<hbm>>
        tpu.enqueue_dma source(%arg9 : memref<80x64xf32, #tpu.memory_space<vmem>>) target(%dma_start3A_326 : memref<80x64xf32, #tpu.memory_space<hbm>>) target_semaphore(%run_scoped3A_322 : memref<!tpu.dma_semaphore, #tpu.memory_space<semaphore_mem>>)
        %dma_wait3A_327 = arith.constant 0 : i32
        %dma_wait3A_328 = tpu.memref_slice %arg5[%add3A_227, %dma_wait3A_327] : memref<10240x64xf32, #tpu.memory_space<hbm>> -> memref<80x64xf32, #tpu.memory_space<hbm>>
        %dma_wait3A_329 = arith.constant 0 : i32
        %dma_wait3A_330 = tpu.memref_slice %arg5[%add3A_227, %dma_wait3A_329] : memref<10240x64xf32, #tpu.memory_space<hbm>> -> memref<80x64xf32, #tpu.memory_space<hbm>>
        tpu.wait_dma2 semaphore(%run_scoped3A_322 : memref<!tpu.dma_semaphore, #tpu.memory_space<semaphore_mem>>) src(%arg9 : memref<80x64xf32, #tpu.memory_space<vmem>>) dst(%dma_wait3A_330 : memref<80x64xf32, #tpu.memory_space<hbm>>)
        tpu.yield
      }) : () -> ()
    } else {
    }
    %eq3A_233 = arith.constant 1 : i32
    %eq3A_234 = arith.cmpi eq, %arg0, %eq3A_233 : i32
    %convert_element_type3A_235 = arith.extui %eq3A_234 : i1 to i32
    %cond3A_236 = arith.constant 0 : i32
    %cond3A_237 = arith.cmpi ne, %convert_element_type3A_235, %cond3A_236 : i32
    scf.if %cond3A_237 {
      "tpu.region"() ({
        %run_scoped3A_322 = tpu.sem_alloc : memref<!tpu.dma_semaphore, #tpu.memory_space<semaphore_mem>>
        %dma_start3A_323 = arith.constant 0 : i32
        %dma_start3A_324 = tpu.memref_slice %arg6[%add3A_227, %dma_start3A_323] : memref<10240x64xf32, #tpu.memory_space<hbm>> -> memref<80x64xf32, #tpu.memory_space<hbm>>
        %dma_start3A_325 = arith.constant 0 : i32
        %dma_start3A_326 = tpu.memref_slice %arg6[%add3A_227, %dma_start3A_325] : memref<10240x64xf32, #tpu.memory_space<hbm>> -> memref<80x64xf32, #tpu.memory_space<hbm>>
        tpu.enqueue_dma source(%arg9 : memref<80x64xf32, #tpu.memory_space<vmem>>) target(%dma_start3A_326 : memref<80x64xf32, #tpu.memory_space<hbm>>) target_semaphore(%run_scoped3A_322 : memref<!tpu.dma_semaphore, #tpu.memory_space<semaphore_mem>>)
        %dma_wait3A_327 = arith.constant 0 : i32
        %dma_wait3A_328 = tpu.memref_slice %arg6[%add3A_227, %dma_wait3A_327] : memref<10240x64xf32, #tpu.memory_space<hbm>> -> memref<80x64xf32, #tpu.memory_space<hbm>>
        %dma_wait3A_329 = arith.constant 0 : i32
        %dma_wait3A_330 = tpu.memref_slice %arg6[%add3A_227, %dma_wait3A_329] : memref<10240x64xf32, #tpu.memory_space<hbm>> -> memref<80x64xf32, #tpu.memory_space<hbm>>
        tpu.wait_dma2 semaphore(%run_scoped3A_322 : memref<!tpu.dma_semaphore, #tpu.memory_space<semaphore_mem>>) src(%arg9 : memref<80x64xf32, #tpu.memory_space<vmem>>) dst(%dma_wait3A_330 : memref<80x64xf32, #tpu.memory_space<hbm>>)
        tpu.yield
      }) : () -> ()
    } else {
    }
    %mul3A_238 = arith.constant 640 : i32
    %mul3A_239 = arith.muli %arg1, %mul3A_238 : i32
    %add3A_240 = arith.constant 160 : i32
    %add3A_241 = arith.addi %mul3A_239, %add3A_240 : i32
    "tpu.region"() ({
      %run_scoped3A_322 = tpu.sem_alloc : memref<!tpu.dma_semaphore, #tpu.memory_space<semaphore_mem>>
      %dma_start3A_323 = arith.constant 0 : i32
      %dma_start3A_324 = tpu.memref_slice %arg19[%add3A_241, %dma_start3A_323] : memref<10240x64xf32, #tpu.memory_space<vmem_shared>> -> memref<80x64xf32, #tpu.memory_space<vmem_shared>>
      %dma_start3A_325 = arith.constant 0 : i32
      %dma_start3A_326 = tpu.memref_slice %arg19[%add3A_241, %dma_start3A_325] : memref<10240x64xf32, #tpu.memory_space<vmem_shared>> -> memref<80x64xf32, #tpu.memory_space<vmem_shared>>
      tpu.enqueue_dma source(%dma_start3A_326 : memref<80x64xf32, #tpu.memory_space<vmem_shared>>) target(%arg9 : memref<80x64xf32, #tpu.memory_space<vmem>>) target_semaphore(%run_scoped3A_322 : memref<!tpu.dma_semaphore, #tpu.memory_space<semaphore_mem>>)
      %dma_wait3A_327 = arith.constant 0 : i32
      %dma_wait3A_328 = tpu.memref_slice %arg19[%add3A_241, %dma_wait3A_327] : memref<10240x64xf32, #tpu.memory_space<vmem_shared>> -> memref<80x64xf32, #tpu.memory_space<vmem_shared>>
      %dma_wait3A_329 = arith.constant 0 : i32
      %dma_wait3A_330 = tpu.memref_slice %arg19[%add3A_241, %dma_wait3A_329] : memref<10240x64xf32, #tpu.memory_space<vmem_shared>> -> memref<80x64xf32, #tpu.memory_space<vmem_shared>>
      tpu.wait_dma2 semaphore(%run_scoped3A_322 : memref<!tpu.dma_semaphore, #tpu.memory_space<semaphore_mem>>) src(%dma_wait3A_330 : memref<80x64xf32, #tpu.memory_space<vmem_shared>>) dst(%arg9 : memref<80x64xf32, #tpu.memory_space<vmem>>)
      tpu.yield
    }) : () -> ()
    %eq3A_242 = arith.constant 0 : i32
    %eq3A_243 = arith.cmpi eq, %arg0, %eq3A_242 : i32
    %convert_element_type3A_244 = arith.extui %eq3A_243 : i1 to i32
    %cond3A_245 = arith.constant 0 : i32
    %cond3A_246 = arith.cmpi ne, %convert_element_type3A_244, %cond3A_245 : i32
    scf.if %cond3A_246 {
      "tpu.region"() ({
        %run_scoped3A_322 = tpu.sem_alloc : memref<!tpu.dma_semaphore, #tpu.memory_space<semaphore_mem>>
        %dma_start3A_323 = arith.constant 0 : i32
        %dma_start3A_324 = tpu.memref_slice %arg5[%add3A_241, %dma_start3A_323] : memref<10240x64xf32, #tpu.memory_space<hbm>> -> memref<80x64xf32, #tpu.memory_space<hbm>>
        %dma_start3A_325 = arith.constant 0 : i32
        %dma_start3A_326 = tpu.memref_slice %arg5[%add3A_241, %dma_start3A_325] : memref<10240x64xf32, #tpu.memory_space<hbm>> -> memref<80x64xf32, #tpu.memory_space<hbm>>
        tpu.enqueue_dma source(%arg9 : memref<80x64xf32, #tpu.memory_space<vmem>>) target(%dma_start3A_326 : memref<80x64xf32, #tpu.memory_space<hbm>>) target_semaphore(%run_scoped3A_322 : memref<!tpu.dma_semaphore, #tpu.memory_space<semaphore_mem>>)
        %dma_wait3A_327 = arith.constant 0 : i32
        %dma_wait3A_328 = tpu.memref_slice %arg5[%add3A_241, %dma_wait3A_327] : memref<10240x64xf32, #tpu.memory_space<hbm>> -> memref<80x64xf32, #tpu.memory_space<hbm>>
        %dma_wait3A_329 = arith.constant 0 : i32
        %dma_wait3A_330 = tpu.memref_slice %arg5[%add3A_241, %dma_wait3A_329] : memref<10240x64xf32, #tpu.memory_space<hbm>> -> memref<80x64xf32, #tpu.memory_space<hbm>>
        tpu.wait_dma2 semaphore(%run_scoped3A_322 : memref<!tpu.dma_semaphore, #tpu.memory_space<semaphore_mem>>) src(%arg9 : memref<80x64xf32, #tpu.memory_space<vmem>>) dst(%dma_wait3A_330 : memref<80x64xf32, #tpu.memory_space<hbm>>)
        tpu.yield
      }) : () -> ()
    } else {
    }
    %eq3A_247 = arith.constant 1 : i32
    %eq3A_248 = arith.cmpi eq, %arg0, %eq3A_247 : i32
    %convert_element_type3A_249 = arith.extui %eq3A_248 : i1 to i32
    %cond3A_250 = arith.constant 0 : i32
    %cond3A_251 = arith.cmpi ne, %convert_element_type3A_249, %cond3A_250 : i32
    scf.if %cond3A_251 {
      "tpu.region"() ({
        %run_scoped3A_322 = tpu.sem_alloc : memref<!tpu.dma_semaphore, #tpu.memory_space<semaphore_mem>>
        %dma_start3A_323 = arith.constant 0 : i32
        %dma_start3A_324 = tpu.memref_slice %arg6[%add3A_241, %dma_start3A_323] : memref<10240x64xf32, #tpu.memory_space<hbm>> -> memref<80x64xf32, #tpu.memory_space<hbm>>
        %dma_start3A_325 = arith.constant 0 : i32
        %dma_start3A_326 = tpu.memref_slice %arg6[%add3A_241, %dma_start3A_325] : memref<10240x64xf32, #tpu.memory_space<hbm>> -> memref<80x64xf32, #tpu.memory_space<hbm>>
        tpu.enqueue_dma source(%arg9 : memref<80x64xf32, #tpu.memory_space<vmem>>) target(%dma_start3A_326 : memref<80x64xf32, #tpu.memory_space<hbm>>) target_semaphore(%run_scoped3A_322 : memref<!tpu.dma_semaphore, #tpu.memory_space<semaphore_mem>>)
        %dma_wait3A_327 = arith.constant 0 : i32
        %dma_wait3A_328 = tpu.memref_slice %arg6[%add3A_241, %dma_wait3A_327] : memref<10240x64xf32, #tpu.memory_space<hbm>> -> memref<80x64xf32, #tpu.memory_space<hbm>>
        %dma_wait3A_329 = arith.constant 0 : i32
        %dma_wait3A_330 = tpu.memref_slice %arg6[%add3A_241, %dma_wait3A_329] : memref<10240x64xf32, #tpu.memory_space<hbm>> -> memref<80x64xf32, #tpu.memory_space<hbm>>
        tpu.wait_dma2 semaphore(%run_scoped3A_322 : memref<!tpu.dma_semaphore, #tpu.memory_space<semaphore_mem>>) src(%arg9 : memref<80x64xf32, #tpu.memory_space<vmem>>) dst(%dma_wait3A_330 : memref<80x64xf32, #tpu.memory_space<hbm>>)
        tpu.yield
      }) : () -> ()
    } else {
    }
    %mul3A_252 = arith.constant 640 : i32
    %mul3A_253 = arith.muli %arg1, %mul3A_252 : i32
    %add3A_254 = arith.constant 240 : i32
    %add3A_255 = arith.addi %mul3A_253, %add3A_254 : i32
    "tpu.region"() ({
      %run_scoped3A_322 = tpu.sem_alloc : memref<!tpu.dma_semaphore, #tpu.memory_space<semaphore_mem>>
      %dma_start3A_323 = arith.constant 0 : i32
      %dma_start3A_324 = tpu.memref_slice %arg19[%add3A_255, %dma_start3A_323] : memref<10240x64xf32, #tpu.memory_space<vmem_shared>> -> memref<80x64xf32, #tpu.memory_space<vmem_shared>>
      %dma_start3A_325 = arith.constant 0 : i32
      %dma_start3A_326 = tpu.memref_slice %arg19[%add3A_255, %dma_start3A_325] : memref<10240x64xf32, #tpu.memory_space<vmem_shared>> -> memref<80x64xf32, #tpu.memory_space<vmem_shared>>
      tpu.enqueue_dma source(%dma_start3A_326 : memref<80x64xf32, #tpu.memory_space<vmem_shared>>) target(%arg9 : memref<80x64xf32, #tpu.memory_space<vmem>>) target_semaphore(%run_scoped3A_322 : memref<!tpu.dma_semaphore, #tpu.memory_space<semaphore_mem>>)
      %dma_wait3A_327 = arith.constant 0 : i32
      %dma_wait3A_328 = tpu.memref_slice %arg19[%add3A_255, %dma_wait3A_327] : memref<10240x64xf32, #tpu.memory_space<vmem_shared>> -> memref<80x64xf32, #tpu.memory_space<vmem_shared>>
      %dma_wait3A_329 = arith.constant 0 : i32
      %dma_wait3A_330 = tpu.memref_slice %arg19[%add3A_255, %dma_wait3A_329] : memref<10240x64xf32, #tpu.memory_space<vmem_shared>> -> memref<80x64xf32, #tpu.memory_space<vmem_shared>>
      tpu.wait_dma2 semaphore(%run_scoped3A_322 : memref<!tpu.dma_semaphore, #tpu.memory_space<semaphore_mem>>) src(%dma_wait3A_330 : memref<80x64xf32, #tpu.memory_space<vmem_shared>>) dst(%arg9 : memref<80x64xf32, #tpu.memory_space<vmem>>)
      tpu.yield
    }) : () -> ()
    %eq3A_256 = arith.constant 0 : i32
    %eq3A_257 = arith.cmpi eq, %arg0, %eq3A_256 : i32
    %convert_element_type3A_258 = arith.extui %eq3A_257 : i1 to i32
    %cond3A_259 = arith.constant 0 : i32
    %cond3A_260 = arith.cmpi ne, %convert_element_type3A_258, %cond3A_259 : i32
    scf.if %cond3A_260 {
      "tpu.region"() ({
        %run_scoped3A_322 = tpu.sem_alloc : memref<!tpu.dma_semaphore, #tpu.memory_space<semaphore_mem>>
        %dma_start3A_323 = arith.constant 0 : i32
        %dma_start3A_324 = tpu.memref_slice %arg5[%add3A_255, %dma_start3A_323] : memref<10240x64xf32, #tpu.memory_space<hbm>> -> memref<80x64xf32, #tpu.memory_space<hbm>>
        %dma_start3A_325 = arith.constant 0 : i32
        %dma_start3A_326 = tpu.memref_slice %arg5[%add3A_255, %dma_start3A_325] : memref<10240x64xf32, #tpu.memory_space<hbm>> -> memref<80x64xf32, #tpu.memory_space<hbm>>
        tpu.enqueue_dma source(%arg9 : memref<80x64xf32, #tpu.memory_space<vmem>>) target(%dma_start3A_326 : memref<80x64xf32, #tpu.memory_space<hbm>>) target_semaphore(%run_scoped3A_322 : memref<!tpu.dma_semaphore, #tpu.memory_space<semaphore_mem>>)
        %dma_wait3A_327 = arith.constant 0 : i32
        %dma_wait3A_328 = tpu.memref_slice %arg5[%add3A_255, %dma_wait3A_327] : memref<10240x64xf32, #tpu.memory_space<hbm>> -> memref<80x64xf32, #tpu.memory_space<hbm>>
        %dma_wait3A_329 = arith.constant 0 : i32
        %dma_wait3A_330 = tpu.memref_slice %arg5[%add3A_255, %dma_wait3A_329] : memref<10240x64xf32, #tpu.memory_space<hbm>> -> memref<80x64xf32, #tpu.memory_space<hbm>>
        tpu.wait_dma2 semaphore(%run_scoped3A_322 : memref<!tpu.dma_semaphore, #tpu.memory_space<semaphore_mem>>) src(%arg9 : memref<80x64xf32, #tpu.memory_space<vmem>>) dst(%dma_wait3A_330 : memref<80x64xf32, #tpu.memory_space<hbm>>)
        tpu.yield
      }) : () -> ()
    } else {
    }
    %eq3A_261 = arith.constant 1 : i32
    %eq3A_262 = arith.cmpi eq, %arg0, %eq3A_261 : i32
    %convert_element_type3A_263 = arith.extui %eq3A_262 : i1 to i32
    %cond3A_264 = arith.constant 0 : i32
    %cond3A_265 = arith.cmpi ne, %convert_element_type3A_263, %cond3A_264 : i32
    scf.if %cond3A_265 {
      "tpu.region"() ({
        %run_scoped3A_322 = tpu.sem_alloc : memref<!tpu.dma_semaphore, #tpu.memory_space<semaphore_mem>>
        %dma_start3A_323 = arith.constant 0 : i32
        %dma_start3A_324 = tpu.memref_slice %arg6[%add3A_255, %dma_start3A_323] : memref<10240x64xf32, #tpu.memory_space<hbm>> -> memref<80x64xf32, #tpu.memory_space<hbm>>
        %dma_start3A_325 = arith.constant 0 : i32
        %dma_start3A_326 = tpu.memref_slice %arg6[%add3A_255, %dma_start3A_325] : memref<10240x64xf32, #tpu.memory_space<hbm>> -> memref<80x64xf32, #tpu.memory_space<hbm>>
        tpu.enqueue_dma source(%arg9 : memref<80x64xf32, #tpu.memory_space<vmem>>) target(%dma_start3A_326 : memref<80x64xf32, #tpu.memory_space<hbm>>) target_semaphore(%run_scoped3A_322 : memref<!tpu.dma_semaphore, #tpu.memory_space<semaphore_mem>>)
        %dma_wait3A_327 = arith.constant 0 : i32
        %dma_wait3A_328 = tpu.memref_slice %arg6[%add3A_255, %dma_wait3A_327] : memref<10240x64xf32, #tpu.memory_space<hbm>> -> memref<80x64xf32, #tpu.memory_space<hbm>>
        %dma_wait3A_329 = arith.constant 0 : i32
        %dma_wait3A_330 = tpu.memref_slice %arg6[%add3A_255, %dma_wait3A_329] : memref<10240x64xf32, #tpu.memory_space<hbm>> -> memref<80x64xf32, #tpu.memory_space<hbm>>
        tpu.wait_dma2 semaphore(%run_scoped3A_322 : memref<!tpu.dma_semaphore, #tpu.memory_space<semaphore_mem>>) src(%arg9 : memref<80x64xf32, #tpu.memory_space<vmem>>) dst(%dma_wait3A_330 : memref<80x64xf32, #tpu.memory_space<hbm>>)
        tpu.yield
      }) : () -> ()
    } else {
    }
    %mul3A_266 = arith.constant 640 : i32
    %mul3A_267 = arith.muli %arg1, %mul3A_266 : i32
    %add3A_268 = arith.constant 320 : i32
    %add3A_269 = arith.addi %mul3A_267, %add3A_268 : i32
    "tpu.region"() ({
      %run_scoped3A_322 = tpu.sem_alloc : memref<!tpu.dma_semaphore, #tpu.memory_space<semaphore_mem>>
      %dma_start3A_323 = arith.constant 0 : i32
      %dma_start3A_324 = tpu.memref_slice %arg19[%add3A_269, %dma_start3A_323] : memref<10240x64xf32, #tpu.memory_space<vmem_shared>> -> memref<80x64xf32, #tpu.memory_space<vmem_shared>>
      %dma_start3A_325 = arith.constant 0 : i32
      %dma_start3A_326 = tpu.memref_slice %arg19[%add3A_269, %dma_start3A_325] : memref<10240x64xf32, #tpu.memory_space<vmem_shared>> -> memref<80x64xf32, #tpu.memory_space<vmem_shared>>
      tpu.enqueue_dma source(%dma_start3A_326 : memref<80x64xf32, #tpu.memory_space<vmem_shared>>) target(%arg9 : memref<80x64xf32, #tpu.memory_space<vmem>>) target_semaphore(%run_scoped3A_322 : memref<!tpu.dma_semaphore, #tpu.memory_space<semaphore_mem>>)
      %dma_wait3A_327 = arith.constant 0 : i32
      %dma_wait3A_328 = tpu.memref_slice %arg19[%add3A_269, %dma_wait3A_327] : memref<10240x64xf32, #tpu.memory_space<vmem_shared>> -> memref<80x64xf32, #tpu.memory_space<vmem_shared>>
      %dma_wait3A_329 = arith.constant 0 : i32
      %dma_wait3A_330 = tpu.memref_slice %arg19[%add3A_269, %dma_wait3A_329] : memref<10240x64xf32, #tpu.memory_space<vmem_shared>> -> memref<80x64xf32, #tpu.memory_space<vmem_shared>>
      tpu.wait_dma2 semaphore(%run_scoped3A_322 : memref<!tpu.dma_semaphore, #tpu.memory_space<semaphore_mem>>) src(%dma_wait3A_330 : memref<80x64xf32, #tpu.memory_space<vmem_shared>>) dst(%arg9 : memref<80x64xf32, #tpu.memory_space<vmem>>)
      tpu.yield
    }) : () -> ()
    %eq3A_270 = arith.constant 0 : i32
    %eq3A_271 = arith.cmpi eq, %arg0, %eq3A_270 : i32
    %convert_element_type3A_272 = arith.extui %eq3A_271 : i1 to i32
    %cond3A_273 = arith.constant 0 : i32
    %cond3A_274 = arith.cmpi ne, %convert_element_type3A_272, %cond3A_273 : i32
    scf.if %cond3A_274 {
      "tpu.region"() ({
        %run_scoped3A_322 = tpu.sem_alloc : memref<!tpu.dma_semaphore, #tpu.memory_space<semaphore_mem>>
        %dma_start3A_323 = arith.constant 0 : i32
        %dma_start3A_324 = tpu.memref_slice %arg5[%add3A_269, %dma_start3A_323] : memref<10240x64xf32, #tpu.memory_space<hbm>> -> memref<80x64xf32, #tpu.memory_space<hbm>>
        %dma_start3A_325 = arith.constant 0 : i32
        %dma_start3A_326 = tpu.memref_slice %arg5[%add3A_269, %dma_start3A_325] : memref<10240x64xf32, #tpu.memory_space<hbm>> -> memref<80x64xf32, #tpu.memory_space<hbm>>
        tpu.enqueue_dma source(%arg9 : memref<80x64xf32, #tpu.memory_space<vmem>>) target(%dma_start3A_326 : memref<80x64xf32, #tpu.memory_space<hbm>>) target_semaphore(%run_scoped3A_322 : memref<!tpu.dma_semaphore, #tpu.memory_space<semaphore_mem>>)
        %dma_wait3A_327 = arith.constant 0 : i32
        %dma_wait3A_328 = tpu.memref_slice %arg5[%add3A_269, %dma_wait3A_327] : memref<10240x64xf32, #tpu.memory_space<hbm>> -> memref<80x64xf32, #tpu.memory_space<hbm>>
        %dma_wait3A_329 = arith.constant 0 : i32
        %dma_wait3A_330 = tpu.memref_slice %arg5[%add3A_269, %dma_wait3A_329] : memref<10240x64xf32, #tpu.memory_space<hbm>> -> memref<80x64xf32, #tpu.memory_space<hbm>>
        tpu.wait_dma2 semaphore(%run_scoped3A_322 : memref<!tpu.dma_semaphore, #tpu.memory_space<semaphore_mem>>) src(%arg9 : memref<80x64xf32, #tpu.memory_space<vmem>>) dst(%dma_wait3A_330 : memref<80x64xf32, #tpu.memory_space<hbm>>)
        tpu.yield
      }) : () -> ()
    } else {
    }
    %eq3A_275 = arith.constant 1 : i32
    %eq3A_276 = arith.cmpi eq, %arg0, %eq3A_275 : i32
    %convert_element_type3A_277 = arith.extui %eq3A_276 : i1 to i32
    %cond3A_278 = arith.constant 0 : i32
    %cond3A_279 = arith.cmpi ne, %convert_element_type3A_277, %cond3A_278 : i32
    scf.if %cond3A_279 {
      "tpu.region"() ({
        %run_scoped3A_322 = tpu.sem_alloc : memref<!tpu.dma_semaphore, #tpu.memory_space<semaphore_mem>>
        %dma_start3A_323 = arith.constant 0 : i32
        %dma_start3A_324 = tpu.memref_slice %arg6[%add3A_269, %dma_start3A_323] : memref<10240x64xf32, #tpu.memory_space<hbm>> -> memref<80x64xf32, #tpu.memory_space<hbm>>
        %dma_start3A_325 = arith.constant 0 : i32
        %dma_start3A_326 = tpu.memref_slice %arg6[%add3A_269, %dma_start3A_325] : memref<10240x64xf32, #tpu.memory_space<hbm>> -> memref<80x64xf32, #tpu.memory_space<hbm>>
        tpu.enqueue_dma source(%arg9 : memref<80x64xf32, #tpu.memory_space<vmem>>) target(%dma_start3A_326 : memref<80x64xf32, #tpu.memory_space<hbm>>) target_semaphore(%run_scoped3A_322 : memref<!tpu.dma_semaphore, #tpu.memory_space<semaphore_mem>>)
        %dma_wait3A_327 = arith.constant 0 : i32
        %dma_wait3A_328 = tpu.memref_slice %arg6[%add3A_269, %dma_wait3A_327] : memref<10240x64xf32, #tpu.memory_space<hbm>> -> memref<80x64xf32, #tpu.memory_space<hbm>>
        %dma_wait3A_329 = arith.constant 0 : i32
        %dma_wait3A_330 = tpu.memref_slice %arg6[%add3A_269, %dma_wait3A_329] : memref<10240x64xf32, #tpu.memory_space<hbm>> -> memref<80x64xf32, #tpu.memory_space<hbm>>
        tpu.wait_dma2 semaphore(%run_scoped3A_322 : memref<!tpu.dma_semaphore, #tpu.memory_space<semaphore_mem>>) src(%arg9 : memref<80x64xf32, #tpu.memory_space<vmem>>) dst(%dma_wait3A_330 : memref<80x64xf32, #tpu.memory_space<hbm>>)
        tpu.yield
      }) : () -> ()
    } else {
    }
    %mul3A_280 = arith.constant 640 : i32
    %mul3A_281 = arith.muli %arg1, %mul3A_280 : i32
    %add3A_282 = arith.constant 400 : i32
    %add3A_283 = arith.addi %mul3A_281, %add3A_282 : i32
    "tpu.region"() ({
      %run_scoped3A_322 = tpu.sem_alloc : memref<!tpu.dma_semaphore, #tpu.memory_space<semaphore_mem>>
      %dma_start3A_323 = arith.constant 0 : i32
      %dma_start3A_324 = tpu.memref_slice %arg19[%add3A_283, %dma_start3A_323] : memref<10240x64xf32, #tpu.memory_space<vmem_shared>> -> memref<80x64xf32, #tpu.memory_space<vmem_shared>>
      %dma_start3A_325 = arith.constant 0 : i32
      %dma_start3A_326 = tpu.memref_slice %arg19[%add3A_283, %dma_start3A_325] : memref<10240x64xf32, #tpu.memory_space<vmem_shared>> -> memref<80x64xf32, #tpu.memory_space<vmem_shared>>
      tpu.enqueue_dma source(%dma_start3A_326 : memref<80x64xf32, #tpu.memory_space<vmem_shared>>) target(%arg9 : memref<80x64xf32, #tpu.memory_space<vmem>>) target_semaphore(%run_scoped3A_322 : memref<!tpu.dma_semaphore, #tpu.memory_space<semaphore_mem>>)
      %dma_wait3A_327 = arith.constant 0 : i32
      %dma_wait3A_328 = tpu.memref_slice %arg19[%add3A_283, %dma_wait3A_327] : memref<10240x64xf32, #tpu.memory_space<vmem_shared>> -> memref<80x64xf32, #tpu.memory_space<vmem_shared>>
      %dma_wait3A_329 = arith.constant 0 : i32
      %dma_wait3A_330 = tpu.memref_slice %arg19[%add3A_283, %dma_wait3A_329] : memref<10240x64xf32, #tpu.memory_space<vmem_shared>> -> memref<80x64xf32, #tpu.memory_space<vmem_shared>>
      tpu.wait_dma2 semaphore(%run_scoped3A_322 : memref<!tpu.dma_semaphore, #tpu.memory_space<semaphore_mem>>) src(%dma_wait3A_330 : memref<80x64xf32, #tpu.memory_space<vmem_shared>>) dst(%arg9 : memref<80x64xf32, #tpu.memory_space<vmem>>)
      tpu.yield
    }) : () -> ()
    %eq3A_284 = arith.constant 0 : i32
    %eq3A_285 = arith.cmpi eq, %arg0, %eq3A_284 : i32
    %convert_element_type3A_286 = arith.extui %eq3A_285 : i1 to i32
    %cond3A_287 = arith.constant 0 : i32
    %cond3A_288 = arith.cmpi ne, %convert_element_type3A_286, %cond3A_287 : i32
    scf.if %cond3A_288 {
      "tpu.region"() ({
        %run_scoped3A_322 = tpu.sem_alloc : memref<!tpu.dma_semaphore, #tpu.memory_space<semaphore_mem>>
        %dma_start3A_323 = arith.constant 0 : i32
        %dma_start3A_324 = tpu.memref_slice %arg5[%add3A_283, %dma_start3A_323] : memref<10240x64xf32, #tpu.memory_space<hbm>> -> memref<80x64xf32, #tpu.memory_space<hbm>>
        %dma_start3A_325 = arith.constant 0 : i32
        %dma_start3A_326 = tpu.memref_slice %arg5[%add3A_283, %dma_start3A_325] : memref<10240x64xf32, #tpu.memory_space<hbm>> -> memref<80x64xf32, #tpu.memory_space<hbm>>
        tpu.enqueue_dma source(%arg9 : memref<80x64xf32, #tpu.memory_space<vmem>>) target(%dma_start3A_326 : memref<80x64xf32, #tpu.memory_space<hbm>>) target_semaphore(%run_scoped3A_322 : memref<!tpu.dma_semaphore, #tpu.memory_space<semaphore_mem>>)
        %dma_wait3A_327 = arith.constant 0 : i32
        %dma_wait3A_328 = tpu.memref_slice %arg5[%add3A_283, %dma_wait3A_327] : memref<10240x64xf32, #tpu.memory_space<hbm>> -> memref<80x64xf32, #tpu.memory_space<hbm>>
        %dma_wait3A_329 = arith.constant 0 : i32
        %dma_wait3A_330 = tpu.memref_slice %arg5[%add3A_283, %dma_wait3A_329] : memref<10240x64xf32, #tpu.memory_space<hbm>> -> memref<80x64xf32, #tpu.memory_space<hbm>>
        tpu.wait_dma2 semaphore(%run_scoped3A_322 : memref<!tpu.dma_semaphore, #tpu.memory_space<semaphore_mem>>) src(%arg9 : memref<80x64xf32, #tpu.memory_space<vmem>>) dst(%dma_wait3A_330 : memref<80x64xf32, #tpu.memory_space<hbm>>)
        tpu.yield
      }) : () -> ()
    } else {
    }
    %eq3A_289 = arith.constant 1 : i32
    %eq3A_290 = arith.cmpi eq, %arg0, %eq3A_289 : i32
    %convert_element_type3A_291 = arith.extui %eq3A_290 : i1 to i32
    %cond3A_292 = arith.constant 0 : i32
    %cond3A_293 = arith.cmpi ne, %convert_element_type3A_291, %cond3A_292 : i32
    scf.if %cond3A_293 {
      "tpu.region"() ({
        %run_scoped3A_322 = tpu.sem_alloc : memref<!tpu.dma_semaphore, #tpu.memory_space<semaphore_mem>>
        %dma_start3A_323 = arith.constant 0 : i32
        %dma_start3A_324 = tpu.memref_slice %arg6[%add3A_283, %dma_start3A_323] : memref<10240x64xf32, #tpu.memory_space<hbm>> -> memref<80x64xf32, #tpu.memory_space<hbm>>
        %dma_start3A_325 = arith.constant 0 : i32
        %dma_start3A_326 = tpu.memref_slice %arg6[%add3A_283, %dma_start3A_325] : memref<10240x64xf32, #tpu.memory_space<hbm>> -> memref<80x64xf32, #tpu.memory_space<hbm>>
        tpu.enqueue_dma source(%arg9 : memref<80x64xf32, #tpu.memory_space<vmem>>) target(%dma_start3A_326 : memref<80x64xf32, #tpu.memory_space<hbm>>) target_semaphore(%run_scoped3A_322 : memref<!tpu.dma_semaphore, #tpu.memory_space<semaphore_mem>>)
        %dma_wait3A_327 = arith.constant 0 : i32
        %dma_wait3A_328 = tpu.memref_slice %arg6[%add3A_283, %dma_wait3A_327] : memref<10240x64xf32, #tpu.memory_space<hbm>> -> memref<80x64xf32, #tpu.memory_space<hbm>>
        %dma_wait3A_329 = arith.constant 0 : i32
        %dma_wait3A_330 = tpu.memref_slice %arg6[%add3A_283, %dma_wait3A_329] : memref<10240x64xf32, #tpu.memory_space<hbm>> -> memref<80x64xf32, #tpu.memory_space<hbm>>
        tpu.wait_dma2 semaphore(%run_scoped3A_322 : memref<!tpu.dma_semaphore, #tpu.memory_space<semaphore_mem>>) src(%arg9 : memref<80x64xf32, #tpu.memory_space<vmem>>) dst(%dma_wait3A_330 : memref<80x64xf32, #tpu.memory_space<hbm>>)
        tpu.yield
      }) : () -> ()
    } else {
    }
    %mul3A_294 = arith.constant 640 : i32
    %mul3A_295 = arith.muli %arg1, %mul3A_294 : i32
    %add3A_296 = arith.constant 480 : i32
    %add3A_297 = arith.addi %mul3A_295, %add3A_296 : i32
    "tpu.region"() ({
      %run_scoped3A_322 = tpu.sem_alloc : memref<!tpu.dma_semaphore, #tpu.memory_space<semaphore_mem>>
      %dma_start3A_323 = arith.constant 0 : i32
      %dma_start3A_324 = tpu.memref_slice %arg19[%add3A_297, %dma_start3A_323] : memref<10240x64xf32, #tpu.memory_space<vmem_shared>> -> memref<80x64xf32, #tpu.memory_space<vmem_shared>>
      %dma_start3A_325 = arith.constant 0 : i32
      %dma_start3A_326 = tpu.memref_slice %arg19[%add3A_297, %dma_start3A_325] : memref<10240x64xf32, #tpu.memory_space<vmem_shared>> -> memref<80x64xf32, #tpu.memory_space<vmem_shared>>
      tpu.enqueue_dma source(%dma_start3A_326 : memref<80x64xf32, #tpu.memory_space<vmem_shared>>) target(%arg9 : memref<80x64xf32, #tpu.memory_space<vmem>>) target_semaphore(%run_scoped3A_322 : memref<!tpu.dma_semaphore, #tpu.memory_space<semaphore_mem>>)
      %dma_wait3A_327 = arith.constant 0 : i32
      %dma_wait3A_328 = tpu.memref_slice %arg19[%add3A_297, %dma_wait3A_327] : memref<10240x64xf32, #tpu.memory_space<vmem_shared>> -> memref<80x64xf32, #tpu.memory_space<vmem_shared>>
      %dma_wait3A_329 = arith.constant 0 : i32
      %dma_wait3A_330 = tpu.memref_slice %arg19[%add3A_297, %dma_wait3A_329] : memref<10240x64xf32, #tpu.memory_space<vmem_shared>> -> memref<80x64xf32, #tpu.memory_space<vmem_shared>>
      tpu.wait_dma2 semaphore(%run_scoped3A_322 : memref<!tpu.dma_semaphore, #tpu.memory_space<semaphore_mem>>) src(%dma_wait3A_330 : memref<80x64xf32, #tpu.memory_space<vmem_shared>>) dst(%arg9 : memref<80x64xf32, #tpu.memory_space<vmem>>)
      tpu.yield
    }) : () -> ()
    %eq3A_298 = arith.constant 0 : i32
    %eq3A_299 = arith.cmpi eq, %arg0, %eq3A_298 : i32
    %convert_element_type3A_300 = arith.extui %eq3A_299 : i1 to i32
    %cond3A_301 = arith.constant 0 : i32
    %cond3A_302 = arith.cmpi ne, %convert_element_type3A_300, %cond3A_301 : i32
    scf.if %cond3A_302 {
      "tpu.region"() ({
        %run_scoped3A_322 = tpu.sem_alloc : memref<!tpu.dma_semaphore, #tpu.memory_space<semaphore_mem>>
        %dma_start3A_323 = arith.constant 0 : i32
        %dma_start3A_324 = tpu.memref_slice %arg5[%add3A_297, %dma_start3A_323] : memref<10240x64xf32, #tpu.memory_space<hbm>> -> memref<80x64xf32, #tpu.memory_space<hbm>>
        %dma_start3A_325 = arith.constant 0 : i32
        %dma_start3A_326 = tpu.memref_slice %arg5[%add3A_297, %dma_start3A_325] : memref<10240x64xf32, #tpu.memory_space<hbm>> -> memref<80x64xf32, #tpu.memory_space<hbm>>
        tpu.enqueue_dma source(%arg9 : memref<80x64xf32, #tpu.memory_space<vmem>>) target(%dma_start3A_326 : memref<80x64xf32, #tpu.memory_space<hbm>>) target_semaphore(%run_scoped3A_322 : memref<!tpu.dma_semaphore, #tpu.memory_space<semaphore_mem>>)
        %dma_wait3A_327 = arith.constant 0 : i32
        %dma_wait3A_328 = tpu.memref_slice %arg5[%add3A_297, %dma_wait3A_327] : memref<10240x64xf32, #tpu.memory_space<hbm>> -> memref<80x64xf32, #tpu.memory_space<hbm>>
        %dma_wait3A_329 = arith.constant 0 : i32
        %dma_wait3A_330 = tpu.memref_slice %arg5[%add3A_297, %dma_wait3A_329] : memref<10240x64xf32, #tpu.memory_space<hbm>> -> memref<80x64xf32, #tpu.memory_space<hbm>>
        tpu.wait_dma2 semaphore(%run_scoped3A_322 : memref<!tpu.dma_semaphore, #tpu.memory_space<semaphore_mem>>) src(%arg9 : memref<80x64xf32, #tpu.memory_space<vmem>>) dst(%dma_wait3A_330 : memref<80x64xf32, #tpu.memory_space<hbm>>)
        tpu.yield
      }) : () -> ()
    } else {
    }
    %eq3A_303 = arith.constant 1 : i32
    %eq3A_304 = arith.cmpi eq, %arg0, %eq3A_303 : i32
    %convert_element_type3A_305 = arith.extui %eq3A_304 : i1 to i32
    %cond3A_306 = arith.constant 0 : i32
    %cond3A_307 = arith.cmpi ne, %convert_element_type3A_305, %cond3A_306 : i32
    scf.if %cond3A_307 {
      "tpu.region"() ({
        %run_scoped3A_322 = tpu.sem_alloc : memref<!tpu.dma_semaphore, #tpu.memory_space<semaphore_mem>>
        %dma_start3A_323 = arith.constant 0 : i32
        %dma_start3A_324 = tpu.memref_slice %arg6[%add3A_297, %dma_start3A_323] : memref<10240x64xf32, #tpu.memory_space<hbm>> -> memref<80x64xf32, #tpu.memory_space<hbm>>
        %dma_start3A_325 = arith.constant 0 : i32
        %dma_start3A_326 = tpu.memref_slice %arg6[%add3A_297, %dma_start3A_325] : memref<10240x64xf32, #tpu.memory_space<hbm>> -> memref<80x64xf32, #tpu.memory_space<hbm>>
        tpu.enqueue_dma source(%arg9 : memref<80x64xf32, #tpu.memory_space<vmem>>) target(%dma_start3A_326 : memref<80x64xf32, #tpu.memory_space<hbm>>) target_semaphore(%run_scoped3A_322 : memref<!tpu.dma_semaphore, #tpu.memory_space<semaphore_mem>>)
        %dma_wait3A_327 = arith.constant 0 : i32
        %dma_wait3A_328 = tpu.memref_slice %arg6[%add3A_297, %dma_wait3A_327] : memref<10240x64xf32, #tpu.memory_space<hbm>> -> memref<80x64xf32, #tpu.memory_space<hbm>>
        %dma_wait3A_329 = arith.constant 0 : i32
        %dma_wait3A_330 = tpu.memref_slice %arg6[%add3A_297, %dma_wait3A_329] : memref<10240x64xf32, #tpu.memory_space<hbm>> -> memref<80x64xf32, #tpu.memory_space<hbm>>
        tpu.wait_dma2 semaphore(%run_scoped3A_322 : memref<!tpu.dma_semaphore, #tpu.memory_space<semaphore_mem>>) src(%arg9 : memref<80x64xf32, #tpu.memory_space<vmem>>) dst(%dma_wait3A_330 : memref<80x64xf32, #tpu.memory_space<hbm>>)
        tpu.yield
      }) : () -> ()
    } else {
    }
    %mul3A_308 = arith.constant 640 : i32
    %mul3A_309 = arith.muli %arg1, %mul3A_308 : i32
    %add3A_310 = arith.constant 560 : i32
    %add3A_311 = arith.addi %mul3A_309, %add3A_310 : i32
    "tpu.region"() ({
      %run_scoped3A_322 = tpu.sem_alloc : memref<!tpu.dma_semaphore, #tpu.memory_space<semaphore_mem>>
      %dma_start3A_323 = arith.constant 0 : i32
      %dma_start3A_324 = tpu.memref_slice %arg19[%add3A_311, %dma_start3A_323] : memref<10240x64xf32, #tpu.memory_space<vmem_shared>> -> memref<80x64xf32, #tpu.memory_space<vmem_shared>>
      %dma_start3A_325 = arith.constant 0 : i32
      %dma_start3A_326 = tpu.memref_slice %arg19[%add3A_311, %dma_start3A_325] : memref<10240x64xf32, #tpu.memory_space<vmem_shared>> -> memref<80x64xf32, #tpu.memory_space<vmem_shared>>
      tpu.enqueue_dma source(%dma_start3A_326 : memref<80x64xf32, #tpu.memory_space<vmem_shared>>) target(%arg9 : memref<80x64xf32, #tpu.memory_space<vmem>>) target_semaphore(%run_scoped3A_322 : memref<!tpu.dma_semaphore, #tpu.memory_space<semaphore_mem>>)
      %dma_wait3A_327 = arith.constant 0 : i32
      %dma_wait3A_328 = tpu.memref_slice %arg19[%add3A_311, %dma_wait3A_327] : memref<10240x64xf32, #tpu.memory_space<vmem_shared>> -> memref<80x64xf32, #tpu.memory_space<vmem_shared>>
      %dma_wait3A_329 = arith.constant 0 : i32
      %dma_wait3A_330 = tpu.memref_slice %arg19[%add3A_311, %dma_wait3A_329] : memref<10240x64xf32, #tpu.memory_space<vmem_shared>> -> memref<80x64xf32, #tpu.memory_space<vmem_shared>>
      tpu.wait_dma2 semaphore(%run_scoped3A_322 : memref<!tpu.dma_semaphore, #tpu.memory_space<semaphore_mem>>) src(%dma_wait3A_330 : memref<80x64xf32, #tpu.memory_space<vmem_shared>>) dst(%arg9 : memref<80x64xf32, #tpu.memory_space<vmem>>)
      tpu.yield
    }) : () -> ()
    %eq3A_312 = arith.constant 0 : i32
    %eq3A_313 = arith.cmpi eq, %arg0, %eq3A_312 : i32
    %convert_element_type3A_314 = arith.extui %eq3A_313 : i1 to i32
    %cond3A_315 = arith.constant 0 : i32
    %cond3A_316 = arith.cmpi ne, %convert_element_type3A_314, %cond3A_315 : i32
    scf.if %cond3A_316 {
      "tpu.region"() ({
        %run_scoped3A_322 = tpu.sem_alloc : memref<!tpu.dma_semaphore, #tpu.memory_space<semaphore_mem>>
        %dma_start3A_323 = arith.constant 0 : i32
        %dma_start3A_324 = tpu.memref_slice %arg5[%add3A_311, %dma_start3A_323] : memref<10240x64xf32, #tpu.memory_space<hbm>> -> memref<80x64xf32, #tpu.memory_space<hbm>>
        %dma_start3A_325 = arith.constant 0 : i32
        %dma_start3A_326 = tpu.memref_slice %arg5[%add3A_311, %dma_start3A_325] : memref<10240x64xf32, #tpu.memory_space<hbm>> -> memref<80x64xf32, #tpu.memory_space<hbm>>
        tpu.enqueue_dma source(%arg9 : memref<80x64xf32, #tpu.memory_space<vmem>>) target(%dma_start3A_326 : memref<80x64xf32, #tpu.memory_space<hbm>>) target_semaphore(%run_scoped3A_322 : memref<!tpu.dma_semaphore, #tpu.memory_space<semaphore_mem>>)
        %dma_wait3A_327 = arith.constant 0 : i32
        %dma_wait3A_328 = tpu.memref_slice %arg5[%add3A_311, %dma_wait3A_327] : memref<10240x64xf32, #tpu.memory_space<hbm>> -> memref<80x64xf32, #tpu.memory_space<hbm>>
        %dma_wait3A_329 = arith.constant 0 : i32
        %dma_wait3A_330 = tpu.memref_slice %arg5[%add3A_311, %dma_wait3A_329] : memref<10240x64xf32, #tpu.memory_space<hbm>> -> memref<80x64xf32, #tpu.memory_space<hbm>>
        tpu.wait_dma2 semaphore(%run_scoped3A_322 : memref<!tpu.dma_semaphore, #tpu.memory_space<semaphore_mem>>) src(%arg9 : memref<80x64xf32, #tpu.memory_space<vmem>>) dst(%dma_wait3A_330 : memref<80x64xf32, #tpu.memory_space<hbm>>)
        tpu.yield
      }) : () -> ()
    } else {
    }
    %eq3A_317 = arith.constant 1 : i32
    %eq3A_318 = arith.cmpi eq, %arg0, %eq3A_317 : i32
    %convert_element_type3A_319 = arith.extui %eq3A_318 : i1 to i32
    %cond3A_320 = arith.constant 0 : i32
    %cond3A_321 = arith.cmpi ne, %convert_element_type3A_319, %cond3A_320 : i32
    scf.if %cond3A_321 {
      "tpu.region"() ({
        %run_scoped3A_322 = tpu.sem_alloc : memref<!tpu.dma_semaphore, #tpu.memory_space<semaphore_mem>>
        %dma_start3A_323 = arith.constant 0 : i32
        %dma_start3A_324 = tpu.memref_slice %arg6[%add3A_311, %dma_start3A_323] : memref<10240x64xf32, #tpu.memory_space<hbm>> -> memref<80x64xf32, #tpu.memory_space<hbm>>
        %dma_start3A_325 = arith.constant 0 : i32
        %dma_start3A_326 = tpu.memref_slice %arg6[%add3A_311, %dma_start3A_325] : memref<10240x64xf32, #tpu.memory_space<hbm>> -> memref<80x64xf32, #tpu.memory_space<hbm>>
        tpu.enqueue_dma source(%arg9 : memref<80x64xf32, #tpu.memory_space<vmem>>) target(%dma_start3A_326 : memref<80x64xf32, #tpu.memory_space<hbm>>) target_semaphore(%run_scoped3A_322 : memref<!tpu.dma_semaphore, #tpu.memory_space<semaphore_mem>>)
        %dma_wait3A_327 = arith.constant 0 : i32
        %dma_wait3A_328 = tpu.memref_slice %arg6[%add3A_311, %dma_wait3A_327] : memref<10240x64xf32, #tpu.memory_space<hbm>> -> memref<80x64xf32, #tpu.memory_space<hbm>>
        %dma_wait3A_329 = arith.constant 0 : i32
        %dma_wait3A_330 = tpu.memref_slice %arg6[%add3A_311, %dma_wait3A_329] : memref<10240x64xf32, #tpu.memory_space<hbm>> -> memref<80x64xf32, #tpu.memory_space<hbm>>
        tpu.wait_dma2 semaphore(%run_scoped3A_322 : memref<!tpu.dma_semaphore, #tpu.memory_space<semaphore_mem>>) src(%arg9 : memref<80x64xf32, #tpu.memory_space<vmem>>) dst(%dma_wait3A_330 : memref<80x64xf32, #tpu.memory_space<hbm>>)
        tpu.yield
      }) : () -> ()
    } else {
    }
    return
  }
}

module attributes {stable_mosaic.version = 14 : i64} {
  func.func @_gmm1_body(%arg0: i32, %arg1: memref<2560x64xf32, #tpu.memory_space<vmem>>, %arg2: memref<2560x128xf32, #tpu.memory_space<vmem>>, %arg3: memref<128x64xf32, #tpu.memory_space<vmem>>, %arg4: memref<2560x64xf32, #tpu.memory_space<vmem>>) attributes {dimension_semantics = [#tpu.dimension_semantics<arbitrary>], iteration_bounds = array<i64: 4>, scalar_prefetch = 0 : i64, scratch_operands = 0 : i64, tpu.core_type = #tpu.core_type<tc>, window_params = [{transform_indices = @transform_0, window_bounds = array<i64: 2560, 64>}, {transform_indices = @transform_1, window_bounds = array<i64: 2560, 128>}, {pipeline_mode = #tpu.pipeline_mode<synchronous>, transform_indices = @transform_2, window_bounds = array<i64: 128, 64>}, {transform_indices = @transform_3, window_bounds = array<i64: 2560, 64>}]} {
    %get3A = arith.constant 0 : index
    %get3A_0 = arith.constant 0 : index
    %get3A_1 = vector.load %arg1[%get3A, %get3A_0] : memref<2560x64xf32, #tpu.memory_space<vmem>>, vector<2560x64xf32>
    %slice3A = vector.extract_strided_slice %get3A_1 {offsets = [0, 0], sizes = [2560, 1], strides = [1, 1]} : vector<2560x64xf32> to vector<2560x1xf32>
    %rsqrt3A = math.rsqrt %slice3A : vector<2560x1xf32>
    %get3A_2 = arith.constant 0 : index
    %get3A_3 = arith.constant 0 : index
    %get3A_4 = vector.load %arg2[%get3A_2, %get3A_3] : memref<2560x128xf32, #tpu.memory_space<vmem>>, vector<2560x128xf32>
    %get3A_5 = arith.constant 0 : index
    %get3A_6 = arith.constant 0 : index
    %get3A_7 = vector.load %arg3[%get3A_5, %get3A_6] : memref<128x64xf32, #tpu.memory_space<vmem>>, vector<128x64xf32>
    %dot_general3A = arith.constant dense<0.000000e+00> : vector<2560x64xf32>
    %dot_general3A_8 = tpu.matmul %get3A_4, %get3A_7, %dot_general3A {dimension_numbers = #tpu.dot_dimension_numbers<[1], [0], [0], [1], [0, 0, 1, 1], [], []>, transpose_lhs_hint = false} : vector<2560x128xf32>, vector<128x64xf32>, vector<2560x64xf32> -> vector<2560x64xf32>
    %mul3A = vector.broadcast %rsqrt3A : vector<2560x1xf32> to vector<2560x64xf32>
    %mul3A_9 = arith.mulf %dot_general3A_8, %mul3A : vector<2560x64xf32>
    %swap3A = arith.constant 0 : index
    %swap3A_10 = arith.constant 0 : index
    %swap3A_11 = vector.load %arg4[%swap3A, %swap3A_10] : memref<2560x64xf32, #tpu.memory_space<vmem>>, vector<2560x64xf32>
    tpu.vector_store %arg4[%swap3A, %swap3A_10], %mul3A_9 {strides = array<i32>} : memref<2560x64xf32, #tpu.memory_space<vmem>>, vector<2560x64xf32>,
    return
  }
  func.func @transform_0(%arg0: i32) -> (i32, i32) {
    %c0_i32 = arith.constant 0 : i32
    %c0_i32_0 = arith.constant 0 : i32
    return %arg0, %c0_i32 : i32, i32
  }
  func.func @transform_1(%arg0: i32) -> (i32, i32) {
    %c0_i32 = arith.constant 0 : i32
    %c0_i32_0 = arith.constant 0 : i32
    return %arg0, %c0_i32 : i32, i32
  }
  func.func @transform_2(%arg0: i32) -> (i32, i32) {
    %c0_i32 = arith.constant 0 : i32
    %c0_i32_0 = arith.constant 0 : i32
    %c0_i32_1 = arith.constant 0 : i32
    return %c0_i32, %c0_i32_0 : i32, i32
  }
  func.func @transform_3(%arg0: i32) -> (i32, i32) {
    %c0_i32 = arith.constant 0 : i32
    %c0_i32_0 = arith.constant 0 : i32
    return %arg0, %c0_i32 : i32, i32
  }
}

module attributes {stable_mosaic.version = 14 : i64} {
  func.func @_layer2_body(%arg0: i32, %arg1: memref<2560x64xf32, #tpu.memory_space<vmem>>, %arg2: memref<2560x64xf32, #tpu.memory_space<vmem>>, %arg3: memref<2560x64xf32, #tpu.memory_space<vmem>>, %arg4: memref<2560x64xf32, #tpu.memory_space<vmem>>, %arg5: memref<1x64xf32, #tpu.memory_space<vmem>>, %arg6: memref<64x16xf32, #tpu.memory_space<vmem>>, %arg7: memref<2560x16xf32, #tpu.memory_space<vmem>>) attributes {dimension_semantics = [#tpu.dimension_semantics<arbitrary>], iteration_bounds = array<i64: 4>, scalar_prefetch = 0 : i64, scratch_operands = 0 : i64, tpu.core_type = #tpu.core_type<tc>, window_params = [{transform_indices = @transform_0, window_bounds = array<i64: 2560, 64>}, {transform_indices = @transform_1, window_bounds = array<i64: 2560, 64>}, {transform_indices = @transform_2, window_bounds = array<i64: 2560, 64>}, {transform_indices = @transform_3, window_bounds = array<i64: 2560, 64>}, {pipeline_mode = #tpu.pipeline_mode<synchronous>, transform_indices = @transform_4, window_bounds = array<i64: 1, 64>}, {pipeline_mode = #tpu.pipeline_mode<synchronous>, transform_indices = @transform_5, window_bounds = array<i64: 64, 16>}, {transform_indices = @transform_6, window_bounds = array<i64: 2560, 16>}]} {
    %get3A = arith.constant 0 : index
    %get3A_0 = arith.constant 0 : index
    %get3A_1 = vector.load %arg4[%get3A, %get3A_0] : memref<2560x64xf32, #tpu.memory_space<vmem>>, vector<2560x64xf32>
    %slice3A = vector.extract_strided_slice %get3A_1 {offsets = [0, 0], sizes = [2560, 1], strides = [1, 1]} : vector<2560x64xf32> to vector<2560x1xf32>
    %rsqrt3A = math.rsqrt %slice3A : vector<2560x1xf32>
    %get3A_2 = arith.constant 0 : index
    %get3A_3 = arith.constant 0 : index
    %get3A_4 = vector.load %arg1[%get3A_2, %get3A_3] : memref<2560x64xf32, #tpu.memory_space<vmem>>, vector<2560x64xf32>
    %get3A_5 = arith.constant 0 : index
    %get3A_6 = arith.constant 0 : index
    %get3A_7 = vector.load %arg2[%get3A_5, %get3A_6] : memref<2560x64xf32, #tpu.memory_space<vmem>>, vector<2560x64xf32>
    %add3A = arith.addf %get3A_4, %get3A_7 : vector<2560x64xf32>
    %get3A_8 = arith.constant 0 : index
    %get3A_9 = arith.constant 0 : index
    %get3A_10 = vector.load %arg3[%get3A_8, %get3A_9] : memref<2560x64xf32, #tpu.memory_space<vmem>>, vector<2560x64xf32>
    %add3A_11 = arith.addf %add3A, %get3A_10 : vector<2560x64xf32>
    %mul3A = vector.broadcast %rsqrt3A : vector<2560x1xf32> to vector<2560x64xf32>
    %mul3A_12 = arith.mulf %mul3A, %add3A_11 : vector<2560x64xf32>
    %get3A_13 = arith.constant 0 : index
    %get3A_14 = arith.constant 0 : index
    %get3A_15 = vector.load %arg5[%get3A_13, %get3A_14] : memref<1x64xf32, #tpu.memory_space<vmem>>, vector<1x64xf32>
    %add3A_16 = vector.broadcast %get3A_15 : vector<1x64xf32> to vector<2560x64xf32>
    %add3A_17 = arith.addf %mul3A_12, %add3A_16 : vector<2560x64xf32>
    %max3A = arith.constant 0.000000e+00 : f32
    %max3A_18 = vector.broadcast %max3A : f32 to vector<2560x64xf32>
    %max3A_19 = arith.maximumf %add3A_17, %max3A_18 : vector<2560x64xf32>
    %get3A_20 = arith.constant 0 : index
    %get3A_21 = arith.constant 0 : index
    %get3A_22 = vector.load %arg6[%get3A_20, %get3A_21] : memref<64x16xf32, #tpu.memory_space<vmem>>, vector<64x16xf32>
    %dot_general3A = arith.constant dense<0.000000e+00> : vector<2560x16xf32>
    %dot_general3A_23 = tpu.matmul %max3A_19, %get3A_22, %dot_general3A {dimension_numbers = #tpu.dot_dimension_numbers<[1], [0], [0], [1], [0, 0, 1, 1], [], []>, transpose_lhs_hint = false} : vector<2560x64xf32>, vector<64x16xf32>, vector<2560x16xf32> -> vector<2560x16xf32>
    %mul3A_24 = vector.broadcast %rsqrt3A : vector<2560x1xf32> to vector<2560x16xf32>
    %mul3A_25 = arith.mulf %mul3A_24, %dot_general3A_23 : vector<2560x16xf32>
    %swap3A = arith.constant 0 : index
    %swap3A_26 = arith.constant 0 : index
    %swap3A_27 = vector.load %arg7[%swap3A, %swap3A_26] : memref<2560x16xf32, #tpu.memory_space<vmem>>, vector<2560x16xf32>
    tpu.vector_store %arg7[%swap3A, %swap3A_26], %mul3A_25 {strides = array<i32>} : memref<2560x16xf32, #tpu.memory_space<vmem>>, vector<2560x16xf32>,
    return
  }
  func.func @transform_0(%arg0: i32) -> (i32, i32) {
    %c0_i32 = arith.constant 0 : i32
    %c0_i32_0 = arith.constant 0 : i32
    return %arg0, %c0_i32 : i32, i32
  }
  func.func @transform_1(%arg0: i32) -> (i32, i32) {
    %c0_i32 = arith.constant 0 : i32
    %c0_i32_0 = arith.constant 0 : i32
    return %arg0, %c0_i32 : i32, i32
  }
  func.func @transform_2(%arg0: i32) -> (i32, i32) {
    %c0_i32 = arith.constant 0 : i32
    %c0_i32_0 = arith.constant 0 : i32
    return %arg0, %c0_i32 : i32, i32
  }
  func.func @transform_3(%arg0: i32) -> (i32, i32) {
    %c0_i32 = arith.constant 0 : i32
    %c0_i32_0 = arith.constant 0 : i32
    return %arg0, %c0_i32 : i32, i32
  }
  func.func @transform_4(%arg0: i32) -> (i32, i32) {
    %c0_i32 = arith.constant 0 : i32
    %c0_i32_0 = arith.constant 0 : i32
    %c0_i32_1 = arith.constant 0 : i32
    return %c0_i32, %c0_i32_0 : i32, i32
  }
  func.func @transform_5(%arg0: i32) -> (i32, i32) {
    %c0_i32 = arith.constant 0 : i32
    %c0_i32_0 = arith.constant 0 : i32
    %c0_i32_1 = arith.constant 0 : i32
    return %c0_i32, %c0_i32_0 : i32, i32
  }
  func.func @transform_6(%arg0: i32) -> (i32, i32) {
    %c0_i32 = arith.constant 0 : i32
    %c0_i32_0 = arith.constant 0 : i32
    return %arg0, %c0_i32 : i32, i32
  }
}

module attributes {stable_mosaic.version = 14 : i64} {
  func.func @_head_body(%arg0: i32, %arg1: memref<2000x16xf32, #tpu.memory_space<vmem>>, %arg2: memref<2000x16xf32, #tpu.memory_space<vmem>>, %arg3: memref<2000x16xf32, #tpu.memory_space<vmem>>, %arg4: memref<2000x64xf32, #tpu.memory_space<vmem>>, %arg5: memref<1x16xf32, #tpu.memory_space<vmem>>, %arg6: memref<2000x16xf32, #tpu.memory_space<vmem>>) attributes {dimension_semantics = [#tpu.dimension_semantics<arbitrary>], iteration_bounds = array<i64: 5>, scalar_prefetch = 0 : i64, scratch_operands = 0 : i64, tpu.core_type = #tpu.core_type<tc>, window_params = [{transform_indices = @transform_0, window_bounds = array<i64: 2000, 16>}, {transform_indices = @transform_1, window_bounds = array<i64: 2000, 16>}, {transform_indices = @transform_2, window_bounds = array<i64: 2000, 16>}, {transform_indices = @transform_3, window_bounds = array<i64: 2000, 64>}, {pipeline_mode = #tpu.pipeline_mode<synchronous>, transform_indices = @transform_4, window_bounds = array<i64: 1, 16>}, {transform_indices = @transform_5, window_bounds = array<i64: 2000, 16>}]} {
    %get3A = arith.constant 0 : index
    %get3A_0 = arith.constant 0 : index
    %get3A_1 = vector.load %arg4[%get3A, %get3A_0] : memref<2000x64xf32, #tpu.memory_space<vmem>>, vector<2000x64xf32>
    %slice3A = vector.extract_strided_slice %get3A_1 {offsets = [0, 0], sizes = [2000, 1], strides = [1, 1]} : vector<2000x64xf32> to vector<2000x1xf32>
    %rsqrt3A = math.rsqrt %slice3A : vector<2000x1xf32>
    %get3A_2 = arith.constant 0 : index
    %get3A_3 = arith.constant 0 : index
    %get3A_4 = vector.load %arg1[%get3A_2, %get3A_3] : memref<2000x16xf32, #tpu.memory_space<vmem>>, vector<2000x16xf32>
    %get3A_5 = arith.constant 0 : index
    %get3A_6 = arith.constant 0 : index
    %get3A_7 = vector.load %arg2[%get3A_5, %get3A_6] : memref<2000x16xf32, #tpu.memory_space<vmem>>, vector<2000x16xf32>
    %add3A = arith.addf %get3A_4, %get3A_7 : vector<2000x16xf32>
    %get3A_8 = arith.constant 0 : index
    %get3A_9 = arith.constant 0 : index
    %get3A_10 = vector.load %arg3[%get3A_8, %get3A_9] : memref<2000x16xf32, #tpu.memory_space<vmem>>, vector<2000x16xf32>
    %add3A_11 = arith.addf %add3A, %get3A_10 : vector<2000x16xf32>
    %mul3A = vector.broadcast %rsqrt3A : vector<2000x1xf32> to vector<2000x16xf32>
    %mul3A_12 = arith.mulf %mul3A, %add3A_11 : vector<2000x16xf32>
    %get3A_13 = arith.constant 0 : index
    %get3A_14 = arith.constant 0 : index
    %get3A_15 = vector.load %arg5[%get3A_13, %get3A_14] : memref<1x16xf32, #tpu.memory_space<vmem>>, vector<1x16xf32>
    %add3A_16 = vector.broadcast %get3A_15 : vector<1x16xf32> to vector<2000x16xf32>
    %add3A_17 = arith.addf %mul3A_12, %add3A_16 : vector<2000x16xf32>
    %iota3A = tpu.iota {dimensions = array<i32: 1>} : vector<2000x16xi32>
    %lt3A = arith.constant 10 : i32
    %lt3A_18 = vector.broadcast %lt3A : i32 to vector<2000x16xi32>
    %lt3A_19 = arith.cmpi slt, %iota3A, %lt3A_18 : vector<2000x16xi32>
    %exp3A = math.exp %add3A_17 : vector<2000x16xf32>
    %add3A_20 = arith.constant 1.000000e+00 : f32
    %add3A_21 = vector.broadcast %add3A_20 : f32 to vector<2000x16xf32>
    %add3A_22 = arith.addf %add3A_21, %exp3A : vector<2000x16xf32>
    %jit3A = arith.constant 0.000000e+00 : f32
    %broadcast_in_dim3A = vector.broadcast %jit3A : f32 to vector<2000x16xf32>
    %select_n3A = arith.select %lt3A_19, %add3A_22, %broadcast_in_dim3A : vector<2000x16xi1>, vector<2000x16xf32>
    %reduce_sum3A = arith.constant dense<0.000000e+00> : vector<2000xf32>
    %reduce_sum3A_23 = vector.multi_reduction <add>, %select_n3A, %reduce_sum3A [1] : vector<2000x16xf32> to vector<2000xf32>
    %broadcast_in_dim3A_24 = vector.shape_cast %reduce_sum3A_23 : vector<2000xf32> to vector<2000x1xf32>
    %div3A = vector.broadcast %broadcast_in_dim3A_24 : vector<2000x1xf32> to vector<2000x16xf32>
    %div3A_25 = arith.divf %select_n3A, %div3A : vector<2000x16xf32>
    %swap3A = arith.constant 0 : index
    %swap3A_26 = arith.constant 0 : index
    %swap3A_27 = vector.load %arg6[%swap3A, %swap3A_26] : memref<2000x16xf32, #tpu.memory_space<vmem>>, vector<2000x16xf32>
    tpu.vector_store %arg6[%swap3A, %swap3A_26], %div3A_25 {strides = array<i32>} : memref<2000x16xf32, #tpu.memory_space<vmem>>, vector<2000x16xf32>,
    return
  }
  func.func @transform_0(%arg0: i32) -> (i32, i32) {
    %c0_i32 = arith.constant 0 : i32
    %c0_i32_0 = arith.constant 0 : i32
    return %arg0, %c0_i32 : i32, i32
  }
  func.func @transform_1(%arg0: i32) -> (i32, i32) {
    %c0_i32 = arith.constant 0 : i32
    %c0_i32_0 = arith.constant 0 : i32
    return %arg0, %c0_i32 : i32, i32
  }
  func.func @transform_2(%arg0: i32) -> (i32, i32) {
    %c0_i32 = arith.constant 0 : i32
    %c0_i32_0 = arith.constant 0 : i32
    return %arg0, %c0_i32 : i32, i32
  }
  func.func @transform_3(%arg0: i32) -> (i32, i32) {
    %c0_i32 = arith.constant 0 : i32
    %c0_i32_0 = arith.constant 0 : i32
    return %arg0, %c0_i32 : i32, i32
  }
  func.func @transform_4(%arg0: i32) -> (i32, i32) {
    %c0_i32 = arith.constant 0 : i32
    %c0_i32_0 = arith.constant 0 : i32
    %c0_i32_1 = arith.constant 0 : i32
    return %c0_i32, %c0_i32_0 : i32, i32
  }
  func.func @transform_5(%arg0: i32) -> (i32, i32) {
    %c0_i32 = arith.constant 0 : i32
    %c0_i32_0 = arith.constant 0 : i32
    return %arg0, %c0_i32 : i32, i32
  }
}

</mosaic_0001>

<sc_bundles>
// kernel: kernel.11.cloned.1.call-start
scs
__scs_entry_jumppad:
0x0: {  	(pc) =	sbr.rel $0x88, $3  }
0x1: {  	(tag) =	ssettag $0x0;
	lr =	simm.s32 $0x1  }
0x2: {  	[smem:$0x3F9B] =	sst lr;
	_ =	strace $0xD0000000  }
0x3: {  	_ = 	snop  }
0x4: {  	_ = 	snop  }
0x5: {  	_ = 	snop  }
0x6: {  	_ = 	snop  }
0x7: {  	_ = 	snop  }
__scs_overlays_trampoline_lowered:
0x8: {  	[smem:$0x3FAA] =	sst s0  }
0x9: {  	[smem:$0x3FAB] =	sst s1  }
0xa: {  	[smem:$0x3FAC] =	sst s2  }
0xb: {  	[smem:$0x3FAD] =	sst s3  }
0xc: {  	[smem:$0x3FAE] =	sst s4  }
0xd: {  	[smem:$0x3FAF] =	sst s5  }
0xe: {  	[smem:$0x3FB0] =	sst s6  }
0xf: {  	[smem:$0x3FB1] =	sst s7  }
0x10: {  	[smem:$0x3FB2] =	sst s8  }
0x11: {  	[smem:$0x3FB3] =	sst s9;
	s0 =	simm.s32 @!p0 $0x0  }
0x12: {  	s1 =	sld [smem:$0x3F99];
	s0 =	simm.s32 @p0 $0x1  }
0x13: {  	[smem:$0x3FB4] =	sst s0;
	s0 =	simm.s32 @!p1 $0x0  }
0x14: {  	s2 =	sld [smem:$0x3F98];
	s0 =	simm.s32 @p1 $0x1  }
0x15: {  	[smem:$0x3FB5] =	sst s0;
	s0 =	simm.s32 @!p2 $0x0  }
0x16: {  	s3 =	sld [smem:$0x3FDB];
	s0 =	simm.s32 @p2 $0x1  }
0x17: {  	s4 =	simm.s32 $0x1BF5;
	[smem:$0x3FB7] =	sst s0  }
0x18: {  	s0 =	sld [smem:$0x3F9A];
	_ =	swait.ge [sflag:s4], $0x0  }
0x19: {  	s7 =	sld [smem:$0x3F9B]  }
0x1a: {  	s8 =	sadd.s32 $0xFFFFE003, lr  }
0x1b: {  	s9 =	sadd.s32 $0xFFFFFEF7, lr;
	s5 =	simm.s32 $0xFFFFFFFF;
	p2 =	slt.u32 s8, $0xFFFFF086  }
0x1c: {  	p1 =	slt.u32 s9, $0xF7A;
	s5 =	simm.s32 @!p2 $0x0  }
0x1d: {  	s5 =	simm.s32 @p1 $0x1;
	p0 =	seq.s32 s7, s2  }
0x1e: {  	s7 =	smul.u32 @!p0 $0xF7A, s2;
	p2 =	seq.s32 @!p0 s5, $0x0  }
0x1f: {  	s9 =	smul.u32 $0xF7A, s1;
	s8 =	simm.s32 @!p0 $0x1BF5;
	p2 =	por !p2, p0  }
0x20: {  	[sflag:s8] =	ssyncset.s32 @!p0 $0xFFFFF086;
	s6 =	sadd.s32 @!p0 s3, s7;
	s7 =	simm.s32 @!p0 $0x108  }
0x21: {  	s3 =	sadd.s32 s3, s9;
	s6 =	sadd.s32 @!p0 $0x88, s6;
	s7 =	simm.s32 @p2 $0x1082  }
0x22: {  	[simem:s7], [sflag:s8] =	dma.local @!p0 [hbm:s6], $0xF7A  }
0x23: {  	s9 =	sor.u32 $0xD0000000, s2;
	s6 =	simm.s32 $0x108;
	_ =	swait.ge @!p0 [sflag:s8], $0x0  }
0x24: {  	s3 =	sadd.s32 $0x88, s3;
	s6 =	simm.s32 @!p1 $0x1082;
	[sflag:s4] =	ssyncset.s32 $0xFFFFF086  }
0x25: {  	[simem:s6], [sflag:s4] =	dma.local [hbm:s3], $0xF7A  }
0x26: {  	[smem:$0x3F9B] =	sst s1;
	(tag) =	ssettag s2;
	_ =	strace s9  }
0x27: {  	s1 =	sld [smem:$0x3FAB]  }
0x28: {  	s2 =	sld [smem:$0x3FAC]  }
0x29: {  	s4 =	sld [smem:$0x3FAE]  }
0x2a: {  	p0 =	seq.s32 s5, $0x0;
	s5 =	sld [smem:$0x3FAF]  }
0x2b: {  	s6 =	sld [smem:$0x3FB0]  }
0x2c: {  	s7 =	sld [smem:$0x3FB1]  }
0x2d: {  	s3 =	simm.s32 $0x108;
	s8 =	sld [smem:$0x3FB2]  }
0x2e: {  	s3 =	simm.s32 @!p0 $0x1082;
	s9 =	sld [smem:$0x3FB3]  }
0x2f: {  	lr =	sadd.s32 s0, s3;
	s0 =	sld [smem:$0x3FAA]  }
0x30: {  	s3 =	sld [smem:$0x3FAD]  }
0x31: {  	[smem:$0x3FB6] =	sst s10  }
0x32: {  	s10 =	sld [smem:$0x3FB4];
	_ =	sdelay $0x3  }
0x33: {  	p0 =	seq.s32 s10, $0x1;
	s10 =	sld [smem:$0x3FB6];
	_ =	sdelay $0x3  }
0x34: {  	[smem:$0x3FB6] =	sst s10  }
0x35: {  	s10 =	sld [smem:$0x3FB5];
	_ =	sdelay $0x3  }
0x36: {  	p1 =	seq.s32 s10, $0x1;
	s10 =	sld [smem:$0x3FB6];
	_ =	sdelay $0x3  }
0x37: {  	[smem:$0x3FB6] =	sst s10  }
0x38: {  	s10 =	sld [smem:$0x3FB7]  }
0x39: {  	_ = 	snop;
	(pc) =	sbr.ind lr, $3  }
0x3a: {  	_ = 	snop  }
0x3b: {  	_ = 	snop  }
0x3c: {  	p2 =	seq.s32 s10, $0x1;
	s10 =	sld [smem:$0x3FB6]  }
0x3d: {  	_ =	shalt  }
0x3e: {  	_ =	shalt  }
0x3f: {  	_ =	shalt  }
0x40: {  	_ =	shalt  }
0x41: {  	_ =	shalt  }
0x42: {  	_ =	shalt  }
0x43: {  	_ =	shalt  }
0x44: {  	_ =	shalt  }
0x45: {  	_ =	shalt  }
0x46: {  	_ =	shalt  }
0x47: {  	_ =	shalt  }
0x48: {  	_ =	shalt  }
0x49: {  	_ =	shalt  }
0x4a: {  	_ =	shalt  }
0x4b: {  	_ =	shalt  }
0x4c: {  	_ =	shalt  }
0x4d: {  	_ =	shalt  }
0x4e: {  	_ =	shalt  }
0x4f: {  	_ =	shalt  }
0x50: {  	_ =	shalt  }
0x51: {  	_ =	shalt  }
0x52: {  	_ =	shalt  }
0x53: {  	_ =	shalt  }
0x54: {  	_ =	shalt  }
0x55: {  	_ =	shalt  }
0x56: {  	_ =	shalt  }
0x57: {  	_ =	shalt  }
0x58: {  	_ =	shalt  }
0x59: {  	_ =	shalt  }
0x5a: {  	_ =	shalt  }
0x5b: {  	_ =	shalt  }
0x5c: {  	_ =	shalt  }
0x5d: {  	_ =	shalt  }
0x5e: {  	_ =	shalt  }
0x5f: {  	_ =	shalt  }
0x60: {  	_ =	shalt  }
0x61: {  	_ =	shalt  }
0x62: {  	_ =	shalt  }
0x63: {  	_ =	shalt  }
0x64: {  	_ =	shalt  }
0x65: {  	_ =	shalt  }
0x66: {  	_ =	shalt  }
0x67: {  	_ =	shalt  }
0x68: {  	_ =	shalt  }
0x69: {  	_ =	shalt  }
0x6a: {  	_ =	shalt  }
0x6b: {  	_ =	shalt  }
0x6c: {  	_ =	shalt  }
0x6d: {  	_ =	shalt  }
0x6e: {  	_ =	shalt  }
0x6f: {  	_ =	shalt  }
0x70: {  	_ =	shalt  }
0x71: {  	_ =	shalt  }
0x72: {  	_ =	shalt  }
0x73: {  	_ =	shalt  }
0x74: {  	_ =	shalt  }
0x75: {  	_ =	shalt  }
0x76: {  	_ =	shalt  }
0x77: {  	_ =	shalt  }
0x78: {  	_ =	shalt  }
0x79: {  	_ =	shalt  }
0x7a: {  	_ =	shalt  }
0x7b: {  	_ =	shalt  }
0x7c: {  	_ =	shalt  }
0x7d: {  	_ =	shalt  }
0x7e: {  	_ =	shalt  }
0x7f: {  	_ =	shalt  }
0x80: {  	_ =	shalt  }
0x81: {  	_ =	shalt  }
0x82: {  	_ =	shalt  }
0x83: {  	_ =	shalt  }
0x84: {  	_ =	shalt  }
0x85: {  	_ =	shalt  }
0x86: {  	_ =	shalt  }
0x87: {  	_ =	shalt  }
.Lfunc_end0:
.L_simem_size_0:
called_computation.1_lowered:
.L_overlay_start_0:
0x88: {  	s2 =	sld [smem:$0x3FD9]  }
0x89: {  	s3 =	sld [smem:$0x3FFE];
	_ =	sdelay $0x1  }
0x8a: {  	s1 =	srdreg.scid  }
0x8b: {  	s0 =	sand.u32 $0x1, s1  }
0x8c: {  	s17 =	sshll.u32 s0, $0xA;
	s2 =	sadd.s32 s3, s2  }
0x8d: {  	s2 =	sadd.s32 s2, s17  }
0x8e: {  	[smem:$0x3FC2] =	sst s2  }
0x8f: {  	_ = 	snop  }
0x90: {  	s2 =	sld [smem:$0x3FD0];
	(tm) =	ssettm $0x1  }
0x91: {  	s18 =	sld [smem:$0x3FFB];
	_ =	sdelay $0x3  }
0x92: {  	_ =	strace s18  }
0x93: {  	s3 =	sld [smem:$0x3FFC];
	_ =	sdelay $0x3  }
0x94: {  	_ =	strace s3  }
0x95: {  	s3 =	sld [smem:$0x3FFD];
	_ =	sdelay $0x3  }
0x96: {  	_ =	strace s3  }
0x97: {  	_ =	strace $0x8FFFFFFF  }
0x98: {  	s19 =	sld [smem:$0x3FDB];
	_ =	sdelay $0x1  }
0x99: {  	s4 =	simm.s32 $_scs_section_size  }
0x9a: {  	s5 =	simm.s32 $_size__tile_overlayer_lowered;
	s6 =	simm.s32 $_tile_overlayer_lowered  }
0x9b: {  	s22 =	simm.s32 $0x1BFF;
	s21 =	sshll.u32 s6, $0x1;
	s3 =	sadd.s32 s4, s19  }
0x9c: {  	s7 =	simm.s32 $0x0;
	s20 =	sshll.u32 s5, $0x1;
	s5 =	sadd.s32 s21, s3  }
0x9d: {  	[timem:s7], [sflag:s22] =	dma.local [hbm:s5], s20  }
0x9e: {  	_ =	swait.ge [sflag:s22], s20  }
0x9f: {  	s4 =	ssub.s32 $0x0, s20;
	[sflag:s22] =	ssyncset.done $0x0  }
0xa0: {  	[sflag:s22] =	ssyncadd.s32 s4;
	_ =	sdelay $0x1  }
0xa1: {  	s23 =	simm.s32 $0x1B8B  }
0xa2: {  	_ =	swait.ge [sflag:s23], $0x1  }
0xa3: {  	[sflag:s23] =	ssyncset.done $0x0  }
0xa4: {  	s25 =	simm.s32 $0x1B8E;
	s24 =	sld [smem:$0x3FFE];
	[sflag:s23] =	ssyncadd.s32 $0xFFFFFFFF  }
0xa5: {  	s26 =	simm.s32 $execute0_lowered;
	[smem:$0x3FD2] =	sst s25  }
0xa6: {  	s5 =	sshll.u32 s26, $0x1;
	_ =	strace $0x80000049;
	[dreg:$0x1] =	wrdreg $0xFFFFFFFF  }
0xa7: {  	s28 =	simm.s32 $_size_execute0_lowered;
	s3 =	sadd.s32 s3, s5;
	[dreg:$0x0] =	wrdreg $0x0  }
0xa8: {  	s5 =	sshll.u32 s28, $0x1;
	[dreg:$0x2] =	wrdreg s3  }
0xa9: {  	[dreg:$0x3] =	wrdreg s5  }
0xaa: {  	[dreg:$0x4] =	wrdreg $0xC0  }
0xab: {  	_ =	task [dreg:s7], $0x5FFFF  }
0xac: {  	[dreg:$0x1] =	wrdreg $0xFFFFFFFF  }
0xad: {  	[dreg:$0x0] =	wrdreg $0x60  }
0xae: {  	[dreg:$0x2] =	wrdreg s24  }
0xaf: {  	[dreg:$0x3] =	wrdreg s2  }
0xb0: {  	[dreg:$0x4] =	wrdreg $0x116200  }
0xb1: {  	[dreg:$0x5] =	wrdreg $0x9  }
0xb2: {  	_ =	task.clear_ibuf [dreg:s7], $0x6FFFF;
	_ =	strace $0x90000049  }
0xb3: {  	s29 =	simm.s32 $0x9;
	_ =	strace $0x8000004B  }
0xb4: {  	_ =	swait.ge [sflag:s29], $0x1  }
0xb5: {  	[sflag:s29] =	ssyncadd.s32 $0xFFFFFFFF  }
0xb6: {  	_ =	strace $0x9000004B  }
0xb7: {  	_ =	sfence  }
0xb8: {  	s30 =	sld [smem:$0x0];
	_ =	sdelay $0x2  }
0xb9: {  	s31 =	sshll.u32 s1, $0xD;
	s1 =	sshrl.u32 s1, $0x2  }
0xba: {  	s3 =	sand.u32 $0x4000, s31;
	s1 =	sadd.s32 s1, s30  }
0xbb: {  	s0 =	sor.u32 s3, s0;
	s1 =	sshll.u32 s1, $0x11  }
0xbc: {  	s0 =	sor.u32 s1, s0  }
0xbd: {  	s0 =	sadd.s32 $0x8F2B, s0  }
0xbe: {  	[sflag:s0] =	ssyncadd.remote.s32 $0x1  }
0xbf: {  	_ =	sfence.sel $0xFFFF  }
0xc0: {  	[dreg:$0x0] =	wrdreg $0xFFFFFFFF;
	(pc) =	sbr.abs _section_cstart, $3  }
0xc1: {  	[dreg:$0x1] =	wrdreg $0xFFFFFFFF  }
0xc2: {  	_ =	task.clear_ibuf [dreg:s7], $0x2FFFF;
	_ =	strace $0x9FFFFFFF  }
0xc3: {  	(tm) =	ssettm $0x7FFFFFFF  }
tec
execute0_lowered:
.L_overlay_start_1:
0x0: {  	(tag) =	ssettag $0x1  }
0x1: {  	s0 =	rddreg [dreg:$0x0];
	s1 =	srdreg.scid  }
0x2: {  	s5 =	stileid.u32;
	s3 =	rddreg [dreg:$0x2]  }
0x3: {  	s16 =	simm.s32 $0x0;
	s29 =	simm.s32 $0x50;
	s28 =	simm.s32 $0x12  }
0x4: {  	s1 =	sand.u32 $0x1, s1;
	s2 =	sshll.u32 s5, $0x1;
	[smem:$0x7FF] =	sst s16  }
0x5: {  	s6 =	smul.u32 $0xA000, s5;
	s5 =	sadd.s32 $0x3E600, s0;
	s2 =	sor.u32 s1, s2  }
0x6: {  	_ =	strace $0x8000004A;
	s4 =	ssub.s32 $0x2, s1;
	p0 =	seq.s32 s1, $0x0  }
0x7: {  	s1 =	simm.s32 $0x66600;
	s2 =	smul.u32 $0x2710, s2;
	s7 =	sshrl.u32 s4, $0x1  }
0x8: {  	s22 =	sor.u32 $0x1400, s6;
	s8 =	sadd.s32 s6, s3;
	s23 =	sadd.s32 $0x2800, s6  }
0x9: {  	s9 =	sadd.s32 $0x3C00, s6;
	s10 =	sadd.s32 $0x5000, s6;
	s11 =	sadd.s32 $0x6400, s6  }
0xa: {  	s24 =	sadd.s32 $0x7800, s6;
	s13 =	sadd.s32 $0x8C00, s6;
	s1 =	simm.s32 @!p0 $0x52600  }
0xb: {  	s6 =	sshrl.u32 s6, $0x3;
	s4 =	ssub.s32 s4, s7;
	[dreg:$0x4] =	wrdreg s8  }
0xc: {  	s15 =	sadd.s32 s22, s3;
	s30 =	sadd.s32 s23, s3;
	s14 =	sadd.s32 s9, s3  }
0xd: {  	s31 =	sadd.s32 s10, s3;
	s12 =	sadd.s32 s11, s3;
	s17 =	sadd.s32 s24, s3  }
0xe: {  	s25 =	sadd.s32 s13, s3;
	s7 =	sshrl.u32 s22, $0x3;
	s8 =	sshrl.u32 s23, $0x3  }
0xf: {  	s9 =	sshrl.u32 s9, $0x3;
	s18 =	sshrl.u32 s11, $0x3;
	[dreg:$0x8] =	wrdreg s12  }
0x10: {  	s19 =	sshrl.u32 s24, $0x3;
	s20 =	sshrl.u32 s13, $0x3;
	[dreg:$0x9] =	wrdreg s17  }
0x11: {  	s11 =	simm.s32 $0xE;
	s13 =	simm.s32 $0x0;
	[dreg:$0xa] =	wrdreg s25  }
0x12: {  	s2 =	sshrl.u32 s2, $0x3;
	s17 =	sshrl.u32 s10, $0x3;
	[dreg:$0x5] =	wrdreg s15  }
0x13: {  	s4 =	smax.u32 s4, $0x1;
	s10 =	simm.s32 $0xD;
	[dreg:$0x6] =	wrdreg s30  }
0x14: {  	s12 =	simm.s32 $0xF;
	[dreg:$0x7] =	wrdreg s31;
	s2 =	sadd.s32 s2, s0  }
0x15: {  	s0 =	sadd.s32 s1, s0;
	[dreg:$0xd] =	wrdreg s4;
	s26 =	sadd.s32 $0x2A00, s2  }
0x16: {  	s4 =	simm.s32 $0x11;
	s2 =	sadd.s32 $0xC640, s2;
	[dreg:$0xb] =	wrdreg s26  }
0x17: {  	s1 =	sadd.s32 s0, s6;
	s21 =	sadd.s32 s0, s7;
	[dreg:$0xc] =	wrdreg s2  }
0x18: {  	s22 =	sadd.s32 s0, s8;
	s23 =	sadd.s32 s0, s9;
	[dreg:$0xe] =	wrdreg s1  }
0x19: {  	s24 =	sadd.s32 s0, s17;
	s25 =	sadd.s32 s0, s18;
	[dreg:$0xf] =	wrdreg s21  }
0x1a: {  	s6 =	simm.s32 $0xEE20;
	s7 =	simm.s32 $0x10220;
	[dreg:$0x10] =	wrdreg s22  }
0x1b: {  	s17 =	simm.s32 $0x1;
	s18 =	simm.s32 $0x2;
	[dreg:$0x11] =	wrdreg s23  }
0x1c: {  	s8 =	simm.s32 $0xB;
	s9 =	simm.s32 $0xC;
	[dreg:$0x12] =	wrdreg s24  }
0x1d: {  	[dreg:$0x13] =	wrdreg s25;
	s26 =	sadd.s32 s0, s19;
	s2 =	smov.u32 s14  }
.Ltmp0:
0x1e: {  	s0 =	sadd.s32 s0, s20;
	s25 =	simm.s32 $0x4E20;
	(pc) =	sbr.rel .LBB2_1-.Ltmp0, $4  }
0x1f: {  	s22 =	simm.s32 $0xB220;
	s23 =	simm.s32 $0xC620;
	s24 =	simm.s32 $0xDA20  }
0x20: {  	s19 =	simm.s32 $0x3;
	s20 =	simm.s32 $0x4;
	[dreg:$0x14] =	wrdreg s26  }
0x21: {  	s21 =	simm.s32 $0x5;
	s14 =	simm.s32 $0x14;
	[dreg:$0x15] =	wrdreg s0  }
0x22: {  	s26 =	simm.s32 $0x15;
	s0 =	simm.s32 $0x13;
	[dreg:$0x17] =	wrdreg s2  }
.LBB2_3:
0x23: {  	_ =	swait.ge [sflag:s4], $0x1400  }
0x24: {  	[sflag:s4] =	ssyncset.done $0x0  }
0x25: {  	[sflag:s4] =	ssyncadd.s32 $0xFFFFEC00  }
0x26: {  	_ =	swait.ge [sflag:s28], $0x1400  }
0x27: {  	[sflag:s28] =	ssyncset.done $0x0  }
0x28: {  	[sflag:s28] =	ssyncadd.s32 $0xFFFFEC00  }
0x29: {  	_ =	swait.ge [sflag:s0], $0x1400  }
0x2a: {  	[sflag:s0] =	ssyncset.done $0x0  }
0x2b: {  	[sflag:s0] =	ssyncadd.s32 $0xFFFFEC00  }
0x2c: {  	s22 =	simm.s32 $0xB220;
	_ =	swait.ge [sflag:s14], $0x1400  }
0x2d: {  	s23 =	simm.s32 $0xC620;
	s24 =	simm.s32 $0xDA20;
	[sflag:s14] =	ssyncset.done $0x0  }
0x2e: {  	s6 =	simm.s32 $0xEE20;
	s7 =	simm.s32 $0x10220;
	[sflag:s14] =	ssyncadd.s32 $0xFFFFEC00  }
.LBB2_5:
0x2f: {  	_ =	swait.ge [sflag:s17], $0x1400  }
0x30: {  	[sflag:s17] =	ssyncset.done $0x0  }
0x31: {  	s2 =	simm.s32 $0x4C90;
	[sflag:s17] =	ssyncadd.s32 $0xFFFFEC00  }
0x32: {  	[spmem:s3] =	stream.indirect.scatter.add.f32 [tilespmem:s25], [sflag:$0xB], $0x40, s2, s29, $0xb8;
	[tilespmem:$0x1B620] =	vst v63  }
0x33: {  	_ =	swait.ge [sflag:s18], $0x1400  }
0x34: {  	[sflag:s18] =	ssyncset.done $0x0  }
0x35: {  	s16 =	simm.s32 $0x4CE0;
	[sflag:s18] =	ssyncadd.s32 $0xFFFFEC00  }
0x36: {  	[spmem:s3] =	stream.indirect.scatter.add.f32 [tilespmem:s1], [sflag:$0xC], $0x40, s16, s29, $0xb8;
	[tilespmem:$0x1B620] =	vst v63  }
0x37: {  	_ =	swait.ge [sflag:s19], $0x1400  }
0x38: {  	[sflag:s19] =	ssyncset.done $0x0  }
0x39: {  	s13 =	simm.s32 $0x4D30;
	s1 =	simm.s32 $0x7620;
	[sflag:s19] =	ssyncadd.s32 $0xFFFFEC00  }
0x3a: {  	[spmem:s3] =	stream.indirect.scatter.add.f32 [tilespmem:s1], [sflag:$0xD], $0x40, s13, s29, $0xb8;
	[tilespmem:$0x1B620] =	vst v63  }
0x3b: {  	_ =	swait.ge [sflag:s20], $0x1400  }
0x3c: {  	[sflag:s20] =	ssyncset.done $0x0  }
0x3d: {  	s15 =	simm.s32 $0x8A20;
	s16 =	simm.s32 $0x4D80;
	[sflag:s20] =	ssyncadd.s32 $0xFFFFEC00  }
0x3e: {  	[spmem:s3] =	stream.indirect.scatter.add.f32 [tilespmem:s15], [sflag:$0xE], $0x40, s16, s29, $0xb8;
	[tilespmem:$0x1B620] =	vst v63  }
0x3f: {  	_ =	swait.ge [sflag:s21], $0x1400  }
0x40: {  	[sflag:s21] =	ssyncset.done $0x0  }
0x41: {  	s13 =	simm.s32 $0x9E20;
	s15 =	simm.s32 $0x4DD0;
	[sflag:s21] =	ssyncadd.s32 $0xFFFFEC00  }
0x42: {  	[spmem:s3] =	stream.indirect.scatter.add.f32 [tilespmem:s13], [sflag:$0xF], $0x40, s15, s29, $0xb8;
	[tilespmem:$0x1B620] =	vst v63  }
0x43: {  	_ =	swait.ge [sflag:s8], $0x1400  }
0x44: {  	[sflag:s8] =	ssyncset.done $0x0  }
0x45: {  	[sflag:s8] =	ssyncadd.s32 $0xFFFFEC00  }
0x46: {  	_ =	swait.ge [sflag:s9], $0x1400  }
0x47: {  	[sflag:s9] =	ssyncset.done $0x0  }
0x48: {  	[sflag:s9] =	ssyncadd.s32 $0xFFFFEC00  }
0x49: {  	_ =	swait.ge [sflag:s10], $0x1400  }
0x4a: {  	[sflag:s10] =	ssyncset.done $0x0  }
0x4b: {  	[sflag:s10] =	ssyncadd.s32 $0xFFFFEC00  }
0x4c: {  	_ =	swait.ge [sflag:s11], $0x1400  }
0x4d: {  	[sflag:s11] =	ssyncset.done $0x0  }
0x4e: {  	[sflag:s11] =	ssyncadd.s32 $0xFFFFEC00  }
0x4f: {  	_ =	swait.ge [sflag:s12], $0x1400  }
0x50: {  	[sflag:s12] =	ssyncset.done $0x0  }
0x51: {  	[sflag:s12] =	ssyncadd.s32 $0xFFFFEC00  }
0x52: {  	[bflag:$0x0] =	sbarrier.arrive $0xFFFF  }
0x53: {  	s16 =	rddreg [dreg:$0x4]  }
0x54: {  	[tilespmem:s25], [sflag:$0x15] =	stream.linear.gather [spmem:s16], $0x1400, $0x38;
	[tilespmem:$0x1B620] =	vst v63  }
0x55: {  	_ =	swait.ge [sflag:s26], $0x1400  }
0x56: {  	[sflag:s26] =	ssyncset.done $0x0  }
0x57: {  	s16 =	simm.s32 $0x0;
	s2 =	rddreg [dreg:$0xe];
	[sflag:s26] =	ssyncadd.s32 $0xFFFFEC00  }
0x58: {  	[hbm4b:s2+s16] =	stream.linear.scatter [tilespmem:s25], [sflag:$0x15], $0x1400, $0x38;
	[tilespmem:$0x1B620] =	vst v63  }
0x59: {  	_ =	swait.ge [sflag:s26], $0x1400  }
0x5a: {  	[sflag:s26] =	ssyncset.done $0x0  }
0x5b: {  	s15 =	rddreg [dreg:$0x5];
	[sflag:s26] =	ssyncadd.s32 $0xFFFFEC00  }
0x5c: {  	[tilespmem:s25], [sflag:$0x15] =	stream.linear.gather [spmem:s15], $0x1400, $0x38;
	[tilespmem:$0x1B620] =	vst v63  }
0x5d: {  	_ =	swait.ge [sflag:s26], $0x1400  }
0x5e: {  	[sflag:s26] =	ssyncset.done $0x0  }
0x5f: {  	s13 =	rddreg [dreg:$0xf];
	[sflag:s26] =	ssyncadd.s32 $0xFFFFEC00  }
0x60: {  	[hbm4b:s13+s16] =	stream.linear.scatter [tilespmem:s25], [sflag:$0x15], $0x1400, $0x38;
	[tilespmem:$0x1B620] =	vst v63  }
0x61: {  	_ =	swait.ge [sflag:s26], $0x1400  }
0x62: {  	[sflag:s26] =	ssyncset.done $0x0  }
0x63: {  	s30 =	rddreg [dreg:$0x6];
	[sflag:s26] =	ssyncadd.s32 $0xFFFFEC00  }
0x64: {  	[tilespmem:s25], [sflag:$0x15] =	stream.linear.gather [spmem:s30], $0x1400, $0x38;
	[tilespmem:$0x1B620] =	vst v63  }
0x65: {  	_ =	swait.ge [sflag:s26], $0x1400  }
0x66: {  	[sflag:s26] =	ssyncset.done $0x0  }
0x67: {  	s2 =	rddreg [dreg:$0x10];
	[sflag:s26] =	ssyncadd.s32 $0xFFFFEC00  }
0x68: {  	[hbm4b:s2+s16] =	stream.linear.scatter [tilespmem:s25], [sflag:$0x15], $0x1400, $0x38;
	[tilespmem:$0x1B620] =	vst v63  }
0x69: {  	_ =	swait.ge [sflag:s26], $0x1400  }
0x6a: {  	[sflag:s26] =	ssyncset.done $0x0  }
0x6b: {  	s2 =	rddreg [dreg:$0x17];
	[sflag:s26] =	ssyncadd.s32 $0xFFFFEC00  }
0x6c: {  	[tilespmem:s25], [sflag:$0x15] =	stream.linear.gather [spmem:s2], $0x1400, $0x38;
	[tilespmem:$0x1B620] =	vst v63  }
0x6d: {  	_ =	swait.ge [sflag:s26], $0x1400  }
0x6e: {  	[sflag:s26] =	ssyncset.done $0x0  }
0x6f: {  	s13 =	rddreg [dreg:$0x11];
	[sflag:s26] =	ssyncadd.s32 $0xFFFFEC00  }
0x70: {  	[hbm4b:s13+s16] =	stream.linear.scatter [tilespmem:s25], [sflag:$0x15], $0x1400, $0x38;
	[tilespmem:$0x1B620] =	vst v63  }
0x71: {  	_ =	swait.ge [sflag:s26], $0x1400  }
0x72: {  	[sflag:s26] =	ssyncset.done $0x0  }
0x73: {  	s31 =	rddreg [dreg:$0x7];
	[sflag:s26] =	ssyncadd.s32 $0xFFFFEC00  }
0x74: {  	[tilespmem:s25], [sflag:$0x15] =	stream.linear.gather [spmem:s31], $0x1400, $0x38;
	[tilespmem:$0x1B620] =	vst v63  }
0x75: {  	_ =	swait.ge [sflag:s26], $0x1400  }
0x76: {  	[sflag:s26] =	ssyncset.done $0x0  }
0x77: {  	s13 =	rddreg [dreg:$0x12];
	[sflag:s26] =	ssyncadd.s32 $0xFFFFEC00  }
0x78: {  	[hbm4b:s13+s16] =	stream.linear.scatter [tilespmem:s25], [sflag:$0x15], $0x1400, $0x38;
	[tilespmem:$0x1B620] =	vst v63  }
0x79: {  	_ =	swait.ge [sflag:s26], $0x1400  }
0x7a: {  	[sflag:s26] =	ssyncset.done $0x0  }
0x7b: {  	s13 =	rddreg [dreg:$0x8];
	[sflag:s26] =	ssyncadd.s32 $0xFFFFEC00  }
0x7c: {  	[tilespmem:s25], [sflag:$0x15] =	stream.linear.gather [spmem:s13], $0x1400, $0x38;
	[tilespmem:$0x1B620] =	vst v63  }
0x7d: {  	_ =	swait.ge [sflag:s26], $0x1400  }
0x7e: {  	[sflag:s26] =	ssyncset.done $0x0  }
0x7f: {  	s13 =	rddreg [dreg:$0x13];
	[sflag:s26] =	ssyncadd.s32 $0xFFFFEC00  }
0x80: {  	[hbm4b:s13+s16] =	stream.linear.scatter [tilespmem:s25], [sflag:$0x15], $0x1400, $0x38;
	[tilespmem:$0x1B620] =	vst v63  }
0x81: {  	_ =	swait.ge [sflag:s26], $0x1400  }
0x82: {  	[sflag:s26] =	ssyncset.done $0x0  }
0x83: {  	s13 =	rddreg [dreg:$0x9];
	[sflag:s26] =	ssyncadd.s32 $0xFFFFEC00  }
0x84: {  	[tilespmem:s25], [sflag:$0x15] =	stream.linear.gather [spmem:s13], $0x1400, $0x38;
	[tilespmem:$0x1B620] =	vst v63  }
0x85: {  	_ =	swait.ge [sflag:s26], $0x1400  }
0x86: {  	[sflag:s26] =	ssyncset.done $0x0  }
0x87: {  	s13 =	rddreg [dreg:$0x14];
	[sflag:s26] =	ssyncadd.s32 $0xFFFFEC00  }
0x88: {  	[hbm4b:s13+s16] =	stream.linear.scatter [tilespmem:s25], [sflag:$0x15], $0x1400, $0x38;
	[tilespmem:$0x1B620] =	vst v63  }
0x89: {  	_ =	swait.ge [sflag:s26], $0x1400  }
0x8a: {  	[sflag:s26] =	ssyncset.done $0x0  }
0x8b: {  	s13 =	rddreg [dreg:$0xa];
	[sflag:s26] =	ssyncadd.s32 $0xFFFFEC00  }
0x8c: {  	[tilespmem:s25], [sflag:$0x15] =	stream.linear.gather [spmem:s13], $0x1400, $0x38;
	[tilespmem:$0x1B620] =	vst v63  }
0x8d: {  	_ =	swait.ge [sflag:s26], $0x1400  }
0x8e: {  	[sflag:s26] =	ssyncset.done $0x0  }
0x8f: {  	s13 =	rddreg [dreg:$0x15];
	[sflag:s26] =	ssyncadd.s32 $0xFFFFEC00  }
0x90: {  	[hbm4b:s13+s16] =	stream.linear.scatter [tilespmem:s25], [sflag:$0x15], $0x1400, $0x38;
	[tilespmem:$0x1B620] =	vst v63  }
0x91: {  	_ =	swait.ge [sflag:s26], $0x1400  }
0x92: {  	s13 =	rddreg [dreg:$0x16]  }
0x93: {  	s1 =	rddreg [dreg:$0xd];
	s13 =	sadd.s32 $0x1, s13  }
0x94: {  	p0 =	sne.s32 s13, s1  }
.Ltmp1:
0x95: {  	_ = 	snop;
	(pc) =	sbr.rel @!p0 .LBB2_6-.Ltmp1, $3  }
0x96: {  	_ =	sdelay $0x1  }
0x97: {  	[sflag:s26] =	ssyncset.done $0x0  }
0x98: {  	[sflag:s26] =	ssyncadd.s32 $0xFFFFEC00  }
.LBB2_1:
0x99: {  	[dreg:$0x16] =	wrdreg s13  }
0x9a: {  	s13 =	rddreg [dreg:$0x1]  }
0x9b: {  	[tilespmem:s25], [sflag:$0x15] =	stream.linear.gather [hbm4b:s13+s16], $0x1400, $0x38;
	[tilespmem:$0x1B620] =	vst v63  }
0x9c: {  	_ =	swait.ge [sflag:s26], $0x1400  }
0x9d: {  	s1 =	smov.u32 s30;
	[sflag:s26] =	ssyncset.done $0x0  }
0x9e: {  	s30 =	smov.u32 s15;
	s15 =	rddreg [dreg:$0x4];
	[sflag:s26] =	ssyncadd.s32 $0xFFFFEC00  }
0x9f: {  	[spmem:s15] =	stream.linear.scatter [tilespmem:s25], [sflag:$0x15], $0x1400, $0x38;
	[tilespmem:$0x1B620] =	vst v63  }
0xa0: {  	_ =	swait.ge [sflag:s26], $0x1400  }
0xa1: {  	[sflag:s26] =	ssyncset.done $0x0  }
0xa2: {  	[sflag:s26] =	ssyncadd.s32 $0xFFFFEC00  }
0xa3: {  	[spmem:s30] =	stream.linear.scatter [tilespmem:s25], [sflag:$0x15], $0x1400, $0x38;
	[tilespmem:$0x1B620] =	vst v63  }
0xa4: {  	_ =	swait.ge [sflag:s26], $0x1400  }
0xa5: {  	[sflag:s26] =	ssyncset.done $0x0  }
0xa6: {  	[sflag:s26] =	ssyncadd.s32 $0xFFFFEC00  }
0xa7: {  	[spmem:s1] =	stream.linear.scatter [tilespmem:s25], [sflag:$0x15], $0x1400, $0x38;
	[tilespmem:$0x1B620] =	vst v63  }
0xa8: {  	_ =	swait.ge [sflag:s26], $0x1400  }
0xa9: {  	[sflag:s26] =	ssyncset.done $0x0  }
0xaa: {  	[sflag:s26] =	ssyncadd.s32 $0xFFFFEC00  }
0xab: {  	[spmem:s2] =	stream.linear.scatter [tilespmem:s25], [sflag:$0x15], $0x1400, $0x38;
	[tilespmem:$0x1B620] =	vst v63  }
0xac: {  	_ =	swait.ge [sflag:s26], $0x1400  }
0xad: {  	[sflag:s26] =	ssyncset.done $0x0  }
0xae: {  	[sflag:s26] =	ssyncadd.s32 $0xFFFFEC00  }
0xaf: {  	[spmem:s31] =	stream.linear.scatter [tilespmem:s25], [sflag:$0x15], $0x1400, $0x38;
	[tilespmem:$0x1B620] =	vst v63  }
0xb0: {  	_ =	swait.ge [sflag:s26], $0x1400  }
0xb1: {  	[sflag:s26] =	ssyncset.done $0x0  }
0xb2: {  	s2 =	rddreg [dreg:$0x8];
	[sflag:s26] =	ssyncadd.s32 $0xFFFFEC00  }
0xb3: {  	[spmem:s2] =	stream.linear.scatter [tilespmem:s25], [sflag:$0x15], $0x1400, $0x38;
	[tilespmem:$0x1B620] =	vst v63  }
0xb4: {  	_ =	swait.ge [sflag:s26], $0x1400  }
0xb5: {  	[sflag:s26] =	ssyncset.done $0x0  }
0xb6: {  	s13 =	rddreg [dreg:$0x9];
	[sflag:s26] =	ssyncadd.s32 $0xFFFFEC00  }
0xb7: {  	[spmem:s13] =	stream.linear.scatter [tilespmem:s25], [sflag:$0x15], $0x1400, $0x38;
	[tilespmem:$0x1B620] =	vst v63  }
0xb8: {  	_ =	swait.ge [sflag:s26], $0x1400  }
0xb9: {  	[sflag:s26] =	ssyncset.done $0x0  }
0xba: {  	s15 =	rddreg [dreg:$0xa];
	[sflag:s26] =	ssyncadd.s32 $0xFFFFEC00  }
0xbb: {  	[spmem:s15] =	stream.linear.scatter [tilespmem:s25], [sflag:$0x15], $0x1400, $0x38;
	[tilespmem:$0x1B620] =	vst v63  }
0xbc: {  	_ =	swait.ge [sflag:s26], $0x1400  }
0xbd: {  	[sflag:s26] =	ssyncset.done $0x0  }
0xbe: {  	s30 =	rddreg [dreg:$0xb];
	[sflag:s26] =	ssyncadd.s32 $0xFFFFEC00  }
0xbf: {  	[tilespmem:s16], [sflag:$0x15] =	stream.linear.gather [hbm4b:s30+s16], $0x2710, $0x38;
	[tilespmem:$0x1B620] =	vst v63  }
0xc0: {  	_ =	swait.ge [sflag:s26], $0x2710  }
0xc1: {  	[sflag:s26] =	ssyncset.done $0x0  }
0xc2: {  	s2 =	simm.s32 $0x2710;
	s31 =	rddreg [dreg:$0xc];
	[sflag:s26] =	ssyncadd.s32 $0xFFFFD8F0  }
0xc3: {  	[tilespmem:s2], [sflag:$0x15] =	stream.linear.gather [hbm4b:s31+s16], $0x2710, $0x38;
	[tilespmem:$0x1B620] =	vst v63  }
0xc4: {  	_ =	swait.ge [sflag:s26], $0x2710  }
0xc5: {  	[sflag:s26] =	ssyncset.done $0x0  }
0xc6: {  	[sflag:s26] =	ssyncadd.s32 $0xFFFFD8F0  }
0xc7: {  	[tilespmem:s25], [sflag:$0x1] =	stream.indirect.gather [hbm4b:s5+s29], $0x40, s16, s29, $0xb8;
	[tilespmem:$0x1B620] =	vst v63  }
0xc8: {  	s13 =	simm.s32 $0x6220  }
0xc9: {  	[tilespmem:s13], [sflag:$0x2] =	stream.indirect.gather [hbm4b:s5+s29], $0x40, s29, s29, $0xb8;
	[tilespmem:$0x1B620] =	vst v63  }
0xca: {  	s15 =	simm.s32 $0xA0;
	s16 =	simm.s32 $0x7620  }
0xcb: {  	[tilespmem:s16], [sflag:$0x3] =	stream.indirect.gather [hbm4b:s5+s29], $0x40, s15, s29, $0xb8;
	[tilespmem:$0x1B620] =	vst v63  }
0xcc: {  	s30 =	simm.s32 $0xF0;
	s31 =	simm.s32 $0x8A20  }
0xcd: {  	[tilespmem:s31], [sflag:$0x4] =	stream.indirect.gather [hbm4b:s5+s29], $0x40, s30, s29, $0xb8;
	[tilespmem:$0x1B620] =	vst v63  }
0xce: {  	s13 =	simm.s32 $0x140;
	s15 =	simm.s32 $0x9E20  }
0xcf: {  	[tilespmem:s15], [sflag:$0x5] =	stream.indirect.gather [hbm4b:s5+s29], $0x40, s13, s29, $0xb8;
	[tilespmem:$0x1B620] =	vst v63  }
0xd0: {  	s16 =	simm.s32 $0x190  }
0xd1: {  	[tilespmem:s22], [sflag:$0x6] =	stream.indirect.gather [hbm4b:s5+s29], $0x40, s16, s29, $0xb8;
	[tilespmem:$0x1B620] =	vst v63  }
0xd2: {  	s22 =	simm.s32 $0x1E0  }
0xd3: {  	[tilespmem:s23], [sflag:$0x7] =	stream.indirect.gather [hbm4b:s5+s29], $0x40, s22, s29, $0xb8;
	[tilespmem:$0x1B620] =	vst v63  }
0xd4: {  	s23 =	simm.s32 $0x230  }
0xd5: {  	[tilespmem:s24], [sflag:$0x8] =	stream.indirect.gather [hbm4b:s5+s29], $0x40, s23, s29, $0xb8;
	[tilespmem:$0x1B620] =	vst v63  }
0xd6: {  	s30 =	simm.s32 $0x280  }
0xd7: {  	[tilespmem:s6], [sflag:$0x9] =	stream.indirect.gather [hbm4b:s5+s29], $0x40, s30, s29, $0xb8;
	[tilespmem:$0x1B620] =	vst v63  }
0xd8: {  	s31 =	simm.s32 $0x2D0  }
0xd9: {  	[tilespmem:s7], [sflag:$0xA] =	stream.indirect.gather [hbm4b:s5+s29], $0x40, s31, s29, $0xb8;
	[tilespmem:$0x1B620] =	vst v63  }
0xda: {  	s1 =	simm.s32 $0x6220;
	s15 =	simm.s32 $0x0;
	[bflag:$0x0] =	sbarrier.arrive $0xFFFF  }
.LBB2_2:
0xdb: {  	_ =	swait.ge [sflag:s17], $0x1400  }
0xdc: {  	s30 =	sshra.s32 s15, $0x2;
	[sflag:s17] =	ssyncset.done $0x0  }
0xdd: {  	s16 =	sadd.s32 $0x2710, s30;
	[sflag:s17] =	ssyncadd.s32 $0xFFFFEC00  }
0xde: {  	[spmem:s3] =	stream.indirect.scatter.add.f32 [tilespmem:s25], [sflag:$0xB], $0x40, s16, s29, $0xb8;
	[tilespmem:$0x1B620] =	vst v63  }
0xdf: {  	_ =	swait.ge [sflag:s18], $0x1400  }
0xe0: {  	[sflag:s18] =	ssyncset.done $0x0  }
0xe1: {  	s22 =	sadd.s32 $0x2760, s30;
	[sflag:s18] =	ssyncadd.s32 $0xFFFFEC00  }
0xe2: {  	[spmem:s3] =	stream.indirect.scatter.add.f32 [tilespmem:s1], [sflag:$0xC], $0x40, s22, s29, $0xb8;
	[tilespmem:$0x1B620] =	vst v63  }
0xe3: {  	_ =	swait.ge [sflag:s19], $0x1400  }
0xe4: {  	[sflag:s19] =	ssyncset.done $0x0  }
0xe5: {  	s2 =	simm.s32 $0x7620;
	s23 =	sadd.s32 $0x27B0, s30;
	[sflag:s19] =	ssyncadd.s32 $0xFFFFEC00  }
0xe6: {  	[spmem:s3] =	stream.indirect.scatter.add.f32 [tilespmem:s2], [sflag:$0xD], $0x40, s23, s29, $0xb8;
	[tilespmem:$0x1B620] =	vst v63  }
0xe7: {  	_ =	swait.ge [sflag:s20], $0x1400  }
0xe8: {  	[sflag:s20] =	ssyncset.done $0x0  }
0xe9: {  	s31 =	simm.s32 $0x8A20;
	s24 =	sadd.s32 $0x2800, s30;
	[sflag:s20] =	ssyncadd.s32 $0xFFFFEC00  }
0xea: {  	[spmem:s3] =	stream.indirect.scatter.add.f32 [tilespmem:s31], [sflag:$0xE], $0x40, s24, s29, $0xb8;
	[tilespmem:$0x1B620] =	vst v63  }
0xeb: {  	_ =	swait.ge [sflag:s21], $0x1400  }
0xec: {  	[sflag:s21] =	ssyncset.done $0x0  }
0xed: {  	s16 =	sadd.s32 $0x2850, s30;
	s22 =	simm.s32 $0x9E20;
	[sflag:s21] =	ssyncadd.s32 $0xFFFFEC00  }
0xee: {  	[spmem:s3] =	stream.indirect.scatter.add.f32 [tilespmem:s22], [sflag:$0xF], $0x40, s16, s29, $0xb8;
	[tilespmem:$0x1B620] =	vst v63  }
0xef: {  	s16 =	simm.s32 $0x6  }
0xf0: {  	_ =	swait.ge [sflag:s16], $0x1400  }
0xf1: {  	[sflag:s16] =	ssyncset.done $0x0  }
0xf2: {  	s23 =	simm.s32 $0xB220;
	[sflag:s16] =	ssyncadd.s32 $0xFFFFEC00;
	s16 =	sadd.s32 $0x28A0, s30  }
0xf3: {  	[spmem:s3] =	stream.indirect.scatter.add.f32 [tilespmem:s23], [sflag:$0x10], $0x40, s16, s29, $0xb8;
	[tilespmem:$0x1B620] =	vst v63  }
0xf4: {  	s16 =	simm.s32 $0x7  }
0xf5: {  	_ =	swait.ge [sflag:s16], $0x1400  }
0xf6: {  	[sflag:s16] =	ssyncset.done $0x0  }
0xf7: {  	s24 =	simm.s32 $0xC620;
	[sflag:s16] =	ssyncadd.s32 $0xFFFFEC00;
	s16 =	sadd.s32 $0x28F0, s30  }
0xf8: {  	[spmem:s3] =	stream.indirect.scatter.add.f32 [tilespmem:s24], [sflag:$0x11], $0x40, s16, s29, $0xb8;
	[tilespmem:$0x1B620] =	vst v63  }
0xf9: {  	s16 =	simm.s32 $0x8  }
0xfa: {  	_ =	swait.ge [sflag:s16], $0x1400  }
0xfb: {  	[sflag:s16] =	ssyncset.done $0x0  }
0xfc: {  	s6 =	simm.s32 $0xDA20;
	[sflag:s16] =	ssyncadd.s32 $0xFFFFEC00;
	s16 =	sadd.s32 $0x2940, s30  }
0xfd: {  	[spmem:s3] =	stream.indirect.scatter.add.f32 [tilespmem:s6], [sflag:$0x12], $0x40, s16, s29, $0xb8;
	[tilespmem:$0x1B620] =	vst v63  }
0xfe: {  	s16 =	simm.s32 $0x9  }
0xff: {  	_ =	swait.ge [sflag:s16], $0x1400  }
0x100: {  	[sflag:s16] =	ssyncset.done $0x0  }
0x101: {  	s7 =	simm.s32 $0xEE20;
	[sflag:s16] =	ssyncadd.s32 $0xFFFFEC00;
	s16 =	sadd.s32 $0x2990, s30  }
0x102: {  	[spmem:s3] =	stream.indirect.scatter.add.f32 [tilespmem:s7], [sflag:$0x13], $0x40, s16, s29, $0xb8;
	[tilespmem:$0x1B620] =	vst v63  }
0x103: {  	s16 =	simm.s32 $0xA  }
0x104: {  	_ =	swait.ge [sflag:s16], $0x1400  }
0x105: {  	[sflag:s16] =	ssyncset.done $0x0  }
0x106: {  	s13 =	simm.s32 $0x10220;
	[sflag:s16] =	ssyncadd.s32 $0xFFFFEC00;
	s16 =	sadd.s32 $0x29E0, s30  }
0x107: {  	[spmem:s3] =	stream.indirect.scatter.add.f32 [tilespmem:s13], [sflag:$0x14], $0x40, s16, s29, $0xb8;
	[tilespmem:$0x1B620] =	vst v63  }
0x108: {  	_ =	swait.ge [sflag:s8], $0x1400  }
0x109: {  	[sflag:s8] =	ssyncset.done $0x0  }
0x10a: {  	s16 =	sadd.s32 $0x320, s30;
	[sflag:s8] =	ssyncadd.s32 $0xFFFFEC00  }
0x10b: {  	[tilespmem:s25], [sflag:$0x1] =	stream.indirect.gather [hbm4b:s5+s29], $0x40, s16, s29, $0xb8;
	[tilespmem:$0x1B620] =	vst v63  }
0x10c: {  	_ =	swait.ge [sflag:s9], $0x1400  }
0x10d: {  	[sflag:s9] =	ssyncset.done $0x0  }
0x10e: {  	s16 =	sadd.s32 $0x370, s30;
	[sflag:s9] =	ssyncadd.s32 $0xFFFFEC00  }
0x10f: {  	[tilespmem:s1], [sflag:$0x2] =	stream.indirect.gather [hbm4b:s5+s29], $0x40, s16, s29, $0xb8;
	[tilespmem:$0x1B620] =	vst v63  }
0x110: {  	_ =	swait.ge [sflag:s10], $0x1400  }
0x111: {  	[sflag:s10] =	ssyncset.done $0x0  }
0x112: {  	s16 =	sadd.s32 $0x3C0, s30;
	[sflag:s10] =	ssyncadd.s32 $0xFFFFEC00  }
0x113: {  	[tilespmem:s2], [sflag:$0x3] =	stream.indirect.gather [hbm4b:s5+s29], $0x40, s16, s29, $0xb8;
	[tilespmem:$0x1B620] =	vst v63  }
0x114: {  	_ =	swait.ge [sflag:s11], $0x1400  }
0x115: {  	[sflag:s11] =	ssyncset.done $0x0  }
0x116: {  	s2 =	sadd.s32 $0x410, s30;
	[sflag:s11] =	ssyncadd.s32 $0xFFFFEC00  }
0x117: {  	[tilespmem:s31], [sflag:$0x4] =	stream.indirect.gather [hbm4b:s5+s29], $0x40, s2, s29, $0xb8;
	[tilespmem:$0x1B620] =	vst v63  }
0x118: {  	_ =	swait.ge [sflag:s12], $0x1400  }
0x119: {  	p0 =	sne.s32 s15, $0x8980;
	s2 =	sadd.s32 $0x460, s30;
	[sflag:s12] =	ssyncset.done $0x0  }
.Ltmp2:
0x11a: {  	s31 =	simm.s32 $0x10;
	[sflag:s12] =	ssyncadd.s32 $0xFFFFEC00;
	(pc) =	sbr.rel @!p0 .LBB2_3-.Ltmp2, $4  }
0x11b: {  	[tilespmem:s22], [sflag:$0x5] =	stream.indirect.gather [hbm4b:s5+s29], $0x40, s2, s29, $0xb8;
	[tilespmem:$0x1B620] =	vst v63  }
0x11c: {  	_ =	swait.ge [sflag:s31], $0x1400  }
0x11d: {  	[sflag:s31] =	ssyncset.done $0x0  }
0x11e: {  	[sflag:s31] =	ssyncadd.s32 $0xFFFFEC00  }
0x11f: {  	s16 =	sadd.s32 $0x4B0, s30  }
0x120: {  	[tilespmem:s23], [sflag:$0x6] =	stream.indirect.gather [hbm4b:s5+s29], $0x40, s16, s29, $0xb8;
	[tilespmem:$0x1B620] =	vst v63  }
0x121: {  	_ =	swait.ge [sflag:s4], $0x1400  }
0x122: {  	[sflag:s4] =	ssyncset.done $0x0  }
0x123: {  	s22 =	sadd.s32 $0x500, s30;
	[sflag:s4] =	ssyncadd.s32 $0xFFFFEC00  }
0x124: {  	[tilespmem:s24], [sflag:$0x7] =	stream.indirect.gather [hbm4b:s5+s29], $0x40, s22, s29, $0xb8;
	[tilespmem:$0x1B620] =	vst v63  }
0x125: {  	_ =	swait.ge [sflag:s28], $0x1400  }
0x126: {  	[sflag:s28] =	ssyncset.done $0x0  }
0x127: {  	s23 =	sadd.s32 $0x550, s30;
	[sflag:s28] =	ssyncadd.s32 $0xFFFFEC00  }
0x128: {  	[tilespmem:s6], [sflag:$0x8] =	stream.indirect.gather [hbm4b:s5+s29], $0x40, s23, s29, $0xb8;
	[tilespmem:$0x1B620] =	vst v63  }
0x129: {  	_ =	swait.ge [sflag:s0], $0x1400  }
0x12a: {  	s15 =	sadd.s32 $0xC80, s15;
	[sflag:s0] =	ssyncset.done $0x0  }
0x12b: {  	p0 =	sne.s32 s15, $0x9600;
	s24 =	sadd.s32 $0x5A0, s30;
	[sflag:s0] =	ssyncadd.s32 $0xFFFFEC00  }
0x12c: {  	[tilespmem:s7], [sflag:$0x9] =	stream.indirect.gather [hbm4b:s5+s29], $0x40, s24, s29, $0xb8;
	[tilespmem:$0x1B620] =	vst v63  }
.Ltmp3:
0x12d: {  	s31 =	sadd.s32 $0x5F0, s30;
	(pc) =	sbr.rel @p0 .LBB2_2-.Ltmp3, $4  }
.Ltmp4:
0x12e: {  	s22 =	simm.s32 $0xB220;
	_ =	swait.ge [sflag:s14], $0x1400;
	(pc) =	sbr.rel @!p0 .LBB2_5-.Ltmp4, $4  }
0x12f: {  	s23 =	simm.s32 $0xC620;
	s6 =	simm.s32 $0xEE20;
	[sflag:s14] =	ssyncset.done $0x0  }
0x130: {  	s24 =	simm.s32 $0xDA20;
	s7 =	simm.s32 $0x10220;
	[sflag:s14] =	ssyncadd.s32 $0xFFFFEC00  }
0x131: {  	[tilespmem:s13], [sflag:$0xA] =	stream.indirect.gather [hbm4b:s5+s29], $0x40, s31, s29, $0xb8;
	[tilespmem:$0x1B620] =	vst v63  }
0x132: {  	_ = 	snop  }
.LBB2_6:
0x133: {  	_ =	sfence.sel $0x180000  }
0x134: {  	[bflag:$0x0] =	sbarrier.arrive $0xFFFF  }
0x135: {  	_ =	strace $0x9000004A  }
0x136: {  	s0 =	stileid.u32;
	[bflag:$0x2] =	sbarrier.arrive $0xFFFF  }
0x137: {  	p0 =	sne.s32 s0, $0x0;
	s0 =	rddreg [dreg:$0x3]  }
0x138: {  	s0 =	sadd.s32 @!p0 $0x100000, s0  }
0x139: {  	[sflag:s0] =	ssyncadd.tile.s32 @!p0 $0x1;
	_ =	shalt  }
.Lfunc_end2:
_tile_overlayer_lowered:
.L_overlay_start_2:
0x13a: {  	(tag) =	ssettag $0x2  }
0x13b: {  	s0 =	rddreg [dreg:$0x0];
	s2 =	stileid.u32  }
0x13c: {  	s1 =	rddreg [dreg:$0x1];
	p0 =	sne.s32 s2, $0x0  }
0x13d: {  	s3 =	rddreg [dreg:$0x2];
	[bflag:$0x3] =	sbarrier.arrive $0xFFFF;
	s2 =	simm.s32 @!p0 $0x1C15  }
0x13e: {  	[timem:s3], [sflag:s2] =	dma.local @!p0 [hbm:s0], s1  }
0x13f: {  	s0 =	simm.s32 @!p0 $0x15  }
0x140: {  	_ =	swait.ge @!p0 [sflag:s0], s1  }
0x141: {  	s1 =	ssub.s32 @!p0 $0x0, s1;
	[sflag:s0] =	ssyncset.done @!p0 $0x0  }
0x142: {  	[sflag:s0] =	ssyncadd.s32 @!p0 s1  }
0x143: {  	[bflag:$0x3] =	sbarrier.arrive $0xFFFF  }
0x144: {  	_ =	shalt  }

// kernel: kernel.14.cloned.1.call-start
scs
__scs_entry_jumppad:
0x0: {  	(pc) =	sbr.rel $0x88, $3  }
0x1: {  	(tag) =	ssettag $0x0;
	lr =	simm.s32 $0x1  }
0x2: {  	[smem:$0x3F9B] =	sst lr;
	_ =	strace $0xD0000000  }
0x3: {  	_ = 	snop  }
0x4: {  	_ = 	snop  }
0x5: {  	_ = 	snop  }
0x6: {  	_ = 	snop  }
0x7: {  	_ = 	snop  }
__scs_overlays_trampoline_lowered:
0x8: {  	[smem:$0x3FAA] =	sst s0  }
0x9: {  	[smem:$0x3FAB] =	sst s1  }
0xa: {  	[smem:$0x3FAC] =	sst s2  }
0xb: {  	[smem:$0x3FAD] =	sst s3  }
0xc: {  	[smem:$0x3FAE] =	sst s4  }
0xd: {  	[smem:$0x3FAF] =	sst s5  }
0xe: {  	[smem:$0x3FB0] =	sst s6  }
0xf: {  	[smem:$0x3FB1] =	sst s7  }
0x10: {  	[smem:$0x3FB2] =	sst s8  }
0x11: {  	[smem:$0x3FB3] =	sst s9;
	s0 =	simm.s32 @!p0 $0x0  }
0x12: {  	s1 =	sld [smem:$0x3F99];
	s0 =	simm.s32 @p0 $0x1  }
0x13: {  	[smem:$0x3FB4] =	sst s0;
	s0 =	simm.s32 @!p1 $0x0  }
0x14: {  	s2 =	sld [smem:$0x3F98];
	s0 =	simm.s32 @p1 $0x1  }
0x15: {  	[smem:$0x3FB5] =	sst s0;
	s0 =	simm.s32 @!p2 $0x0  }
0x16: {  	s3 =	sld [smem:$0x3FDB];
	s0 =	simm.s32 @p2 $0x1  }
0x17: {  	s4 =	simm.s32 $0x1BF5;
	[smem:$0x3FB7] =	sst s0  }
0x18: {  	s0 =	sld [smem:$0x3F9A];
	_ =	swait.ge [sflag:s4], $0x0  }
0x19: {  	s7 =	sld [smem:$0x3F9B]  }
0x1a: {  	s8 =	sadd.s32 $0xFFFFE003, lr  }
0x1b: {  	s9 =	sadd.s32 $0xFFFFFEF7, lr;
	s5 =	simm.s32 $0xFFFFFFFF;
	p2 =	slt.u32 s8, $0xFFFFF086  }
0x1c: {  	p1 =	slt.u32 s9, $0xF7A;
	s5 =	simm.s32 @!p2 $0x0  }
0x1d: {  	s5 =	simm.s32 @p1 $0x1;
	p0 =	seq.s32 s7, s2  }
0x1e: {  	s7 =	smul.u32 @!p0 $0xF7A, s2;
	p2 =	seq.s32 @!p0 s5, $0x0  }
0x1f: {  	s9 =	smul.u32 $0xF7A, s1;
	s8 =	simm.s32 @!p0 $0x1BF5;
	p2 =	por !p2, p0  }
0x20: {  	[sflag:s8] =	ssyncset.s32 @!p0 $0xFFFFF086;
	s6 =	sadd.s32 @!p0 s3, s7;
	s7 =	simm.s32 @!p0 $0x108  }
0x21: {  	s3 =	sadd.s32 s3, s9;
	s6 =	sadd.s32 @!p0 $0x88, s6;
	s7 =	simm.s32 @p2 $0x1082  }
0x22: {  	[simem:s7], [sflag:s8] =	dma.local @!p0 [hbm:s6], $0xF7A  }
0x23: {  	s9 =	sor.u32 $0xD0000000, s2;
	s6 =	simm.s32 $0x108;
	_ =	swait.ge @!p0 [sflag:s8], $0x0  }
0x24: {  	s3 =	sadd.s32 $0x88, s3;
	s6 =	simm.s32 @!p1 $0x1082;
	[sflag:s4] =	ssyncset.s32 $0xFFFFF086  }
0x25: {  	[simem:s6], [sflag:s4] =	dma.local [hbm:s3], $0xF7A  }
0x26: {  	[smem:$0x3F9B] =	sst s1;
	(tag) =	ssettag s2;
	_ =	strace s9  }
0x27: {  	s1 =	sld [smem:$0x3FAB]  }
0x28: {  	s2 =	sld [smem:$0x3FAC]  }
0x29: {  	s4 =	sld [smem:$0x3FAE]  }
0x2a: {  	p0 =	seq.s32 s5, $0x0;
	s5 =	sld [smem:$0x3FAF]  }
0x2b: {  	s6 =	sld [smem:$0x3FB0]  }
0x2c: {  	s7 =	sld [smem:$0x3FB1]  }
0x2d: {  	s3 =	simm.s32 $0x108;
	s8 =	sld [smem:$0x3FB2]  }
0x2e: {  	s3 =	simm.s32 @!p0 $0x1082;
	s9 =	sld [smem:$0x3FB3]  }
0x2f: {  	lr =	sadd.s32 s0, s3;
	s0 =	sld [smem:$0x3FAA]  }
0x30: {  	s3 =	sld [smem:$0x3FAD]  }
0x31: {  	[smem:$0x3FB6] =	sst s10  }
0x32: {  	s10 =	sld [smem:$0x3FB4];
	_ =	sdelay $0x3  }
0x33: {  	p0 =	seq.s32 s10, $0x1;
	s10 =	sld [smem:$0x3FB6];
	_ =	sdelay $0x3  }
0x34: {  	[smem:$0x3FB6] =	sst s10  }
0x35: {  	s10 =	sld [smem:$0x3FB5];
	_ =	sdelay $0x3  }
0x36: {  	p1 =	seq.s32 s10, $0x1;
	s10 =	sld [smem:$0x3FB6];
	_ =	sdelay $0x3  }
0x37: {  	[smem:$0x3FB6] =	sst s10  }
0x38: {  	s10 =	sld [smem:$0x3FB7]  }
0x39: {  	_ = 	snop;
	(pc) =	sbr.ind lr, $3  }
0x3a: {  	_ = 	snop  }
0x3b: {  	_ = 	snop  }
0x3c: {  	p2 =	seq.s32 s10, $0x1;
	s10 =	sld [smem:$0x3FB6]  }
0x3d: {  	_ =	shalt  }
0x3e: {  	_ =	shalt  }
0x3f: {  	_ =	shalt  }
0x40: {  	_ =	shalt  }
0x41: {  	_ =	shalt  }
0x42: {  	_ =	shalt  }
0x43: {  	_ =	shalt  }
0x44: {  	_ =	shalt  }
0x45: {  	_ =	shalt  }
0x46: {  	_ =	shalt  }
0x47: {  	_ =	shalt  }
0x48: {  	_ =	shalt  }
0x49: {  	_ =	shalt  }
0x4a: {  	_ =	shalt  }
0x4b: {  	_ =	shalt  }
0x4c: {  	_ =	shalt  }
0x4d: {  	_ =	shalt  }
0x4e: {  	_ =	shalt  }
0x4f: {  	_ =	shalt  }
0x50: {  	_ =	shalt  }
0x51: {  	_ =	shalt  }
0x52: {  	_ =	shalt  }
0x53: {  	_ =	shalt  }
0x54: {  	_ =	shalt  }
0x55: {  	_ =	shalt  }
0x56: {  	_ =	shalt  }
0x57: {  	_ =	shalt  }
0x58: {  	_ =	shalt  }
0x59: {  	_ =	shalt  }
0x5a: {  	_ =	shalt  }
0x5b: {  	_ =	shalt  }
0x5c: {  	_ =	shalt  }
0x5d: {  	_ =	shalt  }
0x5e: {  	_ =	shalt  }
0x5f: {  	_ =	shalt  }
0x60: {  	_ =	shalt  }
0x61: {  	_ =	shalt  }
0x62: {  	_ =	shalt  }
0x63: {  	_ =	shalt  }
0x64: {  	_ =	shalt  }
0x65: {  	_ =	shalt  }
0x66: {  	_ =	shalt  }
0x67: {  	_ =	shalt  }
0x68: {  	_ =	shalt  }
0x69: {  	_ =	shalt  }
0x6a: {  	_ =	shalt  }
0x6b: {  	_ =	shalt  }
0x6c: {  	_ =	shalt  }
0x6d: {  	_ =	shalt  }
0x6e: {  	_ =	shalt  }
0x6f: {  	_ =	shalt  }
0x70: {  	_ =	shalt  }
0x71: {  	_ =	shalt  }
0x72: {  	_ =	shalt  }
0x73: {  	_ =	shalt  }
0x74: {  	_ =	shalt  }
0x75: {  	_ =	shalt  }
0x76: {  	_ =	shalt  }
0x77: {  	_ =	shalt  }
0x78: {  	_ =	shalt  }
0x79: {  	_ =	shalt  }
0x7a: {  	_ =	shalt  }
0x7b: {  	_ =	shalt  }
0x7c: {  	_ =	shalt  }
0x7d: {  	_ =	shalt  }
0x7e: {  	_ =	shalt  }
0x7f: {  	_ =	shalt  }
0x80: {  	_ =	shalt  }
0x81: {  	_ =	shalt  }
0x82: {  	_ =	shalt  }
0x83: {  	_ =	shalt  }
0x84: {  	_ =	shalt  }
0x85: {  	_ =	shalt  }
0x86: {  	_ =	shalt  }
0x87: {  	_ =	shalt  }
.Lfunc_end0:
.L_simem_size_0:
called_computation.2_lowered:
.L_overlay_start_0:
0x88: {  	s2 =	sld [smem:$0x3FD9]  }
0x89: {  	s3 =	sld [smem:$0x3FFE];
	_ =	sdelay $0x1  }
0x8a: {  	s1 =	srdreg.scid  }
0x8b: {  	s0 =	sand.u32 $0x1, s1  }
0x8c: {  	s16 =	sshll.u32 s0, $0xA;
	s2 =	sadd.s32 s3, s2  }
0x8d: {  	s2 =	sadd.s32 s2, s16  }
0x8e: {  	[smem:$0x3FC2] =	sst s2  }
0x8f: {  	_ = 	snop  }
0x90: {  	(tm) =	ssettm $0x1  }
0x91: {  	s17 =	sld [smem:$0x3FFB];
	_ =	sdelay $0x3  }
0x92: {  	_ =	strace s17  }
0x93: {  	s2 =	sld [smem:$0x3FFC];
	_ =	sdelay $0x3  }
0x94: {  	_ =	strace s2  }
0x95: {  	s2 =	sld [smem:$0x3FFD];
	_ =	sdelay $0x3  }
0x96: {  	_ =	strace s2  }
0x97: {  	_ =	strace $0x8FFFFFFF  }
0x98: {  	s18 =	sld [smem:$0x3FDB];
	_ =	sdelay $0x1  }
0x99: {  	s19 =	simm.s32 $_scs_section_size  }
0x9a: {  	s4 =	simm.s32 $_size__tile_overlayer_lowered;
	s5 =	simm.s32 $_tile_overlayer_lowered  }
0x9b: {  	s22 =	simm.s32 $0x1BFF;
	s21 =	sshll.u32 s5, $0x1;
	s2 =	sadd.s32 s19, s18  }
0x9c: {  	s6 =	simm.s32 $0x0;
	s20 =	sshll.u32 s4, $0x1;
	s4 =	sadd.s32 s21, s2  }
0x9d: {  	[timem:s6], [sflag:s22] =	dma.local [hbm:s4], s20  }
0x9e: {  	_ =	swait.ge [sflag:s22], s20  }
0x9f: {  	s3 =	ssub.s32 $0x0, s20;
	[sflag:s22] =	ssyncset.done $0x0  }
0xa0: {  	[sflag:s22] =	ssyncadd.s32 s3;
	_ =	sdelay $0x1  }
0xa1: {  	s23 =	simm.s32 $0x1B8B  }
0xa2: {  	_ =	swait.ge [sflag:s23], $0x1  }
0xa3: {  	[sflag:s23] =	ssyncset.done $0x0  }
0xa4: {  	s25 =	simm.s32 $0x1B8E;
	s24 =	sld [smem:$0x3FFE];
	[sflag:s23] =	ssyncadd.s32 $0xFFFFFFFF  }
0xa5: {  	s26 =	simm.s32 $execute0_lowered;
	[smem:$0x3FD2] =	sst s25  }
0xa6: {  	s4 =	sshll.u32 s26, $0x1;
	_ =	strace $0x8000004C;
	[dreg:$0x1] =	wrdreg $0xFFFFFFFF  }
0xa7: {  	s28 =	simm.s32 $_size_execute0_lowered;
	s2 =	sadd.s32 s2, s4;
	[dreg:$0x0] =	wrdreg $0x0  }
0xa8: {  	s4 =	sshll.u32 s28, $0x1;
	[dreg:$0x2] =	wrdreg s2  }
0xa9: {  	[dreg:$0x3] =	wrdreg s4  }
0xaa: {  	[dreg:$0x4] =	wrdreg $0xC0  }
0xab: {  	_ =	task [dreg:s6], $0x5FFFF  }
0xac: {  	[dreg:$0x1] =	wrdreg $0xFFFFFFFF  }
0xad: {  	[dreg:$0x0] =	wrdreg $0x60  }
0xae: {  	[dreg:$0x2] =	wrdreg s24  }
0xaf: {  	[dreg:$0x3] =	wrdreg $0x80200  }
0xb0: {  	[dreg:$0x4] =	wrdreg $0x9  }
0xb1: {  	_ =	task.clear_ibuf [dreg:s6], $0x5FFFF;
	_ =	strace $0x9000004C  }
0xb2: {  	s29 =	simm.s32 $0x9;
	_ =	strace $0x8000004E  }
0xb3: {  	_ =	swait.ge [sflag:s29], $0x1  }
0xb4: {  	[sflag:s29] =	ssyncadd.s32 $0xFFFFFFFF  }
0xb5: {  	_ =	strace $0x9000004E  }
0xb6: {  	_ =	sfence  }
0xb7: {  	s30 =	sld [smem:$0x0];
	_ =	sdelay $0x2  }
0xb8: {  	s31 =	sshll.u32 s1, $0xD;
	s1 =	sshrl.u32 s1, $0x2  }
0xb9: {  	s3 =	sand.u32 $0x4000, s31;
	s1 =	sadd.s32 s1, s30  }
0xba: {  	s0 =	sor.u32 s3, s0;
	s1 =	sshll.u32 s1, $0x11  }
0xbb: {  	s0 =	sor.u32 s1, s0  }
0xbc: {  	s0 =	sadd.s32 $0x8F2B, s0  }
0xbd: {  	[sflag:s0] =	ssyncadd.remote.s32 $0x1  }
0xbe: {  	_ =	sfence.sel $0xFFFF  }
0xbf: {  	[dreg:$0x0] =	wrdreg $0xFFFFFFFF;
	(pc) =	sbr.abs _section_cstart, $3  }
0xc0: {  	[dreg:$0x1] =	wrdreg $0xFFFFFFFF  }
0xc1: {  	_ =	task.clear_ibuf [dreg:s6], $0x2FFFF;
	_ =	strace $0x9FFFFFFF  }
0xc2: {  	(tm) =	ssettm $0x7FFFFFFF  }
0xc3: {  	_ =	shalt  }
tec
execute0_lowered:
.L_overlay_start_1:
0x0: {  	(tag) =	ssettag $0x1  }
0x1: {  	s0 =	rddreg [dreg:$0x0]  }
0x2: {  	s1 =	srdreg.scid;
	s4 =	stileid.u32  }
0x3: {  	s2 =	rddreg [dreg:$0x1];
	s15 =	simm.s32 $0x0;
	s29 =	simm.s32 $0x50  }
0x4: {  	s31 =	simm.s32 $0x12;
	s1 =	sand.u32 $0x1, s1;
	s3 =	sshll.u32 s4, $0x1  }
0x5: {  	[smem:$0x7FF] =	sst s15;
	s6 =	smul.u32 $0x2800, s4;
	s4 =	sadd.s32 $0x3E600, s0  }
0x6: {  	s8 =	sadd.s32 $0x16400, s0;
	s3 =	sor.u32 s1, s3;
	_ =	strace $0x8000004D  }
0x7: {  	s5 =	ssub.s32 $0x2, s1;
	[dreg:$0x3] =	wrdreg s8;
	p0 =	seq.s32 s1, $0x0  }
0x8: {  	s1 =	simm.s32 $0x48600;
	s3 =	smul.u32 $0x2710, s3;
	s7 =	sshrl.u32 s5, $0x1  }
0x9: {  	s21 =	sor.u32 $0x500, s6;
	s22 =	sadd.s32 s6, s2;
	s23 =	sadd.s32 $0xA00, s6  }
0xa: {  	s9 =	sadd.s32 $0xF00, s6;
	s10 =	sadd.s32 $0x1400, s6;
	s11 =	sadd.s32 $0x1900, s6  }
0xb: {  	s24 =	sadd.s32 $0x1E00, s6;
	s13 =	sadd.s32 $0x2300, s6;
	s1 =	simm.s32 @!p0 $0x43600  }
0xc: {  	s6 =	sshrl.u32 s6, $0x3;
	s5 =	ssub.s32 s5, s7;
	[dreg:$0x4] =	wrdreg s22  }
0xd: {  	s16 =	sadd.s32 s21, s2;
	s30 =	sadd.s32 s23, s2;
	s14 =	sadd.s32 s9, s2  }
0xe: {  	s28 =	sadd.s32 s10, s2;
	s12 =	sadd.s32 s11, s2;
	s17 =	sadd.s32 s24, s2  }
0xf: {  	s25 =	sadd.s32 s13, s2;
	s7 =	sshrl.u32 s21, $0x3;
	[dreg:$0x8] =	wrdreg s12  }
0x10: {  	s8 =	sshrl.u32 s23, $0x3;
	s9 =	sshrl.u32 s9, $0x3;
	[dreg:$0x9] =	wrdreg s17  }
0x11: {  	s18 =	sshrl.u32 s11, $0x3;
	s19 =	sshrl.u32 s24, $0x3;
	[dreg:$0xa] =	wrdreg s25  }
0x12: {  	s20 =	sshrl.u32 s13, $0x3;
	s11 =	simm.s32 $0xE;
	[dreg:$0x5] =	wrdreg s16  }
0x13: {  	s3 =	sshrl.u32 s3, $0x3;
	s17 =	sshrl.u32 s10, $0x3;
	[dreg:$0x6] =	wrdreg s30  }
0x14: {  	s5 =	smax.u32 s5, $0x1;
	s13 =	smov.u32 s14;
	[dreg:$0x7] =	wrdreg s28  }
0x15: {  	s10 =	simm.s32 $0xD;
	s3 =	sadd.s32 s3, s0;
	[dreg:$0xd] =	wrdreg s5  }
0x16: {  	s12 =	simm.s32 $0xF;
	[dreg:$0x17] =	wrdreg s13;
	s26 =	sadd.s32 $0x2A00, s3  }
0x17: {  	s0 =	sadd.s32 s1, s0;
	s3 =	sadd.s32 $0xC640, s3;
	[dreg:$0xb] =	wrdreg s26  }
0x18: {  	s14 =	simm.s32 $0x14;
	s1 =	sadd.s32 s0, s6;
	[dreg:$0xc] =	wrdreg s3  }
0x19: {  	s5 =	simm.s32 $0x13;
	s21 =	sadd.s32 s0, s7;
	[dreg:$0xe] =	wrdreg s1  }
0x1a: {  	s22 =	sadd.s32 s0, s8;
	s23 =	sadd.s32 s0, s9;
	[dreg:$0xf] =	wrdreg s21  }
0x1b: {  	s24 =	sadd.s32 s0, s17;
	s25 =	sadd.s32 s0, s18;
	[dreg:$0x10] =	wrdreg s22  }
0x1c: {  	s6 =	simm.s32 $0x7620;
	s7 =	simm.s32 $0x7B20;
	[dreg:$0x11] =	wrdreg s23  }
0x1d: {  	s17 =	simm.s32 $0x1;
	s18 =	simm.s32 $0x2;
	[dreg:$0x12] =	wrdreg s24  }
0x1e: {  	s8 =	simm.s32 $0xB;
	s9 =	simm.s32 $0xC;
	[dreg:$0x13] =	wrdreg s25  }
.Ltmp0:
0x1f: {  	s26 =	sadd.s32 s0, s19;
	s0 =	sadd.s32 s0, s20;
	(pc) =	sbr.rel .LBB2_1-.Ltmp0, $4  }
0x20: {  	s25 =	simm.s32 $0x4E20;
	s22 =	simm.s32 $0x6720;
	s23 =	simm.s32 $0x6C20  }
0x21: {  	s24 =	simm.s32 $0x7120;
	s19 =	simm.s32 $0x3;
	s20 =	simm.s32 $0x4  }
0x22: {  	s21 =	simm.s32 $0x5;
	s3 =	simm.s32 $0x11;
	[dreg:$0x14] =	wrdreg s26  }
0x23: {  	[dreg:$0x15] =	wrdreg s0;
	s26 =	simm.s32 $0x15;
	s0 =	simm.s32 $0x0  }
.LBB2_3:
0x24: {  	_ =	swait.ge [sflag:s3], $0x500  }
0x25: {  	[sflag:s3] =	ssyncset.done $0x0  }
0x26: {  	[sflag:s3] =	ssyncadd.s32 $0xFFFFFB00  }
0x27: {  	_ =	swait.ge [sflag:s31], $0x500  }
0x28: {  	[sflag:s31] =	ssyncset.done $0x0  }
0x29: {  	[sflag:s31] =	ssyncadd.s32 $0xFFFFFB00  }
0x2a: {  	_ =	swait.ge [sflag:s5], $0x500  }
0x2b: {  	[sflag:s5] =	ssyncset.done $0x0  }
0x2c: {  	[sflag:s5] =	ssyncadd.s32 $0xFFFFFB00  }
0x2d: {  	s22 =	simm.s32 $0x6720;
	_ =	swait.ge [sflag:s14], $0x500  }
0x2e: {  	s23 =	simm.s32 $0x6C20;
	s24 =	simm.s32 $0x7120;
	[sflag:s14] =	ssyncset.done $0x0  }
0x2f: {  	s6 =	simm.s32 $0x7620;
	s7 =	simm.s32 $0x7B20;
	[sflag:s14] =	ssyncadd.s32 $0xFFFFFB00  }
.LBB2_5:
0x30: {  	_ =	swait.ge [sflag:s17], $0x500  }
0x31: {  	[sflag:s17] =	ssyncset.done $0x0  }
0x32: {  	s0 =	simm.s32 $0x4C90;
	[sflag:s17] =	ssyncadd.s32 $0xFFFFFB00  }
0x33: {  	[spmem:s2] =	stream.indirect.scatter.add.f32 [tilespmem:s25], [sflag:$0xB], $0x10, s0, s29, $0xb8;
	[tilespmem:$0xA820] =	vst v63  }
0x34: {  	_ =	swait.ge [sflag:s18], $0x500  }
0x35: {  	[sflag:s18] =	ssyncset.done $0x0  }
0x36: {  	s16 =	simm.s32 $0x4CE0;
	[sflag:s18] =	ssyncadd.s32 $0xFFFFFB00  }
0x37: {  	[spmem:s2] =	stream.indirect.scatter.add.f32 [tilespmem:s1], [sflag:$0xC], $0x10, s16, s29, $0xb8;
	[tilespmem:$0xA820] =	vst v63  }
0x38: {  	_ =	swait.ge [sflag:s19], $0x500  }
0x39: {  	[sflag:s19] =	ssyncset.done $0x0  }
0x3a: {  	s13 =	simm.s32 $0x4D30;
	s0 =	simm.s32 $0x5820;
	[sflag:s19] =	ssyncadd.s32 $0xFFFFFB00  }
0x3b: {  	[spmem:s2] =	stream.indirect.scatter.add.f32 [tilespmem:s0], [sflag:$0xD], $0x10, s13, s29, $0xb8;
	[tilespmem:$0xA820] =	vst v63  }
0x3c: {  	_ =	swait.ge [sflag:s20], $0x500  }
0x3d: {  	[sflag:s20] =	ssyncset.done $0x0  }
0x3e: {  	s15 =	simm.s32 $0x5D20;
	s16 =	simm.s32 $0x4D80;
	[sflag:s20] =	ssyncadd.s32 $0xFFFFFB00  }
0x3f: {  	[spmem:s2] =	stream.indirect.scatter.add.f32 [tilespmem:s15], [sflag:$0xE], $0x10, s16, s29, $0xb8;
	[tilespmem:$0xA820] =	vst v63  }
0x40: {  	_ =	swait.ge [sflag:s21], $0x500  }
0x41: {  	[sflag:s21] =	ssyncset.done $0x0  }
0x42: {  	s1 =	simm.s32 $0x6220;
	s13 =	simm.s32 $0x4DD0;
	[sflag:s21] =	ssyncadd.s32 $0xFFFFFB00  }
0x43: {  	[spmem:s2] =	stream.indirect.scatter.add.f32 [tilespmem:s1], [sflag:$0xF], $0x10, s13, s29, $0xb8;
	[tilespmem:$0xA820] =	vst v63  }
0x44: {  	_ =	swait.ge [sflag:s8], $0x500  }
0x45: {  	[sflag:s8] =	ssyncset.done $0x0  }
0x46: {  	[sflag:s8] =	ssyncadd.s32 $0xFFFFFB00  }
0x47: {  	_ =	swait.ge [sflag:s9], $0x500  }
0x48: {  	[sflag:s9] =	ssyncset.done $0x0  }
0x49: {  	[sflag:s9] =	ssyncadd.s32 $0xFFFFFB00  }
0x4a: {  	_ =	swait.ge [sflag:s10], $0x500  }
0x4b: {  	[sflag:s10] =	ssyncset.done $0x0  }
0x4c: {  	[sflag:s10] =	ssyncadd.s32 $0xFFFFFB00  }
0x4d: {  	_ =	swait.ge [sflag:s11], $0x500  }
0x4e: {  	[sflag:s11] =	ssyncset.done $0x0  }
0x4f: {  	[sflag:s11] =	ssyncadd.s32 $0xFFFFFB00  }
0x50: {  	_ =	swait.ge [sflag:s12], $0x500  }
0x51: {  	[sflag:s12] =	ssyncset.done $0x0  }
0x52: {  	[sflag:s12] =	ssyncadd.s32 $0xFFFFFB00  }
0x53: {  	[bflag:$0x0] =	sbarrier.arrive $0xFFFF  }
0x54: {  	s15 =	rddreg [dreg:$0x4]  }
0x55: {  	[tilespmem:s25], [sflag:$0x15] =	stream.linear.gather [spmem:s15], $0x500, $0x38;
	[tilespmem:$0xA820] =	vst v63  }
0x56: {  	_ =	swait.ge [sflag:s26], $0x500  }
0x57: {  	[sflag:s26] =	ssyncset.done $0x0  }
0x58: {  	s15 =	simm.s32 $0x0;
	s16 =	rddreg [dreg:$0xe];
	[sflag:s26] =	ssyncadd.s32 $0xFFFFFB00  }
0x59: {  	[hbm4b:s16+s15] =	stream.linear.scatter [tilespmem:s25], [sflag:$0x15], $0x500, $0x38;
	[tilespmem:$0xA820] =	vst v63  }
0x5a: {  	_ =	swait.ge [sflag:s26], $0x500  }
0x5b: {  	[sflag:s26] =	ssyncset.done $0x0  }
0x5c: {  	s16 =	rddreg [dreg:$0x5];
	[sflag:s26] =	ssyncadd.s32 $0xFFFFFB00  }
0x5d: {  	[tilespmem:s25], [sflag:$0x15] =	stream.linear.gather [spmem:s16], $0x500, $0x38;
	[tilespmem:$0xA820] =	vst v63  }
0x5e: {  	_ =	swait.ge [sflag:s26], $0x500  }
0x5f: {  	[sflag:s26] =	ssyncset.done $0x0  }
0x60: {  	s0 =	rddreg [dreg:$0xf];
	[sflag:s26] =	ssyncadd.s32 $0xFFFFFB00  }
0x61: {  	[hbm4b:s0+s15] =	stream.linear.scatter [tilespmem:s25], [sflag:$0x15], $0x500, $0x38;
	[tilespmem:$0xA820] =	vst v63  }
0x62: {  	_ =	swait.ge [sflag:s26], $0x500  }
0x63: {  	[sflag:s26] =	ssyncset.done $0x0  }
0x64: {  	s30 =	rddreg [dreg:$0x6];
	[sflag:s26] =	ssyncadd.s32 $0xFFFFFB00  }
0x65: {  	[tilespmem:s25], [sflag:$0x15] =	stream.linear.gather [spmem:s30], $0x500, $0x38;
	[tilespmem:$0xA820] =	vst v63  }
0x66: {  	_ =	swait.ge [sflag:s26], $0x500  }
0x67: {  	[sflag:s26] =	ssyncset.done $0x0  }
0x68: {  	s13 =	rddreg [dreg:$0x10];
	[sflag:s26] =	ssyncadd.s32 $0xFFFFFB00  }
0x69: {  	[hbm4b:s13+s15] =	stream.linear.scatter [tilespmem:s25], [sflag:$0x15], $0x500, $0x38;
	[tilespmem:$0xA820] =	vst v63  }
0x6a: {  	_ =	swait.ge [sflag:s26], $0x500  }
0x6b: {  	[sflag:s26] =	ssyncset.done $0x0  }
0x6c: {  	s13 =	rddreg [dreg:$0x17];
	[sflag:s26] =	ssyncadd.s32 $0xFFFFFB00  }
0x6d: {  	[tilespmem:s25], [sflag:$0x15] =	stream.linear.gather [spmem:s13], $0x500, $0x38;
	[tilespmem:$0xA820] =	vst v63  }
0x6e: {  	_ =	swait.ge [sflag:s26], $0x500  }
0x6f: {  	[sflag:s26] =	ssyncset.done $0x0  }
0x70: {  	s0 =	rddreg [dreg:$0x11];
	[sflag:s26] =	ssyncadd.s32 $0xFFFFFB00  }
0x71: {  	[hbm4b:s0+s15] =	stream.linear.scatter [tilespmem:s25], [sflag:$0x15], $0x500, $0x38;
	[tilespmem:$0xA820] =	vst v63  }
0x72: {  	_ =	swait.ge [sflag:s26], $0x500  }
0x73: {  	[sflag:s26] =	ssyncset.done $0x0  }
0x74: {  	s28 =	rddreg [dreg:$0x7];
	[sflag:s26] =	ssyncadd.s32 $0xFFFFFB00  }
0x75: {  	[tilespmem:s25], [sflag:$0x15] =	stream.linear.gather [spmem:s28], $0x500, $0x38;
	[tilespmem:$0xA820] =	vst v63  }
0x76: {  	_ =	swait.ge [sflag:s26], $0x500  }
0x77: {  	[sflag:s26] =	ssyncset.done $0x0  }
0x78: {  	s0 =	rddreg [dreg:$0x12];
	[sflag:s26] =	ssyncadd.s32 $0xFFFFFB00  }
0x79: {  	[hbm4b:s0+s15] =	stream.linear.scatter [tilespmem:s25], [sflag:$0x15], $0x500, $0x38;
	[tilespmem:$0xA820] =	vst v63  }
0x7a: {  	_ =	swait.ge [sflag:s26], $0x500  }
0x7b: {  	[sflag:s26] =	ssyncset.done $0x0  }
0x7c: {  	s1 =	rddreg [dreg:$0x8];
	[sflag:s26] =	ssyncadd.s32 $0xFFFFFB00  }
0x7d: {  	[tilespmem:s25], [sflag:$0x15] =	stream.linear.gather [spmem:s1], $0x500, $0x38;
	[tilespmem:$0xA820] =	vst v63  }
0x7e: {  	_ =	swait.ge [sflag:s26], $0x500  }
0x7f: {  	[sflag:s26] =	ssyncset.done $0x0  }
0x80: {  	s0 =	rddreg [dreg:$0x13];
	[sflag:s26] =	ssyncadd.s32 $0xFFFFFB00  }
0x81: {  	[hbm4b:s0+s15] =	stream.linear.scatter [tilespmem:s25], [sflag:$0x15], $0x500, $0x38;
	[tilespmem:$0xA820] =	vst v63  }
0x82: {  	_ =	swait.ge [sflag:s26], $0x500  }
0x83: {  	[sflag:s26] =	ssyncset.done $0x0  }
0x84: {  	s1 =	rddreg [dreg:$0x9];
	[sflag:s26] =	ssyncadd.s32 $0xFFFFFB00  }
0x85: {  	[tilespmem:s25], [sflag:$0x15] =	stream.linear.gather [spmem:s1], $0x500, $0x38;
	[tilespmem:$0xA820] =	vst v63  }
0x86: {  	_ =	swait.ge [sflag:s26], $0x500  }
0x87: {  	[sflag:s26] =	ssyncset.done $0x0  }
0x88: {  	s0 =	rddreg [dreg:$0x14];
	[sflag:s26] =	ssyncadd.s32 $0xFFFFFB00  }
0x89: {  	[hbm4b:s0+s15] =	stream.linear.scatter [tilespmem:s25], [sflag:$0x15], $0x500, $0x38;
	[tilespmem:$0xA820] =	vst v63  }
0x8a: {  	_ =	swait.ge [sflag:s26], $0x500  }
0x8b: {  	[sflag:s26] =	ssyncset.done $0x0  }
0x8c: {  	s1 =	rddreg [dreg:$0xa];
	[sflag:s26] =	ssyncadd.s32 $0xFFFFFB00  }
0x8d: {  	[tilespmem:s25], [sflag:$0x15] =	stream.linear.gather [spmem:s1], $0x500, $0x38;
	[tilespmem:$0xA820] =	vst v63  }
0x8e: {  	_ =	swait.ge [sflag:s26], $0x500  }
0x8f: {  	[sflag:s26] =	ssyncset.done $0x0  }
0x90: {  	s0 =	rddreg [dreg:$0x15];
	[sflag:s26] =	ssyncadd.s32 $0xFFFFFB00  }
0x91: {  	[hbm4b:s0+s15] =	stream.linear.scatter [tilespmem:s25], [sflag:$0x15], $0x500, $0x38;
	[tilespmem:$0xA820] =	vst v63  }
0x92: {  	_ =	swait.ge [sflag:s26], $0x500  }
0x93: {  	s1 =	rddreg [dreg:$0x16]  }
0x94: {  	s0 =	sadd.s32 $0x1, s1;
	s1 =	rddreg [dreg:$0xd]  }
0x95: {  	p0 =	sne.s32 s0, s1  }
.Ltmp1:
0x96: {  	_ = 	snop;
	(pc) =	sbr.rel @!p0 .LBB2_6-.Ltmp1, $3  }
0x97: {  	_ =	sdelay $0x1  }
0x98: {  	[sflag:s26] =	ssyncset.done $0x0  }
0x99: {  	[sflag:s26] =	ssyncadd.s32 $0xFFFFFB00  }
.LBB2_1:
0x9a: {  	[dreg:$0x16] =	wrdreg s0  }
0x9b: {  	s0 =	rddreg [dreg:$0x3]  }
0x9c: {  	[tilespmem:s25], [sflag:$0x15] =	stream.linear.gather [hbm4b:s0+s15], $0x500, $0x38;
	[tilespmem:$0xA820] =	vst v63  }
0x9d: {  	_ =	swait.ge [sflag:s26], $0x500  }
0x9e: {  	s1 =	smov.u32 s30;
	[sflag:s26] =	ssyncset.done $0x0  }
0x9f: {  	s30 =	smov.u32 s16;
	s16 =	rddreg [dreg:$0x4];
	[sflag:s26] =	ssyncadd.s32 $0xFFFFFB00  }
0xa0: {  	[spmem:s16] =	stream.linear.scatter [tilespmem:s25], [sflag:$0x15], $0x500, $0x38;
	[tilespmem:$0xA820] =	vst v63  }
0xa1: {  	_ =	swait.ge [sflag:s26], $0x500  }
0xa2: {  	[sflag:s26] =	ssyncset.done $0x0  }
0xa3: {  	[sflag:s26] =	ssyncadd.s32 $0xFFFFFB00  }
0xa4: {  	[spmem:s30] =	stream.linear.scatter [tilespmem:s25], [sflag:$0x15], $0x500, $0x38;
	[tilespmem:$0xA820] =	vst v63  }
0xa5: {  	_ =	swait.ge [sflag:s26], $0x500  }
0xa6: {  	[sflag:s26] =	ssyncset.done $0x0  }
0xa7: {  	[sflag:s26] =	ssyncadd.s32 $0xFFFFFB00  }
0xa8: {  	[spmem:s1] =	stream.linear.scatter [tilespmem:s25], [sflag:$0x15], $0x500, $0x38;
	[tilespmem:$0xA820] =	vst v63  }
0xa9: {  	_ =	swait.ge [sflag:s26], $0x500  }
0xaa: {  	[sflag:s26] =	ssyncset.done $0x0  }
0xab: {  	[sflag:s26] =	ssyncadd.s32 $0xFFFFFB00  }
0xac: {  	[spmem:s13] =	stream.linear.scatter [tilespmem:s25], [sflag:$0x15], $0x500, $0x38;
	[tilespmem:$0xA820] =	vst v63  }
0xad: {  	_ =	swait.ge [sflag:s26], $0x500  }
0xae: {  	[sflag:s26] =	ssyncset.done $0x0  }
0xaf: {  	[sflag:s26] =	ssyncadd.s32 $0xFFFFFB00  }
0xb0: {  	[spmem:s28] =	stream.linear.scatter [tilespmem:s25], [sflag:$0x15], $0x500, $0x38;
	[tilespmem:$0xA820] =	vst v63  }
0xb1: {  	_ =	swait.ge [sflag:s26], $0x500  }
0xb2: {  	[sflag:s26] =	ssyncset.done $0x0  }
0xb3: {  	s1 =	rddreg [dreg:$0x8];
	[sflag:s26] =	ssyncadd.s32 $0xFFFFFB00  }
0xb4: {  	[spmem:s1] =	stream.linear.scatter [tilespmem:s25], [sflag:$0x15], $0x500, $0x38;
	[tilespmem:$0xA820] =	vst v63  }
0xb5: {  	_ =	swait.ge [sflag:s26], $0x500  }
0xb6: {  	[sflag:s26] =	ssyncset.done $0x0  }
0xb7: {  	s13 =	rddreg [dreg:$0x9];
	[sflag:s26] =	ssyncadd.s32 $0xFFFFFB00  }
0xb8: {  	[spmem:s13] =	stream.linear.scatter [tilespmem:s25], [sflag:$0x15], $0x500, $0x38;
	[tilespmem:$0xA820] =	vst v63  }
0xb9: {  	_ =	swait.ge [sflag:s26], $0x500  }
0xba: {  	[sflag:s26] =	ssyncset.done $0x0  }
0xbb: {  	s16 =	rddreg [dreg:$0xa];
	[sflag:s26] =	ssyncadd.s32 $0xFFFFFB00  }
0xbc: {  	[spmem:s16] =	stream.linear.scatter [tilespmem:s25], [sflag:$0x15], $0x500, $0x38;
	[tilespmem:$0xA820] =	vst v63  }
0xbd: {  	_ =	swait.ge [sflag:s26], $0x500  }
0xbe: {  	[sflag:s26] =	ssyncset.done $0x0  }
0xbf: {  	s28 =	rddreg [dreg:$0xb];
	[sflag:s26] =	ssyncadd.s32 $0xFFFFFB00  }
0xc0: {  	[tilespmem:s15], [sflag:$0x15] =	stream.linear.gather [hbm4b:s28+s15], $0x2710, $0x38;
	[tilespmem:$0xA820] =	vst v63  }
0xc1: {  	_ =	swait.ge [sflag:s26], $0x2710  }
0xc2: {  	[sflag:s26] =	ssyncset.done $0x0  }
0xc3: {  	s0 =	simm.s32 $0x2710;
	s30 =	rddreg [dreg:$0xc];
	[sflag:s26] =	ssyncadd.s32 $0xFFFFD8F0  }
0xc4: {  	[tilespmem:s0], [sflag:$0x15] =	stream.linear.gather [hbm4b:s30+s15], $0x2710, $0x38;
	[tilespmem:$0xA820] =	vst v63  }
0xc5: {  	_ =	swait.ge [sflag:s26], $0x2710  }
0xc6: {  	[sflag:s26] =	ssyncset.done $0x0  }
0xc7: {  	[sflag:s26] =	ssyncadd.s32 $0xFFFFD8F0  }
0xc8: {  	[tilespmem:s25], [sflag:$0x1] =	stream.indirect.gather [hbm4b:s4+s29], $0x10, s15, s29, $0xb8;
	[tilespmem:$0xA820] =	vst v63  }
0xc9: {  	s13 =	simm.s32 $0x5320  }
0xca: {  	[tilespmem:s13], [sflag:$0x2] =	stream.indirect.gather [hbm4b:s4+s29], $0x10, s29, s29, $0xb8;
	[tilespmem:$0xA820] =	vst v63  }
0xcb: {  	s16 =	simm.s32 $0x5820;
	s15 =	simm.s32 $0xA0  }
0xcc: {  	[tilespmem:s16], [sflag:$0x3] =	stream.indirect.gather [hbm4b:s4+s29], $0x10, s15, s29, $0xb8;
	[tilespmem:$0xA820] =	vst v63  }
0xcd: {  	s28 =	simm.s32 $0xF0;
	s30 =	simm.s32 $0x5D20  }
0xce: {  	[tilespmem:s30], [sflag:$0x4] =	stream.indirect.gather [hbm4b:s4+s29], $0x10, s28, s29, $0xb8;
	[tilespmem:$0xA820] =	vst v63  }
0xcf: {  	s13 =	simm.s32 $0x6220;
	s15 =	simm.s32 $0x140  }
0xd0: {  	[tilespmem:s13], [sflag:$0x5] =	stream.indirect.gather [hbm4b:s4+s29], $0x10, s15, s29, $0xb8;
	[tilespmem:$0xA820] =	vst v63  }
0xd1: {  	s16 =	simm.s32 $0x190  }
0xd2: {  	[tilespmem:s22], [sflag:$0x6] =	stream.indirect.gather [hbm4b:s4+s29], $0x10, s16, s29, $0xb8;
	[tilespmem:$0xA820] =	vst v63  }
0xd3: {  	s22 =	simm.s32 $0x1E0  }
0xd4: {  	[tilespmem:s23], [sflag:$0x7] =	stream.indirect.gather [hbm4b:s4+s29], $0x10, s22, s29, $0xb8;
	[tilespmem:$0xA820] =	vst v63  }
0xd5: {  	s23 =	simm.s32 $0x230  }
0xd6: {  	[tilespmem:s24], [sflag:$0x8] =	stream.indirect.gather [hbm4b:s4+s29], $0x10, s23, s29, $0xb8;
	[tilespmem:$0xA820] =	vst v63  }
0xd7: {  	s28 =	simm.s32 $0x280  }
0xd8: {  	[tilespmem:s6], [sflag:$0x9] =	stream.indirect.gather [hbm4b:s4+s29], $0x10, s28, s29, $0xb8;
	[tilespmem:$0xA820] =	vst v63  }
0xd9: {  	s30 =	simm.s32 $0x2D0  }
0xda: {  	[tilespmem:s7], [sflag:$0xA] =	stream.indirect.gather [hbm4b:s4+s29], $0x10, s30, s29, $0xb8;
	[tilespmem:$0xA820] =	vst v63  }
0xdb: {  	s1 =	simm.s32 $0x5320;
	s15 =	simm.s32 $0x0;
	[bflag:$0x0] =	sbarrier.arrive $0xFFFF  }
.LBB2_2:
0xdc: {  	_ =	swait.ge [sflag:s17], $0x500  }
0xdd: {  	s30 =	sshra.s32 s15, $0x2;
	[sflag:s17] =	ssyncset.done $0x0  }
0xde: {  	s16 =	sadd.s32 $0x2710, s30;
	[sflag:s17] =	ssyncadd.s32 $0xFFFFFB00  }
0xdf: {  	[spmem:s2] =	stream.indirect.scatter.add.f32 [tilespmem:s25], [sflag:$0xB], $0x10, s16, s29, $0xb8;
	[tilespmem:$0xA820] =	vst v63  }
0xe0: {  	_ =	swait.ge [sflag:s18], $0x500  }
0xe1: {  	[sflag:s18] =	ssyncset.done $0x0  }
0xe2: {  	s22 =	sadd.s32 $0x2760, s30;
	[sflag:s18] =	ssyncadd.s32 $0xFFFFFB00  }
0xe3: {  	[spmem:s2] =	stream.indirect.scatter.add.f32 [tilespmem:s1], [sflag:$0xC], $0x10, s22, s29, $0xb8;
	[tilespmem:$0xA820] =	vst v63  }
0xe4: {  	_ =	swait.ge [sflag:s19], $0x500  }
0xe5: {  	[sflag:s19] =	ssyncset.done $0x0  }
0xe6: {  	s28 =	simm.s32 $0x5820;
	s23 =	sadd.s32 $0x27B0, s30;
	[sflag:s19] =	ssyncadd.s32 $0xFFFFFB00  }
0xe7: {  	[spmem:s2] =	stream.indirect.scatter.add.f32 [tilespmem:s28], [sflag:$0xD], $0x10, s23, s29, $0xb8;
	[tilespmem:$0xA820] =	vst v63  }
0xe8: {  	_ =	swait.ge [sflag:s20], $0x500  }
0xe9: {  	[sflag:s20] =	ssyncset.done $0x0  }
0xea: {  	s0 =	simm.s32 $0x5D20;
	s24 =	sadd.s32 $0x2800, s30;
	[sflag:s20] =	ssyncadd.s32 $0xFFFFFB00  }
0xeb: {  	[spmem:s2] =	stream.indirect.scatter.add.f32 [tilespmem:s0], [sflag:$0xE], $0x10, s24, s29, $0xb8;
	[tilespmem:$0xA820] =	vst v63  }
0xec: {  	_ =	swait.ge [sflag:s21], $0x500  }
0xed: {  	[sflag:s21] =	ssyncset.done $0x0  }
0xee: {  	s16 =	sadd.s32 $0x2850, s30;
	s22 =	simm.s32 $0x6220;
	[sflag:s21] =	ssyncadd.s32 $0xFFFFFB00  }
0xef: {  	[spmem:s2] =	stream.indirect.scatter.add.f32 [tilespmem:s22], [sflag:$0xF], $0x10, s16, s29, $0xb8;
	[tilespmem:$0xA820] =	vst v63  }
0xf0: {  	s16 =	simm.s32 $0x6  }
0xf1: {  	_ =	swait.ge [sflag:s16], $0x500  }
0xf2: {  	[sflag:s16] =	ssyncset.done $0x0  }
0xf3: {  	s23 =	simm.s32 $0x6720;
	[sflag:s16] =	ssyncadd.s32 $0xFFFFFB00;
	s16 =	sadd.s32 $0x28A0, s30  }
0xf4: {  	[spmem:s2] =	stream.indirect.scatter.add.f32 [tilespmem:s23], [sflag:$0x10], $0x10, s16, s29, $0xb8;
	[tilespmem:$0xA820] =	vst v63  }
0xf5: {  	s16 =	simm.s32 $0x7  }
0xf6: {  	_ =	swait.ge [sflag:s16], $0x500  }
0xf7: {  	[sflag:s16] =	ssyncset.done $0x0  }
0xf8: {  	s24 =	simm.s32 $0x6C20;
	[sflag:s16] =	ssyncadd.s32 $0xFFFFFB00;
	s16 =	sadd.s32 $0x28F0, s30  }
0xf9: {  	[spmem:s2] =	stream.indirect.scatter.add.f32 [tilespmem:s24], [sflag:$0x11], $0x10, s16, s29, $0xb8;
	[tilespmem:$0xA820] =	vst v63  }
0xfa: {  	s16 =	simm.s32 $0x8  }
0xfb: {  	_ =	swait.ge [sflag:s16], $0x500  }
0xfc: {  	[sflag:s16] =	ssyncset.done $0x0  }
0xfd: {  	s6 =	simm.s32 $0x7120;
	[sflag:s16] =	ssyncadd.s32 $0xFFFFFB00;
	s16 =	sadd.s32 $0x2940, s30  }
0xfe: {  	[spmem:s2] =	stream.indirect.scatter.add.f32 [tilespmem:s6], [sflag:$0x12], $0x10, s16, s29, $0xb8;
	[tilespmem:$0xA820] =	vst v63  }
0xff: {  	s16 =	simm.s32 $0x9  }
0x100: {  	_ =	swait.ge [sflag:s16], $0x500  }
0x101: {  	[sflag:s16] =	ssyncset.done $0x0  }
0x102: {  	s7 =	simm.s32 $0x7620;
	[sflag:s16] =	ssyncadd.s32 $0xFFFFFB00;
	s16 =	sadd.s32 $0x2990, s30  }
0x103: {  	[spmem:s2] =	stream.indirect.scatter.add.f32 [tilespmem:s7], [sflag:$0x13], $0x10, s16, s29, $0xb8;
	[tilespmem:$0xA820] =	vst v63  }
0x104: {  	s16 =	simm.s32 $0xA  }
0x105: {  	_ =	swait.ge [sflag:s16], $0x500  }
0x106: {  	[sflag:s16] =	ssyncset.done $0x0  }
0x107: {  	s13 =	simm.s32 $0x7B20;
	[sflag:s16] =	ssyncadd.s32 $0xFFFFFB00;
	s16 =	sadd.s32 $0x29E0, s30  }
0x108: {  	[spmem:s2] =	stream.indirect.scatter.add.f32 [tilespmem:s13], [sflag:$0x14], $0x10, s16, s29, $0xb8;
	[tilespmem:$0xA820] =	vst v63  }
0x109: {  	_ =	swait.ge [sflag:s8], $0x500  }
0x10a: {  	[sflag:s8] =	ssyncset.done $0x0  }
0x10b: {  	s16 =	sadd.s32 $0x320, s30;
	[sflag:s8] =	ssyncadd.s32 $0xFFFFFB00  }
0x10c: {  	[tilespmem:s25], [sflag:$0x1] =	stream.indirect.gather [hbm4b:s4+s29], $0x10, s16, s29, $0xb8;
	[tilespmem:$0xA820] =	vst v63  }
0x10d: {  	_ =	swait.ge [sflag:s9], $0x500  }
0x10e: {  	[sflag:s9] =	ssyncset.done $0x0  }
0x10f: {  	s16 =	sadd.s32 $0x370, s30;
	[sflag:s9] =	ssyncadd.s32 $0xFFFFFB00  }
0x110: {  	[tilespmem:s1], [sflag:$0x2] =	stream.indirect.gather [hbm4b:s4+s29], $0x10, s16, s29, $0xb8;
	[tilespmem:$0xA820] =	vst v63  }
0x111: {  	_ =	swait.ge [sflag:s10], $0x500  }
0x112: {  	[sflag:s10] =	ssyncset.done $0x0  }
0x113: {  	s16 =	sadd.s32 $0x3C0, s30;
	[sflag:s10] =	ssyncadd.s32 $0xFFFFFB00  }
0x114: {  	[tilespmem:s28], [sflag:$0x3] =	stream.indirect.gather [hbm4b:s4+s29], $0x10, s16, s29, $0xb8;
	[tilespmem:$0xA820] =	vst v63  }
0x115: {  	_ =	swait.ge [sflag:s11], $0x500  }
0x116: {  	[sflag:s11] =	ssyncset.done $0x0  }
0x117: {  	s28 =	sadd.s32 $0x410, s30;
	[sflag:s11] =	ssyncadd.s32 $0xFFFFFB00  }
0x118: {  	[tilespmem:s0], [sflag:$0x4] =	stream.indirect.gather [hbm4b:s4+s29], $0x10, s28, s29, $0xb8;
	[tilespmem:$0xA820] =	vst v63  }
0x119: {  	_ =	swait.ge [sflag:s12], $0x500  }
0x11a: {  	p0 =	sne.s32 s15, $0x8980;
	s0 =	sadd.s32 $0x460, s30;
	[sflag:s12] =	ssyncset.done $0x0  }
.Ltmp2:
0x11b: {  	s28 =	simm.s32 $0x10;
	[sflag:s12] =	ssyncadd.s32 $0xFFFFFB00;
	(pc) =	sbr.rel @!p0 .LBB2_3-.Ltmp2, $4  }
0x11c: {  	[tilespmem:s22], [sflag:$0x5] =	stream.indirect.gather [hbm4b:s4+s29], $0x10, s0, s29, $0xb8;
	[tilespmem:$0xA820] =	vst v63  }
0x11d: {  	_ =	swait.ge [sflag:s28], $0x500  }
0x11e: {  	[sflag:s28] =	ssyncset.done $0x0  }
0x11f: {  	[sflag:s28] =	ssyncadd.s32 $0xFFFFFB00  }
0x120: {  	s16 =	sadd.s32 $0x4B0, s30  }
0x121: {  	[tilespmem:s23], [sflag:$0x6] =	stream.indirect.gather [hbm4b:s4+s29], $0x10, s16, s29, $0xb8;
	[tilespmem:$0xA820] =	vst v63  }
0x122: {  	_ =	swait.ge [sflag:s3], $0x500  }
0x123: {  	[sflag:s3] =	ssyncset.done $0x0  }
0x124: {  	s23 =	sadd.s32 $0x500, s30;
	[sflag:s3] =	ssyncadd.s32 $0xFFFFFB00  }
0x125: {  	[tilespmem:s24], [sflag:$0x7] =	stream.indirect.gather [hbm4b:s4+s29], $0x10, s23, s29, $0xb8;
	[tilespmem:$0xA820] =	vst v63  }
0x126: {  	_ =	swait.ge [sflag:s31], $0x500  }
0x127: {  	[sflag:s31] =	ssyncset.done $0x0  }
0x128: {  	s24 =	sadd.s32 $0x550, s30;
	[sflag:s31] =	ssyncadd.s32 $0xFFFFFB00  }
0x129: {  	[tilespmem:s6], [sflag:$0x8] =	stream.indirect.gather [hbm4b:s4+s29], $0x10, s24, s29, $0xb8;
	[tilespmem:$0xA820] =	vst v63  }
0x12a: {  	_ =	swait.ge [sflag:s5], $0x500  }
0x12b: {  	s15 =	sadd.s32 $0xC80, s15;
	[sflag:s5] =	ssyncset.done $0x0  }
0x12c: {  	s28 =	sadd.s32 $0x5A0, s30;
	p0 =	sne.s32 s15, $0x9600;
	[sflag:s5] =	ssyncadd.s32 $0xFFFFFB00  }
0x12d: {  	[tilespmem:s7], [sflag:$0x9] =	stream.indirect.gather [hbm4b:s4+s29], $0x10, s28, s29, $0xb8;
	[tilespmem:$0xA820] =	vst v63  }
.Ltmp3:
0x12e: {  	s22 =	simm.s32 $0x6720;
	(pc) =	sbr.rel @p0 .LBB2_2-.Ltmp3, $4  }
.Ltmp4:
0x12f: {  	s30 =	sadd.s32 $0x5F0, s30;
	_ =	swait.ge [sflag:s14], $0x500;
	(pc) =	sbr.rel @!p0 .LBB2_5-.Ltmp4, $4  }
0x130: {  	s23 =	simm.s32 $0x6C20;
	s24 =	simm.s32 $0x7120;
	[sflag:s14] =	ssyncset.done $0x0  }
0x131: {  	s6 =	simm.s32 $0x7620;
	s7 =	simm.s32 $0x7B20;
	[sflag:s14] =	ssyncadd.s32 $0xFFFFFB00  }
0x132: {  	[tilespmem:s13], [sflag:$0xA] =	stream.indirect.gather [hbm4b:s4+s29], $0x10, s30, s29, $0xb8;
	[tilespmem:$0xA820] =	vst v63  }
0x133: {  	_ = 	snop  }
.LBB2_6:
0x134: {  	_ =	sfence.sel $0x180000  }
0x135: {  	[bflag:$0x0] =	sbarrier.arrive $0xFFFF  }
0x136: {  	_ =	strace $0x9000004D  }
0x137: {  	s0 =	stileid.u32;
	[bflag:$0x2] =	sbarrier.arrive $0xFFFF  }
0x138: {  	p0 =	sne.s32 s0, $0x0;
	s0 =	rddreg [dreg:$0x2]  }
0x139: {  	s0 =	sadd.s32 @!p0 $0x100000, s0  }
0x13a: {  	[sflag:s0] =	ssyncadd.tile.s32 @!p0 $0x1;
	_ =	shalt  }
.Lfunc_end2:
_tile_overlayer_lowered:
.L_overlay_start_2:
0x13b: {  	(tag) =	ssettag $0x2  }
0x13c: {  	s0 =	rddreg [dreg:$0x0];
	s2 =	stileid.u32  }
0x13d: {  	s1 =	rddreg [dreg:$0x1];
	p0 =	sne.s32 s2, $0x0  }
0x13e: {  	s3 =	rddreg [dreg:$0x2];
	[bflag:$0x3] =	sbarrier.arrive $0xFFFF;
	s2 =	simm.s32 @!p0 $0x1C15  }
0x13f: {  	[timem:s3], [sflag:s2] =	dma.local @!p0 [hbm:s0], s1  }
0x140: {  	s0 =	simm.s32 @!p0 $0x15  }
0x141: {  	_ =	swait.ge @!p0 [sflag:s0], s1  }
0x142: {  	s1 =	ssub.s32 @!p0 $0x0, s1;
	[sflag:s0] =	ssyncset.done @!p0 $0x0  }
0x143: {  	[sflag:s0] =	ssyncadd.s32 @!p0 s1  }
0x144: {  	[bflag:$0x3] =	sbarrier.arrive $0xFFFF  }
0x145: {  	_ =	shalt  }

// kernel: kernel.8.cloned.1.call-start
scs
__scs_entry_jumppad:
0x0: {  	(pc) =	sbr.rel $0x88, $3  }
0x1: {  	(tag) =	ssettag $0x0;
	lr =	simm.s32 $0x1  }
0x2: {  	[smem:$0x3F9B] =	sst lr;
	_ =	strace $0xD0000000  }
0x3: {  	_ = 	snop  }
0x4: {  	_ = 	snop  }
0x5: {  	_ = 	snop  }
0x6: {  	_ = 	snop  }
0x7: {  	_ = 	snop  }
__scs_overlays_trampoline_lowered:
0x8: {  	[smem:$0x3FAA] =	sst s0  }
0x9: {  	[smem:$0x3FAB] =	sst s1  }
0xa: {  	[smem:$0x3FAC] =	sst s2  }
0xb: {  	[smem:$0x3FAD] =	sst s3  }
0xc: {  	[smem:$0x3FAE] =	sst s4  }
0xd: {  	[smem:$0x3FAF] =	sst s5  }
0xe: {  	[smem:$0x3FB0] =	sst s6  }
0xf: {  	[smem:$0x3FB1] =	sst s7  }
0x10: {  	[smem:$0x3FB2] =	sst s8  }
0x11: {  	[smem:$0x3FB3] =	sst s9;
	s0 =	simm.s32 @!p0 $0x0  }
0x12: {  	s1 =	sld [smem:$0x3F99];
	s0 =	simm.s32 @p0 $0x1  }
0x13: {  	[smem:$0x3FB4] =	sst s0;
	s0 =	simm.s32 @!p1 $0x0  }
0x14: {  	s2 =	sld [smem:$0x3F98];
	s0 =	simm.s32 @p1 $0x1  }
0x15: {  	[smem:$0x3FB5] =	sst s0;
	s0 =	simm.s32 @!p2 $0x0  }
0x16: {  	s3 =	sld [smem:$0x3FDB];
	s0 =	simm.s32 @p2 $0x1  }
0x17: {  	s4 =	simm.s32 $0x1BF5;
	[smem:$0x3FB7] =	sst s0  }
0x18: {  	s0 =	sld [smem:$0x3F9A];
	_ =	swait.ge [sflag:s4], $0x0  }
0x19: {  	s7 =	sld [smem:$0x3F9B]  }
0x1a: {  	s8 =	sadd.s32 $0xFFFFE003, lr  }
0x1b: {  	s9 =	sadd.s32 $0xFFFFFEF7, lr;
	s5 =	simm.s32 $0xFFFFFFFF;
	p2 =	slt.u32 s8, $0xFFFFF086  }
0x1c: {  	p1 =	slt.u32 s9, $0xF7A;
	s5 =	simm.s32 @!p2 $0x0  }
0x1d: {  	s5 =	simm.s32 @p1 $0x1;
	p0 =	seq.s32 s7, s2  }
0x1e: {  	s7 =	smul.u32 @!p0 $0xF7A, s2;
	p2 =	seq.s32 @!p0 s5, $0x0  }
0x1f: {  	s9 =	smul.u32 $0xF7A, s1;
	s8 =	simm.s32 @!p0 $0x1BF5;
	p2 =	por !p2, p0  }
0x20: {  	[sflag:s8] =	ssyncset.s32 @!p0 $0xFFFFF086;
	s6 =	sadd.s32 @!p0 s3, s7;
	s7 =	simm.s32 @!p0 $0x108  }
0x21: {  	s3 =	sadd.s32 s3, s9;
	s6 =	sadd.s32 @!p0 $0x88, s6;
	s7 =	simm.s32 @p2 $0x1082  }
0x22: {  	[simem:s7], [sflag:s8] =	dma.local @!p0 [hbm:s6], $0xF7A  }
0x23: {  	s9 =	sor.u32 $0xD0000000, s2;
	s6 =	simm.s32 $0x108;
	_ =	swait.ge @!p0 [sflag:s8], $0x0  }
0x24: {  	s3 =	sadd.s32 $0x88, s3;
	s6 =	simm.s32 @!p1 $0x1082;
	[sflag:s4] =	ssyncset.s32 $0xFFFFF086  }
0x25: {  	[simem:s6], [sflag:s4] =	dma.local [hbm:s3], $0xF7A  }
0x26: {  	[smem:$0x3F9B] =	sst s1;
	(tag) =	ssettag s2;
	_ =	strace s9  }
0x27: {  	s1 =	sld [smem:$0x3FAB]  }
0x28: {  	s2 =	sld [smem:$0x3FAC]  }
0x29: {  	s4 =	sld [smem:$0x3FAE]  }
0x2a: {  	p0 =	seq.s32 s5, $0x0;
	s5 =	sld [smem:$0x3FAF]  }
0x2b: {  	s6 =	sld [smem:$0x3FB0]  }
0x2c: {  	s7 =	sld [smem:$0x3FB1]  }
0x2d: {  	s3 =	simm.s32 $0x108;
	s8 =	sld [smem:$0x3FB2]  }
0x2e: {  	s3 =	simm.s32 @!p0 $0x1082;
	s9 =	sld [smem:$0x3FB3]  }
0x2f: {  	lr =	sadd.s32 s0, s3;
	s0 =	sld [smem:$0x3FAA]  }
0x30: {  	s3 =	sld [smem:$0x3FAD]  }
0x31: {  	[smem:$0x3FB6] =	sst s10  }
0x32: {  	s10 =	sld [smem:$0x3FB4];
	_ =	sdelay $0x3  }
0x33: {  	p0 =	seq.s32 s10, $0x1;
	s10 =	sld [smem:$0x3FB6];
	_ =	sdelay $0x3  }
0x34: {  	[smem:$0x3FB6] =	sst s10  }
0x35: {  	s10 =	sld [smem:$0x3FB5];
	_ =	sdelay $0x3  }
0x36: {  	p1 =	seq.s32 s10, $0x1;
	s10 =	sld [smem:$0x3FB6];
	_ =	sdelay $0x3  }
0x37: {  	[smem:$0x3FB6] =	sst s10  }
0x38: {  	s10 =	sld [smem:$0x3FB7]  }
0x39: {  	_ = 	snop;
	(pc) =	sbr.ind lr, $3  }
0x3a: {  	_ = 	snop  }
0x3b: {  	_ = 	snop  }
0x3c: {  	p2 =	seq.s32 s10, $0x1;
	s10 =	sld [smem:$0x3FB6]  }
0x3d: {  	_ =	shalt  }
0x3e: {  	_ =	shalt  }
0x3f: {  	_ =	shalt  }
0x40: {  	_ =	shalt  }
0x41: {  	_ =	shalt  }
0x42: {  	_ =	shalt  }
0x43: {  	_ =	shalt  }
0x44: {  	_ =	shalt  }
0x45: {  	_ =	shalt  }
0x46: {  	_ =	shalt  }
0x47: {  	_ =	shalt  }
0x48: {  	_ =	shalt  }
0x49: {  	_ =	shalt  }
0x4a: {  	_ =	shalt  }
0x4b: {  	_ =	shalt  }
0x4c: {  	_ =	shalt  }
0x4d: {  	_ =	shalt  }
0x4e: {  	_ =	shalt  }
0x4f: {  	_ =	shalt  }
0x50: {  	_ =	shalt  }
0x51: {  	_ =	shalt  }
0x52: {  	_ =	shalt  }
0x53: {  	_ =	shalt  }
0x54: {  	_ =	shalt  }
0x55: {  	_ =	shalt  }
0x56: {  	_ =	shalt  }
0x57: {  	_ =	shalt  }
0x58: {  	_ =	shalt  }
0x59: {  	_ =	shalt  }
0x5a: {  	_ =	shalt  }
0x5b: {  	_ =	shalt  }
0x5c: {  	_ =	shalt  }
0x5d: {  	_ =	shalt  }
0x5e: {  	_ =	shalt  }
0x5f: {  	_ =	shalt  }
0x60: {  	_ =	shalt  }
0x61: {  	_ =	shalt  }
0x62: {  	_ =	shalt  }
0x63: {  	_ =	shalt  }
0x64: {  	_ =	shalt  }
0x65: {  	_ =	shalt  }
0x66: {  	_ =	shalt  }
0x67: {  	_ =	shalt  }
0x68: {  	_ =	shalt  }
0x69: {  	_ =	shalt  }
0x6a: {  	_ =	shalt  }
0x6b: {  	_ =	shalt  }
0x6c: {  	_ =	shalt  }
0x6d: {  	_ =	shalt  }
0x6e: {  	_ =	shalt  }
0x6f: {  	_ =	shalt  }
0x70: {  	_ =	shalt  }
0x71: {  	_ =	shalt  }
0x72: {  	_ =	shalt  }
0x73: {  	_ =	shalt  }
0x74: {  	_ =	shalt  }
0x75: {  	_ =	shalt  }
0x76: {  	_ =	shalt  }
0x77: {  	_ =	shalt  }
0x78: {  	_ =	shalt  }
0x79: {  	_ =	shalt  }
0x7a: {  	_ =	shalt  }
0x7b: {  	_ =	shalt  }
0x7c: {  	_ =	shalt  }
0x7d: {  	_ =	shalt  }
0x7e: {  	_ =	shalt  }
0x7f: {  	_ =	shalt  }
0x80: {  	_ =	shalt  }
0x81: {  	_ =	shalt  }
0x82: {  	_ =	shalt  }
0x83: {  	_ =	shalt  }
0x84: {  	_ =	shalt  }
0x85: {  	_ =	shalt  }
0x86: {  	_ =	shalt  }
0x87: {  	_ =	shalt  }
.Lfunc_end0:
.L_simem_size_0:
called_computation_lowered:
.L_overlay_start_0:
0x88: {  	s2 =	sld [smem:$0x3FD9]  }
0x89: {  	s3 =	sld [smem:$0x3FFE];
	_ =	sdelay $0x1  }
0x8a: {  	s1 =	srdreg.scid  }
0x8b: {  	s0 =	sand.u32 $0x1, s1  }
0x8c: {  	s17 =	sshll.u32 s0, $0xA;
	s2 =	sadd.s32 s3, s2  }
0x8d: {  	s2 =	sadd.s32 s2, s17  }
0x8e: {  	[smem:$0x3FC2] =	sst s2  }
0x8f: {  	_ = 	snop  }
0x90: {  	s2 =	sld [smem:$0x3FD0];
	(tm) =	ssettm $0x1  }
0x91: {  	s18 =	sld [smem:$0x3FFB];
	_ =	sdelay $0x3  }
0x92: {  	_ =	strace s18  }
0x93: {  	s3 =	sld [smem:$0x3FFC];
	_ =	sdelay $0x3  }
0x94: {  	_ =	strace s3  }
0x95: {  	s3 =	sld [smem:$0x3FFD];
	_ =	sdelay $0x3  }
0x96: {  	_ =	strace s3  }
0x97: {  	_ =	strace $0x8FFFFFFF  }
0x98: {  	s19 =	sld [smem:$0x3FDB];
	_ =	sdelay $0x1  }
0x99: {  	s4 =	simm.s32 $_scs_section_size  }
0x9a: {  	s5 =	simm.s32 $_size__tile_overlayer_lowered;
	s6 =	simm.s32 $_tile_overlayer_lowered  }
0x9b: {  	s22 =	simm.s32 $0x1BFF;
	s21 =	sshll.u32 s6, $0x1;
	s3 =	sadd.s32 s4, s19  }
0x9c: {  	s7 =	simm.s32 $0x0;
	s20 =	sshll.u32 s5, $0x1;
	s5 =	sadd.s32 s21, s3  }
0x9d: {  	[timem:s7], [sflag:s22] =	dma.local [hbm:s5], s20  }
0x9e: {  	_ =	swait.ge [sflag:s22], s20  }
0x9f: {  	s4 =	ssub.s32 $0x0, s20;
	[sflag:s22] =	ssyncset.done $0x0  }
0xa0: {  	[sflag:s22] =	ssyncadd.s32 s4;
	_ =	sdelay $0x1  }
0xa1: {  	s23 =	simm.s32 $0x1B8B  }
0xa2: {  	_ =	swait.ge [sflag:s23], $0x1  }
0xa3: {  	[sflag:s23] =	ssyncset.done $0x0  }
0xa4: {  	s25 =	simm.s32 $0x1B8E;
	s24 =	sld [smem:$0x3FFE];
	[sflag:s23] =	ssyncadd.s32 $0xFFFFFFFF  }
0xa5: {  	s26 =	simm.s32 $execute0_lowered;
	[smem:$0x3FD2] =	sst s25  }
0xa6: {  	s5 =	sshll.u32 s26, $0x1;
	_ =	strace $0x80000046;
	[dreg:$0x1] =	wrdreg $0xFFFFFFFF  }
0xa7: {  	s28 =	simm.s32 $_size_execute0_lowered;
	s3 =	sadd.s32 s3, s5;
	[dreg:$0x0] =	wrdreg $0x0  }
0xa8: {  	s5 =	sshll.u32 s28, $0x1;
	[dreg:$0x2] =	wrdreg s3  }
0xa9: {  	[dreg:$0x3] =	wrdreg s5  }
0xaa: {  	[dreg:$0x4] =	wrdreg $0xC0  }
0xab: {  	_ =	task [dreg:s7], $0x5FFFF  }
0xac: {  	[dreg:$0x1] =	wrdreg $0xFFFFFFFF  }
0xad: {  	[dreg:$0x0] =	wrdreg $0x60  }
0xae: {  	[dreg:$0x2] =	wrdreg s24  }
0xaf: {  	[dreg:$0x3] =	wrdreg s2  }
0xb0: {  	[dreg:$0x4] =	wrdreg $0x56900  }
0xb1: {  	[dreg:$0x5] =	wrdreg $0x9  }
0xb2: {  	_ =	task.clear_ibuf [dreg:s7], $0x6FFFF;
	_ =	strace $0x90000046  }
0xb3: {  	s29 =	simm.s32 $0x9;
	_ =	strace $0x80000048  }
0xb4: {  	_ =	swait.ge [sflag:s29], $0x1  }
0xb5: {  	[sflag:s29] =	ssyncadd.s32 $0xFFFFFFFF  }
0xb6: {  	_ =	strace $0x90000048  }
0xb7: {  	_ =	sfence  }
0xb8: {  	s30 =	sld [smem:$0x0];
	_ =	sdelay $0x2  }
0xb9: {  	s31 =	sshll.u32 s1, $0xD;
	s1 =	sshrl.u32 s1, $0x2  }
0xba: {  	s3 =	sand.u32 $0x4000, s31;
	s1 =	sadd.s32 s1, s30  }
0xbb: {  	s0 =	sor.u32 s3, s0;
	s1 =	sshll.u32 s1, $0x11  }
0xbc: {  	s0 =	sor.u32 s1, s0  }
0xbd: {  	s0 =	sadd.s32 $0x8F2B, s0  }
0xbe: {  	[sflag:s0] =	ssyncadd.remote.s32 $0x1  }
0xbf: {  	_ =	sfence.sel $0xFFFF  }
0xc0: {  	[dreg:$0x0] =	wrdreg $0xFFFFFFFF;
	(pc) =	sbr.abs _section_cstart, $3  }
0xc1: {  	[dreg:$0x1] =	wrdreg $0xFFFFFFFF  }
0xc2: {  	_ =	task.clear_ibuf [dreg:s7], $0x2FFFF;
	_ =	strace $0x9FFFFFFF  }
0xc3: {  	(tm) =	ssettm $0x7FFFFFFF  }
tec
execute0_lowered:
.L_overlay_start_1:
0x0: {  	(tag) =	ssettag $0x1  }
0x1: {  	s13 =	rddreg [dreg:$0x0]  }
0x2: {  	s15 =	rddreg [dreg:$0x1]  }
0x3: {  	s1 =	rddreg [dreg:$0x2]  }
0x4: {  	s0 =	rddreg [dreg:$0x3];
	s3 =	simm.s32 $0x0  }
0x5: {  	s4 =	srdreg.scid;
	s2 =	stileid.u32;
	s19 =	simm.s32 $0x50  }
0x6: {  	s20 =	simm.s32 $0x1;
	s21 =	simm.s32 $0x2C10;
	s22 =	simm.s32 $0x5410  }
0x7: {  	s23 =	simm.s32 $0x0;
	[smem:$0x7FF] =	sst s3;
	s10 =	sand.u32 $0x1, s4  }
0x8: {  	s6 =	smul.u32 $0xA000, s2;
	s4 =	sadd.s32 $0x16400, s13;
	s5 =	sadd.s32 $0x16600, s13  }
0x9: {  	s9 =	sshll.u32 s2, $0x1;
	s14 =	smul.u32 $0x280, s2;
	_ =	strace $0x80000047  }
0xa: {  	s7 =	ssub.s32 $0x2, s10;
	s9 =	sor.u32 s10, s9;
	s17 =	smul.u32 $0x2800, s10  }
0xb: {  	s8 =	sshrl.u32 s7, $0x1;
	s6 =	sshrl.u32 s6, $0x2;
	s12 =	smul.u32 $0x2710, s9  }
0xc: {  	s6 =	sadd.s32 s6, s1;
	s16 =	ssub.s32 s7, s8;
	s17 =	sadd.s32 s14, s17  }
0xd: {  	s7 =	sadd.s32 $0x500, s6;
	s8 =	sadd.s32 $0xA00, s6;
	s9 =	sadd.s32 $0xF00, s6  }
0xe: {  	s10 =	sadd.s32 $0x1400, s6;
	s11 =	sadd.s32 $0x1900, s6;
	s18 =	sshrl.u32 s12, $0x3  }
0xf: {  	s12 =	sadd.s32 $0x1E00, s6;
	s17 =	sshrl.u32 s17, $0x3;
	s16 =	smax.u32 s16, $0x1  }
0x10: {  	v0 =	vlaneseq.u32;
	s18 =	sadd.s32 s13, s18;
	s13 =	sadd.s32 $0x2300, s6;
	s15 =	sadd.s32 s15, s17  }
0x11: {  	v0 =	vmul.u32 $0x10, v0;
	s17 =	simm.s32 $0x2710;
	s14 =	sadd.s32 $0xC640, s18;
	s18 =	simm.s32 $0x2  }
.LBB2_1:
0x12: {  	[tilespmem:s17], [sflag:$0x2] =	stream.linear.gather [hbm4b:s4+s3], $0x500, $0x38;
	[tilespmem:$0x7E90] =	vst v63  }
0x13: {  	_ =	swait.ge [sflag:s18], $0x500  }
0x14: {  	[sflag:s18] =	ssyncset.done $0x0  }
0x15: {  	[sflag:s18] =	ssyncadd.s32 $0xFFFFFB00  }
0x16: {  	[spmem:s6] =	stream.linear.scatter [tilespmem:s17], [sflag:$0x2], $0x500, $0x38;
	[tilespmem:$0x7E90] =	vst v63  }
0x17: {  	_ =	swait.ge [sflag:s18], $0x500  }
0x18: {  	[sflag:s18] =	ssyncset.done $0x0  }
0x19: {  	[sflag:s18] =	ssyncadd.s32 $0xFFFFFB00  }
0x1a: {  	[spmem:s7] =	stream.linear.scatter [tilespmem:s17], [sflag:$0x2], $0x500, $0x38;
	[tilespmem:$0x7E90] =	vst v63  }
0x1b: {  	_ =	swait.ge [sflag:s18], $0x500  }
0x1c: {  	[sflag:s18] =	ssyncset.done $0x0  }
0x1d: {  	[sflag:s18] =	ssyncadd.s32 $0xFFFFFB00  }
0x1e: {  	[spmem:s8] =	stream.linear.scatter [tilespmem:s17], [sflag:$0x2], $0x500, $0x38;
	[tilespmem:$0x7E90] =	vst v63  }
0x1f: {  	_ =	swait.ge [sflag:s18], $0x500  }
0x20: {  	[sflag:s18] =	ssyncset.done $0x0  }
0x21: {  	[sflag:s18] =	ssyncadd.s32 $0xFFFFFB00  }
0x22: {  	[spmem:s9] =	stream.linear.scatter [tilespmem:s17], [sflag:$0x2], $0x500, $0x38;
	[tilespmem:$0x7E90] =	vst v63  }
0x23: {  	_ =	swait.ge [sflag:s18], $0x500  }
0x24: {  	[sflag:s18] =	ssyncset.done $0x0  }
0x25: {  	[sflag:s18] =	ssyncadd.s32 $0xFFFFFB00  }
0x26: {  	[spmem:s10] =	stream.linear.scatter [tilespmem:s17], [sflag:$0x2], $0x500, $0x38;
	[tilespmem:$0x7E90] =	vst v63  }
0x27: {  	_ =	swait.ge [sflag:s18], $0x500  }
0x28: {  	[sflag:s18] =	ssyncset.done $0x0  }
0x29: {  	[sflag:s18] =	ssyncadd.s32 $0xFFFFFB00  }
0x2a: {  	[spmem:s11] =	stream.linear.scatter [tilespmem:s17], [sflag:$0x2], $0x500, $0x38;
	[tilespmem:$0x7E90] =	vst v63  }
0x2b: {  	_ =	swait.ge [sflag:s18], $0x500  }
0x2c: {  	[sflag:s18] =	ssyncset.done $0x0  }
0x2d: {  	[sflag:s18] =	ssyncadd.s32 $0xFFFFFB00  }
0x2e: {  	[spmem:s12] =	stream.linear.scatter [tilespmem:s17], [sflag:$0x2], $0x500, $0x38;
	[tilespmem:$0x7E90] =	vst v63  }
0x2f: {  	_ =	swait.ge [sflag:s18], $0x500  }
0x30: {  	[sflag:s18] =	ssyncset.done $0x0  }
0x31: {  	[sflag:s18] =	ssyncadd.s32 $0xFFFFFB00  }
0x32: {  	[spmem:s13] =	stream.linear.scatter [tilespmem:s17], [sflag:$0x2], $0x500, $0x38;
	[tilespmem:$0x7E90] =	vst v63  }
0x33: {  	_ =	swait.ge [sflag:s18], $0x500  }
0x34: {  	[sflag:s18] =	ssyncset.done $0x0  }
0x35: {  	[sflag:s18] =	ssyncadd.s32 $0xFFFFFB00  }
0x36: {  	[tilespmem:s3], [sflag:$0x2] =	stream.linear.gather [hbm4b:s14+s3], $0x2710, $0x38;
	[tilespmem:$0x7E90] =	vst v63  }
0x37: {  	_ =	swait.ge [sflag:s18], $0x2710  }
0x38: {  	[sflag:s18] =	ssyncset.done $0x0  }
0x39: {  	[sflag:s18] =	ssyncadd.s32 $0xFFFFD8F0  }
0x3a: {  	[tilespmem:s17], [sflag:$0x2] =	stream.linear.gather [hbm4b:s5+s3], $0x500, $0x38;
	[tilespmem:$0x7E90] =	vst v63  }
0x3b: {  	_ =	swait.ge [sflag:s18], $0x500  }
0x3c: {  	[sflag:s18] =	ssyncset.done $0x0  }
0x3d: {  	[sflag:s18] =	ssyncadd.s32 $0xFFFFFB00  }
0x3e: {  	s24 =	simm.s32 $0x0;
	[bflag:$0x0] =	sbarrier.arrive $0xFFFF  }
.LBB2_2:
0x3f: {  	p0 =	sne.s32 s24, $0x9B00  }
.Ltmp0:
0x40: {  	_ = 	snop;
	(pc) =	sbr.rel @p0 .LBB2_2-.Ltmp0, $3  }
0x41: {  	_ =	sdelay $0x1  }
0x42: {  	s25 =	sshra.s32 s24, $0x2;
	s24 =	sadd.s32 $0x140, s24  }
0x43: {  	[spmem:s1] =	stream.indirect.scatter.add.f32 [tilespmem:s17], [sflag:$0x1], $0x10, s25, s19, $0xb8;
	[tilespmem:$0x7E90] =	vst v63  }
0x44: {  	_ =	swait.ge [sflag:s20], $0x500  }
0x45: {  	s24 =	simm.s32 $0x7C;
	[sflag:s20] =	ssyncset.done $0x0  }
.LBB2_4:
0x46: {  	p0 =	sne.s32 s24, $0x1;
	s24 =	sadd.s32 $0xFFFFFFFF, s24;
	[sflag:s20] =	ssyncadd.s32 $0xFFFFFB00  }
.Ltmp1:
0x47: {  	(pc) =	sbr.rel @p0 .LBB2_4-.Ltmp1, $3  }
0x48: {  	_ =	sdelay $0x1  }
0x49: {  	_ =	swait.ge [sflag:s20], $0x500  }
0x4a: {  	[sflag:s20] =	ssyncset.done $0x0  }
0x4b: {  	s24 =	simm.s32 $0x0  }
0x4c: {  	v1 =	vmov s24  }
0x4d: {  	[sflag:s20] =	ssyncadd.s32 $0xFFFFFB00;
	v1 =	vshll.u32 v1, $0x4  }
0x4e: {  	[bflag:$0x0] =	sbarrier.arrive $0xFFFF;
	v1 =	vor.u32 v0, v1  }
0x4f: {  	[tilespmem:s21], [sflag:$0x2] =	stream.linear.gather [spmem:s6], $0x2800, $0x38;
	[tilespmem:$0x7E90] =	vst v63  }
0x50: {  	_ =	swait.ge [sflag:s18], $0x2800  }
0x51: {  	s31 =	simm.s32 $0x10;
	[sflag:s18] =	ssyncset.done $0x0  }
0x52: {  	v2 =	vmov s31;
	[sflag:s18] =	ssyncadd.s32 $0xFFFFD800  }
0x53: {  	v2 =	vshll.u32 v2, $0x4;
	v1 =	vld.idx.msk [tilespmem:v1+s21+$0x0], $0xffff  }
0x54: {  	v3 =	vor.u32 v0, v2;
	_ =	sdelay $0x2  }
0x55: {  	s24 =	simm.s32 $0x5410  }
0x56: {  	s25 =	simm.s32 $0x20;
	[tilespmem:s24+$0x0] =	vst v1  }
0x57: {  	v2 =	vmov s25;
	s25 =	simm.s32 $0x30;
	v1 =	vld.idx.msk [tilespmem:v3+s21+$0x0], $0xffff  }
.LBB2_6:
0x58: {  	p0 =	sne.s32 s25, $0x270;
	v2 =	vshll.u32 v2, $0x4  }
0x59: {  	v3 =	vor.u32 v0, v2  }
.Ltmp2:
0x5a: {  	(pc) =	sbr.rel @p0 .LBB2_6-.Ltmp2, $4  }
0x5b: {  	_ = 	snop  }
0x5c: {  	s24 =	sadd.s32 $0x10, s24  }
0x5d: {  	[tilespmem:s24+$0x0] =	vst v1  }
0x5e: {  	v2 =	vmov s25;
	s25 =	sadd.s32 $0x10, s25;
	v1 =	vld.idx.msk [tilespmem:v3+s21+$0x0], $0xffff  }
0x5f: {  	v2 =	vshll.u32 v2, $0x4  }
0x60: {  	v2 =	vor.u32 v0, v2;
	_ =	sdelay $0x2  }
0x61: {  	s24 =	sadd.s32 $0x10, s24  }
0x62: {  	[tilespmem:s24+$0x0] =	vst v1  }
0x63: {  	v1 =	vld.idx.msk [tilespmem:v2+s21+$0x0], $0xffff;
	_ =	sdelay $0x2  }
0x64: {  	s23 =	sadd.s32 $0x1, s23  }
0x65: {  	p0 =	sne.s32 s23, s16;
	s24 =	sadd.s32 $0x10, s24  }
.Ltmp3:
0x66: {  	[tilespmem:s24+$0x0] =	vst v1;
	(pc) =	sbr.rel @p0 .LBB2_1-.Ltmp3, $4  }
0x67: {  	[hbm4b:s15+s3] =	stream.linear.scatter [tilespmem:s22], [sflag:$0x2], $0x280, $0x38;
	[tilespmem:$0x7E90] =	vst v63  }
0x68: {  	_ =	swait.ge [sflag:s18], $0x280  }
0x69: {  	[sflag:s18] =	ssyncset.done $0x0  }
0x6a: {  	[sflag:s18] =	ssyncadd.s32 $0xFFFFFD80  }
0x6b: {  	_ =	sfence.sel $0x180000  }
0x6c: {  	[bflag:$0x0] =	sbarrier.arrive $0xFFFF  }
0x6d: {  	p0 =	sne.s32 s2, $0x0;
	_ =	strace $0x90000047  }
0x6e: {  	s0 =	sadd.s32 @!p0 $0x100000, s0;
	[bflag:$0x2] =	sbarrier.arrive $0xFFFF  }
0x6f: {  	[sflag:s0] =	ssyncadd.tile.s32 @!p0 $0x1;
	_ =	shalt  }
.Lfunc_end2:
_tile_overlayer_lowered:
.L_overlay_start_2:
0x70: {  	(tag) =	ssettag $0x2  }
0x71: {  	s0 =	rddreg [dreg:$0x0];
	s2 =	stileid.u32  }
0x72: {  	s1 =	rddreg [dreg:$0x1];
	p0 =	sne.s32 s2, $0x0  }
0x73: {  	s3 =	rddreg [dreg:$0x2];
	[bflag:$0x3] =	sbarrier.arrive $0xFFFF;
	s2 =	simm.s32 @!p0 $0x1C02  }
0x74: {  	[timem:s3], [sflag:s2] =	dma.local @!p0 [hbm:s0], s1  }
0x75: {  	s0 =	simm.s32 @!p0 $0x2  }
0x76: {  	_ =	swait.ge @!p0 [sflag:s0], s1  }
0x77: {  	s1 =	ssub.s32 @!p0 $0x0, s1;
	[sflag:s0] =	ssyncset.done @!p0 $0x0  }
0x78: {  	[sflag:s0] =	ssyncadd.s32 @!p0 s1  }
0x79: {  	[bflag:$0x3] =	sbarrier.arrive $0xFFFF  }
0x7a: {  	_ =	shalt  }

</sc_bundles>
